<compile_context>
chip_gen: v7x
topology: tpu7x:2x2x1
jax: 0.10.2.dev20260603
libtpu: 0.0.44.dev20260713+nightly
codegen_flags: <defaults>
</compile_context>

<pallas_src>
import functools

import jax
import jax.numpy as jnp
from jax import lax
from jax.experimental import pallas as pl
from jax.experimental.pallas import tpu as pltpu
from jax.experimental.pallas import tpu_sc as plsc

_NUM_CORES = 2
_NUM_SUBCORES = 16
_NW = _NUM_CORES * _NUM_SUBCORES
_LANES = 16

_R = 128
_NBUF = 6


def _body(xab_hbm, pe_hbm, out_hbm, x_v, bi_v, fbuf, bbuf,
          xsem, gsem, wsem, *, rows_per_worker):
    wid = lax.axis_index("c") * _NUM_SUBCORES + lax.axis_index("s")
    nchunk = rows_per_worker // _R
    blk0 = wid * (rows_per_worker // 128)

    def fire_xload(cc, b):
        pltpu.async_copy(xab_hbm.at[blk0 + cc], x_v.at[b], xsem.at[b])

    def wait_xload(b):
        pltpu.make_async_copy(xab_hbm.at[0], x_v.at[b], xsem.at[b]).wait()

    def compute_bwd(b):
        for k in range(128 // _LANES):
            sl = pl.ds(k * _LANES, _LANES)
            a = x_v[b, 0, sl]
            bb = x_v[b, 1, sl]
            bi_v[b, sl] = jnp.where(a == 0, 0, bb - a + 1)

    def fire_gathers(b):
        pltpu.async_copy(pe_hbm.at[x_v.at[b].at[0]], fbuf.at[b], gsem.at[b])
        pltpu.async_copy(pe_hbm.at[bi_v.at[b]], bbuf.at[b], gsem.at[b])

    def drain_gathers(b):
        pltpu.make_async_copy(pe_hbm.at[pl.ds(0, _R)], fbuf.at[b],
                              gsem.at[b]).wait()
        pltpu.make_async_copy(pe_hbm.at[pl.ds(0, _R)], bbuf.at[b],
                              gsem.at[b]).wait()

    def fire_writeback(cc, b):
        base = (blk0 + cc) * 128
        pltpu.async_copy(fbuf.at[b], out_hbm.at[pl.ds(base, _R), 0],
                         wsem.at[b, 0])
        pltpu.async_copy(bbuf.at[b], out_hbm.at[pl.ds(base, _R), 1],
                         wsem.at[b, 1])

    def drain_writeback(b):
        pltpu.make_async_copy(fbuf.at[b], out_hbm.at[pl.ds(0, _R), 0],
                              wsem.at[b, 0]).wait()
        pltpu.make_async_copy(bbuf.at[b], out_hbm.at[pl.ds(0, _R), 1],
                              wsem.at[b, 1]).wait()

    fire_xload(0, 0)

    def loop_body(c6, _):
        for b in range(_NBUF):
            cc = c6 * _NBUF + b
            p5 = (b + 1) % _NBUF
            wait_xload(b)
            compute_bwd(b)
            if b == _NBUF - 1:
                drain_gathers(p5)
                fire_writeback(cc - 5, p5)
            else:
                @pl.when(c6 >= 1)
                def _():
                    drain_gathers(p5)
                    fire_writeback(cc - 5, p5)

            fire_xload(cc + 1, p5)

            @pl.when(c6 >= 1)
            def _():
                drain_writeback(b)

            fire_gathers(b)
        return ()

    nloop = (nchunk - 2) // _NBUF
    lax.fori_loop(0, nloop, loop_body, ())

    c_a = nchunk - 2
    wait_xload(0)
    compute_bwd(0)
    drain_gathers(1)
    fire_writeback(c_a - 5, 1)
    fire_xload(c_a + 1, 1)
    drain_writeback(0)
    fire_gathers(0)

    c_b = nchunk - 1
    wait_xload(1)
    compute_bwd(1)
    drain_gathers(2)
    fire_writeback(c_b - 5, 2)
    drain_writeback(1)
    fire_gathers(1)

    for cc, b in ((c_b - 4, 3), (c_b - 3, 4), (c_b - 2, 5),
                  (c_a, 0), (c_b, 1)):
        drain_gathers(b)
        fire_writeback(cc, b)
    for b in range(_NBUF):
        drain_writeback(b)


def kernel(x, position_embedding):
    s0, s1, _ = x.shape
    b_total = s0 * s1
    rows_per_worker = b_total // _NW
    xi = x.astype(jnp.int32)
    xab = xi.reshape(-1, 128, 2).transpose(0, 2, 1)
    pe = position_embedding.astype(jnp.float32)

    mesh = plsc.VectorSubcoreMesh(
        core_axis_name="c", subcore_axis_name="s",
        num_cores=_NUM_CORES, num_subcores=_NUM_SUBCORES)
    k = pl.kernel(
        functools.partial(_body, rows_per_worker=rows_per_worker),
        out_type=jax.ShapeDtypeStruct((b_total, 2, 64), jnp.float32),
        mesh=mesh,
        compiler_params=pltpu.CompilerParams(use_tc_tiling_on_sc=False),
        scratch_types=[
            pltpu.VMEM((_NBUF, 2, 128), jnp.int32),
            pltpu.VMEM((_NBUF, 128), jnp.int32),
            pltpu.VMEM((_NBUF, _R, 64), jnp.float32),
            pltpu.VMEM((_NBUF, _R, 64), jnp.float32),
            pltpu.SemaphoreType.DMA((_NBUF,)),
            pltpu.SemaphoreType.DMA((_NBUF,)),
            pltpu.SemaphoreType.DMA((_NBUF, 2)),
        ],
    )
    out = k(xab, pe)
    return out.reshape(s0, s1, 128)

# --- scband reference (transcript-rebuilt; emitter-appended) ---
"""Pipeline reference for scband-sin-position-embedding-bi-directional-48112223650385 (READ-ONLY COPY).

The authoritative reference and input builder live on the scoring server;
editing this copy changes nothing except your own understanding.
"""

import jax, jax.numpy as jnp
import numpy as np
import math

NUM_EMBEDDINGS = 100000
EMBEDDING_DIM = 128
SIN_SCALE_FACTOR = 30


def _build_position_embedding():
    half = EMBEDDING_DIM // 2  # 64
    pe = jnp.zeros((NUM_EMBEDDINGS + 1, half), dtype=jnp.float32)
    position_indices = jnp.arange(0, NUM_EMBEDDINGS, dtype=jnp.float32)[:, None]
    div_term = jnp.exp(-math.log(SIN_SCALE_FACTOR) * jnp.arange(0, half, 2, dtype=jnp.float32) / EMBEDDING_DIM / 2)
    pe = pe.at[1:, 0::2].set(jnp.sin(position_indices * div_term))
    pe = pe.at[1:, 1::2].set(jnp.cos(position_indices * div_term))
    return pe


def setup_inputs(seed: int = 0) -> dict:
    key = jax.random.key(seed)
    k1, _ = jax.random.split(key)
    x = jnp.sort(jax.random.randint(k1, (4096, 200, 2), 0, NUM_EMBEDDINGS, dtype=jnp.int64 if jax.config.jax_enable_x64 else jnp.int32), axis=-1)
    position_embedding = _build_position_embedding()
    return {"x": x, "position_embedding": position_embedding}


def reference(x, position_embedding):
    fwd_idx = x[..., 0]
    bwd_idx = x[..., 1] - x[..., 0] + 1
    forward_embs = jnp.take(position_embedding, fwd_idx, axis=0)
    backward_embs = jnp.take(position_embedding, bwd_idx, axis=0)
    combined = jnp.concatenate([forward_embs, backward_embs], axis=-1)
    mask = (x[..., 0] == 0)
    combined = jnp.where(mask[..., None], jnp.zeros_like(combined), combined)
    return combined

if __name__ == "__main__":
    import jax
    _d = setup_inputs()
    print(jax.jit(kernel)(*tuple(_d.values())))

</pallas_src>

<mosaic_0001>
#map = affine_map<(d0, d1) -> (0, 0, 0)>
#map1 = affine_map<(d0, d1) -> (0, 0)>
module attributes {stable_mosaic.version = 14 : i64} {
  func.func @_body(%arg0: i32, %arg1: i32, %arg2: memref<6400x2x128xi32, #tpu.memory_space<hbm>>, %arg3: memref<100001x64xf32, #tpu.memory_space<hbm>>, %arg4: memref<819200x2x64xf32, #tpu.memory_space<hbm>>, %arg5: memref<6x2x128xi32, #tpu.memory_space<vmem>>, %arg6: memref<6x128xi32, #tpu.memory_space<vmem>>, %arg7: memref<6x128x64xf32, #tpu.memory_space<vmem>>, %arg8: memref<6x128x64xf32, #tpu.memory_space<vmem>>, %arg9: memref<6x!tpu.dma_semaphore, #tpu.memory_space<semaphore_mem>>, %arg10: memref<6x!tpu.dma_semaphore, #tpu.memory_space<semaphore_mem>>, %arg11: memref<6x2x!tpu.dma_semaphore, #tpu.memory_space<semaphore_mem>>) attributes {dimension_semantics = [#tpu.dimension_semantics<core_parallel>, #tpu.dimension_semantics<subcore_parallel>], iteration_bounds = array<i64: 2, 16>, scalar_prefetch = 0 : i64, scratch_operands = 7 : i64, tpu.core_type = #tpu.core_type<sc_vector_subcore>, window_params = [{transform_indices = #map}, {transform_indices = #map1}, {transform_indices = #map}]} {
    %mul3A = arith.constant 16 : i32
    %mul3A_0 = arith.muli %arg0, %mul3A : i32
    %add3A = arith.addi %mul3A_0, %arg1 : i32
    %mul3A_1 = arith.constant 200 : i32
    %mul3A_2 = arith.muli %add3A, %mul3A_1 : i32
    %add3A_3 = arith.constant 0 : i32
    %add3A_4 = arith.addi %mul3A_2, %add3A_3 : i32
    %dma_start3A = arith.constant 0 : i32
    %dma_start3A_5 = arith.constant 0 : i32
    %dma_start3A_6 = arith.constant 0 : i32
    %dma_start3A_7 = arith.constant 0 : i32
    %dma_start3A_8 = tpu.memref_slice %arg5[%dma_start3A, %dma_start3A_6, %dma_start3A_7] : memref<6x2x128xi32, #tpu.memory_space<vmem>> -> memref<1x2x128xi32, #tpu.memory_space<vmem>>
    %dma_start3A_9 = tpu.memref_squeeze %dma_start3A_8 : memref<1x2x128xi32, #tpu.memory_space<vmem>> -> memref<2x128xi32, #tpu.memory_space<vmem>>
    %dma_start3A_10 = arith.constant 0 : i32
    %dma_start3A_11 = arith.constant 0 : i32
    %dma_start3A_12 = tpu.memref_slice %arg2[%add3A_4, %dma_start3A_10, %dma_start3A_11] : memref<6400x2x128xi32, #tpu.memory_space<hbm>> -> memref<1x2x128xi32, #tpu.memory_space<hbm>>
    %dma_start3A_13 = tpu.memref_squeeze %dma_start3A_12 : memref<1x2x128xi32, #tpu.memory_space<hbm>> -> memref<2x128xi32, #tpu.memory_space<hbm>>
    %dma_start3A_14 = tpu.memref_slice %arg9[%dma_start3A_5] : memref<6x!tpu.dma_semaphore, #tpu.memory_space<semaphore_mem>> -> memref<1x!tpu.dma_semaphore, #tpu.memory_space<semaphore_mem>>
    %dma_start3A_15 = tpu.memref_squeeze %dma_start3A_14 : memref<1x!tpu.dma_semaphore, #tpu.memory_space<semaphore_mem>> -> memref<!tpu.dma_semaphore, #tpu.memory_space<semaphore_mem>>
    %dma_start3A_16 = arith.constant 0 : i32
    %dma_start3A_17 = arith.constant 0 : i32
    %dma_start3A_18 = tpu.memref_slice %arg5[%dma_start3A, %dma_start3A_16, %dma_start3A_17] : memref<6x2x128xi32, #tpu.memory_space<vmem>> -> memref<1x2x128xi32, #tpu.memory_space<vmem>>
    %dma_start3A_19 = tpu.memref_squeeze %dma_start3A_18 : memref<1x2x128xi32, #tpu.memory_space<vmem>> -> memref<2x128xi32, #tpu.memory_space<vmem>>
    %dma_start3A_20 = arith.constant 0 : i32
    %dma_start3A_21 = arith.constant 0 : i32
    %dma_start3A_22 = tpu.memref_slice %arg2[%add3A_4, %dma_start3A_20, %dma_start3A_21] : memref<6400x2x128xi32, #tpu.memory_space<hbm>> -> memref<1x2x128xi32, #tpu.memory_space<hbm>>
    %dma_start3A_23 = tpu.memref_squeeze %dma_start3A_22 : memref<1x2x128xi32, #tpu.memory_space<hbm>> -> memref<2x128xi32, #tpu.memory_space<hbm>>
    tpu.enqueue_dma source(%dma_start3A_23 : memref<2x128xi32, #tpu.memory_space<hbm>>) target(%dma_start3A_19 : memref<2x128xi32, #tpu.memory_space<vmem>>) target_semaphore(%dma_start3A_15 : memref<!tpu.dma_semaphore, #tpu.memory_space<semaphore_mem>>)
    %scan3A = arith.constant 0 : i32
    %scan3A_24 = arith.constant 33 : i32
    %scan3A_25 = arith.addi %scan3A, %scan3A_24 : i32
    %scan3A_26 = arith.constant 1 : i32
    scf.for %scan3A_1546 = %scan3A to %scan3A_25 step %scan3A_26  : i32 {
      %mul3A_1547 = arith.constant 6 : i32
      %mul3A_1548 = arith.muli %scan3A_1546, %mul3A_1547 : i32
      %add3A_1549 = arith.constant 0 : i32
      %add3A_1550 = arith.addi %mul3A_1548, %add3A_1549 : i32
      %dma_wait3A_1551 = arith.constant 0 : i32
      %dma_wait3A_1552 = arith.constant 0 : i32
      %dma_wait3A_1553 = arith.constant 0 : i32
      %dma_wait3A_1554 = arith.constant 0 : i32
      %dma_wait3A_1555 = arith.constant 0 : i32
      %dma_wait3A_1556 = tpu.memref_slice %arg5[%dma_wait3A_1552, %dma_wait3A_1554, %dma_wait3A_1555] : memref<6x2x128xi32, #tpu.memory_space<vmem>> -> memref<1x2x128xi32, #tpu.memory_space<vmem>>
      %dma_wait3A_1557 = tpu.memref_squeeze %dma_wait3A_1556 : memref<1x2x128xi32, #tpu.memory_space<vmem>> -> memref<2x128xi32, #tpu.memory_space<vmem>>
      %dma_wait3A_1558 = arith.constant 0 : i32
      %dma_wait3A_1559 = arith.constant 0 : i32
      %dma_wait3A_1560 = tpu.memref_slice %arg2[%dma_wait3A_1551, %dma_wait3A_1558, %dma_wait3A_1559] : memref<6400x2x128xi32, #tpu.memory_space<hbm>> -> memref<1x2x128xi32, #tpu.memory_space<hbm>>
      %dma_wait3A_1561 = tpu.memref_squeeze %dma_wait3A_1560 : memref<1x2x128xi32, #tpu.memory_space<hbm>> -> memref<2x128xi32, #tpu.memory_space<hbm>>
      %dma_wait3A_1562 = tpu.memref_slice %arg9[%dma_wait3A_1553] : memref<6x!tpu.dma_semaphore, #tpu.memory_space<semaphore_mem>> -> memref<1x!tpu.dma_semaphore, #tpu.memory_space<semaphore_mem>>
      %dma_wait3A_1563 = tpu.memref_squeeze %dma_wait3A_1562 : memref<1x!tpu.dma_semaphore, #tpu.memory_space<semaphore_mem>> -> memref<!tpu.dma_semaphore, #tpu.memory_space<semaphore_mem>>
      %dma_wait3A_1564 = arith.constant 0 : i32
      %dma_wait3A_1565 = arith.constant 0 : i32
      %dma_wait3A_1566 = tpu.memref_slice %arg5[%dma_wait3A_1552, %dma_wait3A_1564, %dma_wait3A_1565] : memref<6x2x128xi32, #tpu.memory_space<vmem>> -> memref<1x2x128xi32, #tpu.memory_space<vmem>>
      %dma_wait3A_1567 = tpu.memref_squeeze %dma_wait3A_1566 : memref<1x2x128xi32, #tpu.memory_space<vmem>> -> memref<2x128xi32, #tpu.memory_space<vmem>>
      %dma_wait3A_1568 = arith.constant 0 : i32
      %dma_wait3A_1569 = arith.constant 0 : i32
      %dma_wait3A_1570 = tpu.memref_slice %arg2[%dma_wait3A_1551, %dma_wait3A_1568, %dma_wait3A_1569] : memref<6400x2x128xi32, #tpu.memory_space<hbm>> -> memref<1x2x128xi32, #tpu.memory_space<hbm>>
      %dma_wait3A_1571 = tpu.memref_squeeze %dma_wait3A_1570 : memref<1x2x128xi32, #tpu.memory_space<hbm>> -> memref<2x128xi32, #tpu.memory_space<hbm>>
      tpu.wait_dma2 semaphore(%dma_wait3A_1563 : memref<!tpu.dma_semaphore, #tpu.memory_space<semaphore_mem>>) src(%dma_wait3A_1571 : memref<2x128xi32, #tpu.memory_space<hbm>>) dst(%dma_wait3A_1567 : memref<2x128xi32, #tpu.memory_space<vmem>>)
      %get3A_1572 = arith.constant 0 : i32
      %get3A_1573 = arith.constant 0 : i32
      %get3A_1574 = arith.index_cast %get3A_1572 : i32 to index
      %get3A_1575 = arith.index_cast %get3A_1573 : i32 to index
      %get3A_1576 = arith.constant 0 : index
      %get3A_1577 = tpu.vector_load %arg5[%get3A_1574, %get3A_1575, %get3A_1576] {strides = array<i32>} : memref<6x2x128xi32, #tpu.memory_space<vmem>>, vector<1x1x16xi32>,
      %get3A_1578 = vector.shape_cast %get3A_1577 : vector<1x1x16xi32> to vector<16xi32>
      %get3A_1579 = arith.constant 0 : i32
      %get3A_1580 = arith.constant 1 : i32
      %get3A_1581 = arith.index_cast %get3A_1579 : i32 to index
      %get3A_1582 = arith.index_cast %get3A_1580 : i32 to index
      %get3A_1583 = arith.constant 0 : index
      %get3A_1584 = tpu.vector_load %arg5[%get3A_1581, %get3A_1582, %get3A_1583] {strides = array<i32>} : memref<6x2x128xi32, #tpu.memory_space<vmem>>, vector<1x1x16xi32>,
      %get3A_1585 = vector.shape_cast %get3A_1584 : vector<1x1x16xi32> to vector<16xi32>
      %eq3A_1586 = arith.constant 0 : i32
      %eq3A_1587 = vector.broadcast %eq3A_1586 : i32 to vector<16xi32>
      %eq3A_1588 = arith.cmpi eq, %get3A_1578, %eq3A_1587 : vector<16xi32>
      %sub3A_1589 = arith.subi %get3A_1585, %get3A_1578 : vector<16xi32>
      %add3A_1590 = arith.constant 1 : i32
      %add3A_1591 = vector.broadcast %add3A_1590 : i32 to vector<16xi32>
      %add3A_1592 = arith.addi %sub3A_1589, %add3A_1591 : vector<16xi32>
      %jit3A_1593 = arith.constant 0 : i32
      %broadcast_in_dim3A_1594 = vector.broadcast %jit3A_1593 : i32 to vector<16xi32>
      %select_n3A_1595 = arith.select %eq3A_1588, %broadcast_in_dim3A_1594, %add3A_1592 : vector<16xi1>, vector<16xi32>
      %swap3A_1596 = arith.constant 0 : i32
      %swap3A_1597 = arith.index_cast %swap3A_1596 : i32 to index
      %swap3A_1598 = arith.constant 0 : index
      %swap3A_1599 = tpu.vector_load %arg6[%swap3A_1597, %swap3A_1598] {strides = array<i32>} : memref<6x128xi32, #tpu.memory_space<vmem>>, vector<1x16xi32>,
      %swap3A_1600 = vector.shape_cast %swap3A_1599 : vector<1x16xi32> to vector<16xi32>
      %swap3A_1601 = vector.shape_cast %select_n3A_1595 : vector<16xi32> to vector<1x16xi32>
      tpu.vector_store %arg6[%swap3A_1597, %swap3A_1598], %swap3A_1601 {strides = array<i32>} : memref<6x128xi32, #tpu.memory_space<vmem>>, vector<1x16xi32>,
      %get3A_1602 = arith.constant 0 : i32
      %get3A_1603 = arith.constant 0 : i32
      %get3A_1604 = arith.index_cast %get3A_1602 : i32 to index
      %get3A_1605 = arith.index_cast %get3A_1603 : i32 to index
      %get3A_1606 = arith.constant 16 : index
      %get3A_1607 = tpu.vector_load %arg5[%get3A_1604, %get3A_1605, %get3A_1606] {strides = array<i32>} : memref<6x2x128xi32, #tpu.memory_space<vmem>>, vector<1x1x16xi32>,
      %get3A_1608 = vector.shape_cast %get3A_1607 : vector<1x1x16xi32> to vector<16xi32>
      %get3A_1609 = arith.constant 0 : i32
      %get3A_1610 = arith.constant 1 : i32
      %get3A_1611 = arith.index_cast %get3A_1609 : i32 to index
      %get3A_1612 = arith.index_cast %get3A_1610 : i32 to index
      %get3A_1613 = arith.constant 16 : index
      %get3A_1614 = tpu.vector_load %arg5[%get3A_1611, %get3A_1612, %get3A_1613] {strides = array<i32>} : memref<6x2x128xi32, #tpu.memory_space<vmem>>, vector<1x1x16xi32>,
      %get3A_1615 = vector.shape_cast %get3A_1614 : vector<1x1x16xi32> to vector<16xi32>
      %eq3A_1616 = arith.constant 0 : i32
      %eq3A_1617 = vector.broadcast %eq3A_1616 : i32 to vector<16xi32>
      %eq3A_1618 = arith.cmpi eq, %get3A_1608, %eq3A_1617 : vector<16xi32>
      %sub3A_1619 = arith.subi %get3A_1615, %get3A_1608 : vector<16xi32>
      %add3A_1620 = arith.constant 1 : i32
      %add3A_1621 = vector.broadcast %add3A_1620 : i32 to vector<16xi32>
      %add3A_1622 = arith.addi %sub3A_1619, %add3A_1621 : vector<16xi32>
      %jit3A_1623 = arith.constant 0 : i32
      %broadcast_in_dim3A_1624 = vector.broadcast %jit3A_1623 : i32 to vector<16xi32>
      %select_n3A_1625 = arith.select %eq3A_1618, %broadcast_in_dim3A_1624, %add3A_1622 : vector<16xi1>, vector<16xi32>
      %swap3A_1626 = arith.constant 0 : i32
      %swap3A_1627 = arith.index_cast %swap3A_1626 : i32 to index
      %swap3A_1628 = arith.constant 16 : index
      %swap3A_1629 = tpu.vector_load %arg6[%swap3A_1627, %swap3A_1628] {strides = array<i32>} : memref<6x128xi32, #tpu.memory_space<vmem>>, vector<1x16xi32>,
      %swap3A_1630 = vector.shape_cast %swap3A_1629 : vector<1x16xi32> to vector<16xi32>
      %swap3A_1631 = vector.shape_cast %select_n3A_1625 : vector<16xi32> to vector<1x16xi32>
      tpu.vector_store %arg6[%swap3A_1627, %swap3A_1628], %swap3A_1631 {strides = array<i32>} : memref<6x128xi32, #tpu.memory_space<vmem>>, vector<1x16xi32>,
      %get3A_1632 = arith.constant 0 : i32
      %get3A_1633 = arith.constant 0 : i32
      %get3A_1634 = arith.index_cast %get3A_1632 : i32 to index
      %get3A_1635 = arith.index_cast %get3A_1633 : i32 to index
      %get3A_1636 = arith.constant 32 : index
      %get3A_1637 = tpu.vector_load %arg5[%get3A_1634, %get3A_1635, %get3A_1636] {strides = array<i32>} : memref<6x2x128xi32, #tpu.memory_space<vmem>>, vector<1x1x16xi32>,
      %get3A_1638 = vector.shape_cast %get3A_1637 : vector<1x1x16xi32> to vector<16xi32>
      %get3A_1639 = arith.constant 0 : i32
      %get3A_1640 = arith.constant 1 : i32
      %get3A_1641 = arith.index_cast %get3A_1639 : i32 to index
      %get3A_1642 = arith.index_cast %get3A_1640 : i32 to index
      %get3A_1643 = arith.constant 32 : index
      %get3A_1644 = tpu.vector_load %arg5[%get3A_1641, %get3A_1642, %get3A_1643] {strides = array<i32>} : memref<6x2x128xi32, #tpu.memory_space<vmem>>, vector<1x1x16xi32>,
      %get3A_1645 = vector.shape_cast %get3A_1644 : vector<1x1x16xi32> to vector<16xi32>
      %eq3A_1646 = arith.constant 0 : i32
      %eq3A_1647 = vector.broadcast %eq3A_1646 : i32 to vector<16xi32>
      %eq3A_1648 = arith.cmpi eq, %get3A_1638, %eq3A_1647 : vector<16xi32>
      %sub3A_1649 = arith.subi %get3A_1645, %get3A_1638 : vector<16xi32>
      %add3A_1650 = arith.constant 1 : i32
      %add3A_1651 = vector.broadcast %add3A_1650 : i32 to vector<16xi32>
      %add3A_1652 = arith.addi %sub3A_1649, %add3A_1651 : vector<16xi32>
      %jit3A_1653 = arith.constant 0 : i32
      %broadcast_in_dim3A_1654 = vector.broadcast %jit3A_1653 : i32 to vector<16xi32>
      %select_n3A_1655 = arith.select %eq3A_1648, %broadcast_in_dim3A_1654, %add3A_1652 : vector<16xi1>, vector<16xi32>
      %swap3A_1656 = arith.constant 0 : i32
      %swap3A_1657 = arith.index_cast %swap3A_1656 : i32 to index
      %swap3A_1658 = arith.constant 32 : index
      %swap3A_1659 = tpu.vector_load %arg6[%swap3A_1657, %swap3A_1658] {strides = array<i32>} : memref<6x128xi32, #tpu.memory_space<vmem>>, vector<1x16xi32>,
      %swap3A_1660 = vector.shape_cast %swap3A_1659 : vector<1x16xi32> to vector<16xi32>
      %swap3A_1661 = vector.shape_cast %select_n3A_1655 : vector<16xi32> to vector<1x16xi32>
      tpu.vector_store %arg6[%swap3A_1657, %swap3A_1658], %swap3A_1661 {strides = array<i32>} : memref<6x128xi32, #tpu.memory_space<vmem>>, vector<1x16xi32>,
      %get3A_1662 = arith.constant 0 : i32
      %get3A_1663 = arith.constant 0 : i32
      %get3A_1664 = arith.index_cast %get3A_1662 : i32 to index
      %get3A_1665 = arith.index_cast %get3A_1663 : i32 to index
      %get3A_1666 = arith.constant 48 : index
      %get3A_1667 = tpu.vector_load %arg5[%get3A_1664, %get3A_1665, %get3A_1666] {strides = array<i32>} : memref<6x2x128xi32, #tpu.memory_space<vmem>>, vector<1x1x16xi32>,
      %get3A_1668 = vector.shape_cast %get3A_1667 : vector<1x1x16xi32> to vector<16xi32>
      %get3A_1669 = arith.constant 0 : i32
      %get3A_1670 = arith.constant 1 : i32
      %get3A_1671 = arith.index_cast %get3A_1669 : i32 to index
      %get3A_1672 = arith.index_cast %get3A_1670 : i32 to index
      %get3A_1673 = arith.constant 48 : index
      %get3A_1674 = tpu.vector_load %arg5[%get3A_1671, %get3A_1672, %get3A_1673] {strides = array<i32>} : memref<6x2x128xi32, #tpu.memory_space<vmem>>, vector<1x1x16xi32>,
      %get3A_1675 = vector.shape_cast %get3A_1674 : vector<1x1x16xi32> to vector<16xi32>
      %eq3A_1676 = arith.constant 0 : i32
      %eq3A_1677 = vector.broadcast %eq3A_1676 : i32 to vector<16xi32>
      %eq3A_1678 = arith.cmpi eq, %get3A_1668, %eq3A_1677 : vector<16xi32>
      %sub3A_1679 = arith.subi %get3A_1675, %get3A_1668 : vector<16xi32>
      %add3A_1680 = arith.constant 1 : i32
      %add3A_1681 = vector.broadcast %add3A_1680 : i32 to vector<16xi32>
      %add3A_1682 = arith.addi %sub3A_1679, %add3A_1681 : vector<16xi32>
      %jit3A_1683 = arith.constant 0 : i32
      %broadcast_in_dim3A_1684 = vector.broadcast %jit3A_1683 : i32 to vector<16xi32>
      %select_n3A_1685 = arith.select %eq3A_1678, %broadcast_in_dim3A_1684, %add3A_1682 : vector<16xi1>, vector<16xi32>
      %swap3A_1686 = arith.constant 0 : i32
      %swap3A_1687 = arith.index_cast %swap3A_1686 : i32 to index
      %swap3A_1688 = arith.constant 48 : index
      %swap3A_1689 = tpu.vector_load %arg6[%swap3A_1687, %swap3A_1688] {strides = array<i32>} : memref<6x128xi32, #tpu.memory_space<vmem>>, vector<1x16xi32>,
      %swap3A_1690 = vector.shape_cast %swap3A_1689 : vector<1x16xi32> to vector<16xi32>
      %swap3A_1691 = vector.shape_cast %select_n3A_1685 : vector<16xi32> to vector<1x16xi32>
      tpu.vector_store %arg6[%swap3A_1687, %swap3A_1688], %swap3A_1691 {strides = array<i32>} : memref<6x128xi32, #tpu.memory_space<vmem>>, vector<1x16xi32>,
      %get3A_1692 = arith.constant 0 : i32
      %get3A_1693 = arith.constant 0 : i32
      %get3A_1694 = arith.index_cast %get3A_1692 : i32 to index
      %get3A_1695 = arith.index_cast %get3A_1693 : i32 to index
      %get3A_1696 = arith.constant 64 : index
      %get3A_1697 = tpu.vector_load %arg5[%get3A_1694, %get3A_1695, %get3A_1696] {strides = array<i32>} : memref<6x2x128xi32, #tpu.memory_space<vmem>>, vector<1x1x16xi32>,
      %get3A_1698 = vector.shape_cast %get3A_1697 : vector<1x1x16xi32> to vector<16xi32>
      %get3A_1699 = arith.constant 0 : i32
      %get3A_1700 = arith.constant 1 : i32
      %get3A_1701 = arith.index_cast %get3A_1699 : i32 to index
      %get3A_1702 = arith.index_cast %get3A_1700 : i32 to index
      %get3A_1703 = arith.constant 64 : index
      %get3A_1704 = tpu.vector_load %arg5[%get3A_1701, %get3A_1702, %get3A_1703] {strides = array<i32>} : memref<6x2x128xi32, #tpu.memory_space<vmem>>, vector<1x1x16xi32>,
      %get3A_1705 = vector.shape_cast %get3A_1704 : vector<1x1x16xi32> to vector<16xi32>
      %eq3A_1706 = arith.constant 0 : i32
      %eq3A_1707 = vector.broadcast %eq3A_1706 : i32 to vector<16xi32>
      %eq3A_1708 = arith.cmpi eq, %get3A_1698, %eq3A_1707 : vector<16xi32>
      %sub3A_1709 = arith.subi %get3A_1705, %get3A_1698 : vector<16xi32>
      %add3A_1710 = arith.constant 1 : i32
      %add3A_1711 = vector.broadcast %add3A_1710 : i32 to vector<16xi32>
      %add3A_1712 = arith.addi %sub3A_1709, %add3A_1711 : vector<16xi32>
      %jit3A_1713 = arith.constant 0 : i32
      %broadcast_in_dim3A_1714 = vector.broadcast %jit3A_1713 : i32 to vector<16xi32>
      %select_n3A_1715 = arith.select %eq3A_1708, %broadcast_in_dim3A_1714, %add3A_1712 : vector<16xi1>, vector<16xi32>
      %swap3A_1716 = arith.constant 0 : i32
      %swap3A_1717 = arith.index_cast %swap3A_1716 : i32 to index
      %swap3A_1718 = arith.constant 64 : index
      %swap3A_1719 = tpu.vector_load %arg6[%swap3A_1717, %swap3A_1718] {strides = array<i32>} : memref<6x128xi32, #tpu.memory_space<vmem>>, vector<1x16xi32>,
      %swap3A_1720 = vector.shape_cast %swap3A_1719 : vector<1x16xi32> to vector<16xi32>
      %swap3A_1721 = vector.shape_cast %select_n3A_1715 : vector<16xi32> to vector<1x16xi32>
      tpu.vector_store %arg6[%swap3A_1717, %swap3A_1718], %swap3A_1721 {strides = array<i32>} : memref<6x128xi32, #tpu.memory_space<vmem>>, vector<1x16xi32>,
      %get3A_1722 = arith.constant 0 : i32
      %get3A_1723 = arith.constant 0 : i32
      %get3A_1724 = arith.index_cast %get3A_1722 : i32 to index
      %get3A_1725 = arith.index_cast %get3A_1723 : i32 to index
      %get3A_1726 = arith.constant 80 : index
      %get3A_1727 = tpu.vector_load %arg5[%get3A_1724, %get3A_1725, %get3A_1726] {strides = array<i32>} : memref<6x2x128xi32, #tpu.memory_space<vmem>>, vector<1x1x16xi32>,
      %get3A_1728 = vector.shape_cast %get3A_1727 : vector<1x1x16xi32> to vector<16xi32>
      %get3A_1729 = arith.constant 0 : i32
      %get3A_1730 = arith.constant 1 : i32
      %get3A_1731 = arith.index_cast %get3A_1729 : i32 to index
      %get3A_1732 = arith.index_cast %get3A_1730 : i32 to index
      %get3A_1733 = arith.constant 80 : index
      %get3A_1734 = tpu.vector_load %arg5[%get3A_1731, %get3A_1732, %get3A_1733] {strides = array<i32>} : memref<6x2x128xi32, #tpu.memory_space<vmem>>, vector<1x1x16xi32>,
      %get3A_1735 = vector.shape_cast %get3A_1734 : vector<1x1x16xi32> to vector<16xi32>
      %eq3A_1736 = arith.constant 0 : i32
      %eq3A_1737 = vector.broadcast %eq3A_1736 : i32 to vector<16xi32>
      %eq3A_1738 = arith.cmpi eq, %get3A_1728, %eq3A_1737 : vector<16xi32>
      %sub3A_1739 = arith.subi %get3A_1735, %get3A_1728 : vector<16xi32>
      %add3A_1740 = arith.constant 1 : i32
      %add3A_1741 = vector.broadcast %add3A_1740 : i32 to vector<16xi32>
      %add3A_1742 = arith.addi %sub3A_1739, %add3A_1741 : vector<16xi32>
      %jit3A_1743 = arith.constant 0 : i32
      %broadcast_in_dim3A_1744 = vector.broadcast %jit3A_1743 : i32 to vector<16xi32>
      %select_n3A_1745 = arith.select %eq3A_1738, %broadcast_in_dim3A_1744, %add3A_1742 : vector<16xi1>, vector<16xi32>
      %swap3A_1746 = arith.constant 0 : i32
      %swap3A_1747 = arith.index_cast %swap3A_1746 : i32 to index
      %swap3A_1748 = arith.constant 80 : index
      %swap3A_1749 = tpu.vector_load %arg6[%swap3A_1747, %swap3A_1748] {strides = array<i32>} : memref<6x128xi32, #tpu.memory_space<vmem>>, vector<1x16xi32>,
      %swap3A_1750 = vector.shape_cast %swap3A_1749 : vector<1x16xi32> to vector<16xi32>
      %swap3A_1751 = vector.shape_cast %select_n3A_1745 : vector<16xi32> to vector<1x16xi32>
      tpu.vector_store %arg6[%swap3A_1747, %swap3A_1748], %swap3A_1751 {strides = array<i32>} : memref<6x128xi32, #tpu.memory_space<vmem>>, vector<1x16xi32>,
      %get3A_1752 = arith.constant 0 : i32
      %get3A_1753 = arith.constant 0 : i32
      %get3A_1754 = arith.index_cast %get3A_1752 : i32 to index
      %get3A_1755 = arith.index_cast %get3A_1753 : i32 to index
      %get3A_1756 = arith.constant 96 : index
      %get3A_1757 = tpu.vector_load %arg5[%get3A_1754, %get3A_1755, %get3A_1756] {strides = array<i32>} : memref<6x2x128xi32, #tpu.memory_space<vmem>>, vector<1x1x16xi32>,
      %get3A_1758 = vector.shape_cast %get3A_1757 : vector<1x1x16xi32> to vector<16xi32>
      %get3A_1759 = arith.constant 0 : i32
      %get3A_1760 = arith.constant 1 : i32
      %get3A_1761 = arith.index_cast %get3A_1759 : i32 to index
      %get3A_1762 = arith.index_cast %get3A_1760 : i32 to index
      %get3A_1763 = arith.constant 96 : index
      %get3A_1764 = tpu.vector_load %arg5[%get3A_1761, %get3A_1762, %get3A_1763] {strides = array<i32>} : memref<6x2x128xi32, #tpu.memory_space<vmem>>, vector<1x1x16xi32>,
      %get3A_1765 = vector.shape_cast %get3A_1764 : vector<1x1x16xi32> to vector<16xi32>
      %eq3A_1766 = arith.constant 0 : i32
      %eq3A_1767 = vector.broadcast %eq3A_1766 : i32 to vector<16xi32>
      %eq3A_1768 = arith.cmpi eq, %get3A_1758, %eq3A_1767 : vector<16xi32>
      %sub3A_1769 = arith.subi %get3A_1765, %get3A_1758 : vector<16xi32>
      %add3A_1770 = arith.constant 1 : i32
      %add3A_1771 = vector.broadcast %add3A_1770 : i32 to vector<16xi32>
      %add3A_1772 = arith.addi %sub3A_1769, %add3A_1771 : vector<16xi32>
      %jit3A_1773 = arith.constant 0 : i32
      %broadcast_in_dim3A_1774 = vector.broadcast %jit3A_1773 : i32 to vector<16xi32>
      %select_n3A_1775 = arith.select %eq3A_1768, %broadcast_in_dim3A_1774, %add3A_1772 : vector<16xi1>, vector<16xi32>
      %swap3A_1776 = arith.constant 0 : i32
      %swap3A_1777 = arith.index_cast %swap3A_1776 : i32 to index
      %swap3A_1778 = arith.constant 96 : index
      %swap3A_1779 = tpu.vector_load %arg6[%swap3A_1777, %swap3A_1778] {strides = array<i32>} : memref<6x128xi32, #tpu.memory_space<vmem>>, vector<1x16xi32>,
      %swap3A_1780 = vector.shape_cast %swap3A_1779 : vector<1x16xi32> to vector<16xi32>
      %swap3A_1781 = vector.shape_cast %select_n3A_1775 : vector<16xi32> to vector<1x16xi32>
      tpu.vector_store %arg6[%swap3A_1777, %swap3A_1778], %swap3A_1781 {strides = array<i32>} : memref<6x128xi32, #tpu.memory_space<vmem>>, vector<1x16xi32>,
      %get3A_1782 = arith.constant 0 : i32
      %get3A_1783 = arith.constant 0 : i32
      %get3A_1784 = arith.index_cast %get3A_1782 : i32 to index
      %get3A_1785 = arith.index_cast %get3A_1783 : i32 to index
      %get3A_1786 = arith.constant 112 : index
      %get3A_1787 = tpu.vector_load %arg5[%get3A_1784, %get3A_1785, %get3A_1786] {strides = array<i32>} : memref<6x2x128xi32, #tpu.memory_space<vmem>>, vector<1x1x16xi32>,
      %get3A_1788 = vector.shape_cast %get3A_1787 : vector<1x1x16xi32> to vector<16xi32>
      %get3A_1789 = arith.constant 0 : i32
      %get3A_1790 = arith.constant 1 : i32
      %get3A_1791 = arith.index_cast %get3A_1789 : i32 to index
      %get3A_1792 = arith.index_cast %get3A_1790 : i32 to index
      %get3A_1793 = arith.constant 112 : index
      %get3A_1794 = tpu.vector_load %arg5[%get3A_1791, %get3A_1792, %get3A_1793] {strides = array<i32>} : memref<6x2x128xi32, #tpu.memory_space<vmem>>, vector<1x1x16xi32>,
      %get3A_1795 = vector.shape_cast %get3A_1794 : vector<1x1x16xi32> to vector<16xi32>
      %eq3A_1796 = arith.constant 0 : i32
      %eq3A_1797 = vector.broadcast %eq3A_1796 : i32 to vector<16xi32>
      %eq3A_1798 = arith.cmpi eq, %get3A_1788, %eq3A_1797 : vector<16xi32>
      %sub3A_1799 = arith.subi %get3A_1795, %get3A_1788 : vector<16xi32>
      %add3A_1800 = arith.constant 1 : i32
      %add3A_1801 = vector.broadcast %add3A_1800 : i32 to vector<16xi32>
      %add3A_1802 = arith.addi %sub3A_1799, %add3A_1801 : vector<16xi32>
      %jit3A_1803 = arith.constant 0 : i32
      %broadcast_in_dim3A_1804 = vector.broadcast %jit3A_1803 : i32 to vector<16xi32>
      %select_n3A_1805 = arith.select %eq3A_1798, %broadcast_in_dim3A_1804, %add3A_1802 : vector<16xi1>, vector<16xi32>
      %swap3A_1806 = arith.constant 0 : i32
      %swap3A_1807 = arith.index_cast %swap3A_1806 : i32 to index
      %swap3A_1808 = arith.constant 112 : index
      %swap3A_1809 = tpu.vector_load %arg6[%swap3A_1807, %swap3A_1808] {strides = array<i32>} : memref<6x128xi32, #tpu.memory_space<vmem>>, vector<1x16xi32>,
      %swap3A_1810 = vector.shape_cast %swap3A_1809 : vector<1x16xi32> to vector<16xi32>
      %swap3A_1811 = vector.shape_cast %select_n3A_1805 : vector<16xi32> to vector<1x16xi32>
      tpu.vector_store %arg6[%swap3A_1807, %swap3A_1808], %swap3A_1811 {strides = array<i32>} : memref<6x128xi32, #tpu.memory_space<vmem>>, vector<1x16xi32>,
      %ge3A = arith.constant 1 : i32
      %ge3A_1812 = arith.cmpi sge, %scan3A_1546, %ge3A : i32
      %convert_element_type3A = arith.extui %ge3A_1812 : i1 to i32
      %cond3A = arith.constant 0 : i32
      %cond3A_1813 = arith.cmpi ne, %convert_element_type3A, %cond3A : i32
      scf.if %cond3A_1813 {
        %dma_wait3A_3618 = arith.constant 1 : i32
        %dma_wait3A_3619 = arith.constant 1 : i32
        %dma_wait3A_3620 = arith.constant 0 : i32
        %dma_wait3A_3621 = arith.constant 0 : i32
        %dma_wait3A_3622 = tpu.memref_slice %arg7[%dma_wait3A_3618, %dma_wait3A_3620, %dma_wait3A_3621] : memref<6x128x64xf32, #tpu.memory_space<vmem>> -> memref<1x128x64xf32, #tpu.memory_space<vmem>>
        %dma_wait3A_3623 = tpu.memref_squeeze %dma_wait3A_3622 : memref<1x128x64xf32, #tpu.memory_space<vmem>> -> memref<128x64xf32, #tpu.memory_space<vmem>>
        %dma_wait3A_3624 = arith.constant 0 : i32
        %dma_wait3A_3625 = arith.constant 0 : i32
        %dma_wait3A_3626 = tpu.memref_slice %arg3[%dma_wait3A_3624, %dma_wait3A_3625] : memref<100001x64xf32, #tpu.memory_space<hbm>> -> memref<128x64xf32, #tpu.memory_space<hbm>>
        %dma_wait3A_3627 = tpu.memref_slice %arg10[%dma_wait3A_3619] : memref<6x!tpu.dma_semaphore, #tpu.memory_space<semaphore_mem>> -> memref<1x!tpu.dma_semaphore, #tpu.memory_space<semaphore_mem>>
        %dma_wait3A_3628 = tpu.memref_squeeze %dma_wait3A_3627 : memref<1x!tpu.dma_semaphore, #tpu.memory_space<semaphore_mem>> -> memref<!tpu.dma_semaphore, #tpu.memory_space<semaphore_mem>>
        %dma_wait3A_3629 = arith.constant 0 : i32
        %dma_wait3A_3630 = arith.constant 0 : i32
        %dma_wait3A_3631 = tpu.memref_slice %arg7[%dma_wait3A_3618, %dma_wait3A_3629, %dma_wait3A_3630] : memref<6x128x64xf32, #tpu.memory_space<vmem>> -> memref<1x128x64xf32, #tpu.memory_space<vmem>>
        %dma_wait3A_3632 = tpu.memref_squeeze %dma_wait3A_3631 : memref<1x128x64xf32, #tpu.memory_space<vmem>> -> memref<128x64xf32, #tpu.memory_space<vmem>>
        %dma_wait3A_3633 = arith.constant 0 : i32
        %dma_wait3A_3634 = arith.constant 0 : i32
        %dma_wait3A_3635 = tpu.memref_slice %arg3[%dma_wait3A_3633, %dma_wait3A_3634] : memref<100001x64xf32, #tpu.memory_space<hbm>> -> memref<128x64xf32, #tpu.memory_space<hbm>>
        tpu.wait_dma2 semaphore(%dma_wait3A_3628 : memref<!tpu.dma_semaphore, #tpu.memory_space<semaphore_mem>>) src(%dma_wait3A_3635 : memref<128x64xf32, #tpu.memory_space<hbm>>) dst(%dma_wait3A_3632 : memref<128x64xf32, #tpu.memory_space<vmem>>)
        %dma_wait3A_3636 = arith.constant 1 : i32
        %dma_wait3A_3637 = arith.constant 1 : i32
        %dma_wait3A_3638 = arith.constant 0 : i32
        %dma_wait3A_3639 = arith.constant 0 : i32
        %dma_wait3A_3640 = tpu.memref_slice %arg8[%dma_wait3A_3636, %dma_wait3A_3638, %dma_wait3A_3639] : memref<6x128x64xf32, #tpu.memory_space<vmem>> -> memref<1x128x64xf32, #tpu.memory_space<vmem>>
        %dma_wait3A_3641 = tpu.memref_squeeze %dma_wait3A_3640 : memref<1x128x64xf32, #tpu.memory_space<vmem>> -> memref<128x64xf32, #tpu.memory_space<vmem>>
        %dma_wait3A_3642 = arith.constant 0 : i32
        %dma_wait3A_3643 = arith.constant 0 : i32
        %dma_wait3A_3644 = tpu.memref_slice %arg3[%dma_wait3A_3642, %dma_wait3A_3643] : memref<100001x64xf32, #tpu.memory_space<hbm>> -> memref<128x64xf32, #tpu.memory_space<hbm>>
        %dma_wait3A_3645 = tpu.memref_slice %arg10[%dma_wait3A_3637] : memref<6x!tpu.dma_semaphore, #tpu.memory_space<semaphore_mem>> -> memref<1x!tpu.dma_semaphore, #tpu.memory_space<semaphore_mem>>
        %dma_wait3A_3646 = tpu.memref_squeeze %dma_wait3A_3645 : memref<1x!tpu.dma_semaphore, #tpu.memory_space<semaphore_mem>> -> memref<!tpu.dma_semaphore, #tpu.memory_space<semaphore_mem>>
        %dma_wait3A_3647 = arith.constant 0 : i32
        %dma_wait3A_3648 = arith.constant 0 : i32
        %dma_wait3A_3649 = tpu.memref_slice %arg8[%dma_wait3A_3636, %dma_wait3A_3647, %dma_wait3A_3648] : memref<6x128x64xf32, #tpu.memory_space<vmem>> -> memref<1x128x64xf32, #tpu.memory_space<vmem>>
        %dma_wait3A_3650 = tpu.memref_squeeze %dma_wait3A_3649 : memref<1x128x64xf32, #tpu.memory_space<vmem>> -> memref<128x64xf32, #tpu.memory_space<vmem>>
        %dma_wait3A_3651 = arith.constant 0 : i32
        %dma_wait3A_3652 = arith.constant 0 : i32
        %dma_wait3A_3653 = tpu.memref_slice %arg3[%dma_wait3A_3651, %dma_wait3A_3652] : memref<100001x64xf32, #tpu.memory_space<hbm>> -> memref<128x64xf32, #tpu.memory_space<hbm>>
        tpu.wait_dma2 semaphore(%dma_wait3A_3646 : memref<!tpu.dma_semaphore, #tpu.memory_space<semaphore_mem>>) src(%dma_wait3A_3653 : memref<128x64xf32, #tpu.memory_space<hbm>>) dst(%dma_wait3A_3650 : memref<128x64xf32, #tpu.memory_space<vmem>>)
        %sub3A_3654 = arith.constant 5 : i32
        %sub3A_3655 = arith.subi %add3A_1550, %sub3A_3654 : i32
        %add3A_3656 = arith.addi %mul3A_2, %sub3A_3655 : i32
        %mul3A_3657 = arith.constant 128 : i32
        %mul3A_3658 = arith.muli %add3A_3656, %mul3A_3657 : i32
        %dma_start3A_3659 = arith.constant 1 : i32
        %dma_start3A_3660 = arith.constant 0 : i32
        %dma_start3A_3661 = arith.constant 1 : i32
        %dma_start3A_3662 = arith.constant 0 : i32
        %dma_start3A_3663 = arith.constant 0 : i32
        %dma_start3A_3664 = arith.constant 0 : i32
        %dma_start3A_3665 = tpu.memref_slice %arg7[%dma_start3A_3659, %dma_start3A_3663, %dma_start3A_3664] : memref<6x128x64xf32, #tpu.memory_space<vmem>> -> memref<1x128x64xf32, #tpu.memory_space<vmem>>
        %dma_start3A_3666 = tpu.memref_squeeze %dma_start3A_3665 : memref<1x128x64xf32, #tpu.memory_space<vmem>> -> memref<128x64xf32, #tpu.memory_space<vmem>>
        %dma_start3A_3667 = arith.constant 0 : i32
        %dma_start3A_3668 = tpu.memref_slice %arg4[%mul3A_3658, %dma_start3A_3660, %dma_start3A_3667] : memref<819200x2x64xf32, #tpu.memory_space<hbm>> -> memref<128x1x64xf32, #tpu.memory_space<hbm>>
        %dma_start3A_3669 = tpu.memref_squeeze %dma_start3A_3668 : memref<128x1x64xf32, #tpu.memory_space<hbm>> -> memref<128x64xf32, #tpu.memory_space<hbm>>
        %dma_start3A_3670 = tpu.memref_slice %arg11[%dma_start3A_3661, %dma_start3A_3662] : memref<6x2x!tpu.dma_semaphore, #tpu.memory_space<semaphore_mem>> -> memref<1x1x!tpu.dma_semaphore, #tpu.memory_space<semaphore_mem>>
        %dma_start3A_3671 = tpu.memref_squeeze %dma_start3A_3670 : memref<1x1x!tpu.dma_semaphore, #tpu.memory_space<semaphore_mem>> -> memref<!tpu.dma_semaphore, #tpu.memory_space<semaphore_mem>>
        %dma_start3A_3672 = arith.constant 0 : i32
        %dma_start3A_3673 = tpu.memref_slice %arg4[%mul3A_3658, %dma_start3A_3660, %dma_start3A_3672] : memref<819200x2x64xf32, #tpu.memory_space<hbm>> -> memref<128x1x64xf32, #tpu.memory_space<hbm>>
        %dma_start3A_3674 = tpu.memref_squeeze %dma_start3A_3673 : memref<128x1x64xf32, #tpu.memory_space<hbm>> -> memref<128x64xf32, #tpu.memory_space<hbm>>
        %dma_start3A_3675 = arith.constant 0 : i32
        %dma_start3A_3676 = arith.constant 0 : i32
        %dma_start3A_3677 = tpu.memref_slice %arg7[%dma_start3A_3659, %dma_start3A_3675, %dma_start3A_3676] : memref<6x128x64xf32, #tpu.memory_space<vmem>> -> memref<1x128x64xf32, #tpu.memory_space<vmem>>
        %dma_start3A_3678 = tpu.memref_squeeze %dma_start3A_3677 : memref<1x128x64xf32, #tpu.memory_space<vmem>> -> memref<128x64xf32, #tpu.memory_space<vmem>>
        tpu.enqueue_dma source(%dma_start3A_3678 : memref<128x64xf32, #tpu.memory_space<vmem>>) target(%dma_start3A_3674 : memref<128x64xf32, #tpu.memory_space<hbm>>) target_semaphore(%dma_start3A_3671 : memref<!tpu.dma_semaphore, #tpu.memory_space<semaphore_mem>>)
        %dma_start3A_3679 = arith.constant 1 : i32
        %dma_start3A_3680 = arith.constant 1 : i32
        %dma_start3A_3681 = arith.constant 1 : i32
        %dma_start3A_3682 = arith.constant 1 : i32
        %dma_start3A_3683 = arith.constant 0 : i32
        %dma_start3A_3684 = arith.constant 0 : i32
        %dma_start3A_3685 = tpu.memref_slice %arg8[%dma_start3A_3679, %dma_start3A_3683, %dma_start3A_3684] : memref<6x128x64xf32, #tpu.memory_space<vmem>> -> memref<1x128x64xf32, #tpu.memory_space<vmem>>
        %dma_start3A_3686 = tpu.memref_squeeze %dma_start3A_3685 : memref<1x128x64xf32, #tpu.memory_space<vmem>> -> memref<128x64xf32, #tpu.memory_space<vmem>>
        %dma_start3A_3687 = arith.constant 0 : i32
        %dma_start3A_3688 = tpu.memref_slice %arg4[%mul3A_3658, %dma_start3A_3680, %dma_start3A_3687] : memref<819200x2x64xf32, #tpu.memory_space<hbm>> -> memref<128x1x64xf32, #tpu.memory_space<hbm>>
        %dma_start3A_3689 = tpu.memref_squeeze %dma_start3A_3688 : memref<128x1x64xf32, #tpu.memory_space<hbm>> -> memref<128x64xf32, #tpu.memory_space<hbm>>
        %dma_start3A_3690 = tpu.memref_slice %arg11[%dma_start3A_3681, %dma_start3A_3682] : memref<6x2x!tpu.dma_semaphore, #tpu.memory_space<semaphore_mem>> -> memref<1x1x!tpu.dma_semaphore, #tpu.memory_space<semaphore_mem>>
        %dma_start3A_3691 = tpu.memref_squeeze %dma_start3A_3690 : memref<1x1x!tpu.dma_semaphore, #tpu.memory_space<semaphore_mem>> -> memref<!tpu.dma_semaphore, #tpu.memory_space<semaphore_mem>>
        %dma_start3A_3692 = arith.constant 0 : i32
        %dma_start3A_3693 = tpu.memref_slice %arg4[%mul3A_3658, %dma_start3A_3680, %dma_start3A_3692] : memref<819200x2x64xf32, #tpu.memory_space<hbm>> -> memref<128x1x64xf32, #tpu.memory_space<hbm>>
        %dma_start3A_3694 = tpu.memref_squeeze %dma_start3A_3693 : memref<128x1x64xf32, #tpu.memory_space<hbm>> -> memref<128x64xf32, #tpu.memory_space<hbm>>
        %dma_start3A_3695 = arith.constant 0 : i32
        %dma_start3A_3696 = arith.constant 0 : i32
        %dma_start3A_3697 = tpu.memref_slice %arg8[%dma_start3A_3679, %dma_start3A_3695, %dma_start3A_3696] : memref<6x128x64xf32, #tpu.memory_space<vmem>> -> memref<1x128x64xf32, #tpu.memory_space<vmem>>
        %dma_start3A_3698 = tpu.memref_squeeze %dma_start3A_3697 : memref<1x128x64xf32, #tpu.memory_space<vmem>> -> memref<128x64xf32, #tpu.memory_space<vmem>>
        tpu.enqueue_dma source(%dma_start3A_3698 : memref<128x64xf32, #tpu.memory_space<vmem>>) target(%dma_start3A_3694 : memref<128x64xf32, #tpu.memory_space<hbm>>) target_semaphore(%dma_start3A_3691 : memref<!tpu.dma_semaphore, #tpu.memory_space<semaphore_mem>>)
      } else {
      }
      %add3A_1814 = arith.constant 1 : i32
      %add3A_1815 = arith.addi %add3A_1550, %add3A_1814 : i32
      %add3A_1816 = arith.addi %mul3A_2, %add3A_1815 : i32
      %dma_start3A_1817 = arith.constant 1 : i32
      %dma_start3A_1818 = arith.constant 1 : i32
      %dma_start3A_1819 = arith.constant 0 : i32
      %dma_start3A_1820 = arith.constant 0 : i32
      %dma_start3A_1821 = tpu.memref_slice %arg5[%dma_start3A_1817, %dma_start3A_1819, %dma_start3A_1820] : memref<6x2x128xi32, #tpu.memory_space<vmem>> -> memref<1x2x128xi32, #tpu.memory_space<vmem>>
      %dma_start3A_1822 = tpu.memref_squeeze %dma_start3A_1821 : memref<1x2x128xi32, #tpu.memory_space<vmem>> -> memref<2x128xi32, #tpu.memory_space<vmem>>
      %dma_start3A_1823 = arith.constant 0 : i32
      %dma_start3A_1824 = arith.constant 0 : i32
      %dma_start3A_1825 = tpu.memref_slice %arg2[%add3A_1816, %dma_start3A_1823, %dma_start3A_1824] : memref<6400x2x128xi32, #tpu.memory_space<hbm>> -> memref<1x2x128xi32, #tpu.memory_space<hbm>>
      %dma_start3A_1826 = tpu.memref_squeeze %dma_start3A_1825 : memref<1x2x128xi32, #tpu.memory_space<hbm>> -> memref<2x128xi32, #tpu.memory_space<hbm>>
      %dma_start3A_1827 = tpu.memref_slice %arg9[%dma_start3A_1818] : memref<6x!tpu.dma_semaphore, #tpu.memory_space<semaphore_mem>> -> memref<1x!tpu.dma_semaphore, #tpu.memory_space<semaphore_mem>>
      %dma_start3A_1828 = tpu.memref_squeeze %dma_start3A_1827 : memref<1x!tpu.dma_semaphore, #tpu.memory_space<semaphore_mem>> -> memref<!tpu.dma_semaphore, #tpu.memory_space<semaphore_mem>>
      %dma_start3A_1829 = arith.constant 0 : i32
      %dma_start3A_1830 = arith.constant 0 : i32
      %dma_start3A_1831 = tpu.memref_slice %arg5[%dma_start3A_1817, %dma_start3A_1829, %dma_start3A_1830] : memref<6x2x128xi32, #tpu.memory_space<vmem>> -> memref<1x2x128xi32, #tpu.memory_space<vmem>>
      %dma_start3A_1832 = tpu.memref_squeeze %dma_start3A_1831 : memref<1x2x128xi32, #tpu.memory_space<vmem>> -> memref<2x128xi32, #tpu.memory_space<vmem>>
      %dma_start3A_1833 = arith.constant 0 : i32
      %dma_start3A_1834 = arith.constant 0 : i32
      %dma_start3A_1835 = tpu.memref_slice %arg2[%add3A_1816, %dma_start3A_1833, %dma_start3A_1834] : memref<6400x2x128xi32, #tpu.memory_space<hbm>> -> memref<1x2x128xi32, #tpu.memory_space<hbm>>
      %dma_start3A_1836 = tpu.memref_squeeze %dma_start3A_1835 : memref<1x2x128xi32, #tpu.memory_space<hbm>> -> memref<2x128xi32, #tpu.memory_space<hbm>>
      tpu.enqueue_dma source(%dma_start3A_1836 : memref<2x128xi32, #tpu.memory_space<hbm>>) target(%dma_start3A_1832 : memref<2x128xi32, #tpu.memory_space<vmem>>) target_semaphore(%dma_start3A_1828 : memref<!tpu.dma_semaphore, #tpu.memory_space<semaphore_mem>>)
      %ge3A_1837 = arith.constant 1 : i32
      %ge3A_1838 = arith.cmpi sge, %scan3A_1546, %ge3A_1837 : i32
      %convert_element_type3A_1839 = arith.extui %ge3A_1838 : i1 to i32
      %cond3A_1840 = arith.constant 0 : i32
      %cond3A_1841 = arith.cmpi ne, %convert_element_type3A_1839, %cond3A_1840 : i32
      scf.if %cond3A_1841 {
        %dma_wait3A_3618 = arith.constant 0 : i32
        %dma_wait3A_3619 = arith.constant 0 : i32
        %dma_wait3A_3620 = arith.constant 0 : i32
        %dma_wait3A_3621 = arith.constant 0 : i32
        %dma_wait3A_3622 = arith.constant 0 : i32
        %dma_wait3A_3623 = arith.constant 0 : i32
        %dma_wait3A_3624 = tpu.memref_slice %arg7[%dma_wait3A_3618, %dma_wait3A_3622, %dma_wait3A_3623] : memref<6x128x64xf32, #tpu.memory_space<vmem>> -> memref<1x128x64xf32, #tpu.memory_space<vmem>>
        %dma_wait3A_3625 = tpu.memref_squeeze %dma_wait3A_3624 : memref<1x128x64xf32, #tpu.memory_space<vmem>> -> memref<128x64xf32, #tpu.memory_space<vmem>>
        %dma_wait3A_3626 = arith.constant 0 : i32
        %dma_wait3A_3627 = arith.constant 0 : i32
        %dma_wait3A_3628 = tpu.memref_slice %arg4[%dma_wait3A_3626, %dma_wait3A_3619, %dma_wait3A_3627] : memref<819200x2x64xf32, #tpu.memory_space<hbm>> -> memref<128x1x64xf32, #tpu.memory_space<hbm>>
        %dma_wait3A_3629 = tpu.memref_squeeze %dma_wait3A_3628 : memref<128x1x64xf32, #tpu.memory_space<hbm>> -> memref<128x64xf32, #tpu.memory_space<hbm>>
        %dma_wait3A_3630 = tpu.memref_slice %arg11[%dma_wait3A_3620, %dma_wait3A_3621] : memref<6x2x!tpu.dma_semaphore, #tpu.memory_space<semaphore_mem>> -> memref<1x1x!tpu.dma_semaphore, #tpu.memory_space<semaphore_mem>>
        %dma_wait3A_3631 = tpu.memref_squeeze %dma_wait3A_3630 : memref<1x1x!tpu.dma_semaphore, #tpu.memory_space<semaphore_mem>> -> memref<!tpu.dma_semaphore, #tpu.memory_space<semaphore_mem>>
        %dma_wait3A_3632 = arith.constant 0 : i32
        %dma_wait3A_3633 = arith.constant 0 : i32
        %dma_wait3A_3634 = tpu.memref_slice %arg4[%dma_wait3A_3632, %dma_wait3A_3619, %dma_wait3A_3633] : memref<819200x2x64xf32, #tpu.memory_space<hbm>> -> memref<128x1x64xf32, #tpu.memory_space<hbm>>
        %dma_wait3A_3635 = tpu.memref_squeeze %dma_wait3A_3634 : memref<128x1x64xf32, #tpu.memory_space<hbm>> -> memref<128x64xf32, #tpu.memory_space<hbm>>
        %dma_wait3A_3636 = arith.constant 0 : i32
        %dma_wait3A_3637 = arith.constant 0 : i32
        %dma_wait3A_3638 = tpu.memref_slice %arg7[%dma_wait3A_3618, %dma_wait3A_3636, %dma_wait3A_3637] : memref<6x128x64xf32, #tpu.memory_space<vmem>> -> memref<1x128x64xf32, #tpu.memory_space<vmem>>
        %dma_wait3A_3639 = tpu.memref_squeeze %dma_wait3A_3638 : memref<1x128x64xf32, #tpu.memory_space<vmem>> -> memref<128x64xf32, #tpu.memory_space<vmem>>
        tpu.wait_dma2 semaphore(%dma_wait3A_3631 : memref<!tpu.dma_semaphore, #tpu.memory_space<semaphore_mem>>) src(%dma_wait3A_3639 : memref<128x64xf32, #tpu.memory_space<vmem>>) dst(%dma_wait3A_3635 : memref<128x64xf32, #tpu.memory_space<hbm>>)
        %dma_wait3A_3640 = arith.constant 0 : i32
        %dma_wait3A_3641 = arith.constant 1 : i32
        %dma_wait3A_3642 = arith.constant 0 : i32
        %dma_wait3A_3643 = arith.constant 1 : i32
        %dma_wait3A_3644 = arith.constant 0 : i32
        %dma_wait3A_3645 = arith.constant 0 : i32
        %dma_wait3A_3646 = tpu.memref_slice %arg8[%dma_wait3A_3640, %dma_wait3A_3644, %dma_wait3A_3645] : memref<6x128x64xf32, #tpu.memory_space<vmem>> -> memref<1x128x64xf32, #tpu.memory_space<vmem>>
        %dma_wait3A_3647 = tpu.memref_squeeze %dma_wait3A_3646 : memref<1x128x64xf32, #tpu.memory_space<vmem>> -> memref<128x64xf32, #tpu.memory_space<vmem>>
        %dma_wait3A_3648 = arith.constant 0 : i32
        %dma_wait3A_3649 = arith.constant 0 : i32
        %dma_wait3A_3650 = tpu.memref_slice %arg4[%dma_wait3A_3648, %dma_wait3A_3641, %dma_wait3A_3649] : memref<819200x2x64xf32, #tpu.memory_space<hbm>> -> memref<128x1x64xf32, #tpu.memory_space<hbm>>
        %dma_wait3A_3651 = tpu.memref_squeeze %dma_wait3A_3650 : memref<128x1x64xf32, #tpu.memory_space<hbm>> -> memref<128x64xf32, #tpu.memory_space<hbm>>
        %dma_wait3A_3652 = tpu.memref_slice %arg11[%dma_wait3A_3642, %dma_wait3A_3643] : memref<6x2x!tpu.dma_semaphore, #tpu.memory_space<semaphore_mem>> -> memref<1x1x!tpu.dma_semaphore, #tpu.memory_space<semaphore_mem>>
        %dma_wait3A_3653 = tpu.memref_squeeze %dma_wait3A_3652 : memref<1x1x!tpu.dma_semaphore, #tpu.memory_space<semaphore_mem>> -> memref<!tpu.dma_semaphore, #tpu.memory_space<semaphore_mem>>
        %dma_wait3A_3654 = arith.constant 0 : i32
        %dma_wait3A_3655 = arith.constant 0 : i32
        %dma_wait3A_3656 = tpu.memref_slice %arg4[%dma_wait3A_3654, %dma_wait3A_3641, %dma_wait3A_3655] : memref<819200x2x64xf32, #tpu.memory_space<hbm>> -> memref<128x1x64xf32, #tpu.memory_space<hbm>>
        %dma_wait3A_3657 = tpu.memref_squeeze %dma_wait3A_3656 : memref<128x1x64xf32, #tpu.memory_space<hbm>> -> memref<128x64xf32, #tpu.memory_space<hbm>>
        %dma_wait3A_3658 = arith.constant 0 : i32
        %dma_wait3A_3659 = arith.constant 0 : i32
        %dma_wait3A_3660 = tpu.memref_slice %arg8[%dma_wait3A_3640, %dma_wait3A_3658, %dma_wait3A_3659] : memref<6x128x64xf32, #tpu.memory_space<vmem>> -> memref<1x128x64xf32, #tpu.memory_space<vmem>>
        %dma_wait3A_3661 = tpu.memref_squeeze %dma_wait3A_3660 : memref<1x128x64xf32, #tpu.memory_space<vmem>> -> memref<128x64xf32, #tpu.memory_space<vmem>>
        tpu.wait_dma2 semaphore(%dma_wait3A_3653 : memref<!tpu.dma_semaphore, #tpu.memory_space<semaphore_mem>>) src(%dma_wait3A_3661 : memref<128x64xf32, #tpu.memory_space<vmem>>) dst(%dma_wait3A_3657 : memref<128x64xf32, #tpu.memory_space<hbm>>)
      } else {
      }
      %dma_start3A_1842 = arith.constant 0 : i32
      %dma_start3A_1843 = arith.constant 0 : i32
      %dma_start3A_1844 = arith.constant 0 : i32
      %dma_start3A_1845 = arith.constant 0 : i32
      %dma_start3A_1846 = arith.constant 0 : i32
      %dma_start3A_1847 = arith.constant 0 : i32
      %dma_start3A_1848 = tpu.memref_slice %arg7[%dma_start3A_1844, %dma_start3A_1846, %dma_start3A_1847] : memref<6x128x64xf32, #tpu.memory_space<vmem>> -> memref<1x128x64xf32, #tpu.memory_space<vmem>>
      %dma_start3A_1849 = tpu.memref_squeeze %dma_start3A_1848 : memref<1x128x64xf32, #tpu.memory_space<vmem>> -> memref<128x64xf32, #tpu.memory_space<vmem>>
      %dma_start3A_1850 = arith.constant 0 : i32
      %dma_start3A_1851 = arith.constant 0 : i32
      %dma_start3A_1852 = tpu.memref_slice %arg5[%dma_start3A_1842, %dma_start3A_1850, %dma_start3A_1851] : memref<6x2x128xi32, #tpu.memory_space<vmem>> -> memref<1x2x128xi32, #tpu.memory_space<vmem>>
      %dma_start3A_1853 = tpu.memref_squeeze %dma_start3A_1852 : memref<1x2x128xi32, #tpu.memory_space<vmem>> -> memref<2x128xi32, #tpu.memory_space<vmem>>
      %dma_start3A_1854 = arith.constant 0 : i32
      %dma_start3A_1855 = tpu.memref_slice %dma_start3A_1853[%dma_start3A_1843, %dma_start3A_1854] : memref<2x128xi32, #tpu.memory_space<vmem>> -> memref<1x128xi32, #tpu.memory_space<vmem>>
      %dma_start3A_1856 = tpu.memref_squeeze %dma_start3A_1855 : memref<1x128xi32, #tpu.memory_space<vmem>> -> memref<128xi32, #tpu.memory_space<vmem>>
      %dma_start3A_1857 = arith.constant 0 : i32
      %dma_start3A_1858 = arith.constant 0 : i32
      %dma_start3A_1859 = tpu.memref_slice %arg3[%dma_start3A_1857, %dma_start3A_1858] : memref<100001x64xf32, #tpu.memory_space<hbm>> -> memref<100001x64xf32, #tpu.memory_space<hbm>>
      %dma_start3A_1860 = tpu.memref_slice %arg10[%dma_start3A_1845] : memref<6x!tpu.dma_semaphore, #tpu.memory_space<semaphore_mem>> -> memref<1x!tpu.dma_semaphore, #tpu.memory_space<semaphore_mem>>
      %dma_start3A_1861 = tpu.memref_squeeze %dma_start3A_1860 : memref<1x!tpu.dma_semaphore, #tpu.memory_space<semaphore_mem>> -> memref<!tpu.dma_semaphore, #tpu.memory_space<semaphore_mem>>
      tpu.enqueue_indirect_dma source(%dma_start3A_1859 : memref<100001x64xf32, #tpu.memory_space<hbm>>) target(%dma_start3A_1849 : memref<128x64xf32, #tpu.memory_space<vmem>>) offsets(%dma_start3A_1856 : memref<128xi32, #tpu.memory_space<vmem>>) semaphore(%dma_start3A_1861 : memref<!tpu.dma_semaphore, #tpu.memory_space<semaphore_mem>>)
      %dma_start3A_1862 = arith.constant 0 : i32
      %dma_start3A_1863 = arith.constant 0 : i32
      %dma_start3A_1864 = arith.constant 0 : i32
      %dma_start3A_1865 = arith.constant 0 : i32
      %dma_start3A_1866 = arith.constant 0 : i32
      %dma_start3A_1867 = tpu.memref_slice %arg8[%dma_start3A_1863, %dma_start3A_1865, %dma_start3A_1866] : memref<6x128x64xf32, #tpu.memory_space<vmem>> -> memref<1x128x64xf32, #tpu.memory_space<vmem>>
      %dma_start3A_1868 = tpu.memref_squeeze %dma_start3A_1867 : memref<1x128x64xf32, #tpu.memory_space<vmem>> -> memref<128x64xf32, #tpu.memory_space<vmem>>
      %dma_start3A_1869 = arith.constant 0 : i32
      %dma_start3A_1870 = tpu.memref_slice %arg6[%dma_start3A_1862, %dma_start3A_1869] : memref<6x128xi32, #tpu.memory_space<vmem>> -> memref<1x128xi32, #tpu.memory_space<vmem>>
      %dma_start3A_1871 = tpu.memref_squeeze %dma_start3A_1870 : memref<1x128xi32, #tpu.memory_space<vmem>> -> memref<128xi32, #tpu.memory_space<vmem>>
      %dma_start3A_1872 = arith.constant 0 : i32
      %dma_start3A_1873 = arith.constant 0 : i32
      %dma_start3A_1874 = tpu.memref_slice %arg3[%dma_start3A_1872, %dma_start3A_1873] : memref<100001x64xf32, #tpu.memory_space<hbm>> -> memref<100001x64xf32, #tpu.memory_space<hbm>>
      %dma_start3A_1875 = tpu.memref_slice %arg10[%dma_start3A_1864] : memref<6x!tpu.dma_semaphore, #tpu.memory_space<semaphore_mem>> -> memref<1x!tpu.dma_semaphore, #tpu.memory_space<semaphore_mem>>
      %dma_start3A_1876 = tpu.memref_squeeze %dma_start3A_1875 : memref<1x!tpu.dma_semaphore, #tpu.memory_space<semaphore_mem>> -> memref<!tpu.dma_semaphore, #tpu.memory_space<semaphore_mem>>
      tpu.enqueue_indirect_dma source(%dma_start3A_1874 : memref<100001x64xf32, #tpu.memory_space<hbm>>) target(%dma_start3A_1868 : memref<128x64xf32, #tpu.memory_space<vmem>>) offsets(%dma_start3A_1871 : memref<128xi32, #tpu.memory_space<vmem>>) semaphore(%dma_start3A_1876 : memref<!tpu.dma_semaphore, #tpu.memory_space<semaphore_mem>>)
      %mul3A_1877 = arith.constant 6 : i32
      %mul3A_1878 = arith.muli %scan3A_1546, %mul3A_1877 : i32
      %add3A_1879 = arith.constant 1 : i32
      %add3A_1880 = arith.addi %mul3A_1878, %add3A_1879 : i32
      %dma_wait3A_1881 = arith.constant 0 : i32
      %dma_wait3A_1882 = arith.constant 1 : i32
      %dma_wait3A_1883 = arith.constant 1 : i32
      %dma_wait3A_1884 = arith.constant 0 : i32
      %dma_wait3A_1885 = arith.constant 0 : i32
      %dma_wait3A_1886 = tpu.memref_slice %arg5[%dma_wait3A_1882, %dma_wait3A_1884, %dma_wait3A_1885] : memref<6x2x128xi32, #tpu.memory_space<vmem>> -> memref<1x2x128xi32, #tpu.memory_space<vmem>>
      %dma_wait3A_1887 = tpu.memref_squeeze %dma_wait3A_1886 : memref<1x2x128xi32, #tpu.memory_space<vmem>> -> memref<2x128xi32, #tpu.memory_space<vmem>>
      %dma_wait3A_1888 = arith.constant 0 : i32
      %dma_wait3A_1889 = arith.constant 0 : i32
      %dma_wait3A_1890 = tpu.memref_slice %arg2[%dma_wait3A_1881, %dma_wait3A_1888, %dma_wait3A_1889] : memref<6400x2x128xi32, #tpu.memory_space<hbm>> -> memref<1x2x128xi32, #tpu.memory_space<hbm>>
      %dma_wait3A_1891 = tpu.memref_squeeze %dma_wait3A_1890 : memref<1x2x128xi32, #tpu.memory_space<hbm>> -> memref<2x128xi32, #tpu.memory_space<hbm>>
      %dma_wait3A_1892 = tpu.memref_slice %arg9[%dma_wait3A_1883] : memref<6x!tpu.dma_semaphore, #tpu.memory_space<semaphore_mem>> -> memref<1x!tpu.dma_semaphore, #tpu.memory_space<semaphore_mem>>
      %dma_wait3A_1893 = tpu.memref_squeeze %dma_wait3A_1892 : memref<1x!tpu.dma_semaphore, #tpu.memory_space<semaphore_mem>> -> memref<!tpu.dma_semaphore, #tpu.memory_space<semaphore_mem>>
      %dma_wait3A_1894 = arith.constant 0 : i32
      %dma_wait3A_1895 = arith.constant 0 : i32
      %dma_wait3A_1896 = tpu.memref_slice %arg5[%dma_wait3A_1882, %dma_wait3A_1894, %dma_wait3A_1895] : memref<6x2x128xi32, #tpu.memory_space<vmem>> -> memref<1x2x128xi32, #tpu.memory_space<vmem>>
      %dma_wait3A_1897 = tpu.memref_squeeze %dma_wait3A_1896 : memref<1x2x128xi32, #tpu.memory_space<vmem>> -> memref<2x128xi32, #tpu.memory_space<vmem>>
      %dma_wait3A_1898 = arith.constant 0 : i32
      %dma_wait3A_1899 = arith.constant 0 : i32
      %dma_wait3A_1900 = tpu.memref_slice %arg2[%dma_wait3A_1881, %dma_wait3A_1898, %dma_wait3A_1899] : memref<6400x2x128xi32, #tpu.memory_space<hbm>> -> memref<1x2x128xi32, #tpu.memory_space<hbm>>
      %dma_wait3A_1901 = tpu.memref_squeeze %dma_wait3A_1900 : memref<1x2x128xi32, #tpu.memory_space<hbm>> -> memref<2x128xi32, #tpu.memory_space<hbm>>
      tpu.wait_dma2 semaphore(%dma_wait3A_1893 : memref<!tpu.dma_semaphore, #tpu.memory_space<semaphore_mem>>) src(%dma_wait3A_1901 : memref<2x128xi32, #tpu.memory_space<hbm>>) dst(%dma_wait3A_1897 : memref<2x128xi32, #tpu.memory_space<vmem>>)
      %get3A_1902 = arith.constant 1 : i32
      %get3A_1903 = arith.constant 0 : i32
      %get3A_1904 = arith.index_cast %get3A_1902 : i32 to index
      %get3A_1905 = arith.index_cast %get3A_1903 : i32 to index
      %get3A_1906 = arith.constant 0 : index
      %get3A_1907 = tpu.vector_load %arg5[%get3A_1904, %get3A_1905, %get3A_1906] {strides = array<i32>} : memref<6x2x128xi32, #tpu.memory_space<vmem>>, vector<1x1x16xi32>,
      %get3A_1908 = vector.shape_cast %get3A_1907 : vector<1x1x16xi32> to vector<16xi32>
      %get3A_1909 = arith.constant 1 : i32
      %get3A_1910 = arith.constant 1 : i32
      %get3A_1911 = arith.index_cast %get3A_1909 : i32 to index
      %get3A_1912 = arith.index_cast %get3A_1910 : i32 to index
      %get3A_1913 = arith.constant 0 : index
      %get3A_1914 = tpu.vector_load %arg5[%get3A_1911, %get3A_1912, %get3A_1913] {strides = array<i32>} : memref<6x2x128xi32, #tpu.memory_space<vmem>>, vector<1x1x16xi32>,
      %get3A_1915 = vector.shape_cast %get3A_1914 : vector<1x1x16xi32> to vector<16xi32>
      %eq3A_1916 = arith.constant 0 : i32
      %eq3A_1917 = vector.broadcast %eq3A_1916 : i32 to vector<16xi32>
      %eq3A_1918 = arith.cmpi eq, %get3A_1908, %eq3A_1917 : vector<16xi32>
      %sub3A_1919 = arith.subi %get3A_1915, %get3A_1908 : vector<16xi32>
      %add3A_1920 = arith.constant 1 : i32
      %add3A_1921 = vector.broadcast %add3A_1920 : i32 to vector<16xi32>
      %add3A_1922 = arith.addi %sub3A_1919, %add3A_1921 : vector<16xi32>
      %jit3A_1923 = arith.constant 0 : i32
      %broadcast_in_dim3A_1924 = vector.broadcast %jit3A_1923 : i32 to vector<16xi32>
      %select_n3A_1925 = arith.select %eq3A_1918, %broadcast_in_dim3A_1924, %add3A_1922 : vector<16xi1>, vector<16xi32>
      %swap3A_1926 = arith.constant 1 : i32
      %swap3A_1927 = arith.index_cast %swap3A_1926 : i32 to index
      %swap3A_1928 = arith.constant 0 : index
      %swap3A_1929 = tpu.vector_load %arg6[%swap3A_1927, %swap3A_1928] {strides = array<i32>} : memref<6x128xi32, #tpu.memory_space<vmem>>, vector<1x16xi32>,
      %swap3A_1930 = vector.shape_cast %swap3A_1929 : vector<1x16xi32> to vector<16xi32>
      %swap3A_1931 = vector.shape_cast %select_n3A_1925 : vector<16xi32> to vector<1x16xi32>
      tpu.vector_store %arg6[%swap3A_1927, %swap3A_1928], %swap3A_1931 {strides = array<i32>} : memref<6x128xi32, #tpu.memory_space<vmem>>, vector<1x16xi32>,
      %get3A_1932 = arith.constant 1 : i32
      %get3A_1933 = arith.constant 0 : i32
      %get3A_1934 = arith.index_cast %get3A_1932 : i32 to index
      %get3A_1935 = arith.index_cast %get3A_1933 : i32 to index
      %get3A_1936 = arith.constant 16 : index
      %get3A_1937 = tpu.vector_load %arg5[%get3A_1934, %get3A_1935, %get3A_1936] {strides = array<i32>} : memref<6x2x128xi32, #tpu.memory_space<vmem>>, vector<1x1x16xi32>,
      %get3A_1938 = vector.shape_cast %get3A_1937 : vector<1x1x16xi32> to vector<16xi32>
      %get3A_1939 = arith.constant 1 : i32
      %get3A_1940 = arith.constant 1 : i32
      %get3A_1941 = arith.index_cast %get3A_1939 : i32 to index
      %get3A_1942 = arith.index_cast %get3A_1940 : i32 to index
      %get3A_1943 = arith.constant 16 : index
      %get3A_1944 = tpu.vector_load %arg5[%get3A_1941, %get3A_1942, %get3A_1943] {strides = array<i32>} : memref<6x2x128xi32, #tpu.memory_space<vmem>>, vector<1x1x16xi32>,
      %get3A_1945 = vector.shape_cast %get3A_1944 : vector<1x1x16xi32> to vector<16xi32>
      %eq3A_1946 = arith.constant 0 : i32
      %eq3A_1947 = vector.broadcast %eq3A_1946 : i32 to vector<16xi32>
      %eq3A_1948 = arith.cmpi eq, %get3A_1938, %eq3A_1947 : vector<16xi32>
      %sub3A_1949 = arith.subi %get3A_1945, %get3A_1938 : vector<16xi32>
      %add3A_1950 = arith.constant 1 : i32
      %add3A_1951 = vector.broadcast %add3A_1950 : i32 to vector<16xi32>
      %add3A_1952 = arith.addi %sub3A_1949, %add3A_1951 : vector<16xi32>
      %jit3A_1953 = arith.constant 0 : i32
      %broadcast_in_dim3A_1954 = vector.broadcast %jit3A_1953 : i32 to vector<16xi32>
      %select_n3A_1955 = arith.select %eq3A_1948, %broadcast_in_dim3A_1954, %add3A_1952 : vector<16xi1>, vector<16xi32>
      %swap3A_1956 = arith.constant 1 : i32
      %swap3A_1957 = arith.index_cast %swap3A_1956 : i32 to index
      %swap3A_1958 = arith.constant 16 : index
      %swap3A_1959 = tpu.vector_load %arg6[%swap3A_1957, %swap3A_1958] {strides = array<i32>} : memref<6x128xi32, #tpu.memory_space<vmem>>, vector<1x16xi32>,
      %swap3A_1960 = vector.shape_cast %swap3A_1959 : vector<1x16xi32> to vector<16xi32>
      %swap3A_1961 = vector.shape_cast %select_n3A_1955 : vector<16xi32> to vector<1x16xi32>
      tpu.vector_store %arg6[%swap3A_1957, %swap3A_1958], %swap3A_1961 {strides = array<i32>} : memref<6x128xi32, #tpu.memory_space<vmem>>, vector<1x16xi32>,
      %get3A_1962 = arith.constant 1 : i32
      %get3A_1963 = arith.constant 0 : i32
      %get3A_1964 = arith.index_cast %get3A_1962 : i32 to index
      %get3A_1965 = arith.index_cast %get3A_1963 : i32 to index
      %get3A_1966 = arith.constant 32 : index
      %get3A_1967 = tpu.vector_load %arg5[%get3A_1964, %get3A_1965, %get3A_1966] {strides = array<i32>} : memref<6x2x128xi32, #tpu.memory_space<vmem>>, vector<1x1x16xi32>,
      %get3A_1968 = vector.shape_cast %get3A_1967 : vector<1x1x16xi32> to vector<16xi32>
      %get3A_1969 = arith.constant 1 : i32
      %get3A_1970 = arith.constant 1 : i32
      %get3A_1971 = arith.index_cast %get3A_1969 : i32 to index
      %get3A_1972 = arith.index_cast %get3A_1970 : i32 to index
      %get3A_1973 = arith.constant 32 : index
      %get3A_1974 = tpu.vector_load %arg5[%get3A_1971, %get3A_1972, %get3A_1973] {strides = array<i32>} : memref<6x2x128xi32, #tpu.memory_space<vmem>>, vector<1x1x16xi32>,
      %get3A_1975 = vector.shape_cast %get3A_1974 : vector<1x1x16xi32> to vector<16xi32>
      %eq3A_1976 = arith.constant 0 : i32
      %eq3A_1977 = vector.broadcast %eq3A_1976 : i32 to vector<16xi32>
      %eq3A_1978 = arith.cmpi eq, %get3A_1968, %eq3A_1977 : vector<16xi32>
      %sub3A_1979 = arith.subi %get3A_1975, %get3A_1968 : vector<16xi32>
      %add3A_1980 = arith.constant 1 : i32
      %add3A_1981 = vector.broadcast %add3A_1980 : i32 to vector<16xi32>
      %add3A_1982 = arith.addi %sub3A_1979, %add3A_1981 : vector<16xi32>
      %jit3A_1983 = arith.constant 0 : i32
      %broadcast_in_dim3A_1984 = vector.broadcast %jit3A_1983 : i32 to vector<16xi32>
      %select_n3A_1985 = arith.select %eq3A_1978, %broadcast_in_dim3A_1984, %add3A_1982 : vector<16xi1>, vector<16xi32>
      %swap3A_1986 = arith.constant 1 : i32
      %swap3A_1987 = arith.index_cast %swap3A_1986 : i32 to index
      %swap3A_1988 = arith.constant 32 : index
      %swap3A_1989 = tpu.vector_load %arg6[%swap3A_1987, %swap3A_1988] {strides = array<i32>} : memref<6x128xi32, #tpu.memory_space<vmem>>, vector<1x16xi32>,
      %swap3A_1990 = vector.shape_cast %swap3A_1989 : vector<1x16xi32> to vector<16xi32>
      %swap3A_1991 = vector.shape_cast %select_n3A_1985 : vector<16xi32> to vector<1x16xi32>
      tpu.vector_store %arg6[%swap3A_1987, %swap3A_1988], %swap3A_1991 {strides = array<i32>} : memref<6x128xi32, #tpu.memory_space<vmem>>, vector<1x16xi32>,
      %get3A_1992 = arith.constant 1 : i32
      %get3A_1993 = arith.constant 0 : i32
      %get3A_1994 = arith.index_cast %get3A_1992 : i32 to index
      %get3A_1995 = arith.index_cast %get3A_1993 : i32 to index
      %get3A_1996 = arith.constant 48 : index
      %get3A_1997 = tpu.vector_load %arg5[%get3A_1994, %get3A_1995, %get3A_1996] {strides = array<i32>} : memref<6x2x128xi32, #tpu.memory_space<vmem>>, vector<1x1x16xi32>,
      %get3A_1998 = vector.shape_cast %get3A_1997 : vector<1x1x16xi32> to vector<16xi32>
      %get3A_1999 = arith.constant 1 : i32
      %get3A_2000 = arith.constant 1 : i32
      %get3A_2001 = arith.index_cast %get3A_1999 : i32 to index
      %get3A_2002 = arith.index_cast %get3A_2000 : i32 to index
      %get3A_2003 = arith.constant 48 : index
      %get3A_2004 = tpu.vector_load %arg5[%get3A_2001, %get3A_2002, %get3A_2003] {strides = array<i32>} : memref<6x2x128xi32, #tpu.memory_space<vmem>>, vector<1x1x16xi32>,
      %get3A_2005 = vector.shape_cast %get3A_2004 : vector<1x1x16xi32> to vector<16xi32>
      %eq3A_2006 = arith.constant 0 : i32
      %eq3A_2007 = vector.broadcast %eq3A_2006 : i32 to vector<16xi32>
      %eq3A_2008 = arith.cmpi eq, %get3A_1998, %eq3A_2007 : vector<16xi32>
      %sub3A_2009 = arith.subi %get3A_2005, %get3A_1998 : vector<16xi32>
      %add3A_2010 = arith.constant 1 : i32
      %add3A_2011 = vector.broadcast %add3A_2010 : i32 to vector<16xi32>
      %add3A_2012 = arith.addi %sub3A_2009, %add3A_2011 : vector<16xi32>
      %jit3A_2013 = arith.constant 0 : i32
      %broadcast_in_dim3A_2014 = vector.broadcast %jit3A_2013 : i32 to vector<16xi32>
      %select_n3A_2015 = arith.select %eq3A_2008, %broadcast_in_dim3A_2014, %add3A_2012 : vector<16xi1>, vector<16xi32>
      %swap3A_2016 = arith.constant 1 : i32
      %swap3A_2017 = arith.index_cast %swap3A_2016 : i32 to index
      %swap3A_2018 = arith.constant 48 : index
      %swap3A_2019 = tpu.vector_load %arg6[%swap3A_2017, %swap3A_2018] {strides = array<i32>} : memref<6x128xi32, #tpu.memory_space<vmem>>, vector<1x16xi32>,
      %swap3A_2020 = vector.shape_cast %swap3A_2019 : vector<1x16xi32> to vector<16xi32>
      %swap3A_2021 = vector.shape_cast %select_n3A_2015 : vector<16xi32> to vector<1x16xi32>
      tpu.vector_store %arg6[%swap3A_2017, %swap3A_2018], %swap3A_2021 {strides = array<i32>} : memref<6x128xi32, #tpu.memory_space<vmem>>, vector<1x16xi32>,
      %get3A_2022 = arith.constant 1 : i32
      %get3A_2023 = arith.constant 0 : i32
      %get3A_2024 = arith.index_cast %get3A_2022 : i32 to index
      %get3A_2025 = arith.index_cast %get3A_2023 : i32 to index
      %get3A_2026 = arith.constant 64 : index
      %get3A_2027 = tpu.vector_load %arg5[%get3A_2024, %get3A_2025, %get3A_2026] {strides = array<i32>} : memref<6x2x128xi32, #tpu.memory_space<vmem>>, vector<1x1x16xi32>,
      %get3A_2028 = vector.shape_cast %get3A_2027 : vector<1x1x16xi32> to vector<16xi32>
      %get3A_2029 = arith.constant 1 : i32
      %get3A_2030 = arith.constant 1 : i32
      %get3A_2031 = arith.index_cast %get3A_2029 : i32 to index
      %get3A_2032 = arith.index_cast %get3A_2030 : i32 to index
      %get3A_2033 = arith.constant 64 : index
      %get3A_2034 = tpu.vector_load %arg5[%get3A_2031, %get3A_2032, %get3A_2033] {strides = array<i32>} : memref<6x2x128xi32, #tpu.memory_space<vmem>>, vector<1x1x16xi32>,
      %get3A_2035 = vector.shape_cast %get3A_2034 : vector<1x1x16xi32> to vector<16xi32>
      %eq3A_2036 = arith.constant 0 : i32
      %eq3A_2037 = vector.broadcast %eq3A_2036 : i32 to vector<16xi32>
      %eq3A_2038 = arith.cmpi eq, %get3A_2028, %eq3A_2037 : vector<16xi32>
      %sub3A_2039 = arith.subi %get3A_2035, %get3A_2028 : vector<16xi32>
      %add3A_2040 = arith.constant 1 : i32
      %add3A_2041 = vector.broadcast %add3A_2040 : i32 to vector<16xi32>
      %add3A_2042 = arith.addi %sub3A_2039, %add3A_2041 : vector<16xi32>
      %jit3A_2043 = arith.constant 0 : i32
      %broadcast_in_dim3A_2044 = vector.broadcast %jit3A_2043 : i32 to vector<16xi32>
      %select_n3A_2045 = arith.select %eq3A_2038, %broadcast_in_dim3A_2044, %add3A_2042 : vector<16xi1>, vector<16xi32>
      %swap3A_2046 = arith.constant 1 : i32
      %swap3A_2047 = arith.index_cast %swap3A_2046 : i32 to index
      %swap3A_2048 = arith.constant 64 : index
      %swap3A_2049 = tpu.vector_load %arg6[%swap3A_2047, %swap3A_2048] {strides = array<i32>} : memref<6x128xi32, #tpu.memory_space<vmem>>, vector<1x16xi32>,
      %swap3A_2050 = vector.shape_cast %swap3A_2049 : vector<1x16xi32> to vector<16xi32>
      %swap3A_2051 = vector.shape_cast %select_n3A_2045 : vector<16xi32> to vector<1x16xi32>
      tpu.vector_store %arg6[%swap3A_2047, %swap3A_2048], %swap3A_2051 {strides = array<i32>} : memref<6x128xi32, #tpu.memory_space<vmem>>, vector<1x16xi32>,
      %get3A_2052 = arith.constant 1 : i32
      %get3A_2053 = arith.constant 0 : i32
      %get3A_2054 = arith.index_cast %get3A_2052 : i32 to index
      %get3A_2055 = arith.index_cast %get3A_2053 : i32 to index
      %get3A_2056 = arith.constant 80 : index
      %get3A_2057 = tpu.vector_load %arg5[%get3A_2054, %get3A_2055, %get3A_2056] {strides = array<i32>} : memref<6x2x128xi32, #tpu.memory_space<vmem>>, vector<1x1x16xi32>,
      %get3A_2058 = vector.shape_cast %get3A_2057 : vector<1x1x16xi32> to vector<16xi32>
      %get3A_2059 = arith.constant 1 : i32
      %get3A_2060 = arith.constant 1 : i32
      %get3A_2061 = arith.index_cast %get3A_2059 : i32 to index
      %get3A_2062 = arith.index_cast %get3A_2060 : i32 to index
      %get3A_2063 = arith.constant 80 : index
      %get3A_2064 = tpu.vector_load %arg5[%get3A_2061, %get3A_2062, %get3A_2063] {strides = array<i32>} : memref<6x2x128xi32, #tpu.memory_space<vmem>>, vector<1x1x16xi32>,
      %get3A_2065 = vector.shape_cast %get3A_2064 : vector<1x1x16xi32> to vector<16xi32>
      %eq3A_2066 = arith.constant 0 : i32
      %eq3A_2067 = vector.broadcast %eq3A_2066 : i32 to vector<16xi32>
      %eq3A_2068 = arith.cmpi eq, %get3A_2058, %eq3A_2067 : vector<16xi32>
      %sub3A_2069 = arith.subi %get3A_2065, %get3A_2058 : vector<16xi32>
      %add3A_2070 = arith.constant 1 : i32
      %add3A_2071 = vector.broadcast %add3A_2070 : i32 to vector<16xi32>
      %add3A_2072 = arith.addi %sub3A_2069, %add3A_2071 : vector<16xi32>
      %jit3A_2073 = arith.constant 0 : i32
      %broadcast_in_dim3A_2074 = vector.broadcast %jit3A_2073 : i32 to vector<16xi32>
      %select_n3A_2075 = arith.select %eq3A_2068, %broadcast_in_dim3A_2074, %add3A_2072 : vector<16xi1>, vector<16xi32>
      %swap3A_2076 = arith.constant 1 : i32
      %swap3A_2077 = arith.index_cast %swap3A_2076 : i32 to index
      %swap3A_2078 = arith.constant 80 : index
      %swap3A_2079 = tpu.vector_load %arg6[%swap3A_2077, %swap3A_2078] {strides = array<i32>} : memref<6x128xi32, #tpu.memory_space<vmem>>, vector<1x16xi32>,
      %swap3A_2080 = vector.shape_cast %swap3A_2079 : vector<1x16xi32> to vector<16xi32>
      %swap3A_2081 = vector.shape_cast %select_n3A_2075 : vector<16xi32> to vector<1x16xi32>
      tpu.vector_store %arg6[%swap3A_2077, %swap3A_2078], %swap3A_2081 {strides = array<i32>} : memref<6x128xi32, #tpu.memory_space<vmem>>, vector<1x16xi32>,
      %get3A_2082 = arith.constant 1 : i32
      %get3A_2083 = arith.constant 0 : i32
      %get3A_2084 = arith.index_cast %get3A_2082 : i32 to index
      %get3A_2085 = arith.index_cast %get3A_2083 : i32 to index
      %get3A_2086 = arith.constant 96 : index
      %get3A_2087 = tpu.vector_load %arg5[%get3A_2084, %get3A_2085, %get3A_2086] {strides = array<i32>} : memref<6x2x128xi32, #tpu.memory_space<vmem>>, vector<1x1x16xi32>,
      %get3A_2088 = vector.shape_cast %get3A_2087 : vector<1x1x16xi32> to vector<16xi32>
      %get3A_2089 = arith.constant 1 : i32
      %get3A_2090 = arith.constant 1 : i32
      %get3A_2091 = arith.index_cast %get3A_2089 : i32 to index
      %get3A_2092 = arith.index_cast %get3A_2090 : i32 to index
      %get3A_2093 = arith.constant 96 : index
      %get3A_2094 = tpu.vector_load %arg5[%get3A_2091, %get3A_2092, %get3A_2093] {strides = array<i32>} : memref<6x2x128xi32, #tpu.memory_space<vmem>>, vector<1x1x16xi32>,
      %get3A_2095 = vector.shape_cast %get3A_2094 : vector<1x1x16xi32> to vector<16xi32>
      %eq3A_2096 = arith.constant 0 : i32
      %eq3A_2097 = vector.broadcast %eq3A_2096 : i32 to vector<16xi32>
      %eq3A_2098 = arith.cmpi eq, %get3A_2088, %eq3A_2097 : vector<16xi32>
      %sub3A_2099 = arith.subi %get3A_2095, %get3A_2088 : vector<16xi32>
      %add3A_2100 = arith.constant 1 : i32
      %add3A_2101 = vector.broadcast %add3A_2100 : i32 to vector<16xi32>
      %add3A_2102 = arith.addi %sub3A_2099, %add3A_2101 : vector<16xi32>
      %jit3A_2103 = arith.constant 0 : i32
      %broadcast_in_dim3A_2104 = vector.broadcast %jit3A_2103 : i32 to vector<16xi32>
      %select_n3A_2105 = arith.select %eq3A_2098, %broadcast_in_dim3A_2104, %add3A_2102 : vector<16xi1>, vector<16xi32>
      %swap3A_2106 = arith.constant 1 : i32
      %swap3A_2107 = arith.index_cast %swap3A_2106 : i32 to index
      %swap3A_2108 = arith.constant 96 : index
      %swap3A_2109 = tpu.vector_load %arg6[%swap3A_2107, %swap3A_2108] {strides = array<i32>} : memref<6x128xi32, #tpu.memory_space<vmem>>, vector<1x16xi32>,
      %swap3A_2110 = vector.shape_cast %swap3A_2109 : vector<1x16xi32> to vector<16xi32>
      %swap3A_2111 = vector.shape_cast %select_n3A_2105 : vector<16xi32> to vector<1x16xi32>
      tpu.vector_store %arg6[%swap3A_2107, %swap3A_2108], %swap3A_2111 {strides = array<i32>} : memref<6x128xi32, #tpu.memory_space<vmem>>, vector<1x16xi32>,
      %get3A_2112 = arith.constant 1 : i32
      %get3A_2113 = arith.constant 0 : i32
      %get3A_2114 = arith.index_cast %get3A_2112 : i32 to index
      %get3A_2115 = arith.index_cast %get3A_2113 : i32 to index
      %get3A_2116 = arith.constant 112 : index
      %get3A_2117 = tpu.vector_load %arg5[%get3A_2114, %get3A_2115, %get3A_2116] {strides = array<i32>} : memref<6x2x128xi32, #tpu.memory_space<vmem>>, vector<1x1x16xi32>,
      %get3A_2118 = vector.shape_cast %get3A_2117 : vector<1x1x16xi32> to vector<16xi32>
      %get3A_2119 = arith.constant 1 : i32
      %get3A_2120 = arith.constant 1 : i32
      %get3A_2121 = arith.index_cast %get3A_2119 : i32 to index
      %get3A_2122 = arith.index_cast %get3A_2120 : i32 to index
      %get3A_2123 = arith.constant 112 : index
      %get3A_2124 = tpu.vector_load %arg5[%get3A_2121, %get3A_2122, %get3A_2123] {strides = array<i32>} : memref<6x2x128xi32, #tpu.memory_space<vmem>>, vector<1x1x16xi32>,
      %get3A_2125 = vector.shape_cast %get3A_2124 : vector<1x1x16xi32> to vector<16xi32>
      %eq3A_2126 = arith.constant 0 : i32
      %eq3A_2127 = vector.broadcast %eq3A_2126 : i32 to vector<16xi32>
      %eq3A_2128 = arith.cmpi eq, %get3A_2118, %eq3A_2127 : vector<16xi32>
      %sub3A_2129 = arith.subi %get3A_2125, %get3A_2118 : vector<16xi32>
      %add3A_2130 = arith.constant 1 : i32
      %add3A_2131 = vector.broadcast %add3A_2130 : i32 to vector<16xi32>
      %add3A_2132 = arith.addi %sub3A_2129, %add3A_2131 : vector<16xi32>
      %jit3A_2133 = arith.constant 0 : i32
      %broadcast_in_dim3A_2134 = vector.broadcast %jit3A_2133 : i32 to vector<16xi32>
      %select_n3A_2135 = arith.select %eq3A_2128, %broadcast_in_dim3A_2134, %add3A_2132 : vector<16xi1>, vector<16xi32>
      %swap3A_2136 = arith.constant 1 : i32
      %swap3A_2137 = arith.index_cast %swap3A_2136 : i32 to index
      %swap3A_2138 = arith.constant 112 : index
      %swap3A_2139 = tpu.vector_load %arg6[%swap3A_2137, %swap3A_2138] {strides = array<i32>} : memref<6x128xi32, #tpu.memory_space<vmem>>, vector<1x16xi32>,
      %swap3A_2140 = vector.shape_cast %swap3A_2139 : vector<1x16xi32> to vector<16xi32>
      %swap3A_2141 = vector.shape_cast %select_n3A_2135 : vector<16xi32> to vector<1x16xi32>
      tpu.vector_store %arg6[%swap3A_2137, %swap3A_2138], %swap3A_2141 {strides = array<i32>} : memref<6x128xi32, #tpu.memory_space<vmem>>, vector<1x16xi32>,
      %ge3A_2142 = arith.constant 1 : i32
      %ge3A_2143 = arith.cmpi sge, %scan3A_1546, %ge3A_2142 : i32
      %convert_element_type3A_2144 = arith.extui %ge3A_2143 : i1 to i32
      %cond3A_2145 = arith.constant 0 : i32
      %cond3A_2146 = arith.cmpi ne, %convert_element_type3A_2144, %cond3A_2145 : i32
      scf.if %cond3A_2146 {
        %dma_wait3A_3618 = arith.constant 2 : i32
        %dma_wait3A_3619 = arith.constant 2 : i32
        %dma_wait3A_3620 = arith.constant 0 : i32
        %dma_wait3A_3621 = arith.constant 0 : i32
        %dma_wait3A_3622 = tpu.memref_slice %arg7[%dma_wait3A_3618, %dma_wait3A_3620, %dma_wait3A_3621] : memref<6x128x64xf32, #tpu.memory_space<vmem>> -> memref<1x128x64xf32, #tpu.memory_space<vmem>>
        %dma_wait3A_3623 = tpu.memref_squeeze %dma_wait3A_3622 : memref<1x128x64xf32, #tpu.memory_space<vmem>> -> memref<128x64xf32, #tpu.memory_space<vmem>>
        %dma_wait3A_3624 = arith.constant 0 : i32
        %dma_wait3A_3625 = arith.constant 0 : i32
        %dma_wait3A_3626 = tpu.memref_slice %arg3[%dma_wait3A_3624, %dma_wait3A_3625] : memref<100001x64xf32, #tpu.memory_space<hbm>> -> memref<128x64xf32, #tpu.memory_space<hbm>>
        %dma_wait3A_3627 = tpu.memref_slice %arg10[%dma_wait3A_3619] : memref<6x!tpu.dma_semaphore, #tpu.memory_space<semaphore_mem>> -> memref<1x!tpu.dma_semaphore, #tpu.memory_space<semaphore_mem>>
        %dma_wait3A_3628 = tpu.memref_squeeze %dma_wait3A_3627 : memref<1x!tpu.dma_semaphore, #tpu.memory_space<semaphore_mem>> -> memref<!tpu.dma_semaphore, #tpu.memory_space<semaphore_mem>>
        %dma_wait3A_3629 = arith.constant 0 : i32
        %dma_wait3A_3630 = arith.constant 0 : i32
        %dma_wait3A_3631 = tpu.memref_slice %arg7[%dma_wait3A_3618, %dma_wait3A_3629, %dma_wait3A_3630] : memref<6x128x64xf32, #tpu.memory_space<vmem>> -> memref<1x128x64xf32, #tpu.memory_space<vmem>>
        %dma_wait3A_3632 = tpu.memref_squeeze %dma_wait3A_3631 : memref<1x128x64xf32, #tpu.memory_space<vmem>> -> memref<128x64xf32, #tpu.memory_space<vmem>>
        %dma_wait3A_3633 = arith.constant 0 : i32
        %dma_wait3A_3634 = arith.constant 0 : i32
        %dma_wait3A_3635 = tpu.memref_slice %arg3[%dma_wait3A_3633, %dma_wait3A_3634] : memref<100001x64xf32, #tpu.memory_space<hbm>> -> memref<128x64xf32, #tpu.memory_space<hbm>>
        tpu.wait_dma2 semaphore(%dma_wait3A_3628 : memref<!tpu.dma_semaphore, #tpu.memory_space<semaphore_mem>>) src(%dma_wait3A_3635 : memref<128x64xf32, #tpu.memory_space<hbm>>) dst(%dma_wait3A_3632 : memref<128x64xf32, #tpu.memory_space<vmem>>)
        %dma_wait3A_3636 = arith.constant 2 : i32
        %dma_wait3A_3637 = arith.constant 2 : i32
        %dma_wait3A_3638 = arith.constant 0 : i32
        %dma_wait3A_3639 = arith.constant 0 : i32
        %dma_wait3A_3640 = tpu.memref_slice %arg8[%dma_wait3A_3636, %dma_wait3A_3638, %dma_wait3A_3639] : memref<6x128x64xf32, #tpu.memory_space<vmem>> -> memref<1x128x64xf32, #tpu.memory_space<vmem>>
        %dma_wait3A_3641 = tpu.memref_squeeze %dma_wait3A_3640 : memref<1x128x64xf32, #tpu.memory_space<vmem>> -> memref<128x64xf32, #tpu.memory_space<vmem>>
        %dma_wait3A_3642 = arith.constant 0 : i32
        %dma_wait3A_3643 = arith.constant 0 : i32
        %dma_wait3A_3644 = tpu.memref_slice %arg3[%dma_wait3A_3642, %dma_wait3A_3643] : memref<100001x64xf32, #tpu.memory_space<hbm>> -> memref<128x64xf32, #tpu.memory_space<hbm>>
        %dma_wait3A_3645 = tpu.memref_slice %arg10[%dma_wait3A_3637] : memref<6x!tpu.dma_semaphore, #tpu.memory_space<semaphore_mem>> -> memref<1x!tpu.dma_semaphore, #tpu.memory_space<semaphore_mem>>
        %dma_wait3A_3646 = tpu.memref_squeeze %dma_wait3A_3645 : memref<1x!tpu.dma_semaphore, #tpu.memory_space<semaphore_mem>> -> memref<!tpu.dma_semaphore, #tpu.memory_space<semaphore_mem>>
        %dma_wait3A_3647 = arith.constant 0 : i32
        %dma_wait3A_3648 = arith.constant 0 : i32
        %dma_wait3A_3649 = tpu.memref_slice %arg8[%dma_wait3A_3636, %dma_wait3A_3647, %dma_wait3A_3648] : memref<6x128x64xf32, #tpu.memory_space<vmem>> -> memref<1x128x64xf32, #tpu.memory_space<vmem>>
        %dma_wait3A_3650 = tpu.memref_squeeze %dma_wait3A_3649 : memref<1x128x64xf32, #tpu.memory_space<vmem>> -> memref<128x64xf32, #tpu.memory_space<vmem>>
        %dma_wait3A_3651 = arith.constant 0 : i32
        %dma_wait3A_3652 = arith.constant 0 : i32
        %dma_wait3A_3653 = tpu.memref_slice %arg3[%dma_wait3A_3651, %dma_wait3A_3652] : memref<100001x64xf32, #tpu.memory_space<hbm>> -> memref<128x64xf32, #tpu.memory_space<hbm>>
        tpu.wait_dma2 semaphore(%dma_wait3A_3646 : memref<!tpu.dma_semaphore, #tpu.memory_space<semaphore_mem>>) src(%dma_wait3A_3653 : memref<128x64xf32, #tpu.memory_space<hbm>>) dst(%dma_wait3A_3650 : memref<128x64xf32, #tpu.memory_space<vmem>>)
        %sub3A_3654 = arith.constant 5 : i32
        %sub3A_3655 = arith.subi %add3A_1880, %sub3A_3654 : i32
        %add3A_3656 = arith.addi %mul3A_2, %sub3A_3655 : i32
        %mul3A_3657 = arith.constant 128 : i32
        %mul3A_3658 = arith.muli %add3A_3656, %mul3A_3657 : i32
        %dma_start3A_3659 = arith.constant 2 : i32
        %dma_start3A_3660 = arith.constant 0 : i32
        %dma_start3A_3661 = arith.constant 2 : i32
        %dma_start3A_3662 = arith.constant 0 : i32
        %dma_start3A_3663 = arith.constant 0 : i32
        %dma_start3A_3664 = arith.constant 0 : i32
        %dma_start3A_3665 = tpu.memref_slice %arg7[%dma_start3A_3659, %dma_start3A_3663, %dma_start3A_3664] : memref<6x128x64xf32, #tpu.memory_space<vmem>> -> memref<1x128x64xf32, #tpu.memory_space<vmem>>
        %dma_start3A_3666 = tpu.memref_squeeze %dma_start3A_3665 : memref<1x128x64xf32, #tpu.memory_space<vmem>> -> memref<128x64xf32, #tpu.memory_space<vmem>>
        %dma_start3A_3667 = arith.constant 0 : i32
        %dma_start3A_3668 = tpu.memref_slice %arg4[%mul3A_3658, %dma_start3A_3660, %dma_start3A_3667] : memref<819200x2x64xf32, #tpu.memory_space<hbm>> -> memref<128x1x64xf32, #tpu.memory_space<hbm>>
        %dma_start3A_3669 = tpu.memref_squeeze %dma_start3A_3668 : memref<128x1x64xf32, #tpu.memory_space<hbm>> -> memref<128x64xf32, #tpu.memory_space<hbm>>
        %dma_start3A_3670 = tpu.memref_slice %arg11[%dma_start3A_3661, %dma_start3A_3662] : memref<6x2x!tpu.dma_semaphore, #tpu.memory_space<semaphore_mem>> -> memref<1x1x!tpu.dma_semaphore, #tpu.memory_space<semaphore_mem>>
        %dma_start3A_3671 = tpu.memref_squeeze %dma_start3A_3670 : memref<1x1x!tpu.dma_semaphore, #tpu.memory_space<semaphore_mem>> -> memref<!tpu.dma_semaphore, #tpu.memory_space<semaphore_mem>>
        %dma_start3A_3672 = arith.constant 0 : i32
        %dma_start3A_3673 = tpu.memref_slice %arg4[%mul3A_3658, %dma_start3A_3660, %dma_start3A_3672] : memref<819200x2x64xf32, #tpu.memory_space<hbm>> -> memref<128x1x64xf32, #tpu.memory_space<hbm>>
        %dma_start3A_3674 = tpu.memref_squeeze %dma_start3A_3673 : memref<128x1x64xf32, #tpu.memory_space<hbm>> -> memref<128x64xf32, #tpu.memory_space<hbm>>
        %dma_start3A_3675 = arith.constant 0 : i32
        %dma_start3A_3676 = arith.constant 0 : i32
        %dma_start3A_3677 = tpu.memref_slice %arg7[%dma_start3A_3659, %dma_start3A_3675, %dma_start3A_3676] : memref<6x128x64xf32, #tpu.memory_space<vmem>> -> memref<1x128x64xf32, #tpu.memory_space<vmem>>
        %dma_start3A_3678 = tpu.memref_squeeze %dma_start3A_3677 : memref<1x128x64xf32, #tpu.memory_space<vmem>> -> memref<128x64xf32, #tpu.memory_space<vmem>>
        tpu.enqueue_dma source(%dma_start3A_3678 : memref<128x64xf32, #tpu.memory_space<vmem>>) target(%dma_start3A_3674 : memref<128x64xf32, #tpu.memory_space<hbm>>) target_semaphore(%dma_start3A_3671 : memref<!tpu.dma_semaphore, #tpu.memory_space<semaphore_mem>>)
        %dma_start3A_3679 = arith.constant 2 : i32
        %dma_start3A_3680 = arith.constant 1 : i32
        %dma_start3A_3681 = arith.constant 2 : i32
        %dma_start3A_3682 = arith.constant 1 : i32
        %dma_start3A_3683 = arith.constant 0 : i32
        %dma_start3A_3684 = arith.constant 0 : i32
        %dma_start3A_3685 = tpu.memref_slice %arg8[%dma_start3A_3679, %dma_start3A_3683, %dma_start3A_3684] : memref<6x128x64xf32, #tpu.memory_space<vmem>> -> memref<1x128x64xf32, #tpu.memory_space<vmem>>
        %dma_start3A_3686 = tpu.memref_squeeze %dma_start3A_3685 : memref<1x128x64xf32, #tpu.memory_space<vmem>> -> memref<128x64xf32, #tpu.memory_space<vmem>>
        %dma_start3A_3687 = arith.constant 0 : i32
        %dma_start3A_3688 = tpu.memref_slice %arg4[%mul3A_3658, %dma_start3A_3680, %dma_start3A_3687] : memref<819200x2x64xf32, #tpu.memory_space<hbm>> -> memref<128x1x64xf32, #tpu.memory_space<hbm>>
        %dma_start3A_3689 = tpu.memref_squeeze %dma_start3A_3688 : memref<128x1x64xf32, #tpu.memory_space<hbm>> -> memref<128x64xf32, #tpu.memory_space<hbm>>
        %dma_start3A_3690 = tpu.memref_slice %arg11[%dma_start3A_3681, %dma_start3A_3682] : memref<6x2x!tpu.dma_semaphore, #tpu.memory_space<semaphore_mem>> -> memref<1x1x!tpu.dma_semaphore, #tpu.memory_space<semaphore_mem>>
        %dma_start3A_3691 = tpu.memref_squeeze %dma_start3A_3690 : memref<1x1x!tpu.dma_semaphore, #tpu.memory_space<semaphore_mem>> -> memref<!tpu.dma_semaphore, #tpu.memory_space<semaphore_mem>>
        %dma_start3A_3692 = arith.constant 0 : i32
        %dma_start3A_3693 = tpu.memref_slice %arg4[%mul3A_3658, %dma_start3A_3680, %dma_start3A_3692] : memref<819200x2x64xf32, #tpu.memory_space<hbm>> -> memref<128x1x64xf32, #tpu.memory_space<hbm>>
        %dma_start3A_3694 = tpu.memref_squeeze %dma_start3A_3693 : memref<128x1x64xf32, #tpu.memory_space<hbm>> -> memref<128x64xf32, #tpu.memory_space<hbm>>
        %dma_start3A_3695 = arith.constant 0 : i32
        %dma_start3A_3696 = arith.constant 0 : i32
        %dma_start3A_3697 = tpu.memref_slice %arg8[%dma_start3A_3679, %dma_start3A_3695, %dma_start3A_3696] : memref<6x128x64xf32, #tpu.memory_space<vmem>> -> memref<1x128x64xf32, #tpu.memory_space<vmem>>
        %dma_start3A_3698 = tpu.memref_squeeze %dma_start3A_3697 : memref<1x128x64xf32, #tpu.memory_space<vmem>> -> memref<128x64xf32, #tpu.memory_space<vmem>>
        tpu.enqueue_dma source(%dma_start3A_3698 : memref<128x64xf32, #tpu.memory_space<vmem>>) target(%dma_start3A_3694 : memref<128x64xf32, #tpu.memory_space<hbm>>) target_semaphore(%dma_start3A_3691 : memref<!tpu.dma_semaphore, #tpu.memory_space<semaphore_mem>>)
      } else {
      }
      %add3A_2147 = arith.constant 1 : i32
      %add3A_2148 = arith.addi %add3A_1880, %add3A_2147 : i32
      %add3A_2149 = arith.addi %mul3A_2, %add3A_2148 : i32
      %dma_start3A_2150 = arith.constant 2 : i32
      %dma_start3A_2151 = arith.constant 2 : i32
      %dma_start3A_2152 = arith.constant 0 : i32
      %dma_start3A_2153 = arith.constant 0 : i32
      %dma_start3A_2154 = tpu.memref_slice %arg5[%dma_start3A_2150, %dma_start3A_2152, %dma_start3A_2153] : memref<6x2x128xi32, #tpu.memory_space<vmem>> -> memref<1x2x128xi32, #tpu.memory_space<vmem>>
      %dma_start3A_2155 = tpu.memref_squeeze %dma_start3A_2154 : memref<1x2x128xi32, #tpu.memory_space<vmem>> -> memref<2x128xi32, #tpu.memory_space<vmem>>
      %dma_start3A_2156 = arith.constant 0 : i32
      %dma_start3A_2157 = arith.constant 0 : i32
      %dma_start3A_2158 = tpu.memref_slice %arg2[%add3A_2149, %dma_start3A_2156, %dma_start3A_2157] : memref<6400x2x128xi32, #tpu.memory_space<hbm>> -> memref<1x2x128xi32, #tpu.memory_space<hbm>>
      %dma_start3A_2159 = tpu.memref_squeeze %dma_start3A_2158 : memref<1x2x128xi32, #tpu.memory_space<hbm>> -> memref<2x128xi32, #tpu.memory_space<hbm>>
      %dma_start3A_2160 = tpu.memref_slice %arg9[%dma_start3A_2151] : memref<6x!tpu.dma_semaphore, #tpu.memory_space<semaphore_mem>> -> memref<1x!tpu.dma_semaphore, #tpu.memory_space<semaphore_mem>>
      %dma_start3A_2161 = tpu.memref_squeeze %dma_start3A_2160 : memref<1x!tpu.dma_semaphore, #tpu.memory_space<semaphore_mem>> -> memref<!tpu.dma_semaphore, #tpu.memory_space<semaphore_mem>>
      %dma_start3A_2162 = arith.constant 0 : i32
      %dma_start3A_2163 = arith.constant 0 : i32
      %dma_start3A_2164 = tpu.memref_slice %arg5[%dma_start3A_2150, %dma_start3A_2162, %dma_start3A_2163] : memref<6x2x128xi32, #tpu.memory_space<vmem>> -> memref<1x2x128xi32, #tpu.memory_space<vmem>>
      %dma_start3A_2165 = tpu.memref_squeeze %dma_start3A_2164 : memref<1x2x128xi32, #tpu.memory_space<vmem>> -> memref<2x128xi32, #tpu.memory_space<vmem>>
      %dma_start3A_2166 = arith.constant 0 : i32
      %dma_start3A_2167 = arith.constant 0 : i32
      %dma_start3A_2168 = tpu.memref_slice %arg2[%add3A_2149, %dma_start3A_2166, %dma_start3A_2167] : memref<6400x2x128xi32, #tpu.memory_space<hbm>> -> memref<1x2x128xi32, #tpu.memory_space<hbm>>
      %dma_start3A_2169 = tpu.memref_squeeze %dma_start3A_2168 : memref<1x2x128xi32, #tpu.memory_space<hbm>> -> memref<2x128xi32, #tpu.memory_space<hbm>>
      tpu.enqueue_dma source(%dma_start3A_2169 : memref<2x128xi32, #tpu.memory_space<hbm>>) target(%dma_start3A_2165 : memref<2x128xi32, #tpu.memory_space<vmem>>) target_semaphore(%dma_start3A_2161 : memref<!tpu.dma_semaphore, #tpu.memory_space<semaphore_mem>>)
      %ge3A_2170 = arith.constant 1 : i32
      %ge3A_2171 = arith.cmpi sge, %scan3A_1546, %ge3A_2170 : i32
      %convert_element_type3A_2172 = arith.extui %ge3A_2171 : i1 to i32
      %cond3A_2173 = arith.constant 0 : i32
      %cond3A_2174 = arith.cmpi ne, %convert_element_type3A_2172, %cond3A_2173 : i32
      scf.if %cond3A_2174 {
        %dma_wait3A_3618 = arith.constant 1 : i32
        %dma_wait3A_3619 = arith.constant 0 : i32
        %dma_wait3A_3620 = arith.constant 1 : i32
        %dma_wait3A_3621 = arith.constant 0 : i32
        %dma_wait3A_3622 = arith.constant 0 : i32
        %dma_wait3A_3623 = arith.constant 0 : i32
        %dma_wait3A_3624 = tpu.memref_slice %arg7[%dma_wait3A_3618, %dma_wait3A_3622, %dma_wait3A_3623] : memref<6x128x64xf32, #tpu.memory_space<vmem>> -> memref<1x128x64xf32, #tpu.memory_space<vmem>>
        %dma_wait3A_3625 = tpu.memref_squeeze %dma_wait3A_3624 : memref<1x128x64xf32, #tpu.memory_space<vmem>> -> memref<128x64xf32, #tpu.memory_space<vmem>>
        %dma_wait3A_3626 = arith.constant 0 : i32
        %dma_wait3A_3627 = arith.constant 0 : i32
        %dma_wait3A_3628 = tpu.memref_slice %arg4[%dma_wait3A_3626, %dma_wait3A_3619, %dma_wait3A_3627] : memref<819200x2x64xf32, #tpu.memory_space<hbm>> -> memref<128x1x64xf32, #tpu.memory_space<hbm>>
        %dma_wait3A_3629 = tpu.memref_squeeze %dma_wait3A_3628 : memref<128x1x64xf32, #tpu.memory_space<hbm>> -> memref<128x64xf32, #tpu.memory_space<hbm>>
        %dma_wait3A_3630 = tpu.memref_slice %arg11[%dma_wait3A_3620, %dma_wait3A_3621] : memref<6x2x!tpu.dma_semaphore, #tpu.memory_space<semaphore_mem>> -> memref<1x1x!tpu.dma_semaphore, #tpu.memory_space<semaphore_mem>>
        %dma_wait3A_3631 = tpu.memref_squeeze %dma_wait3A_3630 : memref<1x1x!tpu.dma_semaphore, #tpu.memory_space<semaphore_mem>> -> memref<!tpu.dma_semaphore, #tpu.memory_space<semaphore_mem>>
        %dma_wait3A_3632 = arith.constant 0 : i32
        %dma_wait3A_3633 = arith.constant 0 : i32
        %dma_wait3A_3634 = tpu.memref_slice %arg4[%dma_wait3A_3632, %dma_wait3A_3619, %dma_wait3A_3633] : memref<819200x2x64xf32, #tpu.memory_space<hbm>> -> memref<128x1x64xf32, #tpu.memory_space<hbm>>
        %dma_wait3A_3635 = tpu.memref_squeeze %dma_wait3A_3634 : memref<128x1x64xf32, #tpu.memory_space<hbm>> -> memref<128x64xf32, #tpu.memory_space<hbm>>
        %dma_wait3A_3636 = arith.constant 0 : i32
        %dma_wait3A_3637 = arith.constant 0 : i32
        %dma_wait3A_3638 = tpu.memref_slice %arg7[%dma_wait3A_3618, %dma_wait3A_3636, %dma_wait3A_3637] : memref<6x128x64xf32, #tpu.memory_space<vmem>> -> memref<1x128x64xf32, #tpu.memory_space<vmem>>
        %dma_wait3A_3639 = tpu.memref_squeeze %dma_wait3A_3638 : memref<1x128x64xf32, #tpu.memory_space<vmem>> -> memref<128x64xf32, #tpu.memory_space<vmem>>
        tpu.wait_dma2 semaphore(%dma_wait3A_3631 : memref<!tpu.dma_semaphore, #tpu.memory_space<semaphore_mem>>) src(%dma_wait3A_3639 : memref<128x64xf32, #tpu.memory_space<vmem>>) dst(%dma_wait3A_3635 : memref<128x64xf32, #tpu.memory_space<hbm>>)
        %dma_wait3A_3640 = arith.constant 1 : i32
        %dma_wait3A_3641 = arith.constant 1 : i32
        %dma_wait3A_3642 = arith.constant 1 : i32
        %dma_wait3A_3643 = arith.constant 1 : i32
        %dma_wait3A_3644 = arith.constant 0 : i32
        %dma_wait3A_3645 = arith.constant 0 : i32
        %dma_wait3A_3646 = tpu.memref_slice %arg8[%dma_wait3A_3640, %dma_wait3A_3644, %dma_wait3A_3645] : memref<6x128x64xf32, #tpu.memory_space<vmem>> -> memref<1x128x64xf32, #tpu.memory_space<vmem>>
        %dma_wait3A_3647 = tpu.memref_squeeze %dma_wait3A_3646 : memref<1x128x64xf32, #tpu.memory_space<vmem>> -> memref<128x64xf32, #tpu.memory_space<vmem>>
        %dma_wait3A_3648 = arith.constant 0 : i32
        %dma_wait3A_3649 = arith.constant 0 : i32
        %dma_wait3A_3650 = tpu.memref_slice %arg4[%dma_wait3A_3648, %dma_wait3A_3641, %dma_wait3A_3649] : memref<819200x2x64xf32, #tpu.memory_space<hbm>> -> memref<128x1x64xf32, #tpu.memory_space<hbm>>
        %dma_wait3A_3651 = tpu.memref_squeeze %dma_wait3A_3650 : memref<128x1x64xf32, #tpu.memory_space<hbm>> -> memref<128x64xf32, #tpu.memory_space<hbm>>
        %dma_wait3A_3652 = tpu.memref_slice %arg11[%dma_wait3A_3642, %dma_wait3A_3643] : memref<6x2x!tpu.dma_semaphore, #tpu.memory_space<semaphore_mem>> -> memref<1x1x!tpu.dma_semaphore, #tpu.memory_space<semaphore_mem>>
        %dma_wait3A_3653 = tpu.memref_squeeze %dma_wait3A_3652 : memref<1x1x!tpu.dma_semaphore, #tpu.memory_space<semaphore_mem>> -> memref<!tpu.dma_semaphore, #tpu.memory_space<semaphore_mem>>
        %dma_wait3A_3654 = arith.constant 0 : i32
        %dma_wait3A_3655 = arith.constant 0 : i32
        %dma_wait3A_3656 = tpu.memref_slice %arg4[%dma_wait3A_3654, %dma_wait3A_3641, %dma_wait3A_3655] : memref<819200x2x64xf32, #tpu.memory_space<hbm>> -> memref<128x1x64xf32, #tpu.memory_space<hbm>>
        %dma_wait3A_3657 = tpu.memref_squeeze %dma_wait3A_3656 : memref<128x1x64xf32, #tpu.memory_space<hbm>> -> memref<128x64xf32, #tpu.memory_space<hbm>>
        %dma_wait3A_3658 = arith.constant 0 : i32
        %dma_wait3A_3659 = arith.constant 0 : i32
        %dma_wait3A_3660 = tpu.memref_slice %arg8[%dma_wait3A_3640, %dma_wait3A_3658, %dma_wait3A_3659] : memref<6x128x64xf32, #tpu.memory_space<vmem>> -> memref<1x128x64xf32, #tpu.memory_space<vmem>>
        %dma_wait3A_3661 = tpu.memref_squeeze %dma_wait3A_3660 : memref<1x128x64xf32, #tpu.memory_space<vmem>> -> memref<128x64xf32, #tpu.memory_space<vmem>>
        tpu.wait_dma2 semaphore(%dma_wait3A_3653 : memref<!tpu.dma_semaphore, #tpu.memory_space<semaphore_mem>>) src(%dma_wait3A_3661 : memref<128x64xf32, #tpu.memory_space<vmem>>) dst(%dma_wait3A_3657 : memref<128x64xf32, #tpu.memory_space<hbm>>)
      } else {
      }
      %dma_start3A_2175 = arith.constant 1 : i32
      %dma_start3A_2176 = arith.constant 0 : i32
      %dma_start3A_2177 = arith.constant 1 : i32
      %dma_start3A_2178 = arith.constant 1 : i32
      %dma_start3A_2179 = arith.constant 0 : i32
      %dma_start3A_2180 = arith.constant 0 : i32
      %dma_start3A_2181 = tpu.memref_slice %arg7[%dma_start3A_2177, %dma_start3A_2179, %dma_start3A_2180] : memref<6x128x64xf32, #tpu.memory_space<vmem>> -> memref<1x128x64xf32, #tpu.memory_space<vmem>>
      %dma_start3A_2182 = tpu.memref_squeeze %dma_start3A_2181 : memref<1x128x64xf32, #tpu.memory_space<vmem>> -> memref<128x64xf32, #tpu.memory_space<vmem>>
      %dma_start3A_2183 = arith.constant 0 : i32
      %dma_start3A_2184 = arith.constant 0 : i32
      %dma_start3A_2185 = tpu.memref_slice %arg5[%dma_start3A_2175, %dma_start3A_2183, %dma_start3A_2184] : memref<6x2x128xi32, #tpu.memory_space<vmem>> -> memref<1x2x128xi32, #tpu.memory_space<vmem>>
      %dma_start3A_2186 = tpu.memref_squeeze %dma_start3A_2185 : memref<1x2x128xi32, #tpu.memory_space<vmem>> -> memref<2x128xi32, #tpu.memory_space<vmem>>
      %dma_start3A_2187 = arith.constant 0 : i32
      %dma_start3A_2188 = tpu.memref_slice %dma_start3A_2186[%dma_start3A_2176, %dma_start3A_2187] : memref<2x128xi32, #tpu.memory_space<vmem>> -> memref<1x128xi32, #tpu.memory_space<vmem>>
      %dma_start3A_2189 = tpu.memref_squeeze %dma_start3A_2188 : memref<1x128xi32, #tpu.memory_space<vmem>> -> memref<128xi32, #tpu.memory_space<vmem>>
      %dma_start3A_2190 = arith.constant 0 : i32
      %dma_start3A_2191 = arith.constant 0 : i32
      %dma_start3A_2192 = tpu.memref_slice %arg3[%dma_start3A_2190, %dma_start3A_2191] : memref<100001x64xf32, #tpu.memory_space<hbm>> -> memref<100001x64xf32, #tpu.memory_space<hbm>>
      %dma_start3A_2193 = tpu.memref_slice %arg10[%dma_start3A_2178] : memref<6x!tpu.dma_semaphore, #tpu.memory_space<semaphore_mem>> -> memref<1x!tpu.dma_semaphore, #tpu.memory_space<semaphore_mem>>
      %dma_start3A_2194 = tpu.memref_squeeze %dma_start3A_2193 : memref<1x!tpu.dma_semaphore, #tpu.memory_space<semaphore_mem>> -> memref<!tpu.dma_semaphore, #tpu.memory_space<semaphore_mem>>
      tpu.enqueue_indirect_dma source(%dma_start3A_2192 : memref<100001x64xf32, #tpu.memory_space<hbm>>) target(%dma_start3A_2182 : memref<128x64xf32, #tpu.memory_space<vmem>>) offsets(%dma_start3A_2189 : memref<128xi32, #tpu.memory_space<vmem>>) semaphore(%dma_start3A_2194 : memref<!tpu.dma_semaphore, #tpu.memory_space<semaphore_mem>>)
      %dma_start3A_2195 = arith.constant 1 : i32
      %dma_start3A_2196 = arith.constant 1 : i32
      %dma_start3A_2197 = arith.constant 1 : i32
      %dma_start3A_2198 = arith.constant 0 : i32
      %dma_start3A_2199 = arith.constant 0 : i32
      %dma_start3A_2200 = tpu.memref_slice %arg8[%dma_start3A_2196, %dma_start3A_2198, %dma_start3A_2199] : memref<6x128x64xf32, #tpu.memory_space<vmem>> -> memref<1x128x64xf32, #tpu.memory_space<vmem>>
      %dma_start3A_2201 = tpu.memref_squeeze %dma_start3A_2200 : memref<1x128x64xf32, #tpu.memory_space<vmem>> -> memref<128x64xf32, #tpu.memory_space<vmem>>
      %dma_start3A_2202 = arith.constant 0 : i32
      %dma_start3A_2203 = tpu.memref_slice %arg6[%dma_start3A_2195, %dma_start3A_2202] : memref<6x128xi32, #tpu.memory_space<vmem>> -> memref<1x128xi32, #tpu.memory_space<vmem>>
      %dma_start3A_2204 = tpu.memref_squeeze %dma_start3A_2203 : memref<1x128xi32, #tpu.memory_space<vmem>> -> memref<128xi32, #tpu.memory_space<vmem>>
      %dma_start3A_2205 = arith.constant 0 : i32
      %dma_start3A_2206 = arith.constant 0 : i32
      %dma_start3A_2207 = tpu.memref_slice %arg3[%dma_start3A_2205, %dma_start3A_2206] : memref<100001x64xf32, #tpu.memory_space<hbm>> -> memref<100001x64xf32, #tpu.memory_space<hbm>>
      %dma_start3A_2208 = tpu.memref_slice %arg10[%dma_start3A_2197] : memref<6x!tpu.dma_semaphore, #tpu.memory_space<semaphore_mem>> -> memref<1x!tpu.dma_semaphore, #tpu.memory_space<semaphore_mem>>
      %dma_start3A_2209 = tpu.memref_squeeze %dma_start3A_2208 : memref<1x!tpu.dma_semaphore, #tpu.memory_space<semaphore_mem>> -> memref<!tpu.dma_semaphore, #tpu.memory_space<semaphore_mem>>
      tpu.enqueue_indirect_dma source(%dma_start3A_2207 : memref<100001x64xf32, #tpu.memory_space<hbm>>) target(%dma_start3A_2201 : memref<128x64xf32, #tpu.memory_space<vmem>>) offsets(%dma_start3A_2204 : memref<128xi32, #tpu.memory_space<vmem>>) semaphore(%dma_start3A_2209 : memref<!tpu.dma_semaphore, #tpu.memory_space<semaphore_mem>>)
      %mul3A_2210 = arith.constant 6 : i32
      %mul3A_2211 = arith.muli %scan3A_1546, %mul3A_2210 : i32
      %add3A_2212 = arith.constant 2 : i32
      %add3A_2213 = arith.addi %mul3A_2211, %add3A_2212 : i32
      %dma_wait3A_2214 = arith.constant 0 : i32
      %dma_wait3A_2215 = arith.constant 2 : i32
      %dma_wait3A_2216 = arith.constant 2 : i32
      %dma_wait3A_2217 = arith.constant 0 : i32
      %dma_wait3A_2218 = arith.constant 0 : i32
      %dma_wait3A_2219 = tpu.memref_slice %arg5[%dma_wait3A_2215, %dma_wait3A_2217, %dma_wait3A_2218] : memref<6x2x128xi32, #tpu.memory_space<vmem>> -> memref<1x2x128xi32, #tpu.memory_space<vmem>>
      %dma_wait3A_2220 = tpu.memref_squeeze %dma_wait3A_2219 : memref<1x2x128xi32, #tpu.memory_space<vmem>> -> memref<2x128xi32, #tpu.memory_space<vmem>>
      %dma_wait3A_2221 = arith.constant 0 : i32
      %dma_wait3A_2222 = arith.constant 0 : i32
      %dma_wait3A_2223 = tpu.memref_slice %arg2[%dma_wait3A_2214, %dma_wait3A_2221, %dma_wait3A_2222] : memref<6400x2x128xi32, #tpu.memory_space<hbm>> -> memref<1x2x128xi32, #tpu.memory_space<hbm>>
      %dma_wait3A_2224 = tpu.memref_squeeze %dma_wait3A_2223 : memref<1x2x128xi32, #tpu.memory_space<hbm>> -> memref<2x128xi32, #tpu.memory_space<hbm>>
      %dma_wait3A_2225 = tpu.memref_slice %arg9[%dma_wait3A_2216] : memref<6x!tpu.dma_semaphore, #tpu.memory_space<semaphore_mem>> -> memref<1x!tpu.dma_semaphore, #tpu.memory_space<semaphore_mem>>
      %dma_wait3A_2226 = tpu.memref_squeeze %dma_wait3A_2225 : memref<1x!tpu.dma_semaphore, #tpu.memory_space<semaphore_mem>> -> memref<!tpu.dma_semaphore, #tpu.memory_space<semaphore_mem>>
      %dma_wait3A_2227 = arith.constant 0 : i32
      %dma_wait3A_2228 = arith.constant 0 : i32
      %dma_wait3A_2229 = tpu.memref_slice %arg5[%dma_wait3A_2215, %dma_wait3A_2227, %dma_wait3A_2228] : memref<6x2x128xi32, #tpu.memory_space<vmem>> -> memref<1x2x128xi32, #tpu.memory_space<vmem>>
      %dma_wait3A_2230 = tpu.memref_squeeze %dma_wait3A_2229 : memref<1x2x128xi32, #tpu.memory_space<vmem>> -> memref<2x128xi32, #tpu.memory_space<vmem>>
      %dma_wait3A_2231 = arith.constant 0 : i32
      %dma_wait3A_2232 = arith.constant 0 : i32
      %dma_wait3A_2233 = tpu.memref_slice %arg2[%dma_wait3A_2214, %dma_wait3A_2231, %dma_wait3A_2232] : memref<6400x2x128xi32, #tpu.memory_space<hbm>> -> memref<1x2x128xi32, #tpu.memory_space<hbm>>
      %dma_wait3A_2234 = tpu.memref_squeeze %dma_wait3A_2233 : memref<1x2x128xi32, #tpu.memory_space<hbm>> -> memref<2x128xi32, #tpu.memory_space<hbm>>
      tpu.wait_dma2 semaphore(%dma_wait3A_2226 : memref<!tpu.dma_semaphore, #tpu.memory_space<semaphore_mem>>) src(%dma_wait3A_2234 : memref<2x128xi32, #tpu.memory_space<hbm>>) dst(%dma_wait3A_2230 : memref<2x128xi32, #tpu.memory_space<vmem>>)
      %get3A_2235 = arith.constant 2 : i32
      %get3A_2236 = arith.constant 0 : i32
      %get3A_2237 = arith.index_cast %get3A_2235 : i32 to index
      %get3A_2238 = arith.index_cast %get3A_2236 : i32 to index
      %get3A_2239 = arith.constant 0 : index
      %get3A_2240 = tpu.vector_load %arg5[%get3A_2237, %get3A_2238, %get3A_2239] {strides = array<i32>} : memref<6x2x128xi32, #tpu.memory_space<vmem>>, vector<1x1x16xi32>,
      %get3A_2241 = vector.shape_cast %get3A_2240 : vector<1x1x16xi32> to vector<16xi32>
      %get3A_2242 = arith.constant 2 : i32
      %get3A_2243 = arith.constant 1 : i32
      %get3A_2244 = arith.index_cast %get3A_2242 : i32 to index
      %get3A_2245 = arith.index_cast %get3A_2243 : i32 to index
      %get3A_2246 = arith.constant 0 : index
      %get3A_2247 = tpu.vector_load %arg5[%get3A_2244, %get3A_2245, %get3A_2246] {strides = array<i32>} : memref<6x2x128xi32, #tpu.memory_space<vmem>>, vector<1x1x16xi32>,
      %get3A_2248 = vector.shape_cast %get3A_2247 : vector<1x1x16xi32> to vector<16xi32>
      %eq3A_2249 = arith.constant 0 : i32
      %eq3A_2250 = vector.broadcast %eq3A_2249 : i32 to vector<16xi32>
      %eq3A_2251 = arith.cmpi eq, %get3A_2241, %eq3A_2250 : vector<16xi32>
      %sub3A_2252 = arith.subi %get3A_2248, %get3A_2241 : vector<16xi32>
      %add3A_2253 = arith.constant 1 : i32
      %add3A_2254 = vector.broadcast %add3A_2253 : i32 to vector<16xi32>
      %add3A_2255 = arith.addi %sub3A_2252, %add3A_2254 : vector<16xi32>
      %jit3A_2256 = arith.constant 0 : i32
      %broadcast_in_dim3A_2257 = vector.broadcast %jit3A_2256 : i32 to vector<16xi32>
      %select_n3A_2258 = arith.select %eq3A_2251, %broadcast_in_dim3A_2257, %add3A_2255 : vector<16xi1>, vector<16xi32>
      %swap3A_2259 = arith.constant 2 : i32
      %swap3A_2260 = arith.index_cast %swap3A_2259 : i32 to index
      %swap3A_2261 = arith.constant 0 : index
      %swap3A_2262 = tpu.vector_load %arg6[%swap3A_2260, %swap3A_2261] {strides = array<i32>} : memref<6x128xi32, #tpu.memory_space<vmem>>, vector<1x16xi32>,
      %swap3A_2263 = vector.shape_cast %swap3A_2262 : vector<1x16xi32> to vector<16xi32>
      %swap3A_2264 = vector.shape_cast %select_n3A_2258 : vector<16xi32> to vector<1x16xi32>
      tpu.vector_store %arg6[%swap3A_2260, %swap3A_2261], %swap3A_2264 {strides = array<i32>} : memref<6x128xi32, #tpu.memory_space<vmem>>, vector<1x16xi32>,
      %get3A_2265 = arith.constant 2 : i32
      %get3A_2266 = arith.constant 0 : i32
      %get3A_2267 = arith.index_cast %get3A_2265 : i32 to index
      %get3A_2268 = arith.index_cast %get3A_2266 : i32 to index
      %get3A_2269 = arith.constant 16 : index
      %get3A_2270 = tpu.vector_load %arg5[%get3A_2267, %get3A_2268, %get3A_2269] {strides = array<i32>} : memref<6x2x128xi32, #tpu.memory_space<vmem>>, vector<1x1x16xi32>,
      %get3A_2271 = vector.shape_cast %get3A_2270 : vector<1x1x16xi32> to vector<16xi32>
      %get3A_2272 = arith.constant 2 : i32
      %get3A_2273 = arith.constant 1 : i32
      %get3A_2274 = arith.index_cast %get3A_2272 : i32 to index
      %get3A_2275 = arith.index_cast %get3A_2273 : i32 to index
      %get3A_2276 = arith.constant 16 : index
      %get3A_2277 = tpu.vector_load %arg5[%get3A_2274, %get3A_2275, %get3A_2276] {strides = array<i32>} : memref<6x2x128xi32, #tpu.memory_space<vmem>>, vector<1x1x16xi32>,
      %get3A_2278 = vector.shape_cast %get3A_2277 : vector<1x1x16xi32> to vector<16xi32>
      %eq3A_2279 = arith.constant 0 : i32
      %eq3A_2280 = vector.broadcast %eq3A_2279 : i32 to vector<16xi32>
      %eq3A_2281 = arith.cmpi eq, %get3A_2271, %eq3A_2280 : vector<16xi32>
      %sub3A_2282 = arith.subi %get3A_2278, %get3A_2271 : vector<16xi32>
      %add3A_2283 = arith.constant 1 : i32
      %add3A_2284 = vector.broadcast %add3A_2283 : i32 to vector<16xi32>
      %add3A_2285 = arith.addi %sub3A_2282, %add3A_2284 : vector<16xi32>
      %jit3A_2286 = arith.constant 0 : i32
      %broadcast_in_dim3A_2287 = vector.broadcast %jit3A_2286 : i32 to vector<16xi32>
      %select_n3A_2288 = arith.select %eq3A_2281, %broadcast_in_dim3A_2287, %add3A_2285 : vector<16xi1>, vector<16xi32>
      %swap3A_2289 = arith.constant 2 : i32
      %swap3A_2290 = arith.index_cast %swap3A_2289 : i32 to index
      %swap3A_2291 = arith.constant 16 : index
      %swap3A_2292 = tpu.vector_load %arg6[%swap3A_2290, %swap3A_2291] {strides = array<i32>} : memref<6x128xi32, #tpu.memory_space<vmem>>, vector<1x16xi32>,
      %swap3A_2293 = vector.shape_cast %swap3A_2292 : vector<1x16xi32> to vector<16xi32>
      %swap3A_2294 = vector.shape_cast %select_n3A_2288 : vector<16xi32> to vector<1x16xi32>
      tpu.vector_store %arg6[%swap3A_2290, %swap3A_2291], %swap3A_2294 {strides = array<i32>} : memref<6x128xi32, #tpu.memory_space<vmem>>, vector<1x16xi32>,
      %get3A_2295 = arith.constant 2 : i32
      %get3A_2296 = arith.constant 0 : i32
      %get3A_2297 = arith.index_cast %get3A_2295 : i32 to index
      %get3A_2298 = arith.index_cast %get3A_2296 : i32 to index
      %get3A_2299 = arith.constant 32 : index
      %get3A_2300 = tpu.vector_load %arg5[%get3A_2297, %get3A_2298, %get3A_2299] {strides = array<i32>} : memref<6x2x128xi32, #tpu.memory_space<vmem>>, vector<1x1x16xi32>,
      %get3A_2301 = vector.shape_cast %get3A_2300 : vector<1x1x16xi32> to vector<16xi32>
      %get3A_2302 = arith.constant 2 : i32
      %get3A_2303 = arith.constant 1 : i32
      %get3A_2304 = arith.index_cast %get3A_2302 : i32 to index
      %get3A_2305 = arith.index_cast %get3A_2303 : i32 to index
      %get3A_2306 = arith.constant 32 : index
      %get3A_2307 = tpu.vector_load %arg5[%get3A_2304, %get3A_2305, %get3A_2306] {strides = array<i32>} : memref<6x2x128xi32, #tpu.memory_space<vmem>>, vector<1x1x16xi32>,
      %get3A_2308 = vector.shape_cast %get3A_2307 : vector<1x1x16xi32> to vector<16xi32>
      %eq3A_2309 = arith.constant 0 : i32
      %eq3A_2310 = vector.broadcast %eq3A_2309 : i32 to vector<16xi32>
      %eq3A_2311 = arith.cmpi eq, %get3A_2301, %eq3A_2310 : vector<16xi32>
      %sub3A_2312 = arith.subi %get3A_2308, %get3A_2301 : vector<16xi32>
      %add3A_2313 = arith.constant 1 : i32
      %add3A_2314 = vector.broadcast %add3A_2313 : i32 to vector<16xi32>
      %add3A_2315 = arith.addi %sub3A_2312, %add3A_2314 : vector<16xi32>
      %jit3A_2316 = arith.constant 0 : i32
      %broadcast_in_dim3A_2317 = vector.broadcast %jit3A_2316 : i32 to vector<16xi32>
      %select_n3A_2318 = arith.select %eq3A_2311, %broadcast_in_dim3A_2317, %add3A_2315 : vector<16xi1>, vector<16xi32>
      %swap3A_2319 = arith.constant 2 : i32
      %swap3A_2320 = arith.index_cast %swap3A_2319 : i32 to index
      %swap3A_2321 = arith.constant 32 : index
      %swap3A_2322 = tpu.vector_load %arg6[%swap3A_2320, %swap3A_2321] {strides = array<i32>} : memref<6x128xi32, #tpu.memory_space<vmem>>, vector<1x16xi32>,
      %swap3A_2323 = vector.shape_cast %swap3A_2322 : vector<1x16xi32> to vector<16xi32>
      %swap3A_2324 = vector.shape_cast %select_n3A_2318 : vector<16xi32> to vector<1x16xi32>
      tpu.vector_store %arg6[%swap3A_2320, %swap3A_2321], %swap3A_2324 {strides = array<i32>} : memref<6x128xi32, #tpu.memory_space<vmem>>, vector<1x16xi32>,
      %get3A_2325 = arith.constant 2 : i32
      %get3A_2326 = arith.constant 0 : i32
      %get3A_2327 = arith.index_cast %get3A_2325 : i32 to index
      %get3A_2328 = arith.index_cast %get3A_2326 : i32 to index
      %get3A_2329 = arith.constant 48 : index
      %get3A_2330 = tpu.vector_load %arg5[%get3A_2327, %get3A_2328, %get3A_2329] {strides = array<i32>} : memref<6x2x128xi32, #tpu.memory_space<vmem>>, vector<1x1x16xi32>,
      %get3A_2331 = vector.shape_cast %get3A_2330 : vector<1x1x16xi32> to vector<16xi32>
      %get3A_2332 = arith.constant 2 : i32
      %get3A_2333 = arith.constant 1 : i32
      %get3A_2334 = arith.index_cast %get3A_2332 : i32 to index
      %get3A_2335 = arith.index_cast %get3A_2333 : i32 to index
      %get3A_2336 = arith.constant 48 : index
      %get3A_2337 = tpu.vector_load %arg5[%get3A_2334, %get3A_2335, %get3A_2336] {strides = array<i32>} : memref<6x2x128xi32, #tpu.memory_space<vmem>>, vector<1x1x16xi32>,
      %get3A_2338 = vector.shape_cast %get3A_2337 : vector<1x1x16xi32> to vector<16xi32>
      %eq3A_2339 = arith.constant 0 : i32
      %eq3A_2340 = vector.broadcast %eq3A_2339 : i32 to vector<16xi32>
      %eq3A_2341 = arith.cmpi eq, %get3A_2331, %eq3A_2340 : vector<16xi32>
      %sub3A_2342 = arith.subi %get3A_2338, %get3A_2331 : vector<16xi32>
      %add3A_2343 = arith.constant 1 : i32
      %add3A_2344 = vector.broadcast %add3A_2343 : i32 to vector<16xi32>
      %add3A_2345 = arith.addi %sub3A_2342, %add3A_2344 : vector<16xi32>
      %jit3A_2346 = arith.constant 0 : i32
      %broadcast_in_dim3A_2347 = vector.broadcast %jit3A_2346 : i32 to vector<16xi32>
      %select_n3A_2348 = arith.select %eq3A_2341, %broadcast_in_dim3A_2347, %add3A_2345 : vector<16xi1>, vector<16xi32>
      %swap3A_2349 = arith.constant 2 : i32
      %swap3A_2350 = arith.index_cast %swap3A_2349 : i32 to index
      %swap3A_2351 = arith.constant 48 : index
      %swap3A_2352 = tpu.vector_load %arg6[%swap3A_2350, %swap3A_2351] {strides = array<i32>} : memref<6x128xi32, #tpu.memory_space<vmem>>, vector<1x16xi32>,
      %swap3A_2353 = vector.shape_cast %swap3A_2352 : vector<1x16xi32> to vector<16xi32>
      %swap3A_2354 = vector.shape_cast %select_n3A_2348 : vector<16xi32> to vector<1x16xi32>
      tpu.vector_store %arg6[%swap3A_2350, %swap3A_2351], %swap3A_2354 {strides = array<i32>} : memref<6x128xi32, #tpu.memory_space<vmem>>, vector<1x16xi32>,
      %get3A_2355 = arith.constant 2 : i32
      %get3A_2356 = arith.constant 0 : i32
      %get3A_2357 = arith.index_cast %get3A_2355 : i32 to index
      %get3A_2358 = arith.index_cast %get3A_2356 : i32 to index
      %get3A_2359 = arith.constant 64 : index
      %get3A_2360 = tpu.vector_load %arg5[%get3A_2357, %get3A_2358, %get3A_2359] {strides = array<i32>} : memref<6x2x128xi32, #tpu.memory_space<vmem>>, vector<1x1x16xi32>,
      %get3A_2361 = vector.shape_cast %get3A_2360 : vector<1x1x16xi32> to vector<16xi32>
      %get3A_2362 = arith.constant 2 : i32
      %get3A_2363 = arith.constant 1 : i32
      %get3A_2364 = arith.index_cast %get3A_2362 : i32 to index
      %get3A_2365 = arith.index_cast %get3A_2363 : i32 to index
      %get3A_2366 = arith.constant 64 : index
      %get3A_2367 = tpu.vector_load %arg5[%get3A_2364, %get3A_2365, %get3A_2366] {strides = array<i32>} : memref<6x2x128xi32, #tpu.memory_space<vmem>>, vector<1x1x16xi32>,
      %get3A_2368 = vector.shape_cast %get3A_2367 : vector<1x1x16xi32> to vector<16xi32>
      %eq3A_2369 = arith.constant 0 : i32
      %eq3A_2370 = vector.broadcast %eq3A_2369 : i32 to vector<16xi32>
      %eq3A_2371 = arith.cmpi eq, %get3A_2361, %eq3A_2370 : vector<16xi32>
      %sub3A_2372 = arith.subi %get3A_2368, %get3A_2361 : vector<16xi32>
      %add3A_2373 = arith.constant 1 : i32
      %add3A_2374 = vector.broadcast %add3A_2373 : i32 to vector<16xi32>
      %add3A_2375 = arith.addi %sub3A_2372, %add3A_2374 : vector<16xi32>
      %jit3A_2376 = arith.constant 0 : i32
      %broadcast_in_dim3A_2377 = vector.broadcast %jit3A_2376 : i32 to vector<16xi32>
      %select_n3A_2378 = arith.select %eq3A_2371, %broadcast_in_dim3A_2377, %add3A_2375 : vector<16xi1>, vector<16xi32>
      %swap3A_2379 = arith.constant 2 : i32
      %swap3A_2380 = arith.index_cast %swap3A_2379 : i32 to index
      %swap3A_2381 = arith.constant 64 : index
      %swap3A_2382 = tpu.vector_load %arg6[%swap3A_2380, %swap3A_2381] {strides = array<i32>} : memref<6x128xi32, #tpu.memory_space<vmem>>, vector<1x16xi32>,
      %swap3A_2383 = vector.shape_cast %swap3A_2382 : vector<1x16xi32> to vector<16xi32>
      %swap3A_2384 = vector.shape_cast %select_n3A_2378 : vector<16xi32> to vector<1x16xi32>
      tpu.vector_store %arg6[%swap3A_2380, %swap3A_2381], %swap3A_2384 {strides = array<i32>} : memref<6x128xi32, #tpu.memory_space<vmem>>, vector<1x16xi32>,
      %get3A_2385 = arith.constant 2 : i32
      %get3A_2386 = arith.constant 0 : i32
      %get3A_2387 = arith.index_cast %get3A_2385 : i32 to index
      %get3A_2388 = arith.index_cast %get3A_2386 : i32 to index
      %get3A_2389 = arith.constant 80 : index
      %get3A_2390 = tpu.vector_load %arg5[%get3A_2387, %get3A_2388, %get3A_2389] {strides = array<i32>} : memref<6x2x128xi32, #tpu.memory_space<vmem>>, vector<1x1x16xi32>,
      %get3A_2391 = vector.shape_cast %get3A_2390 : vector<1x1x16xi32> to vector<16xi32>
      %get3A_2392 = arith.constant 2 : i32
      %get3A_2393 = arith.constant 1 : i32
      %get3A_2394 = arith.index_cast %get3A_2392 : i32 to index
      %get3A_2395 = arith.index_cast %get3A_2393 : i32 to index
      %get3A_2396 = arith.constant 80 : index
      %get3A_2397 = tpu.vector_load %arg5[%get3A_2394, %get3A_2395, %get3A_2396] {strides = array<i32>} : memref<6x2x128xi32, #tpu.memory_space<vmem>>, vector<1x1x16xi32>,
      %get3A_2398 = vector.shape_cast %get3A_2397 : vector<1x1x16xi32> to vector<16xi32>
      %eq3A_2399 = arith.constant 0 : i32
      %eq3A_2400 = vector.broadcast %eq3A_2399 : i32 to vector<16xi32>
      %eq3A_2401 = arith.cmpi eq, %get3A_2391, %eq3A_2400 : vector<16xi32>
      %sub3A_2402 = arith.subi %get3A_2398, %get3A_2391 : vector<16xi32>
      %add3A_2403 = arith.constant 1 : i32
      %add3A_2404 = vector.broadcast %add3A_2403 : i32 to vector<16xi32>
      %add3A_2405 = arith.addi %sub3A_2402, %add3A_2404 : vector<16xi32>
      %jit3A_2406 = arith.constant 0 : i32
      %broadcast_in_dim3A_2407 = vector.broadcast %jit3A_2406 : i32 to vector<16xi32>
      %select_n3A_2408 = arith.select %eq3A_2401, %broadcast_in_dim3A_2407, %add3A_2405 : vector<16xi1>, vector<16xi32>
      %swap3A_2409 = arith.constant 2 : i32
      %swap3A_2410 = arith.index_cast %swap3A_2409 : i32 to index
      %swap3A_2411 = arith.constant 80 : index
      %swap3A_2412 = tpu.vector_load %arg6[%swap3A_2410, %swap3A_2411] {strides = array<i32>} : memref<6x128xi32, #tpu.memory_space<vmem>>, vector<1x16xi32>,
      %swap3A_2413 = vector.shape_cast %swap3A_2412 : vector<1x16xi32> to vector<16xi32>
      %swap3A_2414 = vector.shape_cast %select_n3A_2408 : vector<16xi32> to vector<1x16xi32>
      tpu.vector_store %arg6[%swap3A_2410, %swap3A_2411], %swap3A_2414 {strides = array<i32>} : memref<6x128xi32, #tpu.memory_space<vmem>>, vector<1x16xi32>,
      %get3A_2415 = arith.constant 2 : i32
      %get3A_2416 = arith.constant 0 : i32
      %get3A_2417 = arith.index_cast %get3A_2415 : i32 to index
      %get3A_2418 = arith.index_cast %get3A_2416 : i32 to index
      %get3A_2419 = arith.constant 96 : index
      %get3A_2420 = tpu.vector_load %arg5[%get3A_2417, %get3A_2418, %get3A_2419] {strides = array<i32>} : memref<6x2x128xi32, #tpu.memory_space<vmem>>, vector<1x1x16xi32>,
      %get3A_2421 = vector.shape_cast %get3A_2420 : vector<1x1x16xi32> to vector<16xi32>
      %get3A_2422 = arith.constant 2 : i32
      %get3A_2423 = arith.constant 1 : i32
      %get3A_2424 = arith.index_cast %get3A_2422 : i32 to index
      %get3A_2425 = arith.index_cast %get3A_2423 : i32 to index
      %get3A_2426 = arith.constant 96 : index
      %get3A_2427 = tpu.vector_load %arg5[%get3A_2424, %get3A_2425, %get3A_2426] {strides = array<i32>} : memref<6x2x128xi32, #tpu.memory_space<vmem>>, vector<1x1x16xi32>,
      %get3A_2428 = vector.shape_cast %get3A_2427 : vector<1x1x16xi32> to vector<16xi32>
      %eq3A_2429 = arith.constant 0 : i32
      %eq3A_2430 = vector.broadcast %eq3A_2429 : i32 to vector<16xi32>
      %eq3A_2431 = arith.cmpi eq, %get3A_2421, %eq3A_2430 : vector<16xi32>
      %sub3A_2432 = arith.subi %get3A_2428, %get3A_2421 : vector<16xi32>
      %add3A_2433 = arith.constant 1 : i32
      %add3A_2434 = vector.broadcast %add3A_2433 : i32 to vector<16xi32>
      %add3A_2435 = arith.addi %sub3A_2432, %add3A_2434 : vector<16xi32>
      %jit3A_2436 = arith.constant 0 : i32
      %broadcast_in_dim3A_2437 = vector.broadcast %jit3A_2436 : i32 to vector<16xi32>
      %select_n3A_2438 = arith.select %eq3A_2431, %broadcast_in_dim3A_2437, %add3A_2435 : vector<16xi1>, vector<16xi32>
      %swap3A_2439 = arith.constant 2 : i32
      %swap3A_2440 = arith.index_cast %swap3A_2439 : i32 to index
      %swap3A_2441 = arith.constant 96 : index
      %swap3A_2442 = tpu.vector_load %arg6[%swap3A_2440, %swap3A_2441] {strides = array<i32>} : memref<6x128xi32, #tpu.memory_space<vmem>>, vector<1x16xi32>,
      %swap3A_2443 = vector.shape_cast %swap3A_2442 : vector<1x16xi32> to vector<16xi32>
      %swap3A_2444 = vector.shape_cast %select_n3A_2438 : vector<16xi32> to vector<1x16xi32>
      tpu.vector_store %arg6[%swap3A_2440, %swap3A_2441], %swap3A_2444 {strides = array<i32>} : memref<6x128xi32, #tpu.memory_space<vmem>>, vector<1x16xi32>,
      %get3A_2445 = arith.constant 2 : i32
      %get3A_2446 = arith.constant 0 : i32
      %get3A_2447 = arith.index_cast %get3A_2445 : i32 to index
      %get3A_2448 = arith.index_cast %get3A_2446 : i32 to index
      %get3A_2449 = arith.constant 112 : index
      %get3A_2450 = tpu.vector_load %arg5[%get3A_2447, %get3A_2448, %get3A_2449] {strides = array<i32>} : memref<6x2x128xi32, #tpu.memory_space<vmem>>, vector<1x1x16xi32>,
      %get3A_2451 = vector.shape_cast %get3A_2450 : vector<1x1x16xi32> to vector<16xi32>
      %get3A_2452 = arith.constant 2 : i32
      %get3A_2453 = arith.constant 1 : i32
      %get3A_2454 = arith.index_cast %get3A_2452 : i32 to index
      %get3A_2455 = arith.index_cast %get3A_2453 : i32 to index
      %get3A_2456 = arith.constant 112 : index
      %get3A_2457 = tpu.vector_load %arg5[%get3A_2454, %get3A_2455, %get3A_2456] {strides = array<i32>} : memref<6x2x128xi32, #tpu.memory_space<vmem>>, vector<1x1x16xi32>,
      %get3A_2458 = vector.shape_cast %get3A_2457 : vector<1x1x16xi32> to vector<16xi32>
      %eq3A_2459 = arith.constant 0 : i32
      %eq3A_2460 = vector.broadcast %eq3A_2459 : i32 to vector<16xi32>
      %eq3A_2461 = arith.cmpi eq, %get3A_2451, %eq3A_2460 : vector<16xi32>
      %sub3A_2462 = arith.subi %get3A_2458, %get3A_2451 : vector<16xi32>
      %add3A_2463 = arith.constant 1 : i32
      %add3A_2464 = vector.broadcast %add3A_2463 : i32 to vector<16xi32>
      %add3A_2465 = arith.addi %sub3A_2462, %add3A_2464 : vector<16xi32>
      %jit3A_2466 = arith.constant 0 : i32
      %broadcast_in_dim3A_2467 = vector.broadcast %jit3A_2466 : i32 to vector<16xi32>
      %select_n3A_2468 = arith.select %eq3A_2461, %broadcast_in_dim3A_2467, %add3A_2465 : vector<16xi1>, vector<16xi32>
      %swap3A_2469 = arith.constant 2 : i32
      %swap3A_2470 = arith.index_cast %swap3A_2469 : i32 to index
      %swap3A_2471 = arith.constant 112 : index
      %swap3A_2472 = tpu.vector_load %arg6[%swap3A_2470, %swap3A_2471] {strides = array<i32>} : memref<6x128xi32, #tpu.memory_space<vmem>>, vector<1x16xi32>,
      %swap3A_2473 = vector.shape_cast %swap3A_2472 : vector<1x16xi32> to vector<16xi32>
      %swap3A_2474 = vector.shape_cast %select_n3A_2468 : vector<16xi32> to vector<1x16xi32>
      tpu.vector_store %arg6[%swap3A_2470, %swap3A_2471], %swap3A_2474 {strides = array<i32>} : memref<6x128xi32, #tpu.memory_space<vmem>>, vector<1x16xi32>,
      %ge3A_2475 = arith.constant 1 : i32
      %ge3A_2476 = arith.cmpi sge, %scan3A_1546, %ge3A_2475 : i32
      %convert_element_type3A_2477 = arith.extui %ge3A_2476 : i1 to i32
      %cond3A_2478 = arith.constant 0 : i32
      %cond3A_2479 = arith.cmpi ne, %convert_element_type3A_2477, %cond3A_2478 : i32
      scf.if %cond3A_2479 {
        %dma_wait3A_3618 = arith.constant 3 : i32
        %dma_wait3A_3619 = arith.constant 3 : i32
        %dma_wait3A_3620 = arith.constant 0 : i32
        %dma_wait3A_3621 = arith.constant 0 : i32
        %dma_wait3A_3622 = tpu.memref_slice %arg7[%dma_wait3A_3618, %dma_wait3A_3620, %dma_wait3A_3621] : memref<6x128x64xf32, #tpu.memory_space<vmem>> -> memref<1x128x64xf32, #tpu.memory_space<vmem>>
        %dma_wait3A_3623 = tpu.memref_squeeze %dma_wait3A_3622 : memref<1x128x64xf32, #tpu.memory_space<vmem>> -> memref<128x64xf32, #tpu.memory_space<vmem>>
        %dma_wait3A_3624 = arith.constant 0 : i32
        %dma_wait3A_3625 = arith.constant 0 : i32
        %dma_wait3A_3626 = tpu.memref_slice %arg3[%dma_wait3A_3624, %dma_wait3A_3625] : memref<100001x64xf32, #tpu.memory_space<hbm>> -> memref<128x64xf32, #tpu.memory_space<hbm>>
        %dma_wait3A_3627 = tpu.memref_slice %arg10[%dma_wait3A_3619] : memref<6x!tpu.dma_semaphore, #tpu.memory_space<semaphore_mem>> -> memref<1x!tpu.dma_semaphore, #tpu.memory_space<semaphore_mem>>
        %dma_wait3A_3628 = tpu.memref_squeeze %dma_wait3A_3627 : memref<1x!tpu.dma_semaphore, #tpu.memory_space<semaphore_mem>> -> memref<!tpu.dma_semaphore, #tpu.memory_space<semaphore_mem>>
        %dma_wait3A_3629 = arith.constant 0 : i32
        %dma_wait3A_3630 = arith.constant 0 : i32
        %dma_wait3A_3631 = tpu.memref_slice %arg7[%dma_wait3A_3618, %dma_wait3A_3629, %dma_wait3A_3630] : memref<6x128x64xf32, #tpu.memory_space<vmem>> -> memref<1x128x64xf32, #tpu.memory_space<vmem>>
        %dma_wait3A_3632 = tpu.memref_squeeze %dma_wait3A_3631 : memref<1x128x64xf32, #tpu.memory_space<vmem>> -> memref<128x64xf32, #tpu.memory_space<vmem>>
        %dma_wait3A_3633 = arith.constant 0 : i32
        %dma_wait3A_3634 = arith.constant 0 : i32
        %dma_wait3A_3635 = tpu.memref_slice %arg3[%dma_wait3A_3633, %dma_wait3A_3634] : memref<100001x64xf32, #tpu.memory_space<hbm>> -> memref<128x64xf32, #tpu.memory_space<hbm>>
        tpu.wait_dma2 semaphore(%dma_wait3A_3628 : memref<!tpu.dma_semaphore, #tpu.memory_space<semaphore_mem>>) src(%dma_wait3A_3635 : memref<128x64xf32, #tpu.memory_space<hbm>>) dst(%dma_wait3A_3632 : memref<128x64xf32, #tpu.memory_space<vmem>>)
        %dma_wait3A_3636 = arith.constant 3 : i32
        %dma_wait3A_3637 = arith.constant 3 : i32
        %dma_wait3A_3638 = arith.constant 0 : i32
        %dma_wait3A_3639 = arith.constant 0 : i32
        %dma_wait3A_3640 = tpu.memref_slice %arg8[%dma_wait3A_3636, %dma_wait3A_3638, %dma_wait3A_3639] : memref<6x128x64xf32, #tpu.memory_space<vmem>> -> memref<1x128x64xf32, #tpu.memory_space<vmem>>
        %dma_wait3A_3641 = tpu.memref_squeeze %dma_wait3A_3640 : memref<1x128x64xf32, #tpu.memory_space<vmem>> -> memref<128x64xf32, #tpu.memory_space<vmem>>
        %dma_wait3A_3642 = arith.constant 0 : i32
        %dma_wait3A_3643 = arith.constant 0 : i32
        %dma_wait3A_3644 = tpu.memref_slice %arg3[%dma_wait3A_3642, %dma_wait3A_3643] : memref<100001x64xf32, #tpu.memory_space<hbm>> -> memref<128x64xf32, #tpu.memory_space<hbm>>
        %dma_wait3A_3645 = tpu.memref_slice %arg10[%dma_wait3A_3637] : memref<6x!tpu.dma_semaphore, #tpu.memory_space<semaphore_mem>> -> memref<1x!tpu.dma_semaphore, #tpu.memory_space<semaphore_mem>>
        %dma_wait3A_3646 = tpu.memref_squeeze %dma_wait3A_3645 : memref<1x!tpu.dma_semaphore, #tpu.memory_space<semaphore_mem>> -> memref<!tpu.dma_semaphore, #tpu.memory_space<semaphore_mem>>
        %dma_wait3A_3647 = arith.constant 0 : i32
        %dma_wait3A_3648 = arith.constant 0 : i32
        %dma_wait3A_3649 = tpu.memref_slice %arg8[%dma_wait3A_3636, %dma_wait3A_3647, %dma_wait3A_3648] : memref<6x128x64xf32, #tpu.memory_space<vmem>> -> memref<1x128x64xf32, #tpu.memory_space<vmem>>
        %dma_wait3A_3650 = tpu.memref_squeeze %dma_wait3A_3649 : memref<1x128x64xf32, #tpu.memory_space<vmem>> -> memref<128x64xf32, #tpu.memory_space<vmem>>
        %dma_wait3A_3651 = arith.constant 0 : i32
        %dma_wait3A_3652 = arith.constant 0 : i32
        %dma_wait3A_3653 = tpu.memref_slice %arg3[%dma_wait3A_3651, %dma_wait3A_3652] : memref<100001x64xf32, #tpu.memory_space<hbm>> -> memref<128x64xf32, #tpu.memory_space<hbm>>
        tpu.wait_dma2 semaphore(%dma_wait3A_3646 : memref<!tpu.dma_semaphore, #tpu.memory_space<semaphore_mem>>) src(%dma_wait3A_3653 : memref<128x64xf32, #tpu.memory_space<hbm>>) dst(%dma_wait3A_3650 : memref<128x64xf32, #tpu.memory_space<vmem>>)
        %sub3A_3654 = arith.constant 5 : i32
        %sub3A_3655 = arith.subi %add3A_2213, %sub3A_3654 : i32
        %add3A_3656 = arith.addi %mul3A_2, %sub3A_3655 : i32
        %mul3A_3657 = arith.constant 128 : i32
        %mul3A_3658 = arith.muli %add3A_3656, %mul3A_3657 : i32
        %dma_start3A_3659 = arith.constant 3 : i32
        %dma_start3A_3660 = arith.constant 0 : i32
        %dma_start3A_3661 = arith.constant 3 : i32
        %dma_start3A_3662 = arith.constant 0 : i32
        %dma_start3A_3663 = arith.constant 0 : i32
        %dma_start3A_3664 = arith.constant 0 : i32
        %dma_start3A_3665 = tpu.memref_slice %arg7[%dma_start3A_3659, %dma_start3A_3663, %dma_start3A_3664] : memref<6x128x64xf32, #tpu.memory_space<vmem>> -> memref<1x128x64xf32, #tpu.memory_space<vmem>>
        %dma_start3A_3666 = tpu.memref_squeeze %dma_start3A_3665 : memref<1x128x64xf32, #tpu.memory_space<vmem>> -> memref<128x64xf32, #tpu.memory_space<vmem>>
        %dma_start3A_3667 = arith.constant 0 : i32
        %dma_start3A_3668 = tpu.memref_slice %arg4[%mul3A_3658, %dma_start3A_3660, %dma_start3A_3667] : memref<819200x2x64xf32, #tpu.memory_space<hbm>> -> memref<128x1x64xf32, #tpu.memory_space<hbm>>
        %dma_start3A_3669 = tpu.memref_squeeze %dma_start3A_3668 : memref<128x1x64xf32, #tpu.memory_space<hbm>> -> memref<128x64xf32, #tpu.memory_space<hbm>>
        %dma_start3A_3670 = tpu.memref_slice %arg11[%dma_start3A_3661, %dma_start3A_3662] : memref<6x2x!tpu.dma_semaphore, #tpu.memory_space<semaphore_mem>> -> memref<1x1x!tpu.dma_semaphore, #tpu.memory_space<semaphore_mem>>
        %dma_start3A_3671 = tpu.memref_squeeze %dma_start3A_3670 : memref<1x1x!tpu.dma_semaphore, #tpu.memory_space<semaphore_mem>> -> memref<!tpu.dma_semaphore, #tpu.memory_space<semaphore_mem>>
        %dma_start3A_3672 = arith.constant 0 : i32
        %dma_start3A_3673 = tpu.memref_slice %arg4[%mul3A_3658, %dma_start3A_3660, %dma_start3A_3672] : memref<819200x2x64xf32, #tpu.memory_space<hbm>> -> memref<128x1x64xf32, #tpu.memory_space<hbm>>
        %dma_start3A_3674 = tpu.memref_squeeze %dma_start3A_3673 : memref<128x1x64xf32, #tpu.memory_space<hbm>> -> memref<128x64xf32, #tpu.memory_space<hbm>>
        %dma_start3A_3675 = arith.constant 0 : i32
        %dma_start3A_3676 = arith.constant 0 : i32
        %dma_start3A_3677 = tpu.memref_slice %arg7[%dma_start3A_3659, %dma_start3A_3675, %dma_start3A_3676] : memref<6x128x64xf32, #tpu.memory_space<vmem>> -> memref<1x128x64xf32, #tpu.memory_space<vmem>>
        %dma_start3A_3678 = tpu.memref_squeeze %dma_start3A_3677 : memref<1x128x64xf32, #tpu.memory_space<vmem>> -> memref<128x64xf32, #tpu.memory_space<vmem>>
        tpu.enqueue_dma source(%dma_start3A_3678 : memref<128x64xf32, #tpu.memory_space<vmem>>) target(%dma_start3A_3674 : memref<128x64xf32, #tpu.memory_space<hbm>>) target_semaphore(%dma_start3A_3671 : memref<!tpu.dma_semaphore, #tpu.memory_space<semaphore_mem>>)
        %dma_start3A_3679 = arith.constant 3 : i32
        %dma_start3A_3680 = arith.constant 1 : i32
        %dma_start3A_3681 = arith.constant 3 : i32
        %dma_start3A_3682 = arith.constant 1 : i32
        %dma_start3A_3683 = arith.constant 0 : i32
        %dma_start3A_3684 = arith.constant 0 : i32
        %dma_start3A_3685 = tpu.memref_slice %arg8[%dma_start3A_3679, %dma_start3A_3683, %dma_start3A_3684] : memref<6x128x64xf32, #tpu.memory_space<vmem>> -> memref<1x128x64xf32, #tpu.memory_space<vmem>>
        %dma_start3A_3686 = tpu.memref_squeeze %dma_start3A_3685 : memref<1x128x64xf32, #tpu.memory_space<vmem>> -> memref<128x64xf32, #tpu.memory_space<vmem>>
        %dma_start3A_3687 = arith.constant 0 : i32
        %dma_start3A_3688 = tpu.memref_slice %arg4[%mul3A_3658, %dma_start3A_3680, %dma_start3A_3687] : memref<819200x2x64xf32, #tpu.memory_space<hbm>> -> memref<128x1x64xf32, #tpu.memory_space<hbm>>
        %dma_start3A_3689 = tpu.memref_squeeze %dma_start3A_3688 : memref<128x1x64xf32, #tpu.memory_space<hbm>> -> memref<128x64xf32, #tpu.memory_space<hbm>>
        %dma_start3A_3690 = tpu.memref_slice %arg11[%dma_start3A_3681, %dma_start3A_3682] : memref<6x2x!tpu.dma_semaphore, #tpu.memory_space<semaphore_mem>> -> memref<1x1x!tpu.dma_semaphore, #tpu.memory_space<semaphore_mem>>
        %dma_start3A_3691 = tpu.memref_squeeze %dma_start3A_3690 : memref<1x1x!tpu.dma_semaphore, #tpu.memory_space<semaphore_mem>> -> memref<!tpu.dma_semaphore, #tpu.memory_space<semaphore_mem>>
        %dma_start3A_3692 = arith.constant 0 : i32
        %dma_start3A_3693 = tpu.memref_slice %arg4[%mul3A_3658, %dma_start3A_3680, %dma_start3A_3692] : memref<819200x2x64xf32, #tpu.memory_space<hbm>> -> memref<128x1x64xf32, #tpu.memory_space<hbm>>
        %dma_start3A_3694 = tpu.memref_squeeze %dma_start3A_3693 : memref<128x1x64xf32, #tpu.memory_space<hbm>> -> memref<128x64xf32, #tpu.memory_space<hbm>>
        %dma_start3A_3695 = arith.constant 0 : i32
        %dma_start3A_3696 = arith.constant 0 : i32
        %dma_start3A_3697 = tpu.memref_slice %arg8[%dma_start3A_3679, %dma_start3A_3695, %dma_start3A_3696] : memref<6x128x64xf32, #tpu.memory_space<vmem>> -> memref<1x128x64xf32, #tpu.memory_space<vmem>>
        %dma_start3A_3698 = tpu.memref_squeeze %dma_start3A_3697 : memref<1x128x64xf32, #tpu.memory_space<vmem>> -> memref<128x64xf32, #tpu.memory_space<vmem>>
        tpu.enqueue_dma source(%dma_start3A_3698 : memref<128x64xf32, #tpu.memory_space<vmem>>) target(%dma_start3A_3694 : memref<128x64xf32, #tpu.memory_space<hbm>>) target_semaphore(%dma_start3A_3691 : memref<!tpu.dma_semaphore, #tpu.memory_space<semaphore_mem>>)
      } else {
      }
      %add3A_2480 = arith.constant 1 : i32
      %add3A_2481 = arith.addi %add3A_2213, %add3A_2480 : i32
      %add3A_2482 = arith.addi %mul3A_2, %add3A_2481 : i32
      %dma_start3A_2483 = arith.constant 3 : i32
      %dma_start3A_2484 = arith.constant 3 : i32
      %dma_start3A_2485 = arith.constant 0 : i32
      %dma_start3A_2486 = arith.constant 0 : i32
      %dma_start3A_2487 = tpu.memref_slice %arg5[%dma_start3A_2483, %dma_start3A_2485, %dma_start3A_2486] : memref<6x2x128xi32, #tpu.memory_space<vmem>> -> memref<1x2x128xi32, #tpu.memory_space<vmem>>
      %dma_start3A_2488 = tpu.memref_squeeze %dma_start3A_2487 : memref<1x2x128xi32, #tpu.memory_space<vmem>> -> memref<2x128xi32, #tpu.memory_space<vmem>>
      %dma_start3A_2489 = arith.constant 0 : i32
      %dma_start3A_2490 = arith.constant 0 : i32
      %dma_start3A_2491 = tpu.memref_slice %arg2[%add3A_2482, %dma_start3A_2489, %dma_start3A_2490] : memref<6400x2x128xi32, #tpu.memory_space<hbm>> -> memref<1x2x128xi32, #tpu.memory_space<hbm>>
      %dma_start3A_2492 = tpu.memref_squeeze %dma_start3A_2491 : memref<1x2x128xi32, #tpu.memory_space<hbm>> -> memref<2x128xi32, #tpu.memory_space<hbm>>
      %dma_start3A_2493 = tpu.memref_slice %arg9[%dma_start3A_2484] : memref<6x!tpu.dma_semaphore, #tpu.memory_space<semaphore_mem>> -> memref<1x!tpu.dma_semaphore, #tpu.memory_space<semaphore_mem>>
      %dma_start3A_2494 = tpu.memref_squeeze %dma_start3A_2493 : memref<1x!tpu.dma_semaphore, #tpu.memory_space<semaphore_mem>> -> memref<!tpu.dma_semaphore, #tpu.memory_space<semaphore_mem>>
      %dma_start3A_2495 = arith.constant 0 : i32
      %dma_start3A_2496 = arith.constant 0 : i32
      %dma_start3A_2497 = tpu.memref_slice %arg5[%dma_start3A_2483, %dma_start3A_2495, %dma_start3A_2496] : memref<6x2x128xi32, #tpu.memory_space<vmem>> -> memref<1x2x128xi32, #tpu.memory_space<vmem>>
      %dma_start3A_2498 = tpu.memref_squeeze %dma_start3A_2497 : memref<1x2x128xi32, #tpu.memory_space<vmem>> -> memref<2x128xi32, #tpu.memory_space<vmem>>
      %dma_start3A_2499 = arith.constant 0 : i32
      %dma_start3A_2500 = arith.constant 0 : i32
      %dma_start3A_2501 = tpu.memref_slice %arg2[%add3A_2482, %dma_start3A_2499, %dma_start3A_2500] : memref<6400x2x128xi32, #tpu.memory_space<hbm>> -> memref<1x2x128xi32, #tpu.memory_space<hbm>>
      %dma_start3A_2502 = tpu.memref_squeeze %dma_start3A_2501 : memref<1x2x128xi32, #tpu.memory_space<hbm>> -> memref<2x128xi32, #tpu.memory_space<hbm>>
      tpu.enqueue_dma source(%dma_start3A_2502 : memref<2x128xi32, #tpu.memory_space<hbm>>) target(%dma_start3A_2498 : memref<2x128xi32, #tpu.memory_space<vmem>>) target_semaphore(%dma_start3A_2494 : memref<!tpu.dma_semaphore, #tpu.memory_space<semaphore_mem>>)
      %ge3A_2503 = arith.constant 1 : i32
      %ge3A_2504 = arith.cmpi sge, %scan3A_1546, %ge3A_2503 : i32
      %convert_element_type3A_2505 = arith.extui %ge3A_2504 : i1 to i32
      %cond3A_2506 = arith.constant 0 : i32
      %cond3A_2507 = arith.cmpi ne, %convert_element_type3A_2505, %cond3A_2506 : i32
      scf.if %cond3A_2507 {
        %dma_wait3A_3618 = arith.constant 2 : i32
        %dma_wait3A_3619 = arith.constant 0 : i32
        %dma_wait3A_3620 = arith.constant 2 : i32
        %dma_wait3A_3621 = arith.constant 0 : i32
        %dma_wait3A_3622 = arith.constant 0 : i32
        %dma_wait3A_3623 = arith.constant 0 : i32
        %dma_wait3A_3624 = tpu.memref_slice %arg7[%dma_wait3A_3618, %dma_wait3A_3622, %dma_wait3A_3623] : memref<6x128x64xf32, #tpu.memory_space<vmem>> -> memref<1x128x64xf32, #tpu.memory_space<vmem>>
        %dma_wait3A_3625 = tpu.memref_squeeze %dma_wait3A_3624 : memref<1x128x64xf32, #tpu.memory_space<vmem>> -> memref<128x64xf32, #tpu.memory_space<vmem>>
        %dma_wait3A_3626 = arith.constant 0 : i32
        %dma_wait3A_3627 = arith.constant 0 : i32
        %dma_wait3A_3628 = tpu.memref_slice %arg4[%dma_wait3A_3626, %dma_wait3A_3619, %dma_wait3A_3627] : memref<819200x2x64xf32, #tpu.memory_space<hbm>> -> memref<128x1x64xf32, #tpu.memory_space<hbm>>
        %dma_wait3A_3629 = tpu.memref_squeeze %dma_wait3A_3628 : memref<128x1x64xf32, #tpu.memory_space<hbm>> -> memref<128x64xf32, #tpu.memory_space<hbm>>
        %dma_wait3A_3630 = tpu.memref_slice %arg11[%dma_wait3A_3620, %dma_wait3A_3621] : memref<6x2x!tpu.dma_semaphore, #tpu.memory_space<semaphore_mem>> -> memref<1x1x!tpu.dma_semaphore, #tpu.memory_space<semaphore_mem>>
        %dma_wait3A_3631 = tpu.memref_squeeze %dma_wait3A_3630 : memref<1x1x!tpu.dma_semaphore, #tpu.memory_space<semaphore_mem>> -> memref<!tpu.dma_semaphore, #tpu.memory_space<semaphore_mem>>
        %dma_wait3A_3632 = arith.constant 0 : i32
        %dma_wait3A_3633 = arith.constant 0 : i32
        %dma_wait3A_3634 = tpu.memref_slice %arg4[%dma_wait3A_3632, %dma_wait3A_3619, %dma_wait3A_3633] : memref<819200x2x64xf32, #tpu.memory_space<hbm>> -> memref<128x1x64xf32, #tpu.memory_space<hbm>>
        %dma_wait3A_3635 = tpu.memref_squeeze %dma_wait3A_3634 : memref<128x1x64xf32, #tpu.memory_space<hbm>> -> memref<128x64xf32, #tpu.memory_space<hbm>>
        %dma_wait3A_3636 = arith.constant 0 : i32
        %dma_wait3A_3637 = arith.constant 0 : i32
        %dma_wait3A_3638 = tpu.memref_slice %arg7[%dma_wait3A_3618, %dma_wait3A_3636, %dma_wait3A_3637] : memref<6x128x64xf32, #tpu.memory_space<vmem>> -> memref<1x128x64xf32, #tpu.memory_space<vmem>>
        %dma_wait3A_3639 = tpu.memref_squeeze %dma_wait3A_3638 : memref<1x128x64xf32, #tpu.memory_space<vmem>> -> memref<128x64xf32, #tpu.memory_space<vmem>>
        tpu.wait_dma2 semaphore(%dma_wait3A_3631 : memref<!tpu.dma_semaphore, #tpu.memory_space<semaphore_mem>>) src(%dma_wait3A_3639 : memref<128x64xf32, #tpu.memory_space<vmem>>) dst(%dma_wait3A_3635 : memref<128x64xf32, #tpu.memory_space<hbm>>)
        %dma_wait3A_3640 = arith.constant 2 : i32
        %dma_wait3A_3641 = arith.constant 1 : i32
        %dma_wait3A_3642 = arith.constant 2 : i32
        %dma_wait3A_3643 = arith.constant 1 : i32
        %dma_wait3A_3644 = arith.constant 0 : i32
        %dma_wait3A_3645 = arith.constant 0 : i32
        %dma_wait3A_3646 = tpu.memref_slice %arg8[%dma_wait3A_3640, %dma_wait3A_3644, %dma_wait3A_3645] : memref<6x128x64xf32, #tpu.memory_space<vmem>> -> memref<1x128x64xf32, #tpu.memory_space<vmem>>
        %dma_wait3A_3647 = tpu.memref_squeeze %dma_wait3A_3646 : memref<1x128x64xf32, #tpu.memory_space<vmem>> -> memref<128x64xf32, #tpu.memory_space<vmem>>
        %dma_wait3A_3648 = arith.constant 0 : i32
        %dma_wait3A_3649 = arith.constant 0 : i32
        %dma_wait3A_3650 = tpu.memref_slice %arg4[%dma_wait3A_3648, %dma_wait3A_3641, %dma_wait3A_3649] : memref<819200x2x64xf32, #tpu.memory_space<hbm>> -> memref<128x1x64xf32, #tpu.memory_space<hbm>>
        %dma_wait3A_3651 = tpu.memref_squeeze %dma_wait3A_3650 : memref<128x1x64xf32, #tpu.memory_space<hbm>> -> memref<128x64xf32, #tpu.memory_space<hbm>>
        %dma_wait3A_3652 = tpu.memref_slice %arg11[%dma_wait3A_3642, %dma_wait3A_3643] : memref<6x2x!tpu.dma_semaphore, #tpu.memory_space<semaphore_mem>> -> memref<1x1x!tpu.dma_semaphore, #tpu.memory_space<semaphore_mem>>
        %dma_wait3A_3653 = tpu.memref_squeeze %dma_wait3A_3652 : memref<1x1x!tpu.dma_semaphore, #tpu.memory_space<semaphore_mem>> -> memref<!tpu.dma_semaphore, #tpu.memory_space<semaphore_mem>>
        %dma_wait3A_3654 = arith.constant 0 : i32
        %dma_wait3A_3655 = arith.constant 0 : i32
        %dma_wait3A_3656 = tpu.memref_slice %arg4[%dma_wait3A_3654, %dma_wait3A_3641, %dma_wait3A_3655] : memref<819200x2x64xf32, #tpu.memory_space<hbm>> -> memref<128x1x64xf32, #tpu.memory_space<hbm>>
        %dma_wait3A_3657 = tpu.memref_squeeze %dma_wait3A_3656 : memref<128x1x64xf32, #tpu.memory_space<hbm>> -> memref<128x64xf32, #tpu.memory_space<hbm>>
        %dma_wait3A_3658 = arith.constant 0 : i32
        %dma_wait3A_3659 = arith.constant 0 : i32
        %dma_wait3A_3660 = tpu.memref_slice %arg8[%dma_wait3A_3640, %dma_wait3A_3658, %dma_wait3A_3659] : memref<6x128x64xf32, #tpu.memory_space<vmem>> -> memref<1x128x64xf32, #tpu.memory_space<vmem>>
        %dma_wait3A_3661 = tpu.memref_squeeze %dma_wait3A_3660 : memref<1x128x64xf32, #tpu.memory_space<vmem>> -> memref<128x64xf32, #tpu.memory_space<vmem>>
        tpu.wait_dma2 semaphore(%dma_wait3A_3653 : memref<!tpu.dma_semaphore, #tpu.memory_space<semaphore_mem>>) src(%dma_wait3A_3661 : memref<128x64xf32, #tpu.memory_space<vmem>>) dst(%dma_wait3A_3657 : memref<128x64xf32, #tpu.memory_space<hbm>>)
      } else {
      }
      %dma_start3A_2508 = arith.constant 2 : i32
      %dma_start3A_2509 = arith.constant 0 : i32
      %dma_start3A_2510 = arith.constant 2 : i32
      %dma_start3A_2511 = arith.constant 2 : i32
      %dma_start3A_2512 = arith.constant 0 : i32
      %dma_start3A_2513 = arith.constant 0 : i32
      %dma_start3A_2514 = tpu.memref_slice %arg7[%dma_start3A_2510, %dma_start3A_2512, %dma_start3A_2513] : memref<6x128x64xf32, #tpu.memory_space<vmem>> -> memref<1x128x64xf32, #tpu.memory_space<vmem>>
      %dma_start3A_2515 = tpu.memref_squeeze %dma_start3A_2514 : memref<1x128x64xf32, #tpu.memory_space<vmem>> -> memref<128x64xf32, #tpu.memory_space<vmem>>
      %dma_start3A_2516 = arith.constant 0 : i32
      %dma_start3A_2517 = arith.constant 0 : i32
      %dma_start3A_2518 = tpu.memref_slice %arg5[%dma_start3A_2508, %dma_start3A_2516, %dma_start3A_2517] : memref<6x2x128xi32, #tpu.memory_space<vmem>> -> memref<1x2x128xi32, #tpu.memory_space<vmem>>
      %dma_start3A_2519 = tpu.memref_squeeze %dma_start3A_2518 : memref<1x2x128xi32, #tpu.memory_space<vmem>> -> memref<2x128xi32, #tpu.memory_space<vmem>>
      %dma_start3A_2520 = arith.constant 0 : i32
      %dma_start3A_2521 = tpu.memref_slice %dma_start3A_2519[%dma_start3A_2509, %dma_start3A_2520] : memref<2x128xi32, #tpu.memory_space<vmem>> -> memref<1x128xi32, #tpu.memory_space<vmem>>
      %dma_start3A_2522 = tpu.memref_squeeze %dma_start3A_2521 : memref<1x128xi32, #tpu.memory_space<vmem>> -> memref<128xi32, #tpu.memory_space<vmem>>
      %dma_start3A_2523 = arith.constant 0 : i32
      %dma_start3A_2524 = arith.constant 0 : i32
      %dma_start3A_2525 = tpu.memref_slice %arg3[%dma_start3A_2523, %dma_start3A_2524] : memref<100001x64xf32, #tpu.memory_space<hbm>> -> memref<100001x64xf32, #tpu.memory_space<hbm>>
      %dma_start3A_2526 = tpu.memref_slice %arg10[%dma_start3A_2511] : memref<6x!tpu.dma_semaphore, #tpu.memory_space<semaphore_mem>> -> memref<1x!tpu.dma_semaphore, #tpu.memory_space<semaphore_mem>>
      %dma_start3A_2527 = tpu.memref_squeeze %dma_start3A_2526 : memref<1x!tpu.dma_semaphore, #tpu.memory_space<semaphore_mem>> -> memref<!tpu.dma_semaphore, #tpu.memory_space<semaphore_mem>>
      tpu.enqueue_indirect_dma source(%dma_start3A_2525 : memref<100001x64xf32, #tpu.memory_space<hbm>>) target(%dma_start3A_2515 : memref<128x64xf32, #tpu.memory_space<vmem>>) offsets(%dma_start3A_2522 : memref<128xi32, #tpu.memory_space<vmem>>) semaphore(%dma_start3A_2527 : memref<!tpu.dma_semaphore, #tpu.memory_space<semaphore_mem>>)
      %dma_start3A_2528 = arith.constant 2 : i32
      %dma_start3A_2529 = arith.constant 2 : i32
      %dma_start3A_2530 = arith.constant 2 : i32
      %dma_start3A_2531 = arith.constant 0 : i32
      %dma_start3A_2532 = arith.constant 0 : i32
      %dma_start3A_2533 = tpu.memref_slice %arg8[%dma_start3A_2529, %dma_start3A_2531, %dma_start3A_2532] : memref<6x128x64xf32, #tpu.memory_space<vmem>> -> memref<1x128x64xf32, #tpu.memory_space<vmem>>
      %dma_start3A_2534 = tpu.memref_squeeze %dma_start3A_2533 : memref<1x128x64xf32, #tpu.memory_space<vmem>> -> memref<128x64xf32, #tpu.memory_space<vmem>>
      %dma_start3A_2535 = arith.constant 0 : i32
      %dma_start3A_2536 = tpu.memref_slice %arg6[%dma_start3A_2528, %dma_start3A_2535] : memref<6x128xi32, #tpu.memory_space<vmem>> -> memref<1x128xi32, #tpu.memory_space<vmem>>
      %dma_start3A_2537 = tpu.memref_squeeze %dma_start3A_2536 : memref<1x128xi32, #tpu.memory_space<vmem>> -> memref<128xi32, #tpu.memory_space<vmem>>
      %dma_start3A_2538 = arith.constant 0 : i32
      %dma_start3A_2539 = arith.constant 0 : i32
      %dma_start3A_2540 = tpu.memref_slice %arg3[%dma_start3A_2538, %dma_start3A_2539] : memref<100001x64xf32, #tpu.memory_space<hbm>> -> memref<100001x64xf32, #tpu.memory_space<hbm>>
      %dma_start3A_2541 = tpu.memref_slice %arg10[%dma_start3A_2530] : memref<6x!tpu.dma_semaphore, #tpu.memory_space<semaphore_mem>> -> memref<1x!tpu.dma_semaphore, #tpu.memory_space<semaphore_mem>>
      %dma_start3A_2542 = tpu.memref_squeeze %dma_start3A_2541 : memref<1x!tpu.dma_semaphore, #tpu.memory_space<semaphore_mem>> -> memref<!tpu.dma_semaphore, #tpu.memory_space<semaphore_mem>>
      tpu.enqueue_indirect_dma source(%dma_start3A_2540 : memref<100001x64xf32, #tpu.memory_space<hbm>>) target(%dma_start3A_2534 : memref<128x64xf32, #tpu.memory_space<vmem>>) offsets(%dma_start3A_2537 : memref<128xi32, #tpu.memory_space<vmem>>) semaphore(%dma_start3A_2542 : memref<!tpu.dma_semaphore, #tpu.memory_space<semaphore_mem>>)
      %mul3A_2543 = arith.constant 6 : i32
      %mul3A_2544 = arith.muli %scan3A_1546, %mul3A_2543 : i32
      %add3A_2545 = arith.constant 3 : i32
      %add3A_2546 = arith.addi %mul3A_2544, %add3A_2545 : i32
      %dma_wait3A_2547 = arith.constant 0 : i32
      %dma_wait3A_2548 = arith.constant 3 : i32
      %dma_wait3A_2549 = arith.constant 3 : i32
      %dma_wait3A_2550 = arith.constant 0 : i32
      %dma_wait3A_2551 = arith.constant 0 : i32
      %dma_wait3A_2552 = tpu.memref_slice %arg5[%dma_wait3A_2548, %dma_wait3A_2550, %dma_wait3A_2551] : memref<6x2x128xi32, #tpu.memory_space<vmem>> -> memref<1x2x128xi32, #tpu.memory_space<vmem>>
      %dma_wait3A_2553 = tpu.memref_squeeze %dma_wait3A_2552 : memref<1x2x128xi32, #tpu.memory_space<vmem>> -> memref<2x128xi32, #tpu.memory_space<vmem>>
      %dma_wait3A_2554 = arith.constant 0 : i32
      %dma_wait3A_2555 = arith.constant 0 : i32
      %dma_wait3A_2556 = tpu.memref_slice %arg2[%dma_wait3A_2547, %dma_wait3A_2554, %dma_wait3A_2555] : memref<6400x2x128xi32, #tpu.memory_space<hbm>> -> memref<1x2x128xi32, #tpu.memory_space<hbm>>
      %dma_wait3A_2557 = tpu.memref_squeeze %dma_wait3A_2556 : memref<1x2x128xi32, #tpu.memory_space<hbm>> -> memref<2x128xi32, #tpu.memory_space<hbm>>
      %dma_wait3A_2558 = tpu.memref_slice %arg9[%dma_wait3A_2549] : memref<6x!tpu.dma_semaphore, #tpu.memory_space<semaphore_mem>> -> memref<1x!tpu.dma_semaphore, #tpu.memory_space<semaphore_mem>>
      %dma_wait3A_2559 = tpu.memref_squeeze %dma_wait3A_2558 : memref<1x!tpu.dma_semaphore, #tpu.memory_space<semaphore_mem>> -> memref<!tpu.dma_semaphore, #tpu.memory_space<semaphore_mem>>
      %dma_wait3A_2560 = arith.constant 0 : i32
      %dma_wait3A_2561 = arith.constant 0 : i32
      %dma_wait3A_2562 = tpu.memref_slice %arg5[%dma_wait3A_2548, %dma_wait3A_2560, %dma_wait3A_2561] : memref<6x2x128xi32, #tpu.memory_space<vmem>> -> memref<1x2x128xi32, #tpu.memory_space<vmem>>
      %dma_wait3A_2563 = tpu.memref_squeeze %dma_wait3A_2562 : memref<1x2x128xi32, #tpu.memory_space<vmem>> -> memref<2x128xi32, #tpu.memory_space<vmem>>
      %dma_wait3A_2564 = arith.constant 0 : i32
      %dma_wait3A_2565 = arith.constant 0 : i32
      %dma_wait3A_2566 = tpu.memref_slice %arg2[%dma_wait3A_2547, %dma_wait3A_2564, %dma_wait3A_2565] : memref<6400x2x128xi32, #tpu.memory_space<hbm>> -> memref<1x2x128xi32, #tpu.memory_space<hbm>>
      %dma_wait3A_2567 = tpu.memref_squeeze %dma_wait3A_2566 : memref<1x2x128xi32, #tpu.memory_space<hbm>> -> memref<2x128xi32, #tpu.memory_space<hbm>>
      tpu.wait_dma2 semaphore(%dma_wait3A_2559 : memref<!tpu.dma_semaphore, #tpu.memory_space<semaphore_mem>>) src(%dma_wait3A_2567 : memref<2x128xi32, #tpu.memory_space<hbm>>) dst(%dma_wait3A_2563 : memref<2x128xi32, #tpu.memory_space<vmem>>)
      %get3A_2568 = arith.constant 3 : i32
      %get3A_2569 = arith.constant 0 : i32
      %get3A_2570 = arith.index_cast %get3A_2568 : i32 to index
      %get3A_2571 = arith.index_cast %get3A_2569 : i32 to index
      %get3A_2572 = arith.constant 0 : index
      %get3A_2573 = tpu.vector_load %arg5[%get3A_2570, %get3A_2571, %get3A_2572] {strides = array<i32>} : memref<6x2x128xi32, #tpu.memory_space<vmem>>, vector<1x1x16xi32>,
      %get3A_2574 = vector.shape_cast %get3A_2573 : vector<1x1x16xi32> to vector<16xi32>
      %get3A_2575 = arith.constant 3 : i32
      %get3A_2576 = arith.constant 1 : i32
      %get3A_2577 = arith.index_cast %get3A_2575 : i32 to index
      %get3A_2578 = arith.index_cast %get3A_2576 : i32 to index
      %get3A_2579 = arith.constant 0 : index
      %get3A_2580 = tpu.vector_load %arg5[%get3A_2577, %get3A_2578, %get3A_2579] {strides = array<i32>} : memref<6x2x128xi32, #tpu.memory_space<vmem>>, vector<1x1x16xi32>,
      %get3A_2581 = vector.shape_cast %get3A_2580 : vector<1x1x16xi32> to vector<16xi32>
      %eq3A_2582 = arith.constant 0 : i32
      %eq3A_2583 = vector.broadcast %eq3A_2582 : i32 to vector<16xi32>
      %eq3A_2584 = arith.cmpi eq, %get3A_2574, %eq3A_2583 : vector<16xi32>
      %sub3A_2585 = arith.subi %get3A_2581, %get3A_2574 : vector<16xi32>
      %add3A_2586 = arith.constant 1 : i32
      %add3A_2587 = vector.broadcast %add3A_2586 : i32 to vector<16xi32>
      %add3A_2588 = arith.addi %sub3A_2585, %add3A_2587 : vector<16xi32>
      %jit3A_2589 = arith.constant 0 : i32
      %broadcast_in_dim3A_2590 = vector.broadcast %jit3A_2589 : i32 to vector<16xi32>
      %select_n3A_2591 = arith.select %eq3A_2584, %broadcast_in_dim3A_2590, %add3A_2588 : vector<16xi1>, vector<16xi32>
      %swap3A_2592 = arith.constant 3 : i32
      %swap3A_2593 = arith.index_cast %swap3A_2592 : i32 to index
      %swap3A_2594 = arith.constant 0 : index
      %swap3A_2595 = tpu.vector_load %arg6[%swap3A_2593, %swap3A_2594] {strides = array<i32>} : memref<6x128xi32, #tpu.memory_space<vmem>>, vector<1x16xi32>,
      %swap3A_2596 = vector.shape_cast %swap3A_2595 : vector<1x16xi32> to vector<16xi32>
      %swap3A_2597 = vector.shape_cast %select_n3A_2591 : vector<16xi32> to vector<1x16xi32>
      tpu.vector_store %arg6[%swap3A_2593, %swap3A_2594], %swap3A_2597 {strides = array<i32>} : memref<6x128xi32, #tpu.memory_space<vmem>>, vector<1x16xi32>,
      %get3A_2598 = arith.constant 3 : i32
      %get3A_2599 = arith.constant 0 : i32
      %get3A_2600 = arith.index_cast %get3A_2598 : i32 to index
      %get3A_2601 = arith.index_cast %get3A_2599 : i32 to index
      %get3A_2602 = arith.constant 16 : index
      %get3A_2603 = tpu.vector_load %arg5[%get3A_2600, %get3A_2601, %get3A_2602] {strides = array<i32>} : memref<6x2x128xi32, #tpu.memory_space<vmem>>, vector<1x1x16xi32>,
      %get3A_2604 = vector.shape_cast %get3A_2603 : vector<1x1x16xi32> to vector<16xi32>
      %get3A_2605 = arith.constant 3 : i32
      %get3A_2606 = arith.constant 1 : i32
      %get3A_2607 = arith.index_cast %get3A_2605 : i32 to index
      %get3A_2608 = arith.index_cast %get3A_2606 : i32 to index
      %get3A_2609 = arith.constant 16 : index
      %get3A_2610 = tpu.vector_load %arg5[%get3A_2607, %get3A_2608, %get3A_2609] {strides = array<i32>} : memref<6x2x128xi32, #tpu.memory_space<vmem>>, vector<1x1x16xi32>,
      %get3A_2611 = vector.shape_cast %get3A_2610 : vector<1x1x16xi32> to vector<16xi32>
      %eq3A_2612 = arith.constant 0 : i32
      %eq3A_2613 = vector.broadcast %eq3A_2612 : i32 to vector<16xi32>
      %eq3A_2614 = arith.cmpi eq, %get3A_2604, %eq3A_2613 : vector<16xi32>
      %sub3A_2615 = arith.subi %get3A_2611, %get3A_2604 : vector<16xi32>
      %add3A_2616 = arith.constant 1 : i32
      %add3A_2617 = vector.broadcast %add3A_2616 : i32 to vector<16xi32>
      %add3A_2618 = arith.addi %sub3A_2615, %add3A_2617 : vector<16xi32>
      %jit3A_2619 = arith.constant 0 : i32
      %broadcast_in_dim3A_2620 = vector.broadcast %jit3A_2619 : i32 to vector<16xi32>
      %select_n3A_2621 = arith.select %eq3A_2614, %broadcast_in_dim3A_2620, %add3A_2618 : vector<16xi1>, vector<16xi32>
      %swap3A_2622 = arith.constant 3 : i32
      %swap3A_2623 = arith.index_cast %swap3A_2622 : i32 to index
      %swap3A_2624 = arith.constant 16 : index
      %swap3A_2625 = tpu.vector_load %arg6[%swap3A_2623, %swap3A_2624] {strides = array<i32>} : memref<6x128xi32, #tpu.memory_space<vmem>>, vector<1x16xi32>,
      %swap3A_2626 = vector.shape_cast %swap3A_2625 : vector<1x16xi32> to vector<16xi32>
      %swap3A_2627 = vector.shape_cast %select_n3A_2621 : vector<16xi32> to vector<1x16xi32>
      tpu.vector_store %arg6[%swap3A_2623, %swap3A_2624], %swap3A_2627 {strides = array<i32>} : memref<6x128xi32, #tpu.memory_space<vmem>>, vector<1x16xi32>,
      %get3A_2628 = arith.constant 3 : i32
      %get3A_2629 = arith.constant 0 : i32
      %get3A_2630 = arith.index_cast %get3A_2628 : i32 to index
      %get3A_2631 = arith.index_cast %get3A_2629 : i32 to index
      %get3A_2632 = arith.constant 32 : index
      %get3A_2633 = tpu.vector_load %arg5[%get3A_2630, %get3A_2631, %get3A_2632] {strides = array<i32>} : memref<6x2x128xi32, #tpu.memory_space<vmem>>, vector<1x1x16xi32>,
      %get3A_2634 = vector.shape_cast %get3A_2633 : vector<1x1x16xi32> to vector<16xi32>
      %get3A_2635 = arith.constant 3 : i32
      %get3A_2636 = arith.constant 1 : i32
      %get3A_2637 = arith.index_cast %get3A_2635 : i32 to index
      %get3A_2638 = arith.index_cast %get3A_2636 : i32 to index
      %get3A_2639 = arith.constant 32 : index
      %get3A_2640 = tpu.vector_load %arg5[%get3A_2637, %get3A_2638, %get3A_2639] {strides = array<i32>} : memref<6x2x128xi32, #tpu.memory_space<vmem>>, vector<1x1x16xi32>,
      %get3A_2641 = vector.shape_cast %get3A_2640 : vector<1x1x16xi32> to vector<16xi32>
      %eq3A_2642 = arith.constant 0 : i32
      %eq3A_2643 = vector.broadcast %eq3A_2642 : i32 to vector<16xi32>
      %eq3A_2644 = arith.cmpi eq, %get3A_2634, %eq3A_2643 : vector<16xi32>
      %sub3A_2645 = arith.subi %get3A_2641, %get3A_2634 : vector<16xi32>
      %add3A_2646 = arith.constant 1 : i32
      %add3A_2647 = vector.broadcast %add3A_2646 : i32 to vector<16xi32>
      %add3A_2648 = arith.addi %sub3A_2645, %add3A_2647 : vector<16xi32>
      %jit3A_2649 = arith.constant 0 : i32
      %broadcast_in_dim3A_2650 = vector.broadcast %jit3A_2649 : i32 to vector<16xi32>
      %select_n3A_2651 = arith.select %eq3A_2644, %broadcast_in_dim3A_2650, %add3A_2648 : vector<16xi1>, vector<16xi32>
      %swap3A_2652 = arith.constant 3 : i32
      %swap3A_2653 = arith.index_cast %swap3A_2652 : i32 to index
      %swap3A_2654 = arith.constant 32 : index
      %swap3A_2655 = tpu.vector_load %arg6[%swap3A_2653, %swap3A_2654] {strides = array<i32>} : memref<6x128xi32, #tpu.memory_space<vmem>>, vector<1x16xi32>,
      %swap3A_2656 = vector.shape_cast %swap3A_2655 : vector<1x16xi32> to vector<16xi32>
      %swap3A_2657 = vector.shape_cast %select_n3A_2651 : vector<16xi32> to vector<1x16xi32>
      tpu.vector_store %arg6[%swap3A_2653, %swap3A_2654], %swap3A_2657 {strides = array<i32>} : memref<6x128xi32, #tpu.memory_space<vmem>>, vector<1x16xi32>,
      %get3A_2658 = arith.constant 3 : i32
      %get3A_2659 = arith.constant 0 : i32
      %get3A_2660 = arith.index_cast %get3A_2658 : i32 to index
      %get3A_2661 = arith.index_cast %get3A_2659 : i32 to index
      %get3A_2662 = arith.constant 48 : index
      %get3A_2663 = tpu.vector_load %arg5[%get3A_2660, %get3A_2661, %get3A_2662] {strides = array<i32>} : memref<6x2x128xi32, #tpu.memory_space<vmem>>, vector<1x1x16xi32>,
      %get3A_2664 = vector.shape_cast %get3A_2663 : vector<1x1x16xi32> to vector<16xi32>
      %get3A_2665 = arith.constant 3 : i32
      %get3A_2666 = arith.constant 1 : i32
      %get3A_2667 = arith.index_cast %get3A_2665 : i32 to index
      %get3A_2668 = arith.index_cast %get3A_2666 : i32 to index
      %get3A_2669 = arith.constant 48 : index
      %get3A_2670 = tpu.vector_load %arg5[%get3A_2667, %get3A_2668, %get3A_2669] {strides = array<i32>} : memref<6x2x128xi32, #tpu.memory_space<vmem>>, vector<1x1x16xi32>,
      %get3A_2671 = vector.shape_cast %get3A_2670 : vector<1x1x16xi32> to vector<16xi32>
      %eq3A_2672 = arith.constant 0 : i32
      %eq3A_2673 = vector.broadcast %eq3A_2672 : i32 to vector<16xi32>
      %eq3A_2674 = arith.cmpi eq, %get3A_2664, %eq3A_2673 : vector<16xi32>
      %sub3A_2675 = arith.subi %get3A_2671, %get3A_2664 : vector<16xi32>
      %add3A_2676 = arith.constant 1 : i32
      %add3A_2677 = vector.broadcast %add3A_2676 : i32 to vector<16xi32>
      %add3A_2678 = arith.addi %sub3A_2675, %add3A_2677 : vector<16xi32>
      %jit3A_2679 = arith.constant 0 : i32
      %broadcast_in_dim3A_2680 = vector.broadcast %jit3A_2679 : i32 to vector<16xi32>
      %select_n3A_2681 = arith.select %eq3A_2674, %broadcast_in_dim3A_2680, %add3A_2678 : vector<16xi1>, vector<16xi32>
      %swap3A_2682 = arith.constant 3 : i32
      %swap3A_2683 = arith.index_cast %swap3A_2682 : i32 to index
      %swap3A_2684 = arith.constant 48 : index
      %swap3A_2685 = tpu.vector_load %arg6[%swap3A_2683, %swap3A_2684] {strides = array<i32>} : memref<6x128xi32, #tpu.memory_space<vmem>>, vector<1x16xi32>,
      %swap3A_2686 = vector.shape_cast %swap3A_2685 : vector<1x16xi32> to vector<16xi32>
      %swap3A_2687 = vector.shape_cast %select_n3A_2681 : vector<16xi32> to vector<1x16xi32>
      tpu.vector_store %arg6[%swap3A_2683, %swap3A_2684], %swap3A_2687 {strides = array<i32>} : memref<6x128xi32, #tpu.memory_space<vmem>>, vector<1x16xi32>,
      %get3A_2688 = arith.constant 3 : i32
      %get3A_2689 = arith.constant 0 : i32
      %get3A_2690 = arith.index_cast %get3A_2688 : i32 to index
      %get3A_2691 = arith.index_cast %get3A_2689 : i32 to index
      %get3A_2692 = arith.constant 64 : index
      %get3A_2693 = tpu.vector_load %arg5[%get3A_2690, %get3A_2691, %get3A_2692] {strides = array<i32>} : memref<6x2x128xi32, #tpu.memory_space<vmem>>, vector<1x1x16xi32>,
      %get3A_2694 = vector.shape_cast %get3A_2693 : vector<1x1x16xi32> to vector<16xi32>
      %get3A_2695 = arith.constant 3 : i32
      %get3A_2696 = arith.constant 1 : i32
      %get3A_2697 = arith.index_cast %get3A_2695 : i32 to index
      %get3A_2698 = arith.index_cast %get3A_2696 : i32 to index
      %get3A_2699 = arith.constant 64 : index
      %get3A_2700 = tpu.vector_load %arg5[%get3A_2697, %get3A_2698, %get3A_2699] {strides = array<i32>} : memref<6x2x128xi32, #tpu.memory_space<vmem>>, vector<1x1x16xi32>,
      %get3A_2701 = vector.shape_cast %get3A_2700 : vector<1x1x16xi32> to vector<16xi32>
      %eq3A_2702 = arith.constant 0 : i32
      %eq3A_2703 = vector.broadcast %eq3A_2702 : i32 to vector<16xi32>
      %eq3A_2704 = arith.cmpi eq, %get3A_2694, %eq3A_2703 : vector<16xi32>
      %sub3A_2705 = arith.subi %get3A_2701, %get3A_2694 : vector<16xi32>
      %add3A_2706 = arith.constant 1 : i32
      %add3A_2707 = vector.broadcast %add3A_2706 : i32 to vector<16xi32>
      %add3A_2708 = arith.addi %sub3A_2705, %add3A_2707 : vector<16xi32>
      %jit3A_2709 = arith.constant 0 : i32
      %broadcast_in_dim3A_2710 = vector.broadcast %jit3A_2709 : i32 to vector<16xi32>
      %select_n3A_2711 = arith.select %eq3A_2704, %broadcast_in_dim3A_2710, %add3A_2708 : vector<16xi1>, vector<16xi32>
      %swap3A_2712 = arith.constant 3 : i32
      %swap3A_2713 = arith.index_cast %swap3A_2712 : i32 to index
      %swap3A_2714 = arith.constant 64 : index
      %swap3A_2715 = tpu.vector_load %arg6[%swap3A_2713, %swap3A_2714] {strides = array<i32>} : memref<6x128xi32, #tpu.memory_space<vmem>>, vector<1x16xi32>,
      %swap3A_2716 = vector.shape_cast %swap3A_2715 : vector<1x16xi32> to vector<16xi32>
      %swap3A_2717 = vector.shape_cast %select_n3A_2711 : vector<16xi32> to vector<1x16xi32>
      tpu.vector_store %arg6[%swap3A_2713, %swap3A_2714], %swap3A_2717 {strides = array<i32>} : memref<6x128xi32, #tpu.memory_space<vmem>>, vector<1x16xi32>,
      %get3A_2718 = arith.constant 3 : i32
      %get3A_2719 = arith.constant 0 : i32
      %get3A_2720 = arith.index_cast %get3A_2718 : i32 to index
      %get3A_2721 = arith.index_cast %get3A_2719 : i32 to index
      %get3A_2722 = arith.constant 80 : index
      %get3A_2723 = tpu.vector_load %arg5[%get3A_2720, %get3A_2721, %get3A_2722] {strides = array<i32>} : memref<6x2x128xi32, #tpu.memory_space<vmem>>, vector<1x1x16xi32>,
      %get3A_2724 = vector.shape_cast %get3A_2723 : vector<1x1x16xi32> to vector<16xi32>
      %get3A_2725 = arith.constant 3 : i32
      %get3A_2726 = arith.constant 1 : i32
      %get3A_2727 = arith.index_cast %get3A_2725 : i32 to index
      %get3A_2728 = arith.index_cast %get3A_2726 : i32 to index
      %get3A_2729 = arith.constant 80 : index
      %get3A_2730 = tpu.vector_load %arg5[%get3A_2727, %get3A_2728, %get3A_2729] {strides = array<i32>} : memref<6x2x128xi32, #tpu.memory_space<vmem>>, vector<1x1x16xi32>,
      %get3A_2731 = vector.shape_cast %get3A_2730 : vector<1x1x16xi32> to vector<16xi32>
      %eq3A_2732 = arith.constant 0 : i32
      %eq3A_2733 = vector.broadcast %eq3A_2732 : i32 to vector<16xi32>
      %eq3A_2734 = arith.cmpi eq, %get3A_2724, %eq3A_2733 : vector<16xi32>
      %sub3A_2735 = arith.subi %get3A_2731, %get3A_2724 : vector<16xi32>
      %add3A_2736 = arith.constant 1 : i32
      %add3A_2737 = vector.broadcast %add3A_2736 : i32 to vector<16xi32>
      %add3A_2738 = arith.addi %sub3A_2735, %add3A_2737 : vector<16xi32>
      %jit3A_2739 = arith.constant 0 : i32
      %broadcast_in_dim3A_2740 = vector.broadcast %jit3A_2739 : i32 to vector<16xi32>
      %select_n3A_2741 = arith.select %eq3A_2734, %broadcast_in_dim3A_2740, %add3A_2738 : vector<16xi1>, vector<16xi32>
      %swap3A_2742 = arith.constant 3 : i32
      %swap3A_2743 = arith.index_cast %swap3A_2742 : i32 to index
      %swap3A_2744 = arith.constant 80 : index
      %swap3A_2745 = tpu.vector_load %arg6[%swap3A_2743, %swap3A_2744] {strides = array<i32>} : memref<6x128xi32, #tpu.memory_space<vmem>>, vector<1x16xi32>,
      %swap3A_2746 = vector.shape_cast %swap3A_2745 : vector<1x16xi32> to vector<16xi32>
      %swap3A_2747 = vector.shape_cast %select_n3A_2741 : vector<16xi32> to vector<1x16xi32>
      tpu.vector_store %arg6[%swap3A_2743, %swap3A_2744], %swap3A_2747 {strides = array<i32>} : memref<6x128xi32, #tpu.memory_space<vmem>>, vector<1x16xi32>,
      %get3A_2748 = arith.constant 3 : i32
      %get3A_2749 = arith.constant 0 : i32
      %get3A_2750 = arith.index_cast %get3A_2748 : i32 to index
      %get3A_2751 = arith.index_cast %get3A_2749 : i32 to index
      %get3A_2752 = arith.constant 96 : index
      %get3A_2753 = tpu.vector_load %arg5[%get3A_2750, %get3A_2751, %get3A_2752] {strides = array<i32>} : memref<6x2x128xi32, #tpu.memory_space<vmem>>, vector<1x1x16xi32>,
      %get3A_2754 = vector.shape_cast %get3A_2753 : vector<1x1x16xi32> to vector<16xi32>
      %get3A_2755 = arith.constant 3 : i32
      %get3A_2756 = arith.constant 1 : i32
      %get3A_2757 = arith.index_cast %get3A_2755 : i32 to index
      %get3A_2758 = arith.index_cast %get3A_2756 : i32 to index
      %get3A_2759 = arith.constant 96 : index
      %get3A_2760 = tpu.vector_load %arg5[%get3A_2757, %get3A_2758, %get3A_2759] {strides = array<i32>} : memref<6x2x128xi32, #tpu.memory_space<vmem>>, vector<1x1x16xi32>,
      %get3A_2761 = vector.shape_cast %get3A_2760 : vector<1x1x16xi32> to vector<16xi32>
      %eq3A_2762 = arith.constant 0 : i32
      %eq3A_2763 = vector.broadcast %eq3A_2762 : i32 to vector<16xi32>
      %eq3A_2764 = arith.cmpi eq, %get3A_2754, %eq3A_2763 : vector<16xi32>
      %sub3A_2765 = arith.subi %get3A_2761, %get3A_2754 : vector<16xi32>
      %add3A_2766 = arith.constant 1 : i32
      %add3A_2767 = vector.broadcast %add3A_2766 : i32 to vector<16xi32>
      %add3A_2768 = arith.addi %sub3A_2765, %add3A_2767 : vector<16xi32>
      %jit3A_2769 = arith.constant 0 : i32
      %broadcast_in_dim3A_2770 = vector.broadcast %jit3A_2769 : i32 to vector<16xi32>
      %select_n3A_2771 = arith.select %eq3A_2764, %broadcast_in_dim3A_2770, %add3A_2768 : vector<16xi1>, vector<16xi32>
      %swap3A_2772 = arith.constant 3 : i32
      %swap3A_2773 = arith.index_cast %swap3A_2772 : i32 to index
      %swap3A_2774 = arith.constant 96 : index
      %swap3A_2775 = tpu.vector_load %arg6[%swap3A_2773, %swap3A_2774] {strides = array<i32>} : memref<6x128xi32, #tpu.memory_space<vmem>>, vector<1x16xi32>,
      %swap3A_2776 = vector.shape_cast %swap3A_2775 : vector<1x16xi32> to vector<16xi32>
      %swap3A_2777 = vector.shape_cast %select_n3A_2771 : vector<16xi32> to vector<1x16xi32>
      tpu.vector_store %arg6[%swap3A_2773, %swap3A_2774], %swap3A_2777 {strides = array<i32>} : memref<6x128xi32, #tpu.memory_space<vmem>>, vector<1x16xi32>,
      %get3A_2778 = arith.constant 3 : i32
      %get3A_2779 = arith.constant 0 : i32
      %get3A_2780 = arith.index_cast %get3A_2778 : i32 to index
      %get3A_2781 = arith.index_cast %get3A_2779 : i32 to index
      %get3A_2782 = arith.constant 112 : index
      %get3A_2783 = tpu.vector_load %arg5[%get3A_2780, %get3A_2781, %get3A_2782] {strides = array<i32>} : memref<6x2x128xi32, #tpu.memory_space<vmem>>, vector<1x1x16xi32>,
      %get3A_2784 = vector.shape_cast %get3A_2783 : vector<1x1x16xi32> to vector<16xi32>
      %get3A_2785 = arith.constant 3 : i32
      %get3A_2786 = arith.constant 1 : i32
      %get3A_2787 = arith.index_cast %get3A_2785 : i32 to index
      %get3A_2788 = arith.index_cast %get3A_2786 : i32 to index
      %get3A_2789 = arith.constant 112 : index
      %get3A_2790 = tpu.vector_load %arg5[%get3A_2787, %get3A_2788, %get3A_2789] {strides = array<i32>} : memref<6x2x128xi32, #tpu.memory_space<vmem>>, vector<1x1x16xi32>,
      %get3A_2791 = vector.shape_cast %get3A_2790 : vector<1x1x16xi32> to vector<16xi32>
      %eq3A_2792 = arith.constant 0 : i32
      %eq3A_2793 = vector.broadcast %eq3A_2792 : i32 to vector<16xi32>
      %eq3A_2794 = arith.cmpi eq, %get3A_2784, %eq3A_2793 : vector<16xi32>
      %sub3A_2795 = arith.subi %get3A_2791, %get3A_2784 : vector<16xi32>
      %add3A_2796 = arith.constant 1 : i32
      %add3A_2797 = vector.broadcast %add3A_2796 : i32 to vector<16xi32>
      %add3A_2798 = arith.addi %sub3A_2795, %add3A_2797 : vector<16xi32>
      %jit3A_2799 = arith.constant 0 : i32
      %broadcast_in_dim3A_2800 = vector.broadcast %jit3A_2799 : i32 to vector<16xi32>
      %select_n3A_2801 = arith.select %eq3A_2794, %broadcast_in_dim3A_2800, %add3A_2798 : vector<16xi1>, vector<16xi32>
      %swap3A_2802 = arith.constant 3 : i32
      %swap3A_2803 = arith.index_cast %swap3A_2802 : i32 to index
      %swap3A_2804 = arith.constant 112 : index
      %swap3A_2805 = tpu.vector_load %arg6[%swap3A_2803, %swap3A_2804] {strides = array<i32>} : memref<6x128xi32, #tpu.memory_space<vmem>>, vector<1x16xi32>,
      %swap3A_2806 = vector.shape_cast %swap3A_2805 : vector<1x16xi32> to vector<16xi32>
      %swap3A_2807 = vector.shape_cast %select_n3A_2801 : vector<16xi32> to vector<1x16xi32>
      tpu.vector_store %arg6[%swap3A_2803, %swap3A_2804], %swap3A_2807 {strides = array<i32>} : memref<6x128xi32, #tpu.memory_space<vmem>>, vector<1x16xi32>,
      %ge3A_2808 = arith.constant 1 : i32
      %ge3A_2809 = arith.cmpi sge, %scan3A_1546, %ge3A_2808 : i32
      %convert_element_type3A_2810 = arith.extui %ge3A_2809 : i1 to i32
      %cond3A_2811 = arith.constant 0 : i32
      %cond3A_2812 = arith.cmpi ne, %convert_element_type3A_2810, %cond3A_2811 : i32
      scf.if %cond3A_2812 {
        %dma_wait3A_3618 = arith.constant 4 : i32
        %dma_wait3A_3619 = arith.constant 4 : i32
        %dma_wait3A_3620 = arith.constant 0 : i32
        %dma_wait3A_3621 = arith.constant 0 : i32
        %dma_wait3A_3622 = tpu.memref_slice %arg7[%dma_wait3A_3618, %dma_wait3A_3620, %dma_wait3A_3621] : memref<6x128x64xf32, #tpu.memory_space<vmem>> -> memref<1x128x64xf32, #tpu.memory_space<vmem>>
        %dma_wait3A_3623 = tpu.memref_squeeze %dma_wait3A_3622 : memref<1x128x64xf32, #tpu.memory_space<vmem>> -> memref<128x64xf32, #tpu.memory_space<vmem>>
        %dma_wait3A_3624 = arith.constant 0 : i32
        %dma_wait3A_3625 = arith.constant 0 : i32
        %dma_wait3A_3626 = tpu.memref_slice %arg3[%dma_wait3A_3624, %dma_wait3A_3625] : memref<100001x64xf32, #tpu.memory_space<hbm>> -> memref<128x64xf32, #tpu.memory_space<hbm>>
        %dma_wait3A_3627 = tpu.memref_slice %arg10[%dma_wait3A_3619] : memref<6x!tpu.dma_semaphore, #tpu.memory_space<semaphore_mem>> -> memref<1x!tpu.dma_semaphore, #tpu.memory_space<semaphore_mem>>
        %dma_wait3A_3628 = tpu.memref_squeeze %dma_wait3A_3627 : memref<1x!tpu.dma_semaphore, #tpu.memory_space<semaphore_mem>> -> memref<!tpu.dma_semaphore, #tpu.memory_space<semaphore_mem>>
        %dma_wait3A_3629 = arith.constant 0 : i32
        %dma_wait3A_3630 = arith.constant 0 : i32
        %dma_wait3A_3631 = tpu.memref_slice %arg7[%dma_wait3A_3618, %dma_wait3A_3629, %dma_wait3A_3630] : memref<6x128x64xf32, #tpu.memory_space<vmem>> -> memref<1x128x64xf32, #tpu.memory_space<vmem>>
        %dma_wait3A_3632 = tpu.memref_squeeze %dma_wait3A_3631 : memref<1x128x64xf32, #tpu.memory_space<vmem>> -> memref<128x64xf32, #tpu.memory_space<vmem>>
        %dma_wait3A_3633 = arith.constant 0 : i32
        %dma_wait3A_3634 = arith.constant 0 : i32
        %dma_wait3A_3635 = tpu.memref_slice %arg3[%dma_wait3A_3633, %dma_wait3A_3634] : memref<100001x64xf32, #tpu.memory_space<hbm>> -> memref<128x64xf32, #tpu.memory_space<hbm>>
        tpu.wait_dma2 semaphore(%dma_wait3A_3628 : memref<!tpu.dma_semaphore, #tpu.memory_space<semaphore_mem>>) src(%dma_wait3A_3635 : memref<128x64xf32, #tpu.memory_space<hbm>>) dst(%dma_wait3A_3632 : memref<128x64xf32, #tpu.memory_space<vmem>>)
        %dma_wait3A_3636 = arith.constant 4 : i32
        %dma_wait3A_3637 = arith.constant 4 : i32
        %dma_wait3A_3638 = arith.constant 0 : i32
        %dma_wait3A_3639 = arith.constant 0 : i32
        %dma_wait3A_3640 = tpu.memref_slice %arg8[%dma_wait3A_3636, %dma_wait3A_3638, %dma_wait3A_3639] : memref<6x128x64xf32, #tpu.memory_space<vmem>> -> memref<1x128x64xf32, #tpu.memory_space<vmem>>
        %dma_wait3A_3641 = tpu.memref_squeeze %dma_wait3A_3640 : memref<1x128x64xf32, #tpu.memory_space<vmem>> -> memref<128x64xf32, #tpu.memory_space<vmem>>
        %dma_wait3A_3642 = arith.constant 0 : i32
        %dma_wait3A_3643 = arith.constant 0 : i32
        %dma_wait3A_3644 = tpu.memref_slice %arg3[%dma_wait3A_3642, %dma_wait3A_3643] : memref<100001x64xf32, #tpu.memory_space<hbm>> -> memref<128x64xf32, #tpu.memory_space<hbm>>
        %dma_wait3A_3645 = tpu.memref_slice %arg10[%dma_wait3A_3637] : memref<6x!tpu.dma_semaphore, #tpu.memory_space<semaphore_mem>> -> memref<1x!tpu.dma_semaphore, #tpu.memory_space<semaphore_mem>>
        %dma_wait3A_3646 = tpu.memref_squeeze %dma_wait3A_3645 : memref<1x!tpu.dma_semaphore, #tpu.memory_space<semaphore_mem>> -> memref<!tpu.dma_semaphore, #tpu.memory_space<semaphore_mem>>
        %dma_wait3A_3647 = arith.constant 0 : i32
        %dma_wait3A_3648 = arith.constant 0 : i32
        %dma_wait3A_3649 = tpu.memref_slice %arg8[%dma_wait3A_3636, %dma_wait3A_3647, %dma_wait3A_3648] : memref<6x128x64xf32, #tpu.memory_space<vmem>> -> memref<1x128x64xf32, #tpu.memory_space<vmem>>
        %dma_wait3A_3650 = tpu.memref_squeeze %dma_wait3A_3649 : memref<1x128x64xf32, #tpu.memory_space<vmem>> -> memref<128x64xf32, #tpu.memory_space<vmem>>
        %dma_wait3A_3651 = arith.constant 0 : i32
        %dma_wait3A_3652 = arith.constant 0 : i32
        %dma_wait3A_3653 = tpu.memref_slice %arg3[%dma_wait3A_3651, %dma_wait3A_3652] : memref<100001x64xf32, #tpu.memory_space<hbm>> -> memref<128x64xf32, #tpu.memory_space<hbm>>
        tpu.wait_dma2 semaphore(%dma_wait3A_3646 : memref<!tpu.dma_semaphore, #tpu.memory_space<semaphore_mem>>) src(%dma_wait3A_3653 : memref<128x64xf32, #tpu.memory_space<hbm>>) dst(%dma_wait3A_3650 : memref<128x64xf32, #tpu.memory_space<vmem>>)
        %sub3A_3654 = arith.constant 5 : i32
        %sub3A_3655 = arith.subi %add3A_2546, %sub3A_3654 : i32
        %add3A_3656 = arith.addi %mul3A_2, %sub3A_3655 : i32
        %mul3A_3657 = arith.constant 128 : i32
        %mul3A_3658 = arith.muli %add3A_3656, %mul3A_3657 : i32
        %dma_start3A_3659 = arith.constant 4 : i32
        %dma_start3A_3660 = arith.constant 0 : i32
        %dma_start3A_3661 = arith.constant 4 : i32
        %dma_start3A_3662 = arith.constant 0 : i32
        %dma_start3A_3663 = arith.constant 0 : i32
        %dma_start3A_3664 = arith.constant 0 : i32
        %dma_start3A_3665 = tpu.memref_slice %arg7[%dma_start3A_3659, %dma_start3A_3663, %dma_start3A_3664] : memref<6x128x64xf32, #tpu.memory_space<vmem>> -> memref<1x128x64xf32, #tpu.memory_space<vmem>>
        %dma_start3A_3666 = tpu.memref_squeeze %dma_start3A_3665 : memref<1x128x64xf32, #tpu.memory_space<vmem>> -> memref<128x64xf32, #tpu.memory_space<vmem>>
        %dma_start3A_3667 = arith.constant 0 : i32
        %dma_start3A_3668 = tpu.memref_slice %arg4[%mul3A_3658, %dma_start3A_3660, %dma_start3A_3667] : memref<819200x2x64xf32, #tpu.memory_space<hbm>> -> memref<128x1x64xf32, #tpu.memory_space<hbm>>
        %dma_start3A_3669 = tpu.memref_squeeze %dma_start3A_3668 : memref<128x1x64xf32, #tpu.memory_space<hbm>> -> memref<128x64xf32, #tpu.memory_space<hbm>>
        %dma_start3A_3670 = tpu.memref_slice %arg11[%dma_start3A_3661, %dma_start3A_3662] : memref<6x2x!tpu.dma_semaphore, #tpu.memory_space<semaphore_mem>> -> memref<1x1x!tpu.dma_semaphore, #tpu.memory_space<semaphore_mem>>
        %dma_start3A_3671 = tpu.memref_squeeze %dma_start3A_3670 : memref<1x1x!tpu.dma_semaphore, #tpu.memory_space<semaphore_mem>> -> memref<!tpu.dma_semaphore, #tpu.memory_space<semaphore_mem>>
        %dma_start3A_3672 = arith.constant 0 : i32
        %dma_start3A_3673 = tpu.memref_slice %arg4[%mul3A_3658, %dma_start3A_3660, %dma_start3A_3672] : memref<819200x2x64xf32, #tpu.memory_space<hbm>> -> memref<128x1x64xf32, #tpu.memory_space<hbm>>
        %dma_start3A_3674 = tpu.memref_squeeze %dma_start3A_3673 : memref<128x1x64xf32, #tpu.memory_space<hbm>> -> memref<128x64xf32, #tpu.memory_space<hbm>>
        %dma_start3A_3675 = arith.constant 0 : i32
        %dma_start3A_3676 = arith.constant 0 : i32
        %dma_start3A_3677 = tpu.memref_slice %arg7[%dma_start3A_3659, %dma_start3A_3675, %dma_start3A_3676] : memref<6x128x64xf32, #tpu.memory_space<vmem>> -> memref<1x128x64xf32, #tpu.memory_space<vmem>>
        %dma_start3A_3678 = tpu.memref_squeeze %dma_start3A_3677 : memref<1x128x64xf32, #tpu.memory_space<vmem>> -> memref<128x64xf32, #tpu.memory_space<vmem>>
        tpu.enqueue_dma source(%dma_start3A_3678 : memref<128x64xf32, #tpu.memory_space<vmem>>) target(%dma_start3A_3674 : memref<128x64xf32, #tpu.memory_space<hbm>>) target_semaphore(%dma_start3A_3671 : memref<!tpu.dma_semaphore, #tpu.memory_space<semaphore_mem>>)
        %dma_start3A_3679 = arith.constant 4 : i32
        %dma_start3A_3680 = arith.constant 1 : i32
        %dma_start3A_3681 = arith.constant 4 : i32
        %dma_start3A_3682 = arith.constant 1 : i32
        %dma_start3A_3683 = arith.constant 0 : i32
        %dma_start3A_3684 = arith.constant 0 : i32
        %dma_start3A_3685 = tpu.memref_slice %arg8[%dma_start3A_3679, %dma_start3A_3683, %dma_start3A_3684] : memref<6x128x64xf32, #tpu.memory_space<vmem>> -> memref<1x128x64xf32, #tpu.memory_space<vmem>>
        %dma_start3A_3686 = tpu.memref_squeeze %dma_start3A_3685 : memref<1x128x64xf32, #tpu.memory_space<vmem>> -> memref<128x64xf32, #tpu.memory_space<vmem>>
        %dma_start3A_3687 = arith.constant 0 : i32
        %dma_start3A_3688 = tpu.memref_slice %arg4[%mul3A_3658, %dma_start3A_3680, %dma_start3A_3687] : memref<819200x2x64xf32, #tpu.memory_space<hbm>> -> memref<128x1x64xf32, #tpu.memory_space<hbm>>
        %dma_start3A_3689 = tpu.memref_squeeze %dma_start3A_3688 : memref<128x1x64xf32, #tpu.memory_space<hbm>> -> memref<128x64xf32, #tpu.memory_space<hbm>>
        %dma_start3A_3690 = tpu.memref_slice %arg11[%dma_start3A_3681, %dma_start3A_3682] : memref<6x2x!tpu.dma_semaphore, #tpu.memory_space<semaphore_mem>> -> memref<1x1x!tpu.dma_semaphore, #tpu.memory_space<semaphore_mem>>
        %dma_start3A_3691 = tpu.memref_squeeze %dma_start3A_3690 : memref<1x1x!tpu.dma_semaphore, #tpu.memory_space<semaphore_mem>> -> memref<!tpu.dma_semaphore, #tpu.memory_space<semaphore_mem>>
        %dma_start3A_3692 = arith.constant 0 : i32
        %dma_start3A_3693 = tpu.memref_slice %arg4[%mul3A_3658, %dma_start3A_3680, %dma_start3A_3692] : memref<819200x2x64xf32, #tpu.memory_space<hbm>> -> memref<128x1x64xf32, #tpu.memory_space<hbm>>
        %dma_start3A_3694 = tpu.memref_squeeze %dma_start3A_3693 : memref<128x1x64xf32, #tpu.memory_space<hbm>> -> memref<128x64xf32, #tpu.memory_space<hbm>>
        %dma_start3A_3695 = arith.constant 0 : i32
        %dma_start3A_3696 = arith.constant 0 : i32
        %dma_start3A_3697 = tpu.memref_slice %arg8[%dma_start3A_3679, %dma_start3A_3695, %dma_start3A_3696] : memref<6x128x64xf32, #tpu.memory_space<vmem>> -> memref<1x128x64xf32, #tpu.memory_space<vmem>>
        %dma_start3A_3698 = tpu.memref_squeeze %dma_start3A_3697 : memref<1x128x64xf32, #tpu.memory_space<vmem>> -> memref<128x64xf32, #tpu.memory_space<vmem>>
        tpu.enqueue_dma source(%dma_start3A_3698 : memref<128x64xf32, #tpu.memory_space<vmem>>) target(%dma_start3A_3694 : memref<128x64xf32, #tpu.memory_space<hbm>>) target_semaphore(%dma_start3A_3691 : memref<!tpu.dma_semaphore, #tpu.memory_space<semaphore_mem>>)
      } else {
      }
      %add3A_2813 = arith.constant 1 : i32
      %add3A_2814 = arith.addi %add3A_2546, %add3A_2813 : i32
      %add3A_2815 = arith.addi %mul3A_2, %add3A_2814 : i32
      %dma_start3A_2816 = arith.constant 4 : i32
      %dma_start3A_2817 = arith.constant 4 : i32
      %dma_start3A_2818 = arith.constant 0 : i32
      %dma_start3A_2819 = arith.constant 0 : i32
      %dma_start3A_2820 = tpu.memref_slice %arg5[%dma_start3A_2816, %dma_start3A_2818, %dma_start3A_2819] : memref<6x2x128xi32, #tpu.memory_space<vmem>> -> memref<1x2x128xi32, #tpu.memory_space<vmem>>
      %dma_start3A_2821 = tpu.memref_squeeze %dma_start3A_2820 : memref<1x2x128xi32, #tpu.memory_space<vmem>> -> memref<2x128xi32, #tpu.memory_space<vmem>>
      %dma_start3A_2822 = arith.constant 0 : i32
      %dma_start3A_2823 = arith.constant 0 : i32
      %dma_start3A_2824 = tpu.memref_slice %arg2[%add3A_2815, %dma_start3A_2822, %dma_start3A_2823] : memref<6400x2x128xi32, #tpu.memory_space<hbm>> -> memref<1x2x128xi32, #tpu.memory_space<hbm>>
      %dma_start3A_2825 = tpu.memref_squeeze %dma_start3A_2824 : memref<1x2x128xi32, #tpu.memory_space<hbm>> -> memref<2x128xi32, #tpu.memory_space<hbm>>
      %dma_start3A_2826 = tpu.memref_slice %arg9[%dma_start3A_2817] : memref<6x!tpu.dma_semaphore, #tpu.memory_space<semaphore_mem>> -> memref<1x!tpu.dma_semaphore, #tpu.memory_space<semaphore_mem>>
      %dma_start3A_2827 = tpu.memref_squeeze %dma_start3A_2826 : memref<1x!tpu.dma_semaphore, #tpu.memory_space<semaphore_mem>> -> memref<!tpu.dma_semaphore, #tpu.memory_space<semaphore_mem>>
      %dma_start3A_2828 = arith.constant 0 : i32
      %dma_start3A_2829 = arith.constant 0 : i32
      %dma_start3A_2830 = tpu.memref_slice %arg5[%dma_start3A_2816, %dma_start3A_2828, %dma_start3A_2829] : memref<6x2x128xi32, #tpu.memory_space<vmem>> -> memref<1x2x128xi32, #tpu.memory_space<vmem>>
      %dma_start3A_2831 = tpu.memref_squeeze %dma_start3A_2830 : memref<1x2x128xi32, #tpu.memory_space<vmem>> -> memref<2x128xi32, #tpu.memory_space<vmem>>
      %dma_start3A_2832 = arith.constant 0 : i32
      %dma_start3A_2833 = arith.constant 0 : i32
      %dma_start3A_2834 = tpu.memref_slice %arg2[%add3A_2815, %dma_start3A_2832, %dma_start3A_2833] : memref<6400x2x128xi32, #tpu.memory_space<hbm>> -> memref<1x2x128xi32, #tpu.memory_space<hbm>>
      %dma_start3A_2835 = tpu.memref_squeeze %dma_start3A_2834 : memref<1x2x128xi32, #tpu.memory_space<hbm>> -> memref<2x128xi32, #tpu.memory_space<hbm>>
      tpu.enqueue_dma source(%dma_start3A_2835 : memref<2x128xi32, #tpu.memory_space<hbm>>) target(%dma_start3A_2831 : memref<2x128xi32, #tpu.memory_space<vmem>>) target_semaphore(%dma_start3A_2827 : memref<!tpu.dma_semaphore, #tpu.memory_space<semaphore_mem>>)
      %ge3A_2836 = arith.constant 1 : i32
      %ge3A_2837 = arith.cmpi sge, %scan3A_1546, %ge3A_2836 : i32
      %convert_element_type3A_2838 = arith.extui %ge3A_2837 : i1 to i32
      %cond3A_2839 = arith.constant 0 : i32
      %cond3A_2840 = arith.cmpi ne, %convert_element_type3A_2838, %cond3A_2839 : i32
      scf.if %cond3A_2840 {
        %dma_wait3A_3618 = arith.constant 3 : i32
        %dma_wait3A_3619 = arith.constant 0 : i32
        %dma_wait3A_3620 = arith.constant 3 : i32
        %dma_wait3A_3621 = arith.constant 0 : i32
        %dma_wait3A_3622 = arith.constant 0 : i32
        %dma_wait3A_3623 = arith.constant 0 : i32
        %dma_wait3A_3624 = tpu.memref_slice %arg7[%dma_wait3A_3618, %dma_wait3A_3622, %dma_wait3A_3623] : memref<6x128x64xf32, #tpu.memory_space<vmem>> -> memref<1x128x64xf32, #tpu.memory_space<vmem>>
        %dma_wait3A_3625 = tpu.memref_squeeze %dma_wait3A_3624 : memref<1x128x64xf32, #tpu.memory_space<vmem>> -> memref<128x64xf32, #tpu.memory_space<vmem>>
        %dma_wait3A_3626 = arith.constant 0 : i32
        %dma_wait3A_3627 = arith.constant 0 : i32
        %dma_wait3A_3628 = tpu.memref_slice %arg4[%dma_wait3A_3626, %dma_wait3A_3619, %dma_wait3A_3627] : memref<819200x2x64xf32, #tpu.memory_space<hbm>> -> memref<128x1x64xf32, #tpu.memory_space<hbm>>
        %dma_wait3A_3629 = tpu.memref_squeeze %dma_wait3A_3628 : memref<128x1x64xf32, #tpu.memory_space<hbm>> -> memref<128x64xf32, #tpu.memory_space<hbm>>
        %dma_wait3A_3630 = tpu.memref_slice %arg11[%dma_wait3A_3620, %dma_wait3A_3621] : memref<6x2x!tpu.dma_semaphore, #tpu.memory_space<semaphore_mem>> -> memref<1x1x!tpu.dma_semaphore, #tpu.memory_space<semaphore_mem>>
        %dma_wait3A_3631 = tpu.memref_squeeze %dma_wait3A_3630 : memref<1x1x!tpu.dma_semaphore, #tpu.memory_space<semaphore_mem>> -> memref<!tpu.dma_semaphore, #tpu.memory_space<semaphore_mem>>
        %dma_wait3A_3632 = arith.constant 0 : i32
        %dma_wait3A_3633 = arith.constant 0 : i32
        %dma_wait3A_3634 = tpu.memref_slice %arg4[%dma_wait3A_3632, %dma_wait3A_3619, %dma_wait3A_3633] : memref<819200x2x64xf32, #tpu.memory_space<hbm>> -> memref<128x1x64xf32, #tpu.memory_space<hbm>>
        %dma_wait3A_3635 = tpu.memref_squeeze %dma_wait3A_3634 : memref<128x1x64xf32, #tpu.memory_space<hbm>> -> memref<128x64xf32, #tpu.memory_space<hbm>>
        %dma_wait3A_3636 = arith.constant 0 : i32
        %dma_wait3A_3637 = arith.constant 0 : i32
        %dma_wait3A_3638 = tpu.memref_slice %arg7[%dma_wait3A_3618, %dma_wait3A_3636, %dma_wait3A_3637] : memref<6x128x64xf32, #tpu.memory_space<vmem>> -> memref<1x128x64xf32, #tpu.memory_space<vmem>>
        %dma_wait3A_3639 = tpu.memref_squeeze %dma_wait3A_3638 : memref<1x128x64xf32, #tpu.memory_space<vmem>> -> memref<128x64xf32, #tpu.memory_space<vmem>>
        tpu.wait_dma2 semaphore(%dma_wait3A_3631 : memref<!tpu.dma_semaphore, #tpu.memory_space<semaphore_mem>>) src(%dma_wait3A_3639 : memref<128x64xf32, #tpu.memory_space<vmem>>) dst(%dma_wait3A_3635 : memref<128x64xf32, #tpu.memory_space<hbm>>)
        %dma_wait3A_3640 = arith.constant 3 : i32
        %dma_wait3A_3641 = arith.constant 1 : i32
        %dma_wait3A_3642 = arith.constant 3 : i32
        %dma_wait3A_3643 = arith.constant 1 : i32
        %dma_wait3A_3644 = arith.constant 0 : i32
        %dma_wait3A_3645 = arith.constant 0 : i32
        %dma_wait3A_3646 = tpu.memref_slice %arg8[%dma_wait3A_3640, %dma_wait3A_3644, %dma_wait3A_3645] : memref<6x128x64xf32, #tpu.memory_space<vmem>> -> memref<1x128x64xf32, #tpu.memory_space<vmem>>
        %dma_wait3A_3647 = tpu.memref_squeeze %dma_wait3A_3646 : memref<1x128x64xf32, #tpu.memory_space<vmem>> -> memref<128x64xf32, #tpu.memory_space<vmem>>
        %dma_wait3A_3648 = arith.constant 0 : i32
        %dma_wait3A_3649 = arith.constant 0 : i32
        %dma_wait3A_3650 = tpu.memref_slice %arg4[%dma_wait3A_3648, %dma_wait3A_3641, %dma_wait3A_3649] : memref<819200x2x64xf32, #tpu.memory_space<hbm>> -> memref<128x1x64xf32, #tpu.memory_space<hbm>>
        %dma_wait3A_3651 = tpu.memref_squeeze %dma_wait3A_3650 : memref<128x1x64xf32, #tpu.memory_space<hbm>> -> memref<128x64xf32, #tpu.memory_space<hbm>>
        %dma_wait3A_3652 = tpu.memref_slice %arg11[%dma_wait3A_3642, %dma_wait3A_3643] : memref<6x2x!tpu.dma_semaphore, #tpu.memory_space<semaphore_mem>> -> memref<1x1x!tpu.dma_semaphore, #tpu.memory_space<semaphore_mem>>
        %dma_wait3A_3653 = tpu.memref_squeeze %dma_wait3A_3652 : memref<1x1x!tpu.dma_semaphore, #tpu.memory_space<semaphore_mem>> -> memref<!tpu.dma_semaphore, #tpu.memory_space<semaphore_mem>>
        %dma_wait3A_3654 = arith.constant 0 : i32
        %dma_wait3A_3655 = arith.constant 0 : i32
        %dma_wait3A_3656 = tpu.memref_slice %arg4[%dma_wait3A_3654, %dma_wait3A_3641, %dma_wait3A_3655] : memref<819200x2x64xf32, #tpu.memory_space<hbm>> -> memref<128x1x64xf32, #tpu.memory_space<hbm>>
        %dma_wait3A_3657 = tpu.memref_squeeze %dma_wait3A_3656 : memref<128x1x64xf32, #tpu.memory_space<hbm>> -> memref<128x64xf32, #tpu.memory_space<hbm>>
        %dma_wait3A_3658 = arith.constant 0 : i32
        %dma_wait3A_3659 = arith.constant 0 : i32
        %dma_wait3A_3660 = tpu.memref_slice %arg8[%dma_wait3A_3640, %dma_wait3A_3658, %dma_wait3A_3659] : memref<6x128x64xf32, #tpu.memory_space<vmem>> -> memref<1x128x64xf32, #tpu.memory_space<vmem>>
        %dma_wait3A_3661 = tpu.memref_squeeze %dma_wait3A_3660 : memref<1x128x64xf32, #tpu.memory_space<vmem>> -> memref<128x64xf32, #tpu.memory_space<vmem>>
        tpu.wait_dma2 semaphore(%dma_wait3A_3653 : memref<!tpu.dma_semaphore, #tpu.memory_space<semaphore_mem>>) src(%dma_wait3A_3661 : memref<128x64xf32, #tpu.memory_space<vmem>>) dst(%dma_wait3A_3657 : memref<128x64xf32, #tpu.memory_space<hbm>>)
      } else {
      }
      %dma_start3A_2841 = arith.constant 3 : i32
      %dma_start3A_2842 = arith.constant 0 : i32
      %dma_start3A_2843 = arith.constant 3 : i32
      %dma_start3A_2844 = arith.constant 3 : i32
      %dma_start3A_2845 = arith.constant 0 : i32
      %dma_start3A_2846 = arith.constant 0 : i32
      %dma_start3A_2847 = tpu.memref_slice %arg7[%dma_start3A_2843, %dma_start3A_2845, %dma_start3A_2846] : memref<6x128x64xf32, #tpu.memory_space<vmem>> -> memref<1x128x64xf32, #tpu.memory_space<vmem>>
      %dma_start3A_2848 = tpu.memref_squeeze %dma_start3A_2847 : memref<1x128x64xf32, #tpu.memory_space<vmem>> -> memref<128x64xf32, #tpu.memory_space<vmem>>
      %dma_start3A_2849 = arith.constant 0 : i32
      %dma_start3A_2850 = arith.constant 0 : i32
      %dma_start3A_2851 = tpu.memref_slice %arg5[%dma_start3A_2841, %dma_start3A_2849, %dma_start3A_2850] : memref<6x2x128xi32, #tpu.memory_space<vmem>> -> memref<1x2x128xi32, #tpu.memory_space<vmem>>
      %dma_start3A_2852 = tpu.memref_squeeze %dma_start3A_2851 : memref<1x2x128xi32, #tpu.memory_space<vmem>> -> memref<2x128xi32, #tpu.memory_space<vmem>>
      %dma_start3A_2853 = arith.constant 0 : i32
      %dma_start3A_2854 = tpu.memref_slice %dma_start3A_2852[%dma_start3A_2842, %dma_start3A_2853] : memref<2x128xi32, #tpu.memory_space<vmem>> -> memref<1x128xi32, #tpu.memory_space<vmem>>
      %dma_start3A_2855 = tpu.memref_squeeze %dma_start3A_2854 : memref<1x128xi32, #tpu.memory_space<vmem>> -> memref<128xi32, #tpu.memory_space<vmem>>
      %dma_start3A_2856 = arith.constant 0 : i32
      %dma_start3A_2857 = arith.constant 0 : i32
      %dma_start3A_2858 = tpu.memref_slice %arg3[%dma_start3A_2856, %dma_start3A_2857] : memref<100001x64xf32, #tpu.memory_space<hbm>> -> memref<100001x64xf32, #tpu.memory_space<hbm>>
      %dma_start3A_2859 = tpu.memref_slice %arg10[%dma_start3A_2844] : memref<6x!tpu.dma_semaphore, #tpu.memory_space<semaphore_mem>> -> memref<1x!tpu.dma_semaphore, #tpu.memory_space<semaphore_mem>>
      %dma_start3A_2860 = tpu.memref_squeeze %dma_start3A_2859 : memref<1x!tpu.dma_semaphore, #tpu.memory_space<semaphore_mem>> -> memref<!tpu.dma_semaphore, #tpu.memory_space<semaphore_mem>>
      tpu.enqueue_indirect_dma source(%dma_start3A_2858 : memref<100001x64xf32, #tpu.memory_space<hbm>>) target(%dma_start3A_2848 : memref<128x64xf32, #tpu.memory_space<vmem>>) offsets(%dma_start3A_2855 : memref<128xi32, #tpu.memory_space<vmem>>) semaphore(%dma_start3A_2860 : memref<!tpu.dma_semaphore, #tpu.memory_space<semaphore_mem>>)
      %dma_start3A_2861 = arith.constant 3 : i32
      %dma_start3A_2862 = arith.constant 3 : i32
      %dma_start3A_2863 = arith.constant 3 : i32
      %dma_start3A_2864 = arith.constant 0 : i32
      %dma_start3A_2865 = arith.constant 0 : i32
      %dma_start3A_2866 = tpu.memref_slice %arg8[%dma_start3A_2862, %dma_start3A_2864, %dma_start3A_2865] : memref<6x128x64xf32, #tpu.memory_space<vmem>> -> memref<1x128x64xf32, #tpu.memory_space<vmem>>
      %dma_start3A_2867 = tpu.memref_squeeze %dma_start3A_2866 : memref<1x128x64xf32, #tpu.memory_space<vmem>> -> memref<128x64xf32, #tpu.memory_space<vmem>>
      %dma_start3A_2868 = arith.constant 0 : i32
      %dma_start3A_2869 = tpu.memref_slice %arg6[%dma_start3A_2861, %dma_start3A_2868] : memref<6x128xi32, #tpu.memory_space<vmem>> -> memref<1x128xi32, #tpu.memory_space<vmem>>
      %dma_start3A_2870 = tpu.memref_squeeze %dma_start3A_2869 : memref<1x128xi32, #tpu.memory_space<vmem>> -> memref<128xi32, #tpu.memory_space<vmem>>
      %dma_start3A_2871 = arith.constant 0 : i32
      %dma_start3A_2872 = arith.constant 0 : i32
      %dma_start3A_2873 = tpu.memref_slice %arg3[%dma_start3A_2871, %dma_start3A_2872] : memref<100001x64xf32, #tpu.memory_space<hbm>> -> memref<100001x64xf32, #tpu.memory_space<hbm>>
      %dma_start3A_2874 = tpu.memref_slice %arg10[%dma_start3A_2863] : memref<6x!tpu.dma_semaphore, #tpu.memory_space<semaphore_mem>> -> memref<1x!tpu.dma_semaphore, #tpu.memory_space<semaphore_mem>>
      %dma_start3A_2875 = tpu.memref_squeeze %dma_start3A_2874 : memref<1x!tpu.dma_semaphore, #tpu.memory_space<semaphore_mem>> -> memref<!tpu.dma_semaphore, #tpu.memory_space<semaphore_mem>>
      tpu.enqueue_indirect_dma source(%dma_start3A_2873 : memref<100001x64xf32, #tpu.memory_space<hbm>>) target(%dma_start3A_2867 : memref<128x64xf32, #tpu.memory_space<vmem>>) offsets(%dma_start3A_2870 : memref<128xi32, #tpu.memory_space<vmem>>) semaphore(%dma_start3A_2875 : memref<!tpu.dma_semaphore, #tpu.memory_space<semaphore_mem>>)
      %mul3A_2876 = arith.constant 6 : i32
      %mul3A_2877 = arith.muli %scan3A_1546, %mul3A_2876 : i32
      %add3A_2878 = arith.constant 4 : i32
      %add3A_2879 = arith.addi %mul3A_2877, %add3A_2878 : i32
      %dma_wait3A_2880 = arith.constant 0 : i32
      %dma_wait3A_2881 = arith.constant 4 : i32
      %dma_wait3A_2882 = arith.constant 4 : i32
      %dma_wait3A_2883 = arith.constant 0 : i32
      %dma_wait3A_2884 = arith.constant 0 : i32
      %dma_wait3A_2885 = tpu.memref_slice %arg5[%dma_wait3A_2881, %dma_wait3A_2883, %dma_wait3A_2884] : memref<6x2x128xi32, #tpu.memory_space<vmem>> -> memref<1x2x128xi32, #tpu.memory_space<vmem>>
      %dma_wait3A_2886 = tpu.memref_squeeze %dma_wait3A_2885 : memref<1x2x128xi32, #tpu.memory_space<vmem>> -> memref<2x128xi32, #tpu.memory_space<vmem>>
      %dma_wait3A_2887 = arith.constant 0 : i32
      %dma_wait3A_2888 = arith.constant 0 : i32
      %dma_wait3A_2889 = tpu.memref_slice %arg2[%dma_wait3A_2880, %dma_wait3A_2887, %dma_wait3A_2888] : memref<6400x2x128xi32, #tpu.memory_space<hbm>> -> memref<1x2x128xi32, #tpu.memory_space<hbm>>
      %dma_wait3A_2890 = tpu.memref_squeeze %dma_wait3A_2889 : memref<1x2x128xi32, #tpu.memory_space<hbm>> -> memref<2x128xi32, #tpu.memory_space<hbm>>
      %dma_wait3A_2891 = tpu.memref_slice %arg9[%dma_wait3A_2882] : memref<6x!tpu.dma_semaphore, #tpu.memory_space<semaphore_mem>> -> memref<1x!tpu.dma_semaphore, #tpu.memory_space<semaphore_mem>>
      %dma_wait3A_2892 = tpu.memref_squeeze %dma_wait3A_2891 : memref<1x!tpu.dma_semaphore, #tpu.memory_space<semaphore_mem>> -> memref<!tpu.dma_semaphore, #tpu.memory_space<semaphore_mem>>
      %dma_wait3A_2893 = arith.constant 0 : i32
      %dma_wait3A_2894 = arith.constant 0 : i32
      %dma_wait3A_2895 = tpu.memref_slice %arg5[%dma_wait3A_2881, %dma_wait3A_2893, %dma_wait3A_2894] : memref<6x2x128xi32, #tpu.memory_space<vmem>> -> memref<1x2x128xi32, #tpu.memory_space<vmem>>
      %dma_wait3A_2896 = tpu.memref_squeeze %dma_wait3A_2895 : memref<1x2x128xi32, #tpu.memory_space<vmem>> -> memref<2x128xi32, #tpu.memory_space<vmem>>
      %dma_wait3A_2897 = arith.constant 0 : i32
      %dma_wait3A_2898 = arith.constant 0 : i32
      %dma_wait3A_2899 = tpu.memref_slice %arg2[%dma_wait3A_2880, %dma_wait3A_2897, %dma_wait3A_2898] : memref<6400x2x128xi32, #tpu.memory_space<hbm>> -> memref<1x2x128xi32, #tpu.memory_space<hbm>>
      %dma_wait3A_2900 = tpu.memref_squeeze %dma_wait3A_2899 : memref<1x2x128xi32, #tpu.memory_space<hbm>> -> memref<2x128xi32, #tpu.memory_space<hbm>>
      tpu.wait_dma2 semaphore(%dma_wait3A_2892 : memref<!tpu.dma_semaphore, #tpu.memory_space<semaphore_mem>>) src(%dma_wait3A_2900 : memref<2x128xi32, #tpu.memory_space<hbm>>) dst(%dma_wait3A_2896 : memref<2x128xi32, #tpu.memory_space<vmem>>)
      %get3A_2901 = arith.constant 4 : i32
      %get3A_2902 = arith.constant 0 : i32
      %get3A_2903 = arith.index_cast %get3A_2901 : i32 to index
      %get3A_2904 = arith.index_cast %get3A_2902 : i32 to index
      %get3A_2905 = arith.constant 0 : index
      %get3A_2906 = tpu.vector_load %arg5[%get3A_2903, %get3A_2904, %get3A_2905] {strides = array<i32>} : memref<6x2x128xi32, #tpu.memory_space<vmem>>, vector<1x1x16xi32>,
      %get3A_2907 = vector.shape_cast %get3A_2906 : vector<1x1x16xi32> to vector<16xi32>
      %get3A_2908 = arith.constant 4 : i32
      %get3A_2909 = arith.constant 1 : i32
      %get3A_2910 = arith.index_cast %get3A_2908 : i32 to index
      %get3A_2911 = arith.index_cast %get3A_2909 : i32 to index
      %get3A_2912 = arith.constant 0 : index
      %get3A_2913 = tpu.vector_load %arg5[%get3A_2910, %get3A_2911, %get3A_2912] {strides = array<i32>} : memref<6x2x128xi32, #tpu.memory_space<vmem>>, vector<1x1x16xi32>,
      %get3A_2914 = vector.shape_cast %get3A_2913 : vector<1x1x16xi32> to vector<16xi32>
      %eq3A_2915 = arith.constant 0 : i32
      %eq3A_2916 = vector.broadcast %eq3A_2915 : i32 to vector<16xi32>
      %eq3A_2917 = arith.cmpi eq, %get3A_2907, %eq3A_2916 : vector<16xi32>
      %sub3A_2918 = arith.subi %get3A_2914, %get3A_2907 : vector<16xi32>
      %add3A_2919 = arith.constant 1 : i32
      %add3A_2920 = vector.broadcast %add3A_2919 : i32 to vector<16xi32>
      %add3A_2921 = arith.addi %sub3A_2918, %add3A_2920 : vector<16xi32>
      %jit3A_2922 = arith.constant 0 : i32
      %broadcast_in_dim3A_2923 = vector.broadcast %jit3A_2922 : i32 to vector<16xi32>
      %select_n3A_2924 = arith.select %eq3A_2917, %broadcast_in_dim3A_2923, %add3A_2921 : vector<16xi1>, vector<16xi32>
      %swap3A_2925 = arith.constant 4 : i32
      %swap3A_2926 = arith.index_cast %swap3A_2925 : i32 to index
      %swap3A_2927 = arith.constant 0 : index
      %swap3A_2928 = tpu.vector_load %arg6[%swap3A_2926, %swap3A_2927] {strides = array<i32>} : memref<6x128xi32, #tpu.memory_space<vmem>>, vector<1x16xi32>,
      %swap3A_2929 = vector.shape_cast %swap3A_2928 : vector<1x16xi32> to vector<16xi32>
      %swap3A_2930 = vector.shape_cast %select_n3A_2924 : vector<16xi32> to vector<1x16xi32>
      tpu.vector_store %arg6[%swap3A_2926, %swap3A_2927], %swap3A_2930 {strides = array<i32>} : memref<6x128xi32, #tpu.memory_space<vmem>>, vector<1x16xi32>,
      %get3A_2931 = arith.constant 4 : i32
      %get3A_2932 = arith.constant 0 : i32
      %get3A_2933 = arith.index_cast %get3A_2931 : i32 to index
      %get3A_2934 = arith.index_cast %get3A_2932 : i32 to index
      %get3A_2935 = arith.constant 16 : index
      %get3A_2936 = tpu.vector_load %arg5[%get3A_2933, %get3A_2934, %get3A_2935] {strides = array<i32>} : memref<6x2x128xi32, #tpu.memory_space<vmem>>, vector<1x1x16xi32>,
      %get3A_2937 = vector.shape_cast %get3A_2936 : vector<1x1x16xi32> to vector<16xi32>
      %get3A_2938 = arith.constant 4 : i32
      %get3A_2939 = arith.constant 1 : i32
      %get3A_2940 = arith.index_cast %get3A_2938 : i32 to index
      %get3A_2941 = arith.index_cast %get3A_2939 : i32 to index
      %get3A_2942 = arith.constant 16 : index
      %get3A_2943 = tpu.vector_load %arg5[%get3A_2940, %get3A_2941, %get3A_2942] {strides = array<i32>} : memref<6x2x128xi32, #tpu.memory_space<vmem>>, vector<1x1x16xi32>,
      %get3A_2944 = vector.shape_cast %get3A_2943 : vector<1x1x16xi32> to vector<16xi32>
      %eq3A_2945 = arith.constant 0 : i32
      %eq3A_2946 = vector.broadcast %eq3A_2945 : i32 to vector<16xi32>
      %eq3A_2947 = arith.cmpi eq, %get3A_2937, %eq3A_2946 : vector<16xi32>
      %sub3A_2948 = arith.subi %get3A_2944, %get3A_2937 : vector<16xi32>
      %add3A_2949 = arith.constant 1 : i32
      %add3A_2950 = vector.broadcast %add3A_2949 : i32 to vector<16xi32>
      %add3A_2951 = arith.addi %sub3A_2948, %add3A_2950 : vector<16xi32>
      %jit3A_2952 = arith.constant 0 : i32
      %broadcast_in_dim3A_2953 = vector.broadcast %jit3A_2952 : i32 to vector<16xi32>
      %select_n3A_2954 = arith.select %eq3A_2947, %broadcast_in_dim3A_2953, %add3A_2951 : vector<16xi1>, vector<16xi32>
      %swap3A_2955 = arith.constant 4 : i32
      %swap3A_2956 = arith.index_cast %swap3A_2955 : i32 to index
      %swap3A_2957 = arith.constant 16 : index
      %swap3A_2958 = tpu.vector_load %arg6[%swap3A_2956, %swap3A_2957] {strides = array<i32>} : memref<6x128xi32, #tpu.memory_space<vmem>>, vector<1x16xi32>,
      %swap3A_2959 = vector.shape_cast %swap3A_2958 : vector<1x16xi32> to vector<16xi32>
      %swap3A_2960 = vector.shape_cast %select_n3A_2954 : vector<16xi32> to vector<1x16xi32>
      tpu.vector_store %arg6[%swap3A_2956, %swap3A_2957], %swap3A_2960 {strides = array<i32>} : memref<6x128xi32, #tpu.memory_space<vmem>>, vector<1x16xi32>,
      %get3A_2961 = arith.constant 4 : i32
      %get3A_2962 = arith.constant 0 : i32
      %get3A_2963 = arith.index_cast %get3A_2961 : i32 to index
      %get3A_2964 = arith.index_cast %get3A_2962 : i32 to index
      %get3A_2965 = arith.constant 32 : index
      %get3A_2966 = tpu.vector_load %arg5[%get3A_2963, %get3A_2964, %get3A_2965] {strides = array<i32>} : memref<6x2x128xi32, #tpu.memory_space<vmem>>, vector<1x1x16xi32>,
      %get3A_2967 = vector.shape_cast %get3A_2966 : vector<1x1x16xi32> to vector<16xi32>
      %get3A_2968 = arith.constant 4 : i32
      %get3A_2969 = arith.constant 1 : i32
      %get3A_2970 = arith.index_cast %get3A_2968 : i32 to index
      %get3A_2971 = arith.index_cast %get3A_2969 : i32 to index
      %get3A_2972 = arith.constant 32 : index
      %get3A_2973 = tpu.vector_load %arg5[%get3A_2970, %get3A_2971, %get3A_2972] {strides = array<i32>} : memref<6x2x128xi32, #tpu.memory_space<vmem>>, vector<1x1x16xi32>,
      %get3A_2974 = vector.shape_cast %get3A_2973 : vector<1x1x16xi32> to vector<16xi32>
      %eq3A_2975 = arith.constant 0 : i32
      %eq3A_2976 = vector.broadcast %eq3A_2975 : i32 to vector<16xi32>
      %eq3A_2977 = arith.cmpi eq, %get3A_2967, %eq3A_2976 : vector<16xi32>
      %sub3A_2978 = arith.subi %get3A_2974, %get3A_2967 : vector<16xi32>
      %add3A_2979 = arith.constant 1 : i32
      %add3A_2980 = vector.broadcast %add3A_2979 : i32 to vector<16xi32>
      %add3A_2981 = arith.addi %sub3A_2978, %add3A_2980 : vector<16xi32>
      %jit3A_2982 = arith.constant 0 : i32
      %broadcast_in_dim3A_2983 = vector.broadcast %jit3A_2982 : i32 to vector<16xi32>
      %select_n3A_2984 = arith.select %eq3A_2977, %broadcast_in_dim3A_2983, %add3A_2981 : vector<16xi1>, vector<16xi32>
      %swap3A_2985 = arith.constant 4 : i32
      %swap3A_2986 = arith.index_cast %swap3A_2985 : i32 to index
      %swap3A_2987 = arith.constant 32 : index
      %swap3A_2988 = tpu.vector_load %arg6[%swap3A_2986, %swap3A_2987] {strides = array<i32>} : memref<6x128xi32, #tpu.memory_space<vmem>>, vector<1x16xi32>,
      %swap3A_2989 = vector.shape_cast %swap3A_2988 : vector<1x16xi32> to vector<16xi32>
      %swap3A_2990 = vector.shape_cast %select_n3A_2984 : vector<16xi32> to vector<1x16xi32>
      tpu.vector_store %arg6[%swap3A_2986, %swap3A_2987], %swap3A_2990 {strides = array<i32>} : memref<6x128xi32, #tpu.memory_space<vmem>>, vector<1x16xi32>,
      %get3A_2991 = arith.constant 4 : i32
      %get3A_2992 = arith.constant 0 : i32
      %get3A_2993 = arith.index_cast %get3A_2991 : i32 to index
      %get3A_2994 = arith.index_cast %get3A_2992 : i32 to index
      %get3A_2995 = arith.constant 48 : index
      %get3A_2996 = tpu.vector_load %arg5[%get3A_2993, %get3A_2994, %get3A_2995] {strides = array<i32>} : memref<6x2x128xi32, #tpu.memory_space<vmem>>, vector<1x1x16xi32>,
      %get3A_2997 = vector.shape_cast %get3A_2996 : vector<1x1x16xi32> to vector<16xi32>
      %get3A_2998 = arith.constant 4 : i32
      %get3A_2999 = arith.constant 1 : i32
      %get3A_3000 = arith.index_cast %get3A_2998 : i32 to index
      %get3A_3001 = arith.index_cast %get3A_2999 : i32 to index
      %get3A_3002 = arith.constant 48 : index
      %get3A_3003 = tpu.vector_load %arg5[%get3A_3000, %get3A_3001, %get3A_3002] {strides = array<i32>} : memref<6x2x128xi32, #tpu.memory_space<vmem>>, vector<1x1x16xi32>,
      %get3A_3004 = vector.shape_cast %get3A_3003 : vector<1x1x16xi32> to vector<16xi32>
      %eq3A_3005 = arith.constant 0 : i32
      %eq3A_3006 = vector.broadcast %eq3A_3005 : i32 to vector<16xi32>
      %eq3A_3007 = arith.cmpi eq, %get3A_2997, %eq3A_3006 : vector<16xi32>
      %sub3A_3008 = arith.subi %get3A_3004, %get3A_2997 : vector<16xi32>
      %add3A_3009 = arith.constant 1 : i32
      %add3A_3010 = vector.broadcast %add3A_3009 : i32 to vector<16xi32>
      %add3A_3011 = arith.addi %sub3A_3008, %add3A_3010 : vector<16xi32>
      %jit3A_3012 = arith.constant 0 : i32
      %broadcast_in_dim3A_3013 = vector.broadcast %jit3A_3012 : i32 to vector<16xi32>
      %select_n3A_3014 = arith.select %eq3A_3007, %broadcast_in_dim3A_3013, %add3A_3011 : vector<16xi1>, vector<16xi32>
      %swap3A_3015 = arith.constant 4 : i32
      %swap3A_3016 = arith.index_cast %swap3A_3015 : i32 to index
      %swap3A_3017 = arith.constant 48 : index
      %swap3A_3018 = tpu.vector_load %arg6[%swap3A_3016, %swap3A_3017] {strides = array<i32>} : memref<6x128xi32, #tpu.memory_space<vmem>>, vector<1x16xi32>,
      %swap3A_3019 = vector.shape_cast %swap3A_3018 : vector<1x16xi32> to vector<16xi32>
      %swap3A_3020 = vector.shape_cast %select_n3A_3014 : vector<16xi32> to vector<1x16xi32>
      tpu.vector_store %arg6[%swap3A_3016, %swap3A_3017], %swap3A_3020 {strides = array<i32>} : memref<6x128xi32, #tpu.memory_space<vmem>>, vector<1x16xi32>,
      %get3A_3021 = arith.constant 4 : i32
      %get3A_3022 = arith.constant 0 : i32
      %get3A_3023 = arith.index_cast %get3A_3021 : i32 to index
      %get3A_3024 = arith.index_cast %get3A_3022 : i32 to index
      %get3A_3025 = arith.constant 64 : index
      %get3A_3026 = tpu.vector_load %arg5[%get3A_3023, %get3A_3024, %get3A_3025] {strides = array<i32>} : memref<6x2x128xi32, #tpu.memory_space<vmem>>, vector<1x1x16xi32>,
      %get3A_3027 = vector.shape_cast %get3A_3026 : vector<1x1x16xi32> to vector<16xi32>
      %get3A_3028 = arith.constant 4 : i32
      %get3A_3029 = arith.constant 1 : i32
      %get3A_3030 = arith.index_cast %get3A_3028 : i32 to index
      %get3A_3031 = arith.index_cast %get3A_3029 : i32 to index
      %get3A_3032 = arith.constant 64 : index
      %get3A_3033 = tpu.vector_load %arg5[%get3A_3030, %get3A_3031, %get3A_3032] {strides = array<i32>} : memref<6x2x128xi32, #tpu.memory_space<vmem>>, vector<1x1x16xi32>,
      %get3A_3034 = vector.shape_cast %get3A_3033 : vector<1x1x16xi32> to vector<16xi32>
      %eq3A_3035 = arith.constant 0 : i32
      %eq3A_3036 = vector.broadcast %eq3A_3035 : i32 to vector<16xi32>
      %eq3A_3037 = arith.cmpi eq, %get3A_3027, %eq3A_3036 : vector<16xi32>
      %sub3A_3038 = arith.subi %get3A_3034, %get3A_3027 : vector<16xi32>
      %add3A_3039 = arith.constant 1 : i32
      %add3A_3040 = vector.broadcast %add3A_3039 : i32 to vector<16xi32>
      %add3A_3041 = arith.addi %sub3A_3038, %add3A_3040 : vector<16xi32>
      %jit3A_3042 = arith.constant 0 : i32
      %broadcast_in_dim3A_3043 = vector.broadcast %jit3A_3042 : i32 to vector<16xi32>
      %select_n3A_3044 = arith.select %eq3A_3037, %broadcast_in_dim3A_3043, %add3A_3041 : vector<16xi1>, vector<16xi32>
      %swap3A_3045 = arith.constant 4 : i32
      %swap3A_3046 = arith.index_cast %swap3A_3045 : i32 to index
      %swap3A_3047 = arith.constant 64 : index
      %swap3A_3048 = tpu.vector_load %arg6[%swap3A_3046, %swap3A_3047] {strides = array<i32>} : memref<6x128xi32, #tpu.memory_space<vmem>>, vector<1x16xi32>,
      %swap3A_3049 = vector.shape_cast %swap3A_3048 : vector<1x16xi32> to vector<16xi32>
      %swap3A_3050 = vector.shape_cast %select_n3A_3044 : vector<16xi32> to vector<1x16xi32>
      tpu.vector_store %arg6[%swap3A_3046, %swap3A_3047], %swap3A_3050 {strides = array<i32>} : memref<6x128xi32, #tpu.memory_space<vmem>>, vector<1x16xi32>,
      %get3A_3051 = arith.constant 4 : i32
      %get3A_3052 = arith.constant 0 : i32
      %get3A_3053 = arith.index_cast %get3A_3051 : i32 to index
      %get3A_3054 = arith.index_cast %get3A_3052 : i32 to index
      %get3A_3055 = arith.constant 80 : index
      %get3A_3056 = tpu.vector_load %arg5[%get3A_3053, %get3A_3054, %get3A_3055] {strides = array<i32>} : memref<6x2x128xi32, #tpu.memory_space<vmem>>, vector<1x1x16xi32>,
      %get3A_3057 = vector.shape_cast %get3A_3056 : vector<1x1x16xi32> to vector<16xi32>
      %get3A_3058 = arith.constant 4 : i32
      %get3A_3059 = arith.constant 1 : i32
      %get3A_3060 = arith.index_cast %get3A_3058 : i32 to index
      %get3A_3061 = arith.index_cast %get3A_3059 : i32 to index
      %get3A_3062 = arith.constant 80 : index
      %get3A_3063 = tpu.vector_load %arg5[%get3A_3060, %get3A_3061, %get3A_3062] {strides = array<i32>} : memref<6x2x128xi32, #tpu.memory_space<vmem>>, vector<1x1x16xi32>,
      %get3A_3064 = vector.shape_cast %get3A_3063 : vector<1x1x16xi32> to vector<16xi32>
      %eq3A_3065 = arith.constant 0 : i32
      %eq3A_3066 = vector.broadcast %eq3A_3065 : i32 to vector<16xi32>
      %eq3A_3067 = arith.cmpi eq, %get3A_3057, %eq3A_3066 : vector<16xi32>
      %sub3A_3068 = arith.subi %get3A_3064, %get3A_3057 : vector<16xi32>
      %add3A_3069 = arith.constant 1 : i32
      %add3A_3070 = vector.broadcast %add3A_3069 : i32 to vector<16xi32>
      %add3A_3071 = arith.addi %sub3A_3068, %add3A_3070 : vector<16xi32>
      %jit3A_3072 = arith.constant 0 : i32
      %broadcast_in_dim3A_3073 = vector.broadcast %jit3A_3072 : i32 to vector<16xi32>
      %select_n3A_3074 = arith.select %eq3A_3067, %broadcast_in_dim3A_3073, %add3A_3071 : vector<16xi1>, vector<16xi32>
      %swap3A_3075 = arith.constant 4 : i32
      %swap3A_3076 = arith.index_cast %swap3A_3075 : i32 to index
      %swap3A_3077 = arith.constant 80 : index
      %swap3A_3078 = tpu.vector_load %arg6[%swap3A_3076, %swap3A_3077] {strides = array<i32>} : memref<6x128xi32, #tpu.memory_space<vmem>>, vector<1x16xi32>,
      %swap3A_3079 = vector.shape_cast %swap3A_3078 : vector<1x16xi32> to vector<16xi32>
      %swap3A_3080 = vector.shape_cast %select_n3A_3074 : vector<16xi32> to vector<1x16xi32>
      tpu.vector_store %arg6[%swap3A_3076, %swap3A_3077], %swap3A_3080 {strides = array<i32>} : memref<6x128xi32, #tpu.memory_space<vmem>>, vector<1x16xi32>,
      %get3A_3081 = arith.constant 4 : i32
      %get3A_3082 = arith.constant 0 : i32
      %get3A_3083 = arith.index_cast %get3A_3081 : i32 to index
      %get3A_3084 = arith.index_cast %get3A_3082 : i32 to index
      %get3A_3085 = arith.constant 96 : index
      %get3A_3086 = tpu.vector_load %arg5[%get3A_3083, %get3A_3084, %get3A_3085] {strides = array<i32>} : memref<6x2x128xi32, #tpu.memory_space<vmem>>, vector<1x1x16xi32>,
      %get3A_3087 = vector.shape_cast %get3A_3086 : vector<1x1x16xi32> to vector<16xi32>
      %get3A_3088 = arith.constant 4 : i32
      %get3A_3089 = arith.constant 1 : i32
      %get3A_3090 = arith.index_cast %get3A_3088 : i32 to index
      %get3A_3091 = arith.index_cast %get3A_3089 : i32 to index
      %get3A_3092 = arith.constant 96 : index
      %get3A_3093 = tpu.vector_load %arg5[%get3A_3090, %get3A_3091, %get3A_3092] {strides = array<i32>} : memref<6x2x128xi32, #tpu.memory_space<vmem>>, vector<1x1x16xi32>,
      %get3A_3094 = vector.shape_cast %get3A_3093 : vector<1x1x16xi32> to vector<16xi32>
      %eq3A_3095 = arith.constant 0 : i32
      %eq3A_3096 = vector.broadcast %eq3A_3095 : i32 to vector<16xi32>
      %eq3A_3097 = arith.cmpi eq, %get3A_3087, %eq3A_3096 : vector<16xi32>
      %sub3A_3098 = arith.subi %get3A_3094, %get3A_3087 : vector<16xi32>
      %add3A_3099 = arith.constant 1 : i32
      %add3A_3100 = vector.broadcast %add3A_3099 : i32 to vector<16xi32>
      %add3A_3101 = arith.addi %sub3A_3098, %add3A_3100 : vector<16xi32>
      %jit3A_3102 = arith.constant 0 : i32
      %broadcast_in_dim3A_3103 = vector.broadcast %jit3A_3102 : i32 to vector<16xi32>
      %select_n3A_3104 = arith.select %eq3A_3097, %broadcast_in_dim3A_3103, %add3A_3101 : vector<16xi1>, vector<16xi32>
      %swap3A_3105 = arith.constant 4 : i32
      %swap3A_3106 = arith.index_cast %swap3A_3105 : i32 to index
      %swap3A_3107 = arith.constant 96 : index
      %swap3A_3108 = tpu.vector_load %arg6[%swap3A_3106, %swap3A_3107] {strides = array<i32>} : memref<6x128xi32, #tpu.memory_space<vmem>>, vector<1x16xi32>,
      %swap3A_3109 = vector.shape_cast %swap3A_3108 : vector<1x16xi32> to vector<16xi32>
      %swap3A_3110 = vector.shape_cast %select_n3A_3104 : vector<16xi32> to vector<1x16xi32>
      tpu.vector_store %arg6[%swap3A_3106, %swap3A_3107], %swap3A_3110 {strides = array<i32>} : memref<6x128xi32, #tpu.memory_space<vmem>>, vector<1x16xi32>,
      %get3A_3111 = arith.constant 4 : i32
      %get3A_3112 = arith.constant 0 : i32
      %get3A_3113 = arith.index_cast %get3A_3111 : i32 to index
      %get3A_3114 = arith.index_cast %get3A_3112 : i32 to index
      %get3A_3115 = arith.constant 112 : index
      %get3A_3116 = tpu.vector_load %arg5[%get3A_3113, %get3A_3114, %get3A_3115] {strides = array<i32>} : memref<6x2x128xi32, #tpu.memory_space<vmem>>, vector<1x1x16xi32>,
      %get3A_3117 = vector.shape_cast %get3A_3116 : vector<1x1x16xi32> to vector<16xi32>
      %get3A_3118 = arith.constant 4 : i32
      %get3A_3119 = arith.constant 1 : i32
      %get3A_3120 = arith.index_cast %get3A_3118 : i32 to index
      %get3A_3121 = arith.index_cast %get3A_3119 : i32 to index
      %get3A_3122 = arith.constant 112 : index
      %get3A_3123 = tpu.vector_load %arg5[%get3A_3120, %get3A_3121, %get3A_3122] {strides = array<i32>} : memref<6x2x128xi32, #tpu.memory_space<vmem>>, vector<1x1x16xi32>,
      %get3A_3124 = vector.shape_cast %get3A_3123 : vector<1x1x16xi32> to vector<16xi32>
      %eq3A_3125 = arith.constant 0 : i32
      %eq3A_3126 = vector.broadcast %eq3A_3125 : i32 to vector<16xi32>
      %eq3A_3127 = arith.cmpi eq, %get3A_3117, %eq3A_3126 : vector<16xi32>
      %sub3A_3128 = arith.subi %get3A_3124, %get3A_3117 : vector<16xi32>
      %add3A_3129 = arith.constant 1 : i32
      %add3A_3130 = vector.broadcast %add3A_3129 : i32 to vector<16xi32>
      %add3A_3131 = arith.addi %sub3A_3128, %add3A_3130 : vector<16xi32>
      %jit3A_3132 = arith.constant 0 : i32
      %broadcast_in_dim3A_3133 = vector.broadcast %jit3A_3132 : i32 to vector<16xi32>
      %select_n3A_3134 = arith.select %eq3A_3127, %broadcast_in_dim3A_3133, %add3A_3131 : vector<16xi1>, vector<16xi32>
      %swap3A_3135 = arith.constant 4 : i32
      %swap3A_3136 = arith.index_cast %swap3A_3135 : i32 to index
      %swap3A_3137 = arith.constant 112 : index
      %swap3A_3138 = tpu.vector_load %arg6[%swap3A_3136, %swap3A_3137] {strides = array<i32>} : memref<6x128xi32, #tpu.memory_space<vmem>>, vector<1x16xi32>,
      %swap3A_3139 = vector.shape_cast %swap3A_3138 : vector<1x16xi32> to vector<16xi32>
      %swap3A_3140 = vector.shape_cast %select_n3A_3134 : vector<16xi32> to vector<1x16xi32>
      tpu.vector_store %arg6[%swap3A_3136, %swap3A_3137], %swap3A_3140 {strides = array<i32>} : memref<6x128xi32, #tpu.memory_space<vmem>>, vector<1x16xi32>,
      %ge3A_3141 = arith.constant 1 : i32
      %ge3A_3142 = arith.cmpi sge, %scan3A_1546, %ge3A_3141 : i32
      %convert_element_type3A_3143 = arith.extui %ge3A_3142 : i1 to i32
      %cond3A_3144 = arith.constant 0 : i32
      %cond3A_3145 = arith.cmpi ne, %convert_element_type3A_3143, %cond3A_3144 : i32
      scf.if %cond3A_3145 {
        %dma_wait3A_3618 = arith.constant 5 : i32
        %dma_wait3A_3619 = arith.constant 5 : i32
        %dma_wait3A_3620 = arith.constant 0 : i32
        %dma_wait3A_3621 = arith.constant 0 : i32
        %dma_wait3A_3622 = tpu.memref_slice %arg7[%dma_wait3A_3618, %dma_wait3A_3620, %dma_wait3A_3621] : memref<6x128x64xf32, #tpu.memory_space<vmem>> -> memref<1x128x64xf32, #tpu.memory_space<vmem>>
        %dma_wait3A_3623 = tpu.memref_squeeze %dma_wait3A_3622 : memref<1x128x64xf32, #tpu.memory_space<vmem>> -> memref<128x64xf32, #tpu.memory_space<vmem>>
        %dma_wait3A_3624 = arith.constant 0 : i32
        %dma_wait3A_3625 = arith.constant 0 : i32
        %dma_wait3A_3626 = tpu.memref_slice %arg3[%dma_wait3A_3624, %dma_wait3A_3625] : memref<100001x64xf32, #tpu.memory_space<hbm>> -> memref<128x64xf32, #tpu.memory_space<hbm>>
        %dma_wait3A_3627 = tpu.memref_slice %arg10[%dma_wait3A_3619] : memref<6x!tpu.dma_semaphore, #tpu.memory_space<semaphore_mem>> -> memref<1x!tpu.dma_semaphore, #tpu.memory_space<semaphore_mem>>
        %dma_wait3A_3628 = tpu.memref_squeeze %dma_wait3A_3627 : memref<1x!tpu.dma_semaphore, #tpu.memory_space<semaphore_mem>> -> memref<!tpu.dma_semaphore, #tpu.memory_space<semaphore_mem>>
        %dma_wait3A_3629 = arith.constant 0 : i32
        %dma_wait3A_3630 = arith.constant 0 : i32
        %dma_wait3A_3631 = tpu.memref_slice %arg7[%dma_wait3A_3618, %dma_wait3A_3629, %dma_wait3A_3630] : memref<6x128x64xf32, #tpu.memory_space<vmem>> -> memref<1x128x64xf32, #tpu.memory_space<vmem>>
        %dma_wait3A_3632 = tpu.memref_squeeze %dma_wait3A_3631 : memref<1x128x64xf32, #tpu.memory_space<vmem>> -> memref<128x64xf32, #tpu.memory_space<vmem>>
        %dma_wait3A_3633 = arith.constant 0 : i32
        %dma_wait3A_3634 = arith.constant 0 : i32
        %dma_wait3A_3635 = tpu.memref_slice %arg3[%dma_wait3A_3633, %dma_wait3A_3634] : memref<100001x64xf32, #tpu.memory_space<hbm>> -> memref<128x64xf32, #tpu.memory_space<hbm>>
        tpu.wait_dma2 semaphore(%dma_wait3A_3628 : memref<!tpu.dma_semaphore, #tpu.memory_space<semaphore_mem>>) src(%dma_wait3A_3635 : memref<128x64xf32, #tpu.memory_space<hbm>>) dst(%dma_wait3A_3632 : memref<128x64xf32, #tpu.memory_space<vmem>>)
        %dma_wait3A_3636 = arith.constant 5 : i32
        %dma_wait3A_3637 = arith.constant 5 : i32
        %dma_wait3A_3638 = arith.constant 0 : i32
        %dma_wait3A_3639 = arith.constant 0 : i32
        %dma_wait3A_3640 = tpu.memref_slice %arg8[%dma_wait3A_3636, %dma_wait3A_3638, %dma_wait3A_3639] : memref<6x128x64xf32, #tpu.memory_space<vmem>> -> memref<1x128x64xf32, #tpu.memory_space<vmem>>
        %dma_wait3A_3641 = tpu.memref_squeeze %dma_wait3A_3640 : memref<1x128x64xf32, #tpu.memory_space<vmem>> -> memref<128x64xf32, #tpu.memory_space<vmem>>
        %dma_wait3A_3642 = arith.constant 0 : i32
        %dma_wait3A_3643 = arith.constant 0 : i32
        %dma_wait3A_3644 = tpu.memref_slice %arg3[%dma_wait3A_3642, %dma_wait3A_3643] : memref<100001x64xf32, #tpu.memory_space<hbm>> -> memref<128x64xf32, #tpu.memory_space<hbm>>
        %dma_wait3A_3645 = tpu.memref_slice %arg10[%dma_wait3A_3637] : memref<6x!tpu.dma_semaphore, #tpu.memory_space<semaphore_mem>> -> memref<1x!tpu.dma_semaphore, #tpu.memory_space<semaphore_mem>>
        %dma_wait3A_3646 = tpu.memref_squeeze %dma_wait3A_3645 : memref<1x!tpu.dma_semaphore, #tpu.memory_space<semaphore_mem>> -> memref<!tpu.dma_semaphore, #tpu.memory_space<semaphore_mem>>
        %dma_wait3A_3647 = arith.constant 0 : i32
        %dma_wait3A_3648 = arith.constant 0 : i32
        %dma_wait3A_3649 = tpu.memref_slice %arg8[%dma_wait3A_3636, %dma_wait3A_3647, %dma_wait3A_3648] : memref<6x128x64xf32, #tpu.memory_space<vmem>> -> memref<1x128x64xf32, #tpu.memory_space<vmem>>
        %dma_wait3A_3650 = tpu.memref_squeeze %dma_wait3A_3649 : memref<1x128x64xf32, #tpu.memory_space<vmem>> -> memref<128x64xf32, #tpu.memory_space<vmem>>
        %dma_wait3A_3651 = arith.constant 0 : i32
        %dma_wait3A_3652 = arith.constant 0 : i32
        %dma_wait3A_3653 = tpu.memref_slice %arg3[%dma_wait3A_3651, %dma_wait3A_3652] : memref<100001x64xf32, #tpu.memory_space<hbm>> -> memref<128x64xf32, #tpu.memory_space<hbm>>
        tpu.wait_dma2 semaphore(%dma_wait3A_3646 : memref<!tpu.dma_semaphore, #tpu.memory_space<semaphore_mem>>) src(%dma_wait3A_3653 : memref<128x64xf32, #tpu.memory_space<hbm>>) dst(%dma_wait3A_3650 : memref<128x64xf32, #tpu.memory_space<vmem>>)
        %sub3A_3654 = arith.constant 5 : i32
        %sub3A_3655 = arith.subi %add3A_2879, %sub3A_3654 : i32
        %add3A_3656 = arith.addi %mul3A_2, %sub3A_3655 : i32
        %mul3A_3657 = arith.constant 128 : i32
        %mul3A_3658 = arith.muli %add3A_3656, %mul3A_3657 : i32
        %dma_start3A_3659 = arith.constant 5 : i32
        %dma_start3A_3660 = arith.constant 0 : i32
        %dma_start3A_3661 = arith.constant 5 : i32
        %dma_start3A_3662 = arith.constant 0 : i32
        %dma_start3A_3663 = arith.constant 0 : i32
        %dma_start3A_3664 = arith.constant 0 : i32
        %dma_start3A_3665 = tpu.memref_slice %arg7[%dma_start3A_3659, %dma_start3A_3663, %dma_start3A_3664] : memref<6x128x64xf32, #tpu.memory_space<vmem>> -> memref<1x128x64xf32, #tpu.memory_space<vmem>>
        %dma_start3A_3666 = tpu.memref_squeeze %dma_start3A_3665 : memref<1x128x64xf32, #tpu.memory_space<vmem>> -> memref<128x64xf32, #tpu.memory_space<vmem>>
        %dma_start3A_3667 = arith.constant 0 : i32
        %dma_start3A_3668 = tpu.memref_slice %arg4[%mul3A_3658, %dma_start3A_3660, %dma_start3A_3667] : memref<819200x2x64xf32, #tpu.memory_space<hbm>> -> memref<128x1x64xf32, #tpu.memory_space<hbm>>
        %dma_start3A_3669 = tpu.memref_squeeze %dma_start3A_3668 : memref<128x1x64xf32, #tpu.memory_space<hbm>> -> memref<128x64xf32, #tpu.memory_space<hbm>>
        %dma_start3A_3670 = tpu.memref_slice %arg11[%dma_start3A_3661, %dma_start3A_3662] : memref<6x2x!tpu.dma_semaphore, #tpu.memory_space<semaphore_mem>> -> memref<1x1x!tpu.dma_semaphore, #tpu.memory_space<semaphore_mem>>
        %dma_start3A_3671 = tpu.memref_squeeze %dma_start3A_3670 : memref<1x1x!tpu.dma_semaphore, #tpu.memory_space<semaphore_mem>> -> memref<!tpu.dma_semaphore, #tpu.memory_space<semaphore_mem>>
        %dma_start3A_3672 = arith.constant 0 : i32
        %dma_start3A_3673 = tpu.memref_slice %arg4[%mul3A_3658, %dma_start3A_3660, %dma_start3A_3672] : memref<819200x2x64xf32, #tpu.memory_space<hbm>> -> memref<128x1x64xf32, #tpu.memory_space<hbm>>
        %dma_start3A_3674 = tpu.memref_squeeze %dma_start3A_3673 : memref<128x1x64xf32, #tpu.memory_space<hbm>> -> memref<128x64xf32, #tpu.memory_space<hbm>>
        %dma_start3A_3675 = arith.constant 0 : i32
        %dma_start3A_3676 = arith.constant 0 : i32
        %dma_start3A_3677 = tpu.memref_slice %arg7[%dma_start3A_3659, %dma_start3A_3675, %dma_start3A_3676] : memref<6x128x64xf32, #tpu.memory_space<vmem>> -> memref<1x128x64xf32, #tpu.memory_space<vmem>>
        %dma_start3A_3678 = tpu.memref_squeeze %dma_start3A_3677 : memref<1x128x64xf32, #tpu.memory_space<vmem>> -> memref<128x64xf32, #tpu.memory_space<vmem>>
        tpu.enqueue_dma source(%dma_start3A_3678 : memref<128x64xf32, #tpu.memory_space<vmem>>) target(%dma_start3A_3674 : memref<128x64xf32, #tpu.memory_space<hbm>>) target_semaphore(%dma_start3A_3671 : memref<!tpu.dma_semaphore, #tpu.memory_space<semaphore_mem>>)
        %dma_start3A_3679 = arith.constant 5 : i32
        %dma_start3A_3680 = arith.constant 1 : i32
        %dma_start3A_3681 = arith.constant 5 : i32
        %dma_start3A_3682 = arith.constant 1 : i32
        %dma_start3A_3683 = arith.constant 0 : i32
        %dma_start3A_3684 = arith.constant 0 : i32
        %dma_start3A_3685 = tpu.memref_slice %arg8[%dma_start3A_3679, %dma_start3A_3683, %dma_start3A_3684] : memref<6x128x64xf32, #tpu.memory_space<vmem>> -> memref<1x128x64xf32, #tpu.memory_space<vmem>>
        %dma_start3A_3686 = tpu.memref_squeeze %dma_start3A_3685 : memref<1x128x64xf32, #tpu.memory_space<vmem>> -> memref<128x64xf32, #tpu.memory_space<vmem>>
        %dma_start3A_3687 = arith.constant 0 : i32
        %dma_start3A_3688 = tpu.memref_slice %arg4[%mul3A_3658, %dma_start3A_3680, %dma_start3A_3687] : memref<819200x2x64xf32, #tpu.memory_space<hbm>> -> memref<128x1x64xf32, #tpu.memory_space<hbm>>
        %dma_start3A_3689 = tpu.memref_squeeze %dma_start3A_3688 : memref<128x1x64xf32, #tpu.memory_space<hbm>> -> memref<128x64xf32, #tpu.memory_space<hbm>>
        %dma_start3A_3690 = tpu.memref_slice %arg11[%dma_start3A_3681, %dma_start3A_3682] : memref<6x2x!tpu.dma_semaphore, #tpu.memory_space<semaphore_mem>> -> memref<1x1x!tpu.dma_semaphore, #tpu.memory_space<semaphore_mem>>
        %dma_start3A_3691 = tpu.memref_squeeze %dma_start3A_3690 : memref<1x1x!tpu.dma_semaphore, #tpu.memory_space<semaphore_mem>> -> memref<!tpu.dma_semaphore, #tpu.memory_space<semaphore_mem>>
        %dma_start3A_3692 = arith.constant 0 : i32
        %dma_start3A_3693 = tpu.memref_slice %arg4[%mul3A_3658, %dma_start3A_3680, %dma_start3A_3692] : memref<819200x2x64xf32, #tpu.memory_space<hbm>> -> memref<128x1x64xf32, #tpu.memory_space<hbm>>
        %dma_start3A_3694 = tpu.memref_squeeze %dma_start3A_3693 : memref<128x1x64xf32, #tpu.memory_space<hbm>> -> memref<128x64xf32, #tpu.memory_space<hbm>>
        %dma_start3A_3695 = arith.constant 0 : i32
        %dma_start3A_3696 = arith.constant 0 : i32
        %dma_start3A_3697 = tpu.memref_slice %arg8[%dma_start3A_3679, %dma_start3A_3695, %dma_start3A_3696] : memref<6x128x64xf32, #tpu.memory_space<vmem>> -> memref<1x128x64xf32, #tpu.memory_space<vmem>>
        %dma_start3A_3698 = tpu.memref_squeeze %dma_start3A_3697 : memref<1x128x64xf32, #tpu.memory_space<vmem>> -> memref<128x64xf32, #tpu.memory_space<vmem>>
        tpu.enqueue_dma source(%dma_start3A_3698 : memref<128x64xf32, #tpu.memory_space<vmem>>) target(%dma_start3A_3694 : memref<128x64xf32, #tpu.memory_space<hbm>>) target_semaphore(%dma_start3A_3691 : memref<!tpu.dma_semaphore, #tpu.memory_space<semaphore_mem>>)
      } else {
      }
      %add3A_3146 = arith.constant 1 : i32
      %add3A_3147 = arith.addi %add3A_2879, %add3A_3146 : i32
      %add3A_3148 = arith.addi %mul3A_2, %add3A_3147 : i32
      %dma_start3A_3149 = arith.constant 5 : i32
      %dma_start3A_3150 = arith.constant 5 : i32
      %dma_start3A_3151 = arith.constant 0 : i32
      %dma_start3A_3152 = arith.constant 0 : i32
      %dma_start3A_3153 = tpu.memref_slice %arg5[%dma_start3A_3149, %dma_start3A_3151, %dma_start3A_3152] : memref<6x2x128xi32, #tpu.memory_space<vmem>> -> memref<1x2x128xi32, #tpu.memory_space<vmem>>
      %dma_start3A_3154 = tpu.memref_squeeze %dma_start3A_3153 : memref<1x2x128xi32, #tpu.memory_space<vmem>> -> memref<2x128xi32, #tpu.memory_space<vmem>>
      %dma_start3A_3155 = arith.constant 0 : i32
      %dma_start3A_3156 = arith.constant 0 : i32
      %dma_start3A_3157 = tpu.memref_slice %arg2[%add3A_3148, %dma_start3A_3155, %dma_start3A_3156] : memref<6400x2x128xi32, #tpu.memory_space<hbm>> -> memref<1x2x128xi32, #tpu.memory_space<hbm>>
      %dma_start3A_3158 = tpu.memref_squeeze %dma_start3A_3157 : memref<1x2x128xi32, #tpu.memory_space<hbm>> -> memref<2x128xi32, #tpu.memory_space<hbm>>
      %dma_start3A_3159 = tpu.memref_slice %arg9[%dma_start3A_3150] : memref<6x!tpu.dma_semaphore, #tpu.memory_space<semaphore_mem>> -> memref<1x!tpu.dma_semaphore, #tpu.memory_space<semaphore_mem>>
      %dma_start3A_3160 = tpu.memref_squeeze %dma_start3A_3159 : memref<1x!tpu.dma_semaphore, #tpu.memory_space<semaphore_mem>> -> memref<!tpu.dma_semaphore, #tpu.memory_space<semaphore_mem>>
      %dma_start3A_3161 = arith.constant 0 : i32
      %dma_start3A_3162 = arith.constant 0 : i32
      %dma_start3A_3163 = tpu.memref_slice %arg5[%dma_start3A_3149, %dma_start3A_3161, %dma_start3A_3162] : memref<6x2x128xi32, #tpu.memory_space<vmem>> -> memref<1x2x128xi32, #tpu.memory_space<vmem>>
      %dma_start3A_3164 = tpu.memref_squeeze %dma_start3A_3163 : memref<1x2x128xi32, #tpu.memory_space<vmem>> -> memref<2x128xi32, #tpu.memory_space<vmem>>
      %dma_start3A_3165 = arith.constant 0 : i32
      %dma_start3A_3166 = arith.constant 0 : i32
      %dma_start3A_3167 = tpu.memref_slice %arg2[%add3A_3148, %dma_start3A_3165, %dma_start3A_3166] : memref<6400x2x128xi32, #tpu.memory_space<hbm>> -> memref<1x2x128xi32, #tpu.memory_space<hbm>>
      %dma_start3A_3168 = tpu.memref_squeeze %dma_start3A_3167 : memref<1x2x128xi32, #tpu.memory_space<hbm>> -> memref<2x128xi32, #tpu.memory_space<hbm>>
      tpu.enqueue_dma source(%dma_start3A_3168 : memref<2x128xi32, #tpu.memory_space<hbm>>) target(%dma_start3A_3164 : memref<2x128xi32, #tpu.memory_space<vmem>>) target_semaphore(%dma_start3A_3160 : memref<!tpu.dma_semaphore, #tpu.memory_space<semaphore_mem>>)
      %ge3A_3169 = arith.constant 1 : i32
      %ge3A_3170 = arith.cmpi sge, %scan3A_1546, %ge3A_3169 : i32
      %convert_element_type3A_3171 = arith.extui %ge3A_3170 : i1 to i32
      %cond3A_3172 = arith.constant 0 : i32
      %cond3A_3173 = arith.cmpi ne, %convert_element_type3A_3171, %cond3A_3172 : i32
      scf.if %cond3A_3173 {
        %dma_wait3A_3618 = arith.constant 4 : i32
        %dma_wait3A_3619 = arith.constant 0 : i32
        %dma_wait3A_3620 = arith.constant 4 : i32
        %dma_wait3A_3621 = arith.constant 0 : i32
        %dma_wait3A_3622 = arith.constant 0 : i32
        %dma_wait3A_3623 = arith.constant 0 : i32
        %dma_wait3A_3624 = tpu.memref_slice %arg7[%dma_wait3A_3618, %dma_wait3A_3622, %dma_wait3A_3623] : memref<6x128x64xf32, #tpu.memory_space<vmem>> -> memref<1x128x64xf32, #tpu.memory_space<vmem>>
        %dma_wait3A_3625 = tpu.memref_squeeze %dma_wait3A_3624 : memref<1x128x64xf32, #tpu.memory_space<vmem>> -> memref<128x64xf32, #tpu.memory_space<vmem>>
        %dma_wait3A_3626 = arith.constant 0 : i32
        %dma_wait3A_3627 = arith.constant 0 : i32
        %dma_wait3A_3628 = tpu.memref_slice %arg4[%dma_wait3A_3626, %dma_wait3A_3619, %dma_wait3A_3627] : memref<819200x2x64xf32, #tpu.memory_space<hbm>> -> memref<128x1x64xf32, #tpu.memory_space<hbm>>
        %dma_wait3A_3629 = tpu.memref_squeeze %dma_wait3A_3628 : memref<128x1x64xf32, #tpu.memory_space<hbm>> -> memref<128x64xf32, #tpu.memory_space<hbm>>
        %dma_wait3A_3630 = tpu.memref_slice %arg11[%dma_wait3A_3620, %dma_wait3A_3621] : memref<6x2x!tpu.dma_semaphore, #tpu.memory_space<semaphore_mem>> -> memref<1x1x!tpu.dma_semaphore, #tpu.memory_space<semaphore_mem>>
        %dma_wait3A_3631 = tpu.memref_squeeze %dma_wait3A_3630 : memref<1x1x!tpu.dma_semaphore, #tpu.memory_space<semaphore_mem>> -> memref<!tpu.dma_semaphore, #tpu.memory_space<semaphore_mem>>
        %dma_wait3A_3632 = arith.constant 0 : i32
        %dma_wait3A_3633 = arith.constant 0 : i32
        %dma_wait3A_3634 = tpu.memref_slice %arg4[%dma_wait3A_3632, %dma_wait3A_3619, %dma_wait3A_3633] : memref<819200x2x64xf32, #tpu.memory_space<hbm>> -> memref<128x1x64xf32, #tpu.memory_space<hbm>>
        %dma_wait3A_3635 = tpu.memref_squeeze %dma_wait3A_3634 : memref<128x1x64xf32, #tpu.memory_space<hbm>> -> memref<128x64xf32, #tpu.memory_space<hbm>>
        %dma_wait3A_3636 = arith.constant 0 : i32
        %dma_wait3A_3637 = arith.constant 0 : i32
        %dma_wait3A_3638 = tpu.memref_slice %arg7[%dma_wait3A_3618, %dma_wait3A_3636, %dma_wait3A_3637] : memref<6x128x64xf32, #tpu.memory_space<vmem>> -> memref<1x128x64xf32, #tpu.memory_space<vmem>>
        %dma_wait3A_3639 = tpu.memref_squeeze %dma_wait3A_3638 : memref<1x128x64xf32, #tpu.memory_space<vmem>> -> memref<128x64xf32, #tpu.memory_space<vmem>>
        tpu.wait_dma2 semaphore(%dma_wait3A_3631 : memref<!tpu.dma_semaphore, #tpu.memory_space<semaphore_mem>>) src(%dma_wait3A_3639 : memref<128x64xf32, #tpu.memory_space<vmem>>) dst(%dma_wait3A_3635 : memref<128x64xf32, #tpu.memory_space<hbm>>)
        %dma_wait3A_3640 = arith.constant 4 : i32
        %dma_wait3A_3641 = arith.constant 1 : i32
        %dma_wait3A_3642 = arith.constant 4 : i32
        %dma_wait3A_3643 = arith.constant 1 : i32
        %dma_wait3A_3644 = arith.constant 0 : i32
        %dma_wait3A_3645 = arith.constant 0 : i32
        %dma_wait3A_3646 = tpu.memref_slice %arg8[%dma_wait3A_3640, %dma_wait3A_3644, %dma_wait3A_3645] : memref<6x128x64xf32, #tpu.memory_space<vmem>> -> memref<1x128x64xf32, #tpu.memory_space<vmem>>
        %dma_wait3A_3647 = tpu.memref_squeeze %dma_wait3A_3646 : memref<1x128x64xf32, #tpu.memory_space<vmem>> -> memref<128x64xf32, #tpu.memory_space<vmem>>
        %dma_wait3A_3648 = arith.constant 0 : i32
        %dma_wait3A_3649 = arith.constant 0 : i32
        %dma_wait3A_3650 = tpu.memref_slice %arg4[%dma_wait3A_3648, %dma_wait3A_3641, %dma_wait3A_3649] : memref<819200x2x64xf32, #tpu.memory_space<hbm>> -> memref<128x1x64xf32, #tpu.memory_space<hbm>>
        %dma_wait3A_3651 = tpu.memref_squeeze %dma_wait3A_3650 : memref<128x1x64xf32, #tpu.memory_space<hbm>> -> memref<128x64xf32, #tpu.memory_space<hbm>>
        %dma_wait3A_3652 = tpu.memref_slice %arg11[%dma_wait3A_3642, %dma_wait3A_3643] : memref<6x2x!tpu.dma_semaphore, #tpu.memory_space<semaphore_mem>> -> memref<1x1x!tpu.dma_semaphore, #tpu.memory_space<semaphore_mem>>
        %dma_wait3A_3653 = tpu.memref_squeeze %dma_wait3A_3652 : memref<1x1x!tpu.dma_semaphore, #tpu.memory_space<semaphore_mem>> -> memref<!tpu.dma_semaphore, #tpu.memory_space<semaphore_mem>>
        %dma_wait3A_3654 = arith.constant 0 : i32
        %dma_wait3A_3655 = arith.constant 0 : i32
        %dma_wait3A_3656 = tpu.memref_slice %arg4[%dma_wait3A_3654, %dma_wait3A_3641, %dma_wait3A_3655] : memref<819200x2x64xf32, #tpu.memory_space<hbm>> -> memref<128x1x64xf32, #tpu.memory_space<hbm>>
        %dma_wait3A_3657 = tpu.memref_squeeze %dma_wait3A_3656 : memref<128x1x64xf32, #tpu.memory_space<hbm>> -> memref<128x64xf32, #tpu.memory_space<hbm>>
        %dma_wait3A_3658 = arith.constant 0 : i32
        %dma_wait3A_3659 = arith.constant 0 : i32
        %dma_wait3A_3660 = tpu.memref_slice %arg8[%dma_wait3A_3640, %dma_wait3A_3658, %dma_wait3A_3659] : memref<6x128x64xf32, #tpu.memory_space<vmem>> -> memref<1x128x64xf32, #tpu.memory_space<vmem>>
        %dma_wait3A_3661 = tpu.memref_squeeze %dma_wait3A_3660 : memref<1x128x64xf32, #tpu.memory_space<vmem>> -> memref<128x64xf32, #tpu.memory_space<vmem>>
        tpu.wait_dma2 semaphore(%dma_wait3A_3653 : memref<!tpu.dma_semaphore, #tpu.memory_space<semaphore_mem>>) src(%dma_wait3A_3661 : memref<128x64xf32, #tpu.memory_space<vmem>>) dst(%dma_wait3A_3657 : memref<128x64xf32, #tpu.memory_space<hbm>>)
      } else {
      }
      %dma_start3A_3174 = arith.constant 4 : i32
      %dma_start3A_3175 = arith.constant 0 : i32
      %dma_start3A_3176 = arith.constant 4 : i32
      %dma_start3A_3177 = arith.constant 4 : i32
      %dma_start3A_3178 = arith.constant 0 : i32
      %dma_start3A_3179 = arith.constant 0 : i32
      %dma_start3A_3180 = tpu.memref_slice %arg7[%dma_start3A_3176, %dma_start3A_3178, %dma_start3A_3179] : memref<6x128x64xf32, #tpu.memory_space<vmem>> -> memref<1x128x64xf32, #tpu.memory_space<vmem>>
      %dma_start3A_3181 = tpu.memref_squeeze %dma_start3A_3180 : memref<1x128x64xf32, #tpu.memory_space<vmem>> -> memref<128x64xf32, #tpu.memory_space<vmem>>
      %dma_start3A_3182 = arith.constant 0 : i32
      %dma_start3A_3183 = arith.constant 0 : i32
      %dma_start3A_3184 = tpu.memref_slice %arg5[%dma_start3A_3174, %dma_start3A_3182, %dma_start3A_3183] : memref<6x2x128xi32, #tpu.memory_space<vmem>> -> memref<1x2x128xi32, #tpu.memory_space<vmem>>
      %dma_start3A_3185 = tpu.memref_squeeze %dma_start3A_3184 : memref<1x2x128xi32, #tpu.memory_space<vmem>> -> memref<2x128xi32, #tpu.memory_space<vmem>>
      %dma_start3A_3186 = arith.constant 0 : i32
      %dma_start3A_3187 = tpu.memref_slice %dma_start3A_3185[%dma_start3A_3175, %dma_start3A_3186] : memref<2x128xi32, #tpu.memory_space<vmem>> -> memref<1x128xi32, #tpu.memory_space<vmem>>
      %dma_start3A_3188 = tpu.memref_squeeze %dma_start3A_3187 : memref<1x128xi32, #tpu.memory_space<vmem>> -> memref<128xi32, #tpu.memory_space<vmem>>
      %dma_start3A_3189 = arith.constant 0 : i32
      %dma_start3A_3190 = arith.constant 0 : i32
      %dma_start3A_3191 = tpu.memref_slice %arg3[%dma_start3A_3189, %dma_start3A_3190] : memref<100001x64xf32, #tpu.memory_space<hbm>> -> memref<100001x64xf32, #tpu.memory_space<hbm>>
      %dma_start3A_3192 = tpu.memref_slice %arg10[%dma_start3A_3177] : memref<6x!tpu.dma_semaphore, #tpu.memory_space<semaphore_mem>> -> memref<1x!tpu.dma_semaphore, #tpu.memory_space<semaphore_mem>>
      %dma_start3A_3193 = tpu.memref_squeeze %dma_start3A_3192 : memref<1x!tpu.dma_semaphore, #tpu.memory_space<semaphore_mem>> -> memref<!tpu.dma_semaphore, #tpu.memory_space<semaphore_mem>>
      tpu.enqueue_indirect_dma source(%dma_start3A_3191 : memref<100001x64xf32, #tpu.memory_space<hbm>>) target(%dma_start3A_3181 : memref<128x64xf32, #tpu.memory_space<vmem>>) offsets(%dma_start3A_3188 : memref<128xi32, #tpu.memory_space<vmem>>) semaphore(%dma_start3A_3193 : memref<!tpu.dma_semaphore, #tpu.memory_space<semaphore_mem>>)
      %dma_start3A_3194 = arith.constant 4 : i32
      %dma_start3A_3195 = arith.constant 4 : i32
      %dma_start3A_3196 = arith.constant 4 : i32
      %dma_start3A_3197 = arith.constant 0 : i32
      %dma_start3A_3198 = arith.constant 0 : i32
      %dma_start3A_3199 = tpu.memref_slice %arg8[%dma_start3A_3195, %dma_start3A_3197, %dma_start3A_3198] : memref<6x128x64xf32, #tpu.memory_space<vmem>> -> memref<1x128x64xf32, #tpu.memory_space<vmem>>
      %dma_start3A_3200 = tpu.memref_squeeze %dma_start3A_3199 : memref<1x128x64xf32, #tpu.memory_space<vmem>> -> memref<128x64xf32, #tpu.memory_space<vmem>>
      %dma_start3A_3201 = arith.constant 0 : i32
      %dma_start3A_3202 = tpu.memref_slice %arg6[%dma_start3A_3194, %dma_start3A_3201] : memref<6x128xi32, #tpu.memory_space<vmem>> -> memref<1x128xi32, #tpu.memory_space<vmem>>
      %dma_start3A_3203 = tpu.memref_squeeze %dma_start3A_3202 : memref<1x128xi32, #tpu.memory_space<vmem>> -> memref<128xi32, #tpu.memory_space<vmem>>
      %dma_start3A_3204 = arith.constant 0 : i32
      %dma_start3A_3205 = arith.constant 0 : i32
      %dma_start3A_3206 = tpu.memref_slice %arg3[%dma_start3A_3204, %dma_start3A_3205] : memref<100001x64xf32, #tpu.memory_space<hbm>> -> memref<100001x64xf32, #tpu.memory_space<hbm>>
      %dma_start3A_3207 = tpu.memref_slice %arg10[%dma_start3A_3196] : memref<6x!tpu.dma_semaphore, #tpu.memory_space<semaphore_mem>> -> memref<1x!tpu.dma_semaphore, #tpu.memory_space<semaphore_mem>>
      %dma_start3A_3208 = tpu.memref_squeeze %dma_start3A_3207 : memref<1x!tpu.dma_semaphore, #tpu.memory_space<semaphore_mem>> -> memref<!tpu.dma_semaphore, #tpu.memory_space<semaphore_mem>>
      tpu.enqueue_indirect_dma source(%dma_start3A_3206 : memref<100001x64xf32, #tpu.memory_space<hbm>>) target(%dma_start3A_3200 : memref<128x64xf32, #tpu.memory_space<vmem>>) offsets(%dma_start3A_3203 : memref<128xi32, #tpu.memory_space<vmem>>) semaphore(%dma_start3A_3208 : memref<!tpu.dma_semaphore, #tpu.memory_space<semaphore_mem>>)
      %mul3A_3209 = arith.constant 6 : i32
      %mul3A_3210 = arith.muli %scan3A_1546, %mul3A_3209 : i32
      %add3A_3211 = arith.constant 5 : i32
      %add3A_3212 = arith.addi %mul3A_3210, %add3A_3211 : i32
      %dma_wait3A_3213 = arith.constant 0 : i32
      %dma_wait3A_3214 = arith.constant 5 : i32
      %dma_wait3A_3215 = arith.constant 5 : i32
      %dma_wait3A_3216 = arith.constant 0 : i32
      %dma_wait3A_3217 = arith.constant 0 : i32
      %dma_wait3A_3218 = tpu.memref_slice %arg5[%dma_wait3A_3214, %dma_wait3A_3216, %dma_wait3A_3217] : memref<6x2x128xi32, #tpu.memory_space<vmem>> -> memref<1x2x128xi32, #tpu.memory_space<vmem>>
      %dma_wait3A_3219 = tpu.memref_squeeze %dma_wait3A_3218 : memref<1x2x128xi32, #tpu.memory_space<vmem>> -> memref<2x128xi32, #tpu.memory_space<vmem>>
      %dma_wait3A_3220 = arith.constant 0 : i32
      %dma_wait3A_3221 = arith.constant 0 : i32
      %dma_wait3A_3222 = tpu.memref_slice %arg2[%dma_wait3A_3213, %dma_wait3A_3220, %dma_wait3A_3221] : memref<6400x2x128xi32, #tpu.memory_space<hbm>> -> memref<1x2x128xi32, #tpu.memory_space<hbm>>
      %dma_wait3A_3223 = tpu.memref_squeeze %dma_wait3A_3222 : memref<1x2x128xi32, #tpu.memory_space<hbm>> -> memref<2x128xi32, #tpu.memory_space<hbm>>
      %dma_wait3A_3224 = tpu.memref_slice %arg9[%dma_wait3A_3215] : memref<6x!tpu.dma_semaphore, #tpu.memory_space<semaphore_mem>> -> memref<1x!tpu.dma_semaphore, #tpu.memory_space<semaphore_mem>>
      %dma_wait3A_3225 = tpu.memref_squeeze %dma_wait3A_3224 : memref<1x!tpu.dma_semaphore, #tpu.memory_space<semaphore_mem>> -> memref<!tpu.dma_semaphore, #tpu.memory_space<semaphore_mem>>
      %dma_wait3A_3226 = arith.constant 0 : i32
      %dma_wait3A_3227 = arith.constant 0 : i32
      %dma_wait3A_3228 = tpu.memref_slice %arg5[%dma_wait3A_3214, %dma_wait3A_3226, %dma_wait3A_3227] : memref<6x2x128xi32, #tpu.memory_space<vmem>> -> memref<1x2x128xi32, #tpu.memory_space<vmem>>
      %dma_wait3A_3229 = tpu.memref_squeeze %dma_wait3A_3228 : memref<1x2x128xi32, #tpu.memory_space<vmem>> -> memref<2x128xi32, #tpu.memory_space<vmem>>
      %dma_wait3A_3230 = arith.constant 0 : i32
      %dma_wait3A_3231 = arith.constant 0 : i32
      %dma_wait3A_3232 = tpu.memref_slice %arg2[%dma_wait3A_3213, %dma_wait3A_3230, %dma_wait3A_3231] : memref<6400x2x128xi32, #tpu.memory_space<hbm>> -> memref<1x2x128xi32, #tpu.memory_space<hbm>>
      %dma_wait3A_3233 = tpu.memref_squeeze %dma_wait3A_3232 : memref<1x2x128xi32, #tpu.memory_space<hbm>> -> memref<2x128xi32, #tpu.memory_space<hbm>>
      tpu.wait_dma2 semaphore(%dma_wait3A_3225 : memref<!tpu.dma_semaphore, #tpu.memory_space<semaphore_mem>>) src(%dma_wait3A_3233 : memref<2x128xi32, #tpu.memory_space<hbm>>) dst(%dma_wait3A_3229 : memref<2x128xi32, #tpu.memory_space<vmem>>)
      %get3A_3234 = arith.constant 5 : i32
      %get3A_3235 = arith.constant 0 : i32
      %get3A_3236 = arith.index_cast %get3A_3234 : i32 to index
      %get3A_3237 = arith.index_cast %get3A_3235 : i32 to index
      %get3A_3238 = arith.constant 0 : index
      %get3A_3239 = tpu.vector_load %arg5[%get3A_3236, %get3A_3237, %get3A_3238] {strides = array<i32>} : memref<6x2x128xi32, #tpu.memory_space<vmem>>, vector<1x1x16xi32>,
      %get3A_3240 = vector.shape_cast %get3A_3239 : vector<1x1x16xi32> to vector<16xi32>
      %get3A_3241 = arith.constant 5 : i32
      %get3A_3242 = arith.constant 1 : i32
      %get3A_3243 = arith.index_cast %get3A_3241 : i32 to index
      %get3A_3244 = arith.index_cast %get3A_3242 : i32 to index
      %get3A_3245 = arith.constant 0 : index
      %get3A_3246 = tpu.vector_load %arg5[%get3A_3243, %get3A_3244, %get3A_3245] {strides = array<i32>} : memref<6x2x128xi32, #tpu.memory_space<vmem>>, vector<1x1x16xi32>,
      %get3A_3247 = vector.shape_cast %get3A_3246 : vector<1x1x16xi32> to vector<16xi32>
      %eq3A_3248 = arith.constant 0 : i32
      %eq3A_3249 = vector.broadcast %eq3A_3248 : i32 to vector<16xi32>
      %eq3A_3250 = arith.cmpi eq, %get3A_3240, %eq3A_3249 : vector<16xi32>
      %sub3A_3251 = arith.subi %get3A_3247, %get3A_3240 : vector<16xi32>
      %add3A_3252 = arith.constant 1 : i32
      %add3A_3253 = vector.broadcast %add3A_3252 : i32 to vector<16xi32>
      %add3A_3254 = arith.addi %sub3A_3251, %add3A_3253 : vector<16xi32>
      %jit3A_3255 = arith.constant 0 : i32
      %broadcast_in_dim3A_3256 = vector.broadcast %jit3A_3255 : i32 to vector<16xi32>
      %select_n3A_3257 = arith.select %eq3A_3250, %broadcast_in_dim3A_3256, %add3A_3254 : vector<16xi1>, vector<16xi32>
      %swap3A_3258 = arith.constant 5 : i32
      %swap3A_3259 = arith.index_cast %swap3A_3258 : i32 to index
      %swap3A_3260 = arith.constant 0 : index
      %swap3A_3261 = tpu.vector_load %arg6[%swap3A_3259, %swap3A_3260] {strides = array<i32>} : memref<6x128xi32, #tpu.memory_space<vmem>>, vector<1x16xi32>,
      %swap3A_3262 = vector.shape_cast %swap3A_3261 : vector<1x16xi32> to vector<16xi32>
      %swap3A_3263 = vector.shape_cast %select_n3A_3257 : vector<16xi32> to vector<1x16xi32>
      tpu.vector_store %arg6[%swap3A_3259, %swap3A_3260], %swap3A_3263 {strides = array<i32>} : memref<6x128xi32, #tpu.memory_space<vmem>>, vector<1x16xi32>,
      %get3A_3264 = arith.constant 5 : i32
      %get3A_3265 = arith.constant 0 : i32
      %get3A_3266 = arith.index_cast %get3A_3264 : i32 to index
      %get3A_3267 = arith.index_cast %get3A_3265 : i32 to index
      %get3A_3268 = arith.constant 16 : index
      %get3A_3269 = tpu.vector_load %arg5[%get3A_3266, %get3A_3267, %get3A_3268] {strides = array<i32>} : memref<6x2x128xi32, #tpu.memory_space<vmem>>, vector<1x1x16xi32>,
      %get3A_3270 = vector.shape_cast %get3A_3269 : vector<1x1x16xi32> to vector<16xi32>
      %get3A_3271 = arith.constant 5 : i32
      %get3A_3272 = arith.constant 1 : i32
      %get3A_3273 = arith.index_cast %get3A_3271 : i32 to index
      %get3A_3274 = arith.index_cast %get3A_3272 : i32 to index
      %get3A_3275 = arith.constant 16 : index
      %get3A_3276 = tpu.vector_load %arg5[%get3A_3273, %get3A_3274, %get3A_3275] {strides = array<i32>} : memref<6x2x128xi32, #tpu.memory_space<vmem>>, vector<1x1x16xi32>,
      %get3A_3277 = vector.shape_cast %get3A_3276 : vector<1x1x16xi32> to vector<16xi32>
      %eq3A_3278 = arith.constant 0 : i32
      %eq3A_3279 = vector.broadcast %eq3A_3278 : i32 to vector<16xi32>
      %eq3A_3280 = arith.cmpi eq, %get3A_3270, %eq3A_3279 : vector<16xi32>
      %sub3A_3281 = arith.subi %get3A_3277, %get3A_3270 : vector<16xi32>
      %add3A_3282 = arith.constant 1 : i32
      %add3A_3283 = vector.broadcast %add3A_3282 : i32 to vector<16xi32>
      %add3A_3284 = arith.addi %sub3A_3281, %add3A_3283 : vector<16xi32>
      %jit3A_3285 = arith.constant 0 : i32
      %broadcast_in_dim3A_3286 = vector.broadcast %jit3A_3285 : i32 to vector<16xi32>
      %select_n3A_3287 = arith.select %eq3A_3280, %broadcast_in_dim3A_3286, %add3A_3284 : vector<16xi1>, vector<16xi32>
      %swap3A_3288 = arith.constant 5 : i32
      %swap3A_3289 = arith.index_cast %swap3A_3288 : i32 to index
      %swap3A_3290 = arith.constant 16 : index
      %swap3A_3291 = tpu.vector_load %arg6[%swap3A_3289, %swap3A_3290] {strides = array<i32>} : memref<6x128xi32, #tpu.memory_space<vmem>>, vector<1x16xi32>,
      %swap3A_3292 = vector.shape_cast %swap3A_3291 : vector<1x16xi32> to vector<16xi32>
      %swap3A_3293 = vector.shape_cast %select_n3A_3287 : vector<16xi32> to vector<1x16xi32>
      tpu.vector_store %arg6[%swap3A_3289, %swap3A_3290], %swap3A_3293 {strides = array<i32>} : memref<6x128xi32, #tpu.memory_space<vmem>>, vector<1x16xi32>,
      %get3A_3294 = arith.constant 5 : i32
      %get3A_3295 = arith.constant 0 : i32
      %get3A_3296 = arith.index_cast %get3A_3294 : i32 to index
      %get3A_3297 = arith.index_cast %get3A_3295 : i32 to index
      %get3A_3298 = arith.constant 32 : index
      %get3A_3299 = tpu.vector_load %arg5[%get3A_3296, %get3A_3297, %get3A_3298] {strides = array<i32>} : memref<6x2x128xi32, #tpu.memory_space<vmem>>, vector<1x1x16xi32>,
      %get3A_3300 = vector.shape_cast %get3A_3299 : vector<1x1x16xi32> to vector<16xi32>
      %get3A_3301 = arith.constant 5 : i32
      %get3A_3302 = arith.constant 1 : i32
      %get3A_3303 = arith.index_cast %get3A_3301 : i32 to index
      %get3A_3304 = arith.index_cast %get3A_3302 : i32 to index
      %get3A_3305 = arith.constant 32 : index
      %get3A_3306 = tpu.vector_load %arg5[%get3A_3303, %get3A_3304, %get3A_3305] {strides = array<i32>} : memref<6x2x128xi32, #tpu.memory_space<vmem>>, vector<1x1x16xi32>,
      %get3A_3307 = vector.shape_cast %get3A_3306 : vector<1x1x16xi32> to vector<16xi32>
      %eq3A_3308 = arith.constant 0 : i32
      %eq3A_3309 = vector.broadcast %eq3A_3308 : i32 to vector<16xi32>
      %eq3A_3310 = arith.cmpi eq, %get3A_3300, %eq3A_3309 : vector<16xi32>
      %sub3A_3311 = arith.subi %get3A_3307, %get3A_3300 : vector<16xi32>
      %add3A_3312 = arith.constant 1 : i32
      %add3A_3313 = vector.broadcast %add3A_3312 : i32 to vector<16xi32>
      %add3A_3314 = arith.addi %sub3A_3311, %add3A_3313 : vector<16xi32>
      %jit3A_3315 = arith.constant 0 : i32
      %broadcast_in_dim3A_3316 = vector.broadcast %jit3A_3315 : i32 to vector<16xi32>
      %select_n3A_3317 = arith.select %eq3A_3310, %broadcast_in_dim3A_3316, %add3A_3314 : vector<16xi1>, vector<16xi32>
      %swap3A_3318 = arith.constant 5 : i32
      %swap3A_3319 = arith.index_cast %swap3A_3318 : i32 to index
      %swap3A_3320 = arith.constant 32 : index
      %swap3A_3321 = tpu.vector_load %arg6[%swap3A_3319, %swap3A_3320] {strides = array<i32>} : memref<6x128xi32, #tpu.memory_space<vmem>>, vector<1x16xi32>,
      %swap3A_3322 = vector.shape_cast %swap3A_3321 : vector<1x16xi32> to vector<16xi32>
      %swap3A_3323 = vector.shape_cast %select_n3A_3317 : vector<16xi32> to vector<1x16xi32>
      tpu.vector_store %arg6[%swap3A_3319, %swap3A_3320], %swap3A_3323 {strides = array<i32>} : memref<6x128xi32, #tpu.memory_space<vmem>>, vector<1x16xi32>,
      %get3A_3324 = arith.constant 5 : i32
      %get3A_3325 = arith.constant 0 : i32
      %get3A_3326 = arith.index_cast %get3A_3324 : i32 to index
      %get3A_3327 = arith.index_cast %get3A_3325 : i32 to index
      %get3A_3328 = arith.constant 48 : index
      %get3A_3329 = tpu.vector_load %arg5[%get3A_3326, %get3A_3327, %get3A_3328] {strides = array<i32>} : memref<6x2x128xi32, #tpu.memory_space<vmem>>, vector<1x1x16xi32>,
      %get3A_3330 = vector.shape_cast %get3A_3329 : vector<1x1x16xi32> to vector<16xi32>
      %get3A_3331 = arith.constant 5 : i32
      %get3A_3332 = arith.constant 1 : i32
      %get3A_3333 = arith.index_cast %get3A_3331 : i32 to index
      %get3A_3334 = arith.index_cast %get3A_3332 : i32 to index
      %get3A_3335 = arith.constant 48 : index
      %get3A_3336 = tpu.vector_load %arg5[%get3A_3333, %get3A_3334, %get3A_3335] {strides = array<i32>} : memref<6x2x128xi32, #tpu.memory_space<vmem>>, vector<1x1x16xi32>,
      %get3A_3337 = vector.shape_cast %get3A_3336 : vector<1x1x16xi32> to vector<16xi32>
      %eq3A_3338 = arith.constant 0 : i32
      %eq3A_3339 = vector.broadcast %eq3A_3338 : i32 to vector<16xi32>
      %eq3A_3340 = arith.cmpi eq, %get3A_3330, %eq3A_3339 : vector<16xi32>
      %sub3A_3341 = arith.subi %get3A_3337, %get3A_3330 : vector<16xi32>
      %add3A_3342 = arith.constant 1 : i32
      %add3A_3343 = vector.broadcast %add3A_3342 : i32 to vector<16xi32>
      %add3A_3344 = arith.addi %sub3A_3341, %add3A_3343 : vector<16xi32>
      %jit3A_3345 = arith.constant 0 : i32
      %broadcast_in_dim3A_3346 = vector.broadcast %jit3A_3345 : i32 to vector<16xi32>
      %select_n3A_3347 = arith.select %eq3A_3340, %broadcast_in_dim3A_3346, %add3A_3344 : vector<16xi1>, vector<16xi32>
      %swap3A_3348 = arith.constant 5 : i32
      %swap3A_3349 = arith.index_cast %swap3A_3348 : i32 to index
      %swap3A_3350 = arith.constant 48 : index
      %swap3A_3351 = tpu.vector_load %arg6[%swap3A_3349, %swap3A_3350] {strides = array<i32>} : memref<6x128xi32, #tpu.memory_space<vmem>>, vector<1x16xi32>,
      %swap3A_3352 = vector.shape_cast %swap3A_3351 : vector<1x16xi32> to vector<16xi32>
      %swap3A_3353 = vector.shape_cast %select_n3A_3347 : vector<16xi32> to vector<1x16xi32>
      tpu.vector_store %arg6[%swap3A_3349, %swap3A_3350], %swap3A_3353 {strides = array<i32>} : memref<6x128xi32, #tpu.memory_space<vmem>>, vector<1x16xi32>,
      %get3A_3354 = arith.constant 5 : i32
      %get3A_3355 = arith.constant 0 : i32
      %get3A_3356 = arith.index_cast %get3A_3354 : i32 to index
      %get3A_3357 = arith.index_cast %get3A_3355 : i32 to index
      %get3A_3358 = arith.constant 64 : index
      %get3A_3359 = tpu.vector_load %arg5[%get3A_3356, %get3A_3357, %get3A_3358] {strides = array<i32>} : memref<6x2x128xi32, #tpu.memory_space<vmem>>, vector<1x1x16xi32>,
      %get3A_3360 = vector.shape_cast %get3A_3359 : vector<1x1x16xi32> to vector<16xi32>
      %get3A_3361 = arith.constant 5 : i32
      %get3A_3362 = arith.constant 1 : i32
      %get3A_3363 = arith.index_cast %get3A_3361 : i32 to index
      %get3A_3364 = arith.index_cast %get3A_3362 : i32 to index
      %get3A_3365 = arith.constant 64 : index
      %get3A_3366 = tpu.vector_load %arg5[%get3A_3363, %get3A_3364, %get3A_3365] {strides = array<i32>} : memref<6x2x128xi32, #tpu.memory_space<vmem>>, vector<1x1x16xi32>,
      %get3A_3367 = vector.shape_cast %get3A_3366 : vector<1x1x16xi32> to vector<16xi32>
      %eq3A_3368 = arith.constant 0 : i32
      %eq3A_3369 = vector.broadcast %eq3A_3368 : i32 to vector<16xi32>
      %eq3A_3370 = arith.cmpi eq, %get3A_3360, %eq3A_3369 : vector<16xi32>
      %sub3A_3371 = arith.subi %get3A_3367, %get3A_3360 : vector<16xi32>
      %add3A_3372 = arith.constant 1 : i32
      %add3A_3373 = vector.broadcast %add3A_3372 : i32 to vector<16xi32>
      %add3A_3374 = arith.addi %sub3A_3371, %add3A_3373 : vector<16xi32>
      %jit3A_3375 = arith.constant 0 : i32
      %broadcast_in_dim3A_3376 = vector.broadcast %jit3A_3375 : i32 to vector<16xi32>
      %select_n3A_3377 = arith.select %eq3A_3370, %broadcast_in_dim3A_3376, %add3A_3374 : vector<16xi1>, vector<16xi32>
      %swap3A_3378 = arith.constant 5 : i32
      %swap3A_3379 = arith.index_cast %swap3A_3378 : i32 to index
      %swap3A_3380 = arith.constant 64 : index
      %swap3A_3381 = tpu.vector_load %arg6[%swap3A_3379, %swap3A_3380] {strides = array<i32>} : memref<6x128xi32, #tpu.memory_space<vmem>>, vector<1x16xi32>,
      %swap3A_3382 = vector.shape_cast %swap3A_3381 : vector<1x16xi32> to vector<16xi32>
      %swap3A_3383 = vector.shape_cast %select_n3A_3377 : vector<16xi32> to vector<1x16xi32>
      tpu.vector_store %arg6[%swap3A_3379, %swap3A_3380], %swap3A_3383 {strides = array<i32>} : memref<6x128xi32, #tpu.memory_space<vmem>>, vector<1x16xi32>,
      %get3A_3384 = arith.constant 5 : i32
      %get3A_3385 = arith.constant 0 : i32
      %get3A_3386 = arith.index_cast %get3A_3384 : i32 to index
      %get3A_3387 = arith.index_cast %get3A_3385 : i32 to index
      %get3A_3388 = arith.constant 80 : index
      %get3A_3389 = tpu.vector_load %arg5[%get3A_3386, %get3A_3387, %get3A_3388] {strides = array<i32>} : memref<6x2x128xi32, #tpu.memory_space<vmem>>, vector<1x1x16xi32>,
      %get3A_3390 = vector.shape_cast %get3A_3389 : vector<1x1x16xi32> to vector<16xi32>
      %get3A_3391 = arith.constant 5 : i32
      %get3A_3392 = arith.constant 1 : i32
      %get3A_3393 = arith.index_cast %get3A_3391 : i32 to index
      %get3A_3394 = arith.index_cast %get3A_3392 : i32 to index
      %get3A_3395 = arith.constant 80 : index
      %get3A_3396 = tpu.vector_load %arg5[%get3A_3393, %get3A_3394, %get3A_3395] {strides = array<i32>} : memref<6x2x128xi32, #tpu.memory_space<vmem>>, vector<1x1x16xi32>,
      %get3A_3397 = vector.shape_cast %get3A_3396 : vector<1x1x16xi32> to vector<16xi32>
      %eq3A_3398 = arith.constant 0 : i32
      %eq3A_3399 = vector.broadcast %eq3A_3398 : i32 to vector<16xi32>
      %eq3A_3400 = arith.cmpi eq, %get3A_3390, %eq3A_3399 : vector<16xi32>
      %sub3A_3401 = arith.subi %get3A_3397, %get3A_3390 : vector<16xi32>
      %add3A_3402 = arith.constant 1 : i32
      %add3A_3403 = vector.broadcast %add3A_3402 : i32 to vector<16xi32>
      %add3A_3404 = arith.addi %sub3A_3401, %add3A_3403 : vector<16xi32>
      %jit3A_3405 = arith.constant 0 : i32
      %broadcast_in_dim3A_3406 = vector.broadcast %jit3A_3405 : i32 to vector<16xi32>
      %select_n3A_3407 = arith.select %eq3A_3400, %broadcast_in_dim3A_3406, %add3A_3404 : vector<16xi1>, vector<16xi32>
      %swap3A_3408 = arith.constant 5 : i32
      %swap3A_3409 = arith.index_cast %swap3A_3408 : i32 to index
      %swap3A_3410 = arith.constant 80 : index
      %swap3A_3411 = tpu.vector_load %arg6[%swap3A_3409, %swap3A_3410] {strides = array<i32>} : memref<6x128xi32, #tpu.memory_space<vmem>>, vector<1x16xi32>,
      %swap3A_3412 = vector.shape_cast %swap3A_3411 : vector<1x16xi32> to vector<16xi32>
      %swap3A_3413 = vector.shape_cast %select_n3A_3407 : vector<16xi32> to vector<1x16xi32>
      tpu.vector_store %arg6[%swap3A_3409, %swap3A_3410], %swap3A_3413 {strides = array<i32>} : memref<6x128xi32, #tpu.memory_space<vmem>>, vector<1x16xi32>,
      %get3A_3414 = arith.constant 5 : i32
      %get3A_3415 = arith.constant 0 : i32
      %get3A_3416 = arith.index_cast %get3A_3414 : i32 to index
      %get3A_3417 = arith.index_cast %get3A_3415 : i32 to index
      %get3A_3418 = arith.constant 96 : index
      %get3A_3419 = tpu.vector_load %arg5[%get3A_3416, %get3A_3417, %get3A_3418] {strides = array<i32>} : memref<6x2x128xi32, #tpu.memory_space<vmem>>, vector<1x1x16xi32>,
      %get3A_3420 = vector.shape_cast %get3A_3419 : vector<1x1x16xi32> to vector<16xi32>
      %get3A_3421 = arith.constant 5 : i32
      %get3A_3422 = arith.constant 1 : i32
      %get3A_3423 = arith.index_cast %get3A_3421 : i32 to index
      %get3A_3424 = arith.index_cast %get3A_3422 : i32 to index
      %get3A_3425 = arith.constant 96 : index
      %get3A_3426 = tpu.vector_load %arg5[%get3A_3423, %get3A_3424, %get3A_3425] {strides = array<i32>} : memref<6x2x128xi32, #tpu.memory_space<vmem>>, vector<1x1x16xi32>,
      %get3A_3427 = vector.shape_cast %get3A_3426 : vector<1x1x16xi32> to vector<16xi32>
      %eq3A_3428 = arith.constant 0 : i32
      %eq3A_3429 = vector.broadcast %eq3A_3428 : i32 to vector<16xi32>
      %eq3A_3430 = arith.cmpi eq, %get3A_3420, %eq3A_3429 : vector<16xi32>
      %sub3A_3431 = arith.subi %get3A_3427, %get3A_3420 : vector<16xi32>
      %add3A_3432 = arith.constant 1 : i32
      %add3A_3433 = vector.broadcast %add3A_3432 : i32 to vector<16xi32>
      %add3A_3434 = arith.addi %sub3A_3431, %add3A_3433 : vector<16xi32>
      %jit3A_3435 = arith.constant 0 : i32
      %broadcast_in_dim3A_3436 = vector.broadcast %jit3A_3435 : i32 to vector<16xi32>
      %select_n3A_3437 = arith.select %eq3A_3430, %broadcast_in_dim3A_3436, %add3A_3434 : vector<16xi1>, vector<16xi32>
      %swap3A_3438 = arith.constant 5 : i32
      %swap3A_3439 = arith.index_cast %swap3A_3438 : i32 to index
      %swap3A_3440 = arith.constant 96 : index
      %swap3A_3441 = tpu.vector_load %arg6[%swap3A_3439, %swap3A_3440] {strides = array<i32>} : memref<6x128xi32, #tpu.memory_space<vmem>>, vector<1x16xi32>,
      %swap3A_3442 = vector.shape_cast %swap3A_3441 : vector<1x16xi32> to vector<16xi32>
      %swap3A_3443 = vector.shape_cast %select_n3A_3437 : vector<16xi32> to vector<1x16xi32>
      tpu.vector_store %arg6[%swap3A_3439, %swap3A_3440], %swap3A_3443 {strides = array<i32>} : memref<6x128xi32, #tpu.memory_space<vmem>>, vector<1x16xi32>,
      %get3A_3444 = arith.constant 5 : i32
      %get3A_3445 = arith.constant 0 : i32
      %get3A_3446 = arith.index_cast %get3A_3444 : i32 to index
      %get3A_3447 = arith.index_cast %get3A_3445 : i32 to index
      %get3A_3448 = arith.constant 112 : index
      %get3A_3449 = tpu.vector_load %arg5[%get3A_3446, %get3A_3447, %get3A_3448] {strides = array<i32>} : memref<6x2x128xi32, #tpu.memory_space<vmem>>, vector<1x1x16xi32>,
      %get3A_3450 = vector.shape_cast %get3A_3449 : vector<1x1x16xi32> to vector<16xi32>
      %get3A_3451 = arith.constant 5 : i32
      %get3A_3452 = arith.constant 1 : i32
      %get3A_3453 = arith.index_cast %get3A_3451 : i32 to index
      %get3A_3454 = arith.index_cast %get3A_3452 : i32 to index
      %get3A_3455 = arith.constant 112 : index
      %get3A_3456 = tpu.vector_load %arg5[%get3A_3453, %get3A_3454, %get3A_3455] {strides = array<i32>} : memref<6x2x128xi32, #tpu.memory_space<vmem>>, vector<1x1x16xi32>,
      %get3A_3457 = vector.shape_cast %get3A_3456 : vector<1x1x16xi32> to vector<16xi32>
      %eq3A_3458 = arith.constant 0 : i32
      %eq3A_3459 = vector.broadcast %eq3A_3458 : i32 to vector<16xi32>
      %eq3A_3460 = arith.cmpi eq, %get3A_3450, %eq3A_3459 : vector<16xi32>
      %sub3A_3461 = arith.subi %get3A_3457, %get3A_3450 : vector<16xi32>
      %add3A_3462 = arith.constant 1 : i32
      %add3A_3463 = vector.broadcast %add3A_3462 : i32 to vector<16xi32>
      %add3A_3464 = arith.addi %sub3A_3461, %add3A_3463 : vector<16xi32>
      %jit3A_3465 = arith.constant 0 : i32
      %broadcast_in_dim3A_3466 = vector.broadcast %jit3A_3465 : i32 to vector<16xi32>
      %select_n3A_3467 = arith.select %eq3A_3460, %broadcast_in_dim3A_3466, %add3A_3464 : vector<16xi1>, vector<16xi32>
      %swap3A_3468 = arith.constant 5 : i32
      %swap3A_3469 = arith.index_cast %swap3A_3468 : i32 to index
      %swap3A_3470 = arith.constant 112 : index
      %swap3A_3471 = tpu.vector_load %arg6[%swap3A_3469, %swap3A_3470] {strides = array<i32>} : memref<6x128xi32, #tpu.memory_space<vmem>>, vector<1x16xi32>,
      %swap3A_3472 = vector.shape_cast %swap3A_3471 : vector<1x16xi32> to vector<16xi32>
      %swap3A_3473 = vector.shape_cast %select_n3A_3467 : vector<16xi32> to vector<1x16xi32>
      tpu.vector_store %arg6[%swap3A_3469, %swap3A_3470], %swap3A_3473 {strides = array<i32>} : memref<6x128xi32, #tpu.memory_space<vmem>>, vector<1x16xi32>,
      %dma_wait3A_3474 = arith.constant 0 : i32
      %dma_wait3A_3475 = arith.constant 0 : i32
      %dma_wait3A_3476 = arith.constant 0 : i32
      %dma_wait3A_3477 = arith.constant 0 : i32
      %dma_wait3A_3478 = tpu.memref_slice %arg7[%dma_wait3A_3474, %dma_wait3A_3476, %dma_wait3A_3477] : memref<6x128x64xf32, #tpu.memory_space<vmem>> -> memref<1x128x64xf32, #tpu.memory_space<vmem>>
      %dma_wait3A_3479 = tpu.memref_squeeze %dma_wait3A_3478 : memref<1x128x64xf32, #tpu.memory_space<vmem>> -> memref<128x64xf32, #tpu.memory_space<vmem>>
      %dma_wait3A_3480 = arith.constant 0 : i32
      %dma_wait3A_3481 = arith.constant 0 : i32
      %dma_wait3A_3482 = tpu.memref_slice %arg3[%dma_wait3A_3480, %dma_wait3A_3481] : memref<100001x64xf32, #tpu.memory_space<hbm>> -> memref<128x64xf32, #tpu.memory_space<hbm>>
      %dma_wait3A_3483 = tpu.memref_slice %arg10[%dma_wait3A_3475] : memref<6x!tpu.dma_semaphore, #tpu.memory_space<semaphore_mem>> -> memref<1x!tpu.dma_semaphore, #tpu.memory_space<semaphore_mem>>
      %dma_wait3A_3484 = tpu.memref_squeeze %dma_wait3A_3483 : memref<1x!tpu.dma_semaphore, #tpu.memory_space<semaphore_mem>> -> memref<!tpu.dma_semaphore, #tpu.memory_space<semaphore_mem>>
      %dma_wait3A_3485 = arith.constant 0 : i32
      %dma_wait3A_3486 = arith.constant 0 : i32
      %dma_wait3A_3487 = tpu.memref_slice %arg7[%dma_wait3A_3474, %dma_wait3A_3485, %dma_wait3A_3486] : memref<6x128x64xf32, #tpu.memory_space<vmem>> -> memref<1x128x64xf32, #tpu.memory_space<vmem>>
      %dma_wait3A_3488 = tpu.memref_squeeze %dma_wait3A_3487 : memref<1x128x64xf32, #tpu.memory_space<vmem>> -> memref<128x64xf32, #tpu.memory_space<vmem>>
      %dma_wait3A_3489 = arith.constant 0 : i32
      %dma_wait3A_3490 = arith.constant 0 : i32
      %dma_wait3A_3491 = tpu.memref_slice %arg3[%dma_wait3A_3489, %dma_wait3A_3490] : memref<100001x64xf32, #tpu.memory_space<hbm>> -> memref<128x64xf32, #tpu.memory_space<hbm>>
      tpu.wait_dma2 semaphore(%dma_wait3A_3484 : memref<!tpu.dma_semaphore, #tpu.memory_space<semaphore_mem>>) src(%dma_wait3A_3491 : memref<128x64xf32, #tpu.memory_space<hbm>>) dst(%dma_wait3A_3488 : memref<128x64xf32, #tpu.memory_space<vmem>>)
      %dma_wait3A_3492 = arith.constant 0 : i32
      %dma_wait3A_3493 = arith.constant 0 : i32
      %dma_wait3A_3494 = arith.constant 0 : i32
      %dma_wait3A_3495 = arith.constant 0 : i32
      %dma_wait3A_3496 = tpu.memref_slice %arg8[%dma_wait3A_3492, %dma_wait3A_3494, %dma_wait3A_3495] : memref<6x128x64xf32, #tpu.memory_space<vmem>> -> memref<1x128x64xf32, #tpu.memory_space<vmem>>
      %dma_wait3A_3497 = tpu.memref_squeeze %dma_wait3A_3496 : memref<1x128x64xf32, #tpu.memory_space<vmem>> -> memref<128x64xf32, #tpu.memory_space<vmem>>
      %dma_wait3A_3498 = arith.constant 0 : i32
      %dma_wait3A_3499 = arith.constant 0 : i32
      %dma_wait3A_3500 = tpu.memref_slice %arg3[%dma_wait3A_3498, %dma_wait3A_3499] : memref<100001x64xf32, #tpu.memory_space<hbm>> -> memref<128x64xf32, #tpu.memory_space<hbm>>
      %dma_wait3A_3501 = tpu.memref_slice %arg10[%dma_wait3A_3493] : memref<6x!tpu.dma_semaphore, #tpu.memory_space<semaphore_mem>> -> memref<1x!tpu.dma_semaphore, #tpu.memory_space<semaphore_mem>>
      %dma_wait3A_3502 = tpu.memref_squeeze %dma_wait3A_3501 : memref<1x!tpu.dma_semaphore, #tpu.memory_space<semaphore_mem>> -> memref<!tpu.dma_semaphore, #tpu.memory_space<semaphore_mem>>
      %dma_wait3A_3503 = arith.constant 0 : i32
      %dma_wait3A_3504 = arith.constant 0 : i32
      %dma_wait3A_3505 = tpu.memref_slice %arg8[%dma_wait3A_3492, %dma_wait3A_3503, %dma_wait3A_3504] : memref<6x128x64xf32, #tpu.memory_space<vmem>> -> memref<1x128x64xf32, #tpu.memory_space<vmem>>
      %dma_wait3A_3506 = tpu.memref_squeeze %dma_wait3A_3505 : memref<1x128x64xf32, #tpu.memory_space<vmem>> -> memref<128x64xf32, #tpu.memory_space<vmem>>
      %dma_wait3A_3507 = arith.constant 0 : i32
      %dma_wait3A_3508 = arith.constant 0 : i32
      %dma_wait3A_3509 = tpu.memref_slice %arg3[%dma_wait3A_3507, %dma_wait3A_3508] : memref<100001x64xf32, #tpu.memory_space<hbm>> -> memref<128x64xf32, #tpu.memory_space<hbm>>
      tpu.wait_dma2 semaphore(%dma_wait3A_3502 : memref<!tpu.dma_semaphore, #tpu.memory_space<semaphore_mem>>) src(%dma_wait3A_3509 : memref<128x64xf32, #tpu.memory_space<hbm>>) dst(%dma_wait3A_3506 : memref<128x64xf32, #tpu.memory_space<vmem>>)
      %sub3A_3510 = arith.constant 5 : i32
      %sub3A_3511 = arith.subi %add3A_3212, %sub3A_3510 : i32
      %add3A_3512 = arith.addi %mul3A_2, %sub3A_3511 : i32
      %mul3A_3513 = arith.constant 128 : i32
      %mul3A_3514 = arith.muli %add3A_3512, %mul3A_3513 : i32
      %dma_start3A_3515 = arith.constant 0 : i32
      %dma_start3A_3516 = arith.constant 0 : i32
      %dma_start3A_3517 = arith.constant 0 : i32
      %dma_start3A_3518 = arith.constant 0 : i32
      %dma_start3A_3519 = arith.constant 0 : i32
      %dma_start3A_3520 = arith.constant 0 : i32
      %dma_start3A_3521 = tpu.memref_slice %arg7[%dma_start3A_3515, %dma_start3A_3519, %dma_start3A_3520] : memref<6x128x64xf32, #tpu.memory_space<vmem>> -> memref<1x128x64xf32, #tpu.memory_space<vmem>>
      %dma_start3A_3522 = tpu.memref_squeeze %dma_start3A_3521 : memref<1x128x64xf32, #tpu.memory_space<vmem>> -> memref<128x64xf32, #tpu.memory_space<vmem>>
      %dma_start3A_3523 = arith.constant 0 : i32
      %dma_start3A_3524 = tpu.memref_slice %arg4[%mul3A_3514, %dma_start3A_3516, %dma_start3A_3523] : memref<819200x2x64xf32, #tpu.memory_space<hbm>> -> memref<128x1x64xf32, #tpu.memory_space<hbm>>
      %dma_start3A_3525 = tpu.memref_squeeze %dma_start3A_3524 : memref<128x1x64xf32, #tpu.memory_space<hbm>> -> memref<128x64xf32, #tpu.memory_space<hbm>>
      %dma_start3A_3526 = tpu.memref_slice %arg11[%dma_start3A_3517, %dma_start3A_3518] : memref<6x2x!tpu.dma_semaphore, #tpu.memory_space<semaphore_mem>> -> memref<1x1x!tpu.dma_semaphore, #tpu.memory_space<semaphore_mem>>
      %dma_start3A_3527 = tpu.memref_squeeze %dma_start3A_3526 : memref<1x1x!tpu.dma_semaphore, #tpu.memory_space<semaphore_mem>> -> memref<!tpu.dma_semaphore, #tpu.memory_space<semaphore_mem>>
      %dma_start3A_3528 = arith.constant 0 : i32
      %dma_start3A_3529 = tpu.memref_slice %arg4[%mul3A_3514, %dma_start3A_3516, %dma_start3A_3528] : memref<819200x2x64xf32, #tpu.memory_space<hbm>> -> memref<128x1x64xf32, #tpu.memory_space<hbm>>
      %dma_start3A_3530 = tpu.memref_squeeze %dma_start3A_3529 : memref<128x1x64xf32, #tpu.memory_space<hbm>> -> memref<128x64xf32, #tpu.memory_space<hbm>>
      %dma_start3A_3531 = arith.constant 0 : i32
      %dma_start3A_3532 = arith.constant 0 : i32
      %dma_start3A_3533 = tpu.memref_slice %arg7[%dma_start3A_3515, %dma_start3A_3531, %dma_start3A_3532] : memref<6x128x64xf32, #tpu.memory_space<vmem>> -> memref<1x128x64xf32, #tpu.memory_space<vmem>>
      %dma_start3A_3534 = tpu.memref_squeeze %dma_start3A_3533 : memref<1x128x64xf32, #tpu.memory_space<vmem>> -> memref<128x64xf32, #tpu.memory_space<vmem>>
      tpu.enqueue_dma source(%dma_start3A_3534 : memref<128x64xf32, #tpu.memory_space<vmem>>) target(%dma_start3A_3530 : memref<128x64xf32, #tpu.memory_space<hbm>>) target_semaphore(%dma_start3A_3527 : memref<!tpu.dma_semaphore, #tpu.memory_space<semaphore_mem>>)
      %dma_start3A_3535 = arith.constant 0 : i32
      %dma_start3A_3536 = arith.constant 1 : i32
      %dma_start3A_3537 = arith.constant 0 : i32
      %dma_start3A_3538 = arith.constant 1 : i32
      %dma_start3A_3539 = arith.constant 0 : i32
      %dma_start3A_3540 = arith.constant 0 : i32
      %dma_start3A_3541 = tpu.memref_slice %arg8[%dma_start3A_3535, %dma_start3A_3539, %dma_start3A_3540] : memref<6x128x64xf32, #tpu.memory_space<vmem>> -> memref<1x128x64xf32, #tpu.memory_space<vmem>>
      %dma_start3A_3542 = tpu.memref_squeeze %dma_start3A_3541 : memref<1x128x64xf32, #tpu.memory_space<vmem>> -> memref<128x64xf32, #tpu.memory_space<vmem>>
      %dma_start3A_3543 = arith.constant 0 : i32
      %dma_start3A_3544 = tpu.memref_slice %arg4[%mul3A_3514, %dma_start3A_3536, %dma_start3A_3543] : memref<819200x2x64xf32, #tpu.memory_space<hbm>> -> memref<128x1x64xf32, #tpu.memory_space<hbm>>
      %dma_start3A_3545 = tpu.memref_squeeze %dma_start3A_3544 : memref<128x1x64xf32, #tpu.memory_space<hbm>> -> memref<128x64xf32, #tpu.memory_space<hbm>>
      %dma_start3A_3546 = tpu.memref_slice %arg11[%dma_start3A_3537, %dma_start3A_3538] : memref<6x2x!tpu.dma_semaphore, #tpu.memory_space<semaphore_mem>> -> memref<1x1x!tpu.dma_semaphore, #tpu.memory_space<semaphore_mem>>
      %dma_start3A_3547 = tpu.memref_squeeze %dma_start3A_3546 : memref<1x1x!tpu.dma_semaphore, #tpu.memory_space<semaphore_mem>> -> memref<!tpu.dma_semaphore, #tpu.memory_space<semaphore_mem>>
      %dma_start3A_3548 = arith.constant 0 : i32
      %dma_start3A_3549 = tpu.memref_slice %arg4[%mul3A_3514, %dma_start3A_3536, %dma_start3A_3548] : memref<819200x2x64xf32, #tpu.memory_space<hbm>> -> memref<128x1x64xf32, #tpu.memory_space<hbm>>
      %dma_start3A_3550 = tpu.memref_squeeze %dma_start3A_3549 : memref<128x1x64xf32, #tpu.memory_space<hbm>> -> memref<128x64xf32, #tpu.memory_space<hbm>>
      %dma_start3A_3551 = arith.constant 0 : i32
      %dma_start3A_3552 = arith.constant 0 : i32
      %dma_start3A_3553 = tpu.memref_slice %arg8[%dma_start3A_3535, %dma_start3A_3551, %dma_start3A_3552] : memref<6x128x64xf32, #tpu.memory_space<vmem>> -> memref<1x128x64xf32, #tpu.memory_space<vmem>>
      %dma_start3A_3554 = tpu.memref_squeeze %dma_start3A_3553 : memref<1x128x64xf32, #tpu.memory_space<vmem>> -> memref<128x64xf32, #tpu.memory_space<vmem>>
      tpu.enqueue_dma source(%dma_start3A_3554 : memref<128x64xf32, #tpu.memory_space<vmem>>) target(%dma_start3A_3550 : memref<128x64xf32, #tpu.memory_space<hbm>>) target_semaphore(%dma_start3A_3547 : memref<!tpu.dma_semaphore, #tpu.memory_space<semaphore_mem>>)
      %add3A_3555 = arith.constant 1 : i32
      %add3A_3556 = arith.addi %add3A_3212, %add3A_3555 : i32
      %add3A_3557 = arith.addi %mul3A_2, %add3A_3556 : i32
      %dma_start3A_3558 = arith.constant 0 : i32
      %dma_start3A_3559 = arith.constant 0 : i32
      %dma_start3A_3560 = arith.constant 0 : i32
      %dma_start3A_3561 = arith.constant 0 : i32
      %dma_start3A_3562 = tpu.memref_slice %arg5[%dma_start3A_3558, %dma_start3A_3560, %dma_start3A_3561] : memref<6x2x128xi32, #tpu.memory_space<vmem>> -> memref<1x2x128xi32, #tpu.memory_space<vmem>>
      %dma_start3A_3563 = tpu.memref_squeeze %dma_start3A_3562 : memref<1x2x128xi32, #tpu.memory_space<vmem>> -> memref<2x128xi32, #tpu.memory_space<vmem>>
      %dma_start3A_3564 = arith.constant 0 : i32
      %dma_start3A_3565 = arith.constant 0 : i32
      %dma_start3A_3566 = tpu.memref_slice %arg2[%add3A_3557, %dma_start3A_3564, %dma_start3A_3565] : memref<6400x2x128xi32, #tpu.memory_space<hbm>> -> memref<1x2x128xi32, #tpu.memory_space<hbm>>
      %dma_start3A_3567 = tpu.memref_squeeze %dma_start3A_3566 : memref<1x2x128xi32, #tpu.memory_space<hbm>> -> memref<2x128xi32, #tpu.memory_space<hbm>>
      %dma_start3A_3568 = tpu.memref_slice %arg9[%dma_start3A_3559] : memref<6x!tpu.dma_semaphore, #tpu.memory_space<semaphore_mem>> -> memref<1x!tpu.dma_semaphore, #tpu.memory_space<semaphore_mem>>
      %dma_start3A_3569 = tpu.memref_squeeze %dma_start3A_3568 : memref<1x!tpu.dma_semaphore, #tpu.memory_space<semaphore_mem>> -> memref<!tpu.dma_semaphore, #tpu.memory_space<semaphore_mem>>
      %dma_start3A_3570 = arith.constant 0 : i32
      %dma_start3A_3571 = arith.constant 0 : i32
      %dma_start3A_3572 = tpu.memref_slice %arg5[%dma_start3A_3558, %dma_start3A_3570, %dma_start3A_3571] : memref<6x2x128xi32, #tpu.memory_space<vmem>> -> memref<1x2x128xi32, #tpu.memory_space<vmem>>
      %dma_start3A_3573 = tpu.memref_squeeze %dma_start3A_3572 : memref<1x2x128xi32, #tpu.memory_space<vmem>> -> memref<2x128xi32, #tpu.memory_space<vmem>>
      %dma_start3A_3574 = arith.constant 0 : i32
      %dma_start3A_3575 = arith.constant 0 : i32
      %dma_start3A_3576 = tpu.memref_slice %arg2[%add3A_3557, %dma_start3A_3574, %dma_start3A_3575] : memref<6400x2x128xi32, #tpu.memory_space<hbm>> -> memref<1x2x128xi32, #tpu.memory_space<hbm>>
      %dma_start3A_3577 = tpu.memref_squeeze %dma_start3A_3576 : memref<1x2x128xi32, #tpu.memory_space<hbm>> -> memref<2x128xi32, #tpu.memory_space<hbm>>
      tpu.enqueue_dma source(%dma_start3A_3577 : memref<2x128xi32, #tpu.memory_space<hbm>>) target(%dma_start3A_3573 : memref<2x128xi32, #tpu.memory_space<vmem>>) target_semaphore(%dma_start3A_3569 : memref<!tpu.dma_semaphore, #tpu.memory_space<semaphore_mem>>)
      %ge3A_3578 = arith.constant 1 : i32
      %ge3A_3579 = arith.cmpi sge, %scan3A_1546, %ge3A_3578 : i32
      %convert_element_type3A_3580 = arith.extui %ge3A_3579 : i1 to i32
      %cond3A_3581 = arith.constant 0 : i32
      %cond3A_3582 = arith.cmpi ne, %convert_element_type3A_3580, %cond3A_3581 : i32
      scf.if %cond3A_3582 {
        %dma_wait3A_3618 = arith.constant 5 : i32
        %dma_wait3A_3619 = arith.constant 0 : i32
        %dma_wait3A_3620 = arith.constant 5 : i32
        %dma_wait3A_3621 = arith.constant 0 : i32
        %dma_wait3A_3622 = arith.constant 0 : i32
        %dma_wait3A_3623 = arith.constant 0 : i32
        %dma_wait3A_3624 = tpu.memref_slice %arg7[%dma_wait3A_3618, %dma_wait3A_3622, %dma_wait3A_3623] : memref<6x128x64xf32, #tpu.memory_space<vmem>> -> memref<1x128x64xf32, #tpu.memory_space<vmem>>
        %dma_wait3A_3625 = tpu.memref_squeeze %dma_wait3A_3624 : memref<1x128x64xf32, #tpu.memory_space<vmem>> -> memref<128x64xf32, #tpu.memory_space<vmem>>
        %dma_wait3A_3626 = arith.constant 0 : i32
        %dma_wait3A_3627 = arith.constant 0 : i32
        %dma_wait3A_3628 = tpu.memref_slice %arg4[%dma_wait3A_3626, %dma_wait3A_3619, %dma_wait3A_3627] : memref<819200x2x64xf32, #tpu.memory_space<hbm>> -> memref<128x1x64xf32, #tpu.memory_space<hbm>>
        %dma_wait3A_3629 = tpu.memref_squeeze %dma_wait3A_3628 : memref<128x1x64xf32, #tpu.memory_space<hbm>> -> memref<128x64xf32, #tpu.memory_space<hbm>>
        %dma_wait3A_3630 = tpu.memref_slice %arg11[%dma_wait3A_3620, %dma_wait3A_3621] : memref<6x2x!tpu.dma_semaphore, #tpu.memory_space<semaphore_mem>> -> memref<1x1x!tpu.dma_semaphore, #tpu.memory_space<semaphore_mem>>
        %dma_wait3A_3631 = tpu.memref_squeeze %dma_wait3A_3630 : memref<1x1x!tpu.dma_semaphore, #tpu.memory_space<semaphore_mem>> -> memref<!tpu.dma_semaphore, #tpu.memory_space<semaphore_mem>>
        %dma_wait3A_3632 = arith.constant 0 : i32
        %dma_wait3A_3633 = arith.constant 0 : i32
        %dma_wait3A_3634 = tpu.memref_slice %arg4[%dma_wait3A_3632, %dma_wait3A_3619, %dma_wait3A_3633] : memref<819200x2x64xf32, #tpu.memory_space<hbm>> -> memref<128x1x64xf32, #tpu.memory_space<hbm>>
        %dma_wait3A_3635 = tpu.memref_squeeze %dma_wait3A_3634 : memref<128x1x64xf32, #tpu.memory_space<hbm>> -> memref<128x64xf32, #tpu.memory_space<hbm>>
        %dma_wait3A_3636 = arith.constant 0 : i32
        %dma_wait3A_3637 = arith.constant 0 : i32
        %dma_wait3A_3638 = tpu.memref_slice %arg7[%dma_wait3A_3618, %dma_wait3A_3636, %dma_wait3A_3637] : memref<6x128x64xf32, #tpu.memory_space<vmem>> -> memref<1x128x64xf32, #tpu.memory_space<vmem>>
        %dma_wait3A_3639 = tpu.memref_squeeze %dma_wait3A_3638 : memref<1x128x64xf32, #tpu.memory_space<vmem>> -> memref<128x64xf32, #tpu.memory_space<vmem>>
        tpu.wait_dma2 semaphore(%dma_wait3A_3631 : memref<!tpu.dma_semaphore, #tpu.memory_space<semaphore_mem>>) src(%dma_wait3A_3639 : memref<128x64xf32, #tpu.memory_space<vmem>>) dst(%dma_wait3A_3635 : memref<128x64xf32, #tpu.memory_space<hbm>>)
        %dma_wait3A_3640 = arith.constant 5 : i32
        %dma_wait3A_3641 = arith.constant 1 : i32
        %dma_wait3A_3642 = arith.constant 5 : i32
        %dma_wait3A_3643 = arith.constant 1 : i32
        %dma_wait3A_3644 = arith.constant 0 : i32
        %dma_wait3A_3645 = arith.constant 0 : i32
        %dma_wait3A_3646 = tpu.memref_slice %arg8[%dma_wait3A_3640, %dma_wait3A_3644, %dma_wait3A_3645] : memref<6x128x64xf32, #tpu.memory_space<vmem>> -> memref<1x128x64xf32, #tpu.memory_space<vmem>>
        %dma_wait3A_3647 = tpu.memref_squeeze %dma_wait3A_3646 : memref<1x128x64xf32, #tpu.memory_space<vmem>> -> memref<128x64xf32, #tpu.memory_space<vmem>>
        %dma_wait3A_3648 = arith.constant 0 : i32
        %dma_wait3A_3649 = arith.constant 0 : i32
        %dma_wait3A_3650 = tpu.memref_slice %arg4[%dma_wait3A_3648, %dma_wait3A_3641, %dma_wait3A_3649] : memref<819200x2x64xf32, #tpu.memory_space<hbm>> -> memref<128x1x64xf32, #tpu.memory_space<hbm>>
        %dma_wait3A_3651 = tpu.memref_squeeze %dma_wait3A_3650 : memref<128x1x64xf32, #tpu.memory_space<hbm>> -> memref<128x64xf32, #tpu.memory_space<hbm>>
        %dma_wait3A_3652 = tpu.memref_slice %arg11[%dma_wait3A_3642, %dma_wait3A_3643] : memref<6x2x!tpu.dma_semaphore, #tpu.memory_space<semaphore_mem>> -> memref<1x1x!tpu.dma_semaphore, #tpu.memory_space<semaphore_mem>>
        %dma_wait3A_3653 = tpu.memref_squeeze %dma_wait3A_3652 : memref<1x1x!tpu.dma_semaphore, #tpu.memory_space<semaphore_mem>> -> memref<!tpu.dma_semaphore, #tpu.memory_space<semaphore_mem>>
        %dma_wait3A_3654 = arith.constant 0 : i32
        %dma_wait3A_3655 = arith.constant 0 : i32
        %dma_wait3A_3656 = tpu.memref_slice %arg4[%dma_wait3A_3654, %dma_wait3A_3641, %dma_wait3A_3655] : memref<819200x2x64xf32, #tpu.memory_space<hbm>> -> memref<128x1x64xf32, #tpu.memory_space<hbm>>
        %dma_wait3A_3657 = tpu.memref_squeeze %dma_wait3A_3656 : memref<128x1x64xf32, #tpu.memory_space<hbm>> -> memref<128x64xf32, #tpu.memory_space<hbm>>
        %dma_wait3A_3658 = arith.constant 0 : i32
        %dma_wait3A_3659 = arith.constant 0 : i32
        %dma_wait3A_3660 = tpu.memref_slice %arg8[%dma_wait3A_3640, %dma_wait3A_3658, %dma_wait3A_3659] : memref<6x128x64xf32, #tpu.memory_space<vmem>> -> memref<1x128x64xf32, #tpu.memory_space<vmem>>
        %dma_wait3A_3661 = tpu.memref_squeeze %dma_wait3A_3660 : memref<1x128x64xf32, #tpu.memory_space<vmem>> -> memref<128x64xf32, #tpu.memory_space<vmem>>
        tpu.wait_dma2 semaphore(%dma_wait3A_3653 : memref<!tpu.dma_semaphore, #tpu.memory_space<semaphore_mem>>) src(%dma_wait3A_3661 : memref<128x64xf32, #tpu.memory_space<vmem>>) dst(%dma_wait3A_3657 : memref<128x64xf32, #tpu.memory_space<hbm>>)
      } else {
      }
      %dma_start3A_3583 = arith.constant 5 : i32
      %dma_start3A_3584 = arith.constant 0 : i32
      %dma_start3A_3585 = arith.constant 5 : i32
      %dma_start3A_3586 = arith.constant 5 : i32
      %dma_start3A_3587 = arith.constant 0 : i32
      %dma_start3A_3588 = arith.constant 0 : i32
      %dma_start3A_3589 = tpu.memref_slice %arg7[%dma_start3A_3585, %dma_start3A_3587, %dma_start3A_3588] : memref<6x128x64xf32, #tpu.memory_space<vmem>> -> memref<1x128x64xf32, #tpu.memory_space<vmem>>
      %dma_start3A_3590 = tpu.memref_squeeze %dma_start3A_3589 : memref<1x128x64xf32, #tpu.memory_space<vmem>> -> memref<128x64xf32, #tpu.memory_space<vmem>>
      %dma_start3A_3591 = arith.constant 0 : i32
      %dma_start3A_3592 = arith.constant 0 : i32
      %dma_start3A_3593 = tpu.memref_slice %arg5[%dma_start3A_3583, %dma_start3A_3591, %dma_start3A_3592] : memref<6x2x128xi32, #tpu.memory_space<vmem>> -> memref<1x2x128xi32, #tpu.memory_space<vmem>>
      %dma_start3A_3594 = tpu.memref_squeeze %dma_start3A_3593 : memref<1x2x128xi32, #tpu.memory_space<vmem>> -> memref<2x128xi32, #tpu.memory_space<vmem>>
      %dma_start3A_3595 = arith.constant 0 : i32
      %dma_start3A_3596 = tpu.memref_slice %dma_start3A_3594[%dma_start3A_3584, %dma_start3A_3595] : memref<2x128xi32, #tpu.memory_space<vmem>> -> memref<1x128xi32, #tpu.memory_space<vmem>>
      %dma_start3A_3597 = tpu.memref_squeeze %dma_start3A_3596 : memref<1x128xi32, #tpu.memory_space<vmem>> -> memref<128xi32, #tpu.memory_space<vmem>>
      %dma_start3A_3598 = arith.constant 0 : i32
      %dma_start3A_3599 = arith.constant 0 : i32
      %dma_start3A_3600 = tpu.memref_slice %arg3[%dma_start3A_3598, %dma_start3A_3599] : memref<100001x64xf32, #tpu.memory_space<hbm>> -> memref<100001x64xf32, #tpu.memory_space<hbm>>
      %dma_start3A_3601 = tpu.memref_slice %arg10[%dma_start3A_3586] : memref<6x!tpu.dma_semaphore, #tpu.memory_space<semaphore_mem>> -> memref<1x!tpu.dma_semaphore, #tpu.memory_space<semaphore_mem>>
      %dma_start3A_3602 = tpu.memref_squeeze %dma_start3A_3601 : memref<1x!tpu.dma_semaphore, #tpu.memory_space<semaphore_mem>> -> memref<!tpu.dma_semaphore, #tpu.memory_space<semaphore_mem>>
      tpu.enqueue_indirect_dma source(%dma_start3A_3600 : memref<100001x64xf32, #tpu.memory_space<hbm>>) target(%dma_start3A_3590 : memref<128x64xf32, #tpu.memory_space<vmem>>) offsets(%dma_start3A_3597 : memref<128xi32, #tpu.memory_space<vmem>>) semaphore(%dma_start3A_3602 : memref<!tpu.dma_semaphore, #tpu.memory_space<semaphore_mem>>)
      %dma_start3A_3603 = arith.constant 5 : i32
      %dma_start3A_3604 = arith.constant 5 : i32
      %dma_start3A_3605 = arith.constant 5 : i32
      %dma_start3A_3606 = arith.constant 0 : i32
      %dma_start3A_3607 = arith.constant 0 : i32
      %dma_start3A_3608 = tpu.memref_slice %arg8[%dma_start3A_3604, %dma_start3A_3606, %dma_start3A_3607] : memref<6x128x64xf32, #tpu.memory_space<vmem>> -> memref<1x128x64xf32, #tpu.memory_space<vmem>>
      %dma_start3A_3609 = tpu.memref_squeeze %dma_start3A_3608 : memref<1x128x64xf32, #tpu.memory_space<vmem>> -> memref<128x64xf32, #tpu.memory_space<vmem>>
      %dma_start3A_3610 = arith.constant 0 : i32
      %dma_start3A_3611 = tpu.memref_slice %arg6[%dma_start3A_3603, %dma_start3A_3610] : memref<6x128xi32, #tpu.memory_space<vmem>> -> memref<1x128xi32, #tpu.memory_space<vmem>>
      %dma_start3A_3612 = tpu.memref_squeeze %dma_start3A_3611 : memref<1x128xi32, #tpu.memory_space<vmem>> -> memref<128xi32, #tpu.memory_space<vmem>>
      %dma_start3A_3613 = arith.constant 0 : i32
      %dma_start3A_3614 = arith.constant 0 : i32
      %dma_start3A_3615 = tpu.memref_slice %arg3[%dma_start3A_3613, %dma_start3A_3614] : memref<100001x64xf32, #tpu.memory_space<hbm>> -> memref<100001x64xf32, #tpu.memory_space<hbm>>
      %dma_start3A_3616 = tpu.memref_slice %arg10[%dma_start3A_3605] : memref<6x!tpu.dma_semaphore, #tpu.memory_space<semaphore_mem>> -> memref<1x!tpu.dma_semaphore, #tpu.memory_space<semaphore_mem>>
      %dma_start3A_3617 = tpu.memref_squeeze %dma_start3A_3616 : memref<1x!tpu.dma_semaphore, #tpu.memory_space<semaphore_mem>> -> memref<!tpu.dma_semaphore, #tpu.memory_space<semaphore_mem>>
      tpu.enqueue_indirect_dma source(%dma_start3A_3615 : memref<100001x64xf32, #tpu.memory_space<hbm>>) target(%dma_start3A_3609 : memref<128x64xf32, #tpu.memory_space<vmem>>) offsets(%dma_start3A_3612 : memref<128xi32, #tpu.memory_space<vmem>>) semaphore(%dma_start3A_3617 : memref<!tpu.dma_semaphore, #tpu.memory_space<semaphore_mem>>)
    }
    %scan3A_27 = arith.constant 33 : i32
    %dma_wait3A = arith.constant 0 : i32
    %dma_wait3A_28 = arith.constant 0 : i32
    %dma_wait3A_29 = arith.constant 0 : i32
    %dma_wait3A_30 = arith.constant 0 : i32
    %dma_wait3A_31 = arith.constant 0 : i32
    %dma_wait3A_32 = tpu.memref_slice %arg5[%dma_wait3A_28, %dma_wait3A_30, %dma_wait3A_31] : memref<6x2x128xi32, #tpu.memory_space<vmem>> -> memref<1x2x128xi32, #tpu.memory_space<vmem>>
    %dma_wait3A_33 = tpu.memref_squeeze %dma_wait3A_32 : memref<1x2x128xi32, #tpu.memory_space<vmem>> -> memref<2x128xi32, #tpu.memory_space<vmem>>
    %dma_wait3A_34 = arith.constant 0 : i32
    %dma_wait3A_35 = arith.constant 0 : i32
    %dma_wait3A_36 = tpu.memref_slice %arg2[%dma_wait3A, %dma_wait3A_34, %dma_wait3A_35] : memref<6400x2x128xi32, #tpu.memory_space<hbm>> -> memref<1x2x128xi32, #tpu.memory_space<hbm>>
    %dma_wait3A_37 = tpu.memref_squeeze %dma_wait3A_36 : memref<1x2x128xi32, #tpu.memory_space<hbm>> -> memref<2x128xi32, #tpu.memory_space<hbm>>
    %dma_wait3A_38 = tpu.memref_slice %arg9[%dma_wait3A_29] : memref<6x!tpu.dma_semaphore, #tpu.memory_space<semaphore_mem>> -> memref<1x!tpu.dma_semaphore, #tpu.memory_space<semaphore_mem>>
    %dma_wait3A_39 = tpu.memref_squeeze %dma_wait3A_38 : memref<1x!tpu.dma_semaphore, #tpu.memory_space<semaphore_mem>> -> memref<!tpu.dma_semaphore, #tpu.memory_space<semaphore_mem>>
    %dma_wait3A_40 = arith.constant 0 : i32
    %dma_wait3A_41 = arith.constant 0 : i32
    %dma_wait3A_42 = tpu.memref_slice %arg5[%dma_wait3A_28, %dma_wait3A_40, %dma_wait3A_41] : memref<6x2x128xi32, #tpu.memory_space<vmem>> -> memref<1x2x128xi32, #tpu.memory_space<vmem>>
    %dma_wait3A_43 = tpu.memref_squeeze %dma_wait3A_42 : memref<1x2x128xi32, #tpu.memory_space<vmem>> -> memref<2x128xi32, #tpu.memory_space<vmem>>
    %dma_wait3A_44 = arith.constant 0 : i32
    %dma_wait3A_45 = arith.constant 0 : i32
    %dma_wait3A_46 = tpu.memref_slice %arg2[%dma_wait3A, %dma_wait3A_44, %dma_wait3A_45] : memref<6400x2x128xi32, #tpu.memory_space<hbm>> -> memref<1x2x128xi32, #tpu.memory_space<hbm>>
    %dma_wait3A_47 = tpu.memref_squeeze %dma_wait3A_46 : memref<1x2x128xi32, #tpu.memory_space<hbm>> -> memref<2x128xi32, #tpu.memory_space<hbm>>
    tpu.wait_dma2 semaphore(%dma_wait3A_39 : memref<!tpu.dma_semaphore, #tpu.memory_space<semaphore_mem>>) src(%dma_wait3A_47 : memref<2x128xi32, #tpu.memory_space<hbm>>) dst(%dma_wait3A_43 : memref<2x128xi32, #tpu.memory_space<vmem>>)
    %get3A = arith.constant 0 : i32
    %get3A_48 = arith.constant 0 : i32
    %get3A_49 = arith.index_cast %get3A : i32 to index
    %get3A_50 = arith.index_cast %get3A_48 : i32 to index
    %get3A_51 = arith.constant 0 : index
    %get3A_52 = tpu.vector_load %arg5[%get3A_49, %get3A_50, %get3A_51] {strides = array<i32>} : memref<6x2x128xi32, #tpu.memory_space<vmem>>, vector<1x1x16xi32>,
    %get3A_53 = vector.shape_cast %get3A_52 : vector<1x1x16xi32> to vector<16xi32>
    %get3A_54 = arith.constant 0 : i32
    %get3A_55 = arith.constant 1 : i32
    %get3A_56 = arith.index_cast %get3A_54 : i32 to index
    %get3A_57 = arith.index_cast %get3A_55 : i32 to index
    %get3A_58 = arith.constant 0 : index
    %get3A_59 = tpu.vector_load %arg5[%get3A_56, %get3A_57, %get3A_58] {strides = array<i32>} : memref<6x2x128xi32, #tpu.memory_space<vmem>>, vector<1x1x16xi32>,
    %get3A_60 = vector.shape_cast %get3A_59 : vector<1x1x16xi32> to vector<16xi32>
    %eq3A = arith.constant 0 : i32
    %eq3A_61 = vector.broadcast %eq3A : i32 to vector<16xi32>
    %eq3A_62 = arith.cmpi eq, %get3A_53, %eq3A_61 : vector<16xi32>
    %sub3A = arith.subi %get3A_60, %get3A_53 : vector<16xi32>
    %add3A_63 = arith.constant 1 : i32
    %add3A_64 = vector.broadcast %add3A_63 : i32 to vector<16xi32>
    %add3A_65 = arith.addi %sub3A, %add3A_64 : vector<16xi32>
    %jit3A = arith.constant 0 : i32
    %broadcast_in_dim3A = vector.broadcast %jit3A : i32 to vector<16xi32>
    %select_n3A = arith.select %eq3A_62, %broadcast_in_dim3A, %add3A_65 : vector<16xi1>, vector<16xi32>
    %swap3A = arith.constant 0 : i32
    %swap3A_66 = arith.index_cast %swap3A : i32 to index
    %swap3A_67 = arith.constant 0 : index
    %swap3A_68 = tpu.vector_load %arg6[%swap3A_66, %swap3A_67] {strides = array<i32>} : memref<6x128xi32, #tpu.memory_space<vmem>>, vector<1x16xi32>,
    %swap3A_69 = vector.shape_cast %swap3A_68 : vector<1x16xi32> to vector<16xi32>
    %swap3A_70 = vector.shape_cast %select_n3A : vector<16xi32> to vector<1x16xi32>
    tpu.vector_store %arg6[%swap3A_66, %swap3A_67], %swap3A_70 {strides = array<i32>} : memref<6x128xi32, #tpu.memory_space<vmem>>, vector<1x16xi32>,
    %get3A_71 = arith.constant 0 : i32
    %get3A_72 = arith.constant 0 : i32
    %get3A_73 = arith.index_cast %get3A_71 : i32 to index
    %get3A_74 = arith.index_cast %get3A_72 : i32 to index
    %get3A_75 = arith.constant 16 : index
    %get3A_76 = tpu.vector_load %arg5[%get3A_73, %get3A_74, %get3A_75] {strides = array<i32>} : memref<6x2x128xi32, #tpu.memory_space<vmem>>, vector<1x1x16xi32>,
    %get3A_77 = vector.shape_cast %get3A_76 : vector<1x1x16xi32> to vector<16xi32>
    %get3A_78 = arith.constant 0 : i32
    %get3A_79 = arith.constant 1 : i32
    %get3A_80 = arith.index_cast %get3A_78 : i32 to index
    %get3A_81 = arith.index_cast %get3A_79 : i32 to index
    %get3A_82 = arith.constant 16 : index
    %get3A_83 = tpu.vector_load %arg5[%get3A_80, %get3A_81, %get3A_82] {strides = array<i32>} : memref<6x2x128xi32, #tpu.memory_space<vmem>>, vector<1x1x16xi32>,
    %get3A_84 = vector.shape_cast %get3A_83 : vector<1x1x16xi32> to vector<16xi32>
    %eq3A_85 = arith.constant 0 : i32
    %eq3A_86 = vector.broadcast %eq3A_85 : i32 to vector<16xi32>
    %eq3A_87 = arith.cmpi eq, %get3A_77, %eq3A_86 : vector<16xi32>
    %sub3A_88 = arith.subi %get3A_84, %get3A_77 : vector<16xi32>
    %add3A_89 = arith.constant 1 : i32
    %add3A_90 = vector.broadcast %add3A_89 : i32 to vector<16xi32>
    %add3A_91 = arith.addi %sub3A_88, %add3A_90 : vector<16xi32>
    %jit3A_92 = arith.constant 0 : i32
    %broadcast_in_dim3A_93 = vector.broadcast %jit3A_92 : i32 to vector<16xi32>
    %select_n3A_94 = arith.select %eq3A_87, %broadcast_in_dim3A_93, %add3A_91 : vector<16xi1>, vector<16xi32>
    %swap3A_95 = arith.constant 0 : i32
    %swap3A_96 = arith.index_cast %swap3A_95 : i32 to index
    %swap3A_97 = arith.constant 16 : index
    %swap3A_98 = tpu.vector_load %arg6[%swap3A_96, %swap3A_97] {strides = array<i32>} : memref<6x128xi32, #tpu.memory_space<vmem>>, vector<1x16xi32>,
    %swap3A_99 = vector.shape_cast %swap3A_98 : vector<1x16xi32> to vector<16xi32>
    %swap3A_100 = vector.shape_cast %select_n3A_94 : vector<16xi32> to vector<1x16xi32>
    tpu.vector_store %arg6[%swap3A_96, %swap3A_97], %swap3A_100 {strides = array<i32>} : memref<6x128xi32, #tpu.memory_space<vmem>>, vector<1x16xi32>,
    %get3A_101 = arith.constant 0 : i32
    %get3A_102 = arith.constant 0 : i32
    %get3A_103 = arith.index_cast %get3A_101 : i32 to index
    %get3A_104 = arith.index_cast %get3A_102 : i32 to index
    %get3A_105 = arith.constant 32 : index
    %get3A_106 = tpu.vector_load %arg5[%get3A_103, %get3A_104, %get3A_105] {strides = array<i32>} : memref<6x2x128xi32, #tpu.memory_space<vmem>>, vector<1x1x16xi32>,
    %get3A_107 = vector.shape_cast %get3A_106 : vector<1x1x16xi32> to vector<16xi32>
    %get3A_108 = arith.constant 0 : i32
    %get3A_109 = arith.constant 1 : i32
    %get3A_110 = arith.index_cast %get3A_108 : i32 to index
    %get3A_111 = arith.index_cast %get3A_109 : i32 to index
    %get3A_112 = arith.constant 32 : index
    %get3A_113 = tpu.vector_load %arg5[%get3A_110, %get3A_111, %get3A_112] {strides = array<i32>} : memref<6x2x128xi32, #tpu.memory_space<vmem>>, vector<1x1x16xi32>,
    %get3A_114 = vector.shape_cast %get3A_113 : vector<1x1x16xi32> to vector<16xi32>
    %eq3A_115 = arith.constant 0 : i32
    %eq3A_116 = vector.broadcast %eq3A_115 : i32 to vector<16xi32>
    %eq3A_117 = arith.cmpi eq, %get3A_107, %eq3A_116 : vector<16xi32>
    %sub3A_118 = arith.subi %get3A_114, %get3A_107 : vector<16xi32>
    %add3A_119 = arith.constant 1 : i32
    %add3A_120 = vector.broadcast %add3A_119 : i32 to vector<16xi32>
    %add3A_121 = arith.addi %sub3A_118, %add3A_120 : vector<16xi32>
    %jit3A_122 = arith.constant 0 : i32
    %broadcast_in_dim3A_123 = vector.broadcast %jit3A_122 : i32 to vector<16xi32>
    %select_n3A_124 = arith.select %eq3A_117, %broadcast_in_dim3A_123, %add3A_121 : vector<16xi1>, vector<16xi32>
    %swap3A_125 = arith.constant 0 : i32
    %swap3A_126 = arith.index_cast %swap3A_125 : i32 to index
    %swap3A_127 = arith.constant 32 : index
    %swap3A_128 = tpu.vector_load %arg6[%swap3A_126, %swap3A_127] {strides = array<i32>} : memref<6x128xi32, #tpu.memory_space<vmem>>, vector<1x16xi32>,
    %swap3A_129 = vector.shape_cast %swap3A_128 : vector<1x16xi32> to vector<16xi32>
    %swap3A_130 = vector.shape_cast %select_n3A_124 : vector<16xi32> to vector<1x16xi32>
    tpu.vector_store %arg6[%swap3A_126, %swap3A_127], %swap3A_130 {strides = array<i32>} : memref<6x128xi32, #tpu.memory_space<vmem>>, vector<1x16xi32>,
    %get3A_131 = arith.constant 0 : i32
    %get3A_132 = arith.constant 0 : i32
    %get3A_133 = arith.index_cast %get3A_131 : i32 to index
    %get3A_134 = arith.index_cast %get3A_132 : i32 to index
    %get3A_135 = arith.constant 48 : index
    %get3A_136 = tpu.vector_load %arg5[%get3A_133, %get3A_134, %get3A_135] {strides = array<i32>} : memref<6x2x128xi32, #tpu.memory_space<vmem>>, vector<1x1x16xi32>,
    %get3A_137 = vector.shape_cast %get3A_136 : vector<1x1x16xi32> to vector<16xi32>
    %get3A_138 = arith.constant 0 : i32
    %get3A_139 = arith.constant 1 : i32
    %get3A_140 = arith.index_cast %get3A_138 : i32 to index
    %get3A_141 = arith.index_cast %get3A_139 : i32 to index
    %get3A_142 = arith.constant 48 : index
    %get3A_143 = tpu.vector_load %arg5[%get3A_140, %get3A_141, %get3A_142] {strides = array<i32>} : memref<6x2x128xi32, #tpu.memory_space<vmem>>, vector<1x1x16xi32>,
    %get3A_144 = vector.shape_cast %get3A_143 : vector<1x1x16xi32> to vector<16xi32>
    %eq3A_145 = arith.constant 0 : i32
    %eq3A_146 = vector.broadcast %eq3A_145 : i32 to vector<16xi32>
    %eq3A_147 = arith.cmpi eq, %get3A_137, %eq3A_146 : vector<16xi32>
    %sub3A_148 = arith.subi %get3A_144, %get3A_137 : vector<16xi32>
    %add3A_149 = arith.constant 1 : i32
    %add3A_150 = vector.broadcast %add3A_149 : i32 to vector<16xi32>
    %add3A_151 = arith.addi %sub3A_148, %add3A_150 : vector<16xi32>
    %jit3A_152 = arith.constant 0 : i32
    %broadcast_in_dim3A_153 = vector.broadcast %jit3A_152 : i32 to vector<16xi32>
    %select_n3A_154 = arith.select %eq3A_147, %broadcast_in_dim3A_153, %add3A_151 : vector<16xi1>, vector<16xi32>
    %swap3A_155 = arith.constant 0 : i32
    %swap3A_156 = arith.index_cast %swap3A_155 : i32 to index
    %swap3A_157 = arith.constant 48 : index
    %swap3A_158 = tpu.vector_load %arg6[%swap3A_156, %swap3A_157] {strides = array<i32>} : memref<6x128xi32, #tpu.memory_space<vmem>>, vector<1x16xi32>,
    %swap3A_159 = vector.shape_cast %swap3A_158 : vector<1x16xi32> to vector<16xi32>
    %swap3A_160 = vector.shape_cast %select_n3A_154 : vector<16xi32> to vector<1x16xi32>
    tpu.vector_store %arg6[%swap3A_156, %swap3A_157], %swap3A_160 {strides = array<i32>} : memref<6x128xi32, #tpu.memory_space<vmem>>, vector<1x16xi32>,
    %get3A_161 = arith.constant 0 : i32
    %get3A_162 = arith.constant 0 : i32
    %get3A_163 = arith.index_cast %get3A_161 : i32 to index
    %get3A_164 = arith.index_cast %get3A_162 : i32 to index
    %get3A_165 = arith.constant 64 : index
    %get3A_166 = tpu.vector_load %arg5[%get3A_163, %get3A_164, %get3A_165] {strides = array<i32>} : memref<6x2x128xi32, #tpu.memory_space<vmem>>, vector<1x1x16xi32>,
    %get3A_167 = vector.shape_cast %get3A_166 : vector<1x1x16xi32> to vector<16xi32>
    %get3A_168 = arith.constant 0 : i32
    %get3A_169 = arith.constant 1 : i32
    %get3A_170 = arith.index_cast %get3A_168 : i32 to index
    %get3A_171 = arith.index_cast %get3A_169 : i32 to index
    %get3A_172 = arith.constant 64 : index
    %get3A_173 = tpu.vector_load %arg5[%get3A_170, %get3A_171, %get3A_172] {strides = array<i32>} : memref<6x2x128xi32, #tpu.memory_space<vmem>>, vector<1x1x16xi32>,
    %get3A_174 = vector.shape_cast %get3A_173 : vector<1x1x16xi32> to vector<16xi32>
    %eq3A_175 = arith.constant 0 : i32
    %eq3A_176 = vector.broadcast %eq3A_175 : i32 to vector<16xi32>
    %eq3A_177 = arith.cmpi eq, %get3A_167, %eq3A_176 : vector<16xi32>
    %sub3A_178 = arith.subi %get3A_174, %get3A_167 : vector<16xi32>
    %add3A_179 = arith.constant 1 : i32
    %add3A_180 = vector.broadcast %add3A_179 : i32 to vector<16xi32>
    %add3A_181 = arith.addi %sub3A_178, %add3A_180 : vector<16xi32>
    %jit3A_182 = arith.constant 0 : i32
    %broadcast_in_dim3A_183 = vector.broadcast %jit3A_182 : i32 to vector<16xi32>
    %select_n3A_184 = arith.select %eq3A_177, %broadcast_in_dim3A_183, %add3A_181 : vector<16xi1>, vector<16xi32>
    %swap3A_185 = arith.constant 0 : i32
    %swap3A_186 = arith.index_cast %swap3A_185 : i32 to index
    %swap3A_187 = arith.constant 64 : index
    %swap3A_188 = tpu.vector_load %arg6[%swap3A_186, %swap3A_187] {strides = array<i32>} : memref<6x128xi32, #tpu.memory_space<vmem>>, vector<1x16xi32>,
    %swap3A_189 = vector.shape_cast %swap3A_188 : vector<1x16xi32> to vector<16xi32>
    %swap3A_190 = vector.shape_cast %select_n3A_184 : vector<16xi32> to vector<1x16xi32>
    tpu.vector_store %arg6[%swap3A_186, %swap3A_187], %swap3A_190 {strides = array<i32>} : memref<6x128xi32, #tpu.memory_space<vmem>>, vector<1x16xi32>,
    %get3A_191 = arith.constant 0 : i32
    %get3A_192 = arith.constant 0 : i32
    %get3A_193 = arith.index_cast %get3A_191 : i32 to index
    %get3A_194 = arith.index_cast %get3A_192 : i32 to index
    %get3A_195 = arith.constant 80 : index
    %get3A_196 = tpu.vector_load %arg5[%get3A_193, %get3A_194, %get3A_195] {strides = array<i32>} : memref<6x2x128xi32, #tpu.memory_space<vmem>>, vector<1x1x16xi32>,
    %get3A_197 = vector.shape_cast %get3A_196 : vector<1x1x16xi32> to vector<16xi32>
    %get3A_198 = arith.constant 0 : i32
    %get3A_199 = arith.constant 1 : i32
    %get3A_200 = arith.index_cast %get3A_198 : i32 to index
    %get3A_201 = arith.index_cast %get3A_199 : i32 to index
    %get3A_202 = arith.constant 80 : index
    %get3A_203 = tpu.vector_load %arg5[%get3A_200, %get3A_201, %get3A_202] {strides = array<i32>} : memref<6x2x128xi32, #tpu.memory_space<vmem>>, vector<1x1x16xi32>,
    %get3A_204 = vector.shape_cast %get3A_203 : vector<1x1x16xi32> to vector<16xi32>
    %eq3A_205 = arith.constant 0 : i32
    %eq3A_206 = vector.broadcast %eq3A_205 : i32 to vector<16xi32>
    %eq3A_207 = arith.cmpi eq, %get3A_197, %eq3A_206 : vector<16xi32>
    %sub3A_208 = arith.subi %get3A_204, %get3A_197 : vector<16xi32>
    %add3A_209 = arith.constant 1 : i32
    %add3A_210 = vector.broadcast %add3A_209 : i32 to vector<16xi32>
    %add3A_211 = arith.addi %sub3A_208, %add3A_210 : vector<16xi32>
    %jit3A_212 = arith.constant 0 : i32
    %broadcast_in_dim3A_213 = vector.broadcast %jit3A_212 : i32 to vector<16xi32>
    %select_n3A_214 = arith.select %eq3A_207, %broadcast_in_dim3A_213, %add3A_211 : vector<16xi1>, vector<16xi32>
    %swap3A_215 = arith.constant 0 : i32
    %swap3A_216 = arith.index_cast %swap3A_215 : i32 to index
    %swap3A_217 = arith.constant 80 : index
    %swap3A_218 = tpu.vector_load %arg6[%swap3A_216, %swap3A_217] {strides = array<i32>} : memref<6x128xi32, #tpu.memory_space<vmem>>, vector<1x16xi32>,
    %swap3A_219 = vector.shape_cast %swap3A_218 : vector<1x16xi32> to vector<16xi32>
    %swap3A_220 = vector.shape_cast %select_n3A_214 : vector<16xi32> to vector<1x16xi32>
    tpu.vector_store %arg6[%swap3A_216, %swap3A_217], %swap3A_220 {strides = array<i32>} : memref<6x128xi32, #tpu.memory_space<vmem>>, vector<1x16xi32>,
    %get3A_221 = arith.constant 0 : i32
    %get3A_222 = arith.constant 0 : i32
    %get3A_223 = arith.index_cast %get3A_221 : i32 to index
    %get3A_224 = arith.index_cast %get3A_222 : i32 to index
    %get3A_225 = arith.constant 96 : index
    %get3A_226 = tpu.vector_load %arg5[%get3A_223, %get3A_224, %get3A_225] {strides = array<i32>} : memref<6x2x128xi32, #tpu.memory_space<vmem>>, vector<1x1x16xi32>,
    %get3A_227 = vector.shape_cast %get3A_226 : vector<1x1x16xi32> to vector<16xi32>
    %get3A_228 = arith.constant 0 : i32
    %get3A_229 = arith.constant 1 : i32
    %get3A_230 = arith.index_cast %get3A_228 : i32 to index
    %get3A_231 = arith.index_cast %get3A_229 : i32 to index
    %get3A_232 = arith.constant 96 : index
    %get3A_233 = tpu.vector_load %arg5[%get3A_230, %get3A_231, %get3A_232] {strides = array<i32>} : memref<6x2x128xi32, #tpu.memory_space<vmem>>, vector<1x1x16xi32>,
    %get3A_234 = vector.shape_cast %get3A_233 : vector<1x1x16xi32> to vector<16xi32>
    %eq3A_235 = arith.constant 0 : i32
    %eq3A_236 = vector.broadcast %eq3A_235 : i32 to vector<16xi32>
    %eq3A_237 = arith.cmpi eq, %get3A_227, %eq3A_236 : vector<16xi32>
    %sub3A_238 = arith.subi %get3A_234, %get3A_227 : vector<16xi32>
    %add3A_239 = arith.constant 1 : i32
    %add3A_240 = vector.broadcast %add3A_239 : i32 to vector<16xi32>
    %add3A_241 = arith.addi %sub3A_238, %add3A_240 : vector<16xi32>
    %jit3A_242 = arith.constant 0 : i32
    %broadcast_in_dim3A_243 = vector.broadcast %jit3A_242 : i32 to vector<16xi32>
    %select_n3A_244 = arith.select %eq3A_237, %broadcast_in_dim3A_243, %add3A_241 : vector<16xi1>, vector<16xi32>
    %swap3A_245 = arith.constant 0 : i32
    %swap3A_246 = arith.index_cast %swap3A_245 : i32 to index
    %swap3A_247 = arith.constant 96 : index
    %swap3A_248 = tpu.vector_load %arg6[%swap3A_246, %swap3A_247] {strides = array<i32>} : memref<6x128xi32, #tpu.memory_space<vmem>>, vector<1x16xi32>,
    %swap3A_249 = vector.shape_cast %swap3A_248 : vector<1x16xi32> to vector<16xi32>
    %swap3A_250 = vector.shape_cast %select_n3A_244 : vector<16xi32> to vector<1x16xi32>
    tpu.vector_store %arg6[%swap3A_246, %swap3A_247], %swap3A_250 {strides = array<i32>} : memref<6x128xi32, #tpu.memory_space<vmem>>, vector<1x16xi32>,
    %get3A_251 = arith.constant 0 : i32
    %get3A_252 = arith.constant 0 : i32
    %get3A_253 = arith.index_cast %get3A_251 : i32 to index
    %get3A_254 = arith.index_cast %get3A_252 : i32 to index
    %get3A_255 = arith.constant 112 : index
    %get3A_256 = tpu.vector_load %arg5[%get3A_253, %get3A_254, %get3A_255] {strides = array<i32>} : memref<6x2x128xi32, #tpu.memory_space<vmem>>, vector<1x1x16xi32>,
    %get3A_257 = vector.shape_cast %get3A_256 : vector<1x1x16xi32> to vector<16xi32>
    %get3A_258 = arith.constant 0 : i32
    %get3A_259 = arith.constant 1 : i32
    %get3A_260 = arith.index_cast %get3A_258 : i32 to index
    %get3A_261 = arith.index_cast %get3A_259 : i32 to index
    %get3A_262 = arith.constant 112 : index
    %get3A_263 = tpu.vector_load %arg5[%get3A_260, %get3A_261, %get3A_262] {strides = array<i32>} : memref<6x2x128xi32, #tpu.memory_space<vmem>>, vector<1x1x16xi32>,
    %get3A_264 = vector.shape_cast %get3A_263 : vector<1x1x16xi32> to vector<16xi32>
    %eq3A_265 = arith.constant 0 : i32
    %eq3A_266 = vector.broadcast %eq3A_265 : i32 to vector<16xi32>
    %eq3A_267 = arith.cmpi eq, %get3A_257, %eq3A_266 : vector<16xi32>
    %sub3A_268 = arith.subi %get3A_264, %get3A_257 : vector<16xi32>
    %add3A_269 = arith.constant 1 : i32
    %add3A_270 = vector.broadcast %add3A_269 : i32 to vector<16xi32>
    %add3A_271 = arith.addi %sub3A_268, %add3A_270 : vector<16xi32>
    %jit3A_272 = arith.constant 0 : i32
    %broadcast_in_dim3A_273 = vector.broadcast %jit3A_272 : i32 to vector<16xi32>
    %select_n3A_274 = arith.select %eq3A_267, %broadcast_in_dim3A_273, %add3A_271 : vector<16xi1>, vector<16xi32>
    %swap3A_275 = arith.constant 0 : i32
    %swap3A_276 = arith.index_cast %swap3A_275 : i32 to index
    %swap3A_277 = arith.constant 112 : index
    %swap3A_278 = tpu.vector_load %arg6[%swap3A_276, %swap3A_277] {strides = array<i32>} : memref<6x128xi32, #tpu.memory_space<vmem>>, vector<1x16xi32>,
    %swap3A_279 = vector.shape_cast %swap3A_278 : vector<1x16xi32> to vector<16xi32>
    %swap3A_280 = vector.shape_cast %select_n3A_274 : vector<16xi32> to vector<1x16xi32>
    tpu.vector_store %arg6[%swap3A_276, %swap3A_277], %swap3A_280 {strides = array<i32>} : memref<6x128xi32, #tpu.memory_space<vmem>>, vector<1x16xi32>,
    %dma_wait3A_281 = arith.constant 1 : i32
    %dma_wait3A_282 = arith.constant 1 : i32
    %dma_wait3A_283 = arith.constant 0 : i32
    %dma_wait3A_284 = arith.constant 0 : i32
    %dma_wait3A_285 = tpu.memref_slice %arg7[%dma_wait3A_281, %dma_wait3A_283, %dma_wait3A_284] : memref<6x128x64xf32, #tpu.memory_space<vmem>> -> memref<1x128x64xf32, #tpu.memory_space<vmem>>
    %dma_wait3A_286 = tpu.memref_squeeze %dma_wait3A_285 : memref<1x128x64xf32, #tpu.memory_space<vmem>> -> memref<128x64xf32, #tpu.memory_space<vmem>>
    %dma_wait3A_287 = arith.constant 0 : i32
    %dma_wait3A_288 = arith.constant 0 : i32
    %dma_wait3A_289 = tpu.memref_slice %arg3[%dma_wait3A_287, %dma_wait3A_288] : memref<100001x64xf32, #tpu.memory_space<hbm>> -> memref<128x64xf32, #tpu.memory_space<hbm>>
    %dma_wait3A_290 = tpu.memref_slice %arg10[%dma_wait3A_282] : memref<6x!tpu.dma_semaphore, #tpu.memory_space<semaphore_mem>> -> memref<1x!tpu.dma_semaphore, #tpu.memory_space<semaphore_mem>>
    %dma_wait3A_291 = tpu.memref_squeeze %dma_wait3A_290 : memref<1x!tpu.dma_semaphore, #tpu.memory_space<semaphore_mem>> -> memref<!tpu.dma_semaphore, #tpu.memory_space<semaphore_mem>>
    %dma_wait3A_292 = arith.constant 0 : i32
    %dma_wait3A_293 = arith.constant 0 : i32
    %dma_wait3A_294 = tpu.memref_slice %arg7[%dma_wait3A_281, %dma_wait3A_292, %dma_wait3A_293] : memref<6x128x64xf32, #tpu.memory_space<vmem>> -> memref<1x128x64xf32, #tpu.memory_space<vmem>>
    %dma_wait3A_295 = tpu.memref_squeeze %dma_wait3A_294 : memref<1x128x64xf32, #tpu.memory_space<vmem>> -> memref<128x64xf32, #tpu.memory_space<vmem>>
    %dma_wait3A_296 = arith.constant 0 : i32
    %dma_wait3A_297 = arith.constant 0 : i32
    %dma_wait3A_298 = tpu.memref_slice %arg3[%dma_wait3A_296, %dma_wait3A_297] : memref<100001x64xf32, #tpu.memory_space<hbm>> -> memref<128x64xf32, #tpu.memory_space<hbm>>
    tpu.wait_dma2 semaphore(%dma_wait3A_291 : memref<!tpu.dma_semaphore, #tpu.memory_space<semaphore_mem>>) src(%dma_wait3A_298 : memref<128x64xf32, #tpu.memory_space<hbm>>) dst(%dma_wait3A_295 : memref<128x64xf32, #tpu.memory_space<vmem>>)
    %dma_wait3A_299 = arith.constant 1 : i32
    %dma_wait3A_300 = arith.constant 1 : i32
    %dma_wait3A_301 = arith.constant 0 : i32
    %dma_wait3A_302 = arith.constant 0 : i32
    %dma_wait3A_303 = tpu.memref_slice %arg8[%dma_wait3A_299, %dma_wait3A_301, %dma_wait3A_302] : memref<6x128x64xf32, #tpu.memory_space<vmem>> -> memref<1x128x64xf32, #tpu.memory_space<vmem>>
    %dma_wait3A_304 = tpu.memref_squeeze %dma_wait3A_303 : memref<1x128x64xf32, #tpu.memory_space<vmem>> -> memref<128x64xf32, #tpu.memory_space<vmem>>
    %dma_wait3A_305 = arith.constant 0 : i32
    %dma_wait3A_306 = arith.constant 0 : i32
    %dma_wait3A_307 = tpu.memref_slice %arg3[%dma_wait3A_305, %dma_wait3A_306] : memref<100001x64xf32, #tpu.memory_space<hbm>> -> memref<128x64xf32, #tpu.memory_space<hbm>>
    %dma_wait3A_308 = tpu.memref_slice %arg10[%dma_wait3A_300] : memref<6x!tpu.dma_semaphore, #tpu.memory_space<semaphore_mem>> -> memref<1x!tpu.dma_semaphore, #tpu.memory_space<semaphore_mem>>
    %dma_wait3A_309 = tpu.memref_squeeze %dma_wait3A_308 : memref<1x!tpu.dma_semaphore, #tpu.memory_space<semaphore_mem>> -> memref<!tpu.dma_semaphore, #tpu.memory_space<semaphore_mem>>
    %dma_wait3A_310 = arith.constant 0 : i32
    %dma_wait3A_311 = arith.constant 0 : i32
    %dma_wait3A_312 = tpu.memref_slice %arg8[%dma_wait3A_299, %dma_wait3A_310, %dma_wait3A_311] : memref<6x128x64xf32, #tpu.memory_space<vmem>> -> memref<1x128x64xf32, #tpu.memory_space<vmem>>
    %dma_wait3A_313 = tpu.memref_squeeze %dma_wait3A_312 : memref<1x128x64xf32, #tpu.memory_space<vmem>> -> memref<128x64xf32, #tpu.memory_space<vmem>>
    %dma_wait3A_314 = arith.constant 0 : i32
    %dma_wait3A_315 = arith.constant 0 : i32
    %dma_wait3A_316 = tpu.memref_slice %arg3[%dma_wait3A_314, %dma_wait3A_315] : memref<100001x64xf32, #tpu.memory_space<hbm>> -> memref<128x64xf32, #tpu.memory_space<hbm>>
    tpu.wait_dma2 semaphore(%dma_wait3A_309 : memref<!tpu.dma_semaphore, #tpu.memory_space<semaphore_mem>>) src(%dma_wait3A_316 : memref<128x64xf32, #tpu.memory_space<hbm>>) dst(%dma_wait3A_313 : memref<128x64xf32, #tpu.memory_space<vmem>>)
    %add3A_317 = arith.constant 193 : i32
    %add3A_318 = arith.addi %mul3A_2, %add3A_317 : i32
    %mul3A_319 = arith.constant 128 : i32
    %mul3A_320 = arith.muli %add3A_318, %mul3A_319 : i32
    %dma_start3A_321 = arith.constant 1 : i32
    %dma_start3A_322 = arith.constant 0 : i32
    %dma_start3A_323 = arith.constant 1 : i32
    %dma_start3A_324 = arith.constant 0 : i32
    %dma_start3A_325 = arith.constant 0 : i32
    %dma_start3A_326 = arith.constant 0 : i32
    %dma_start3A_327 = tpu.memref_slice %arg7[%dma_start3A_321, %dma_start3A_325, %dma_start3A_326] : memref<6x128x64xf32, #tpu.memory_space<vmem>> -> memref<1x128x64xf32, #tpu.memory_space<vmem>>
    %dma_start3A_328 = tpu.memref_squeeze %dma_start3A_327 : memref<1x128x64xf32, #tpu.memory_space<vmem>> -> memref<128x64xf32, #tpu.memory_space<vmem>>
    %dma_start3A_329 = arith.constant 0 : i32
    %dma_start3A_330 = tpu.memref_slice %arg4[%mul3A_320, %dma_start3A_322, %dma_start3A_329] : memref<819200x2x64xf32, #tpu.memory_space<hbm>> -> memref<128x1x64xf32, #tpu.memory_space<hbm>>
    %dma_start3A_331 = tpu.memref_squeeze %dma_start3A_330 : memref<128x1x64xf32, #tpu.memory_space<hbm>> -> memref<128x64xf32, #tpu.memory_space<hbm>>
    %dma_start3A_332 = tpu.memref_slice %arg11[%dma_start3A_323, %dma_start3A_324] : memref<6x2x!tpu.dma_semaphore, #tpu.memory_space<semaphore_mem>> -> memref<1x1x!tpu.dma_semaphore, #tpu.memory_space<semaphore_mem>>
    %dma_start3A_333 = tpu.memref_squeeze %dma_start3A_332 : memref<1x1x!tpu.dma_semaphore, #tpu.memory_space<semaphore_mem>> -> memref<!tpu.dma_semaphore, #tpu.memory_space<semaphore_mem>>
    %dma_start3A_334 = arith.constant 0 : i32
    %dma_start3A_335 = tpu.memref_slice %arg4[%mul3A_320, %dma_start3A_322, %dma_start3A_334] : memref<819200x2x64xf32, #tpu.memory_space<hbm>> -> memref<128x1x64xf32, #tpu.memory_space<hbm>>
    %dma_start3A_336 = tpu.memref_squeeze %dma_start3A_335 : memref<128x1x64xf32, #tpu.memory_space<hbm>> -> memref<128x64xf32, #tpu.memory_space<hbm>>
    %dma_start3A_337 = arith.constant 0 : i32
    %dma_start3A_338 = arith.constant 0 : i32
    %dma_start3A_339 = tpu.memref_slice %arg7[%dma_start3A_321, %dma_start3A_337, %dma_start3A_338] : memref<6x128x64xf32, #tpu.memory_space<vmem>> -> memref<1x128x64xf32, #tpu.memory_space<vmem>>
    %dma_start3A_340 = tpu.memref_squeeze %dma_start3A_339 : memref<1x128x64xf32, #tpu.memory_space<vmem>> -> memref<128x64xf32, #tpu.memory_space<vmem>>
    tpu.enqueue_dma source(%dma_start3A_340 : memref<128x64xf32, #tpu.memory_space<vmem>>) target(%dma_start3A_336 : memref<128x64xf32, #tpu.memory_space<hbm>>) target_semaphore(%dma_start3A_333 : memref<!tpu.dma_semaphore, #tpu.memory_space<semaphore_mem>>)
    %dma_start3A_341 = arith.constant 1 : i32
    %dma_start3A_342 = arith.constant 1 : i32
    %dma_start3A_343 = arith.constant 1 : i32
    %dma_start3A_344 = arith.constant 1 : i32
    %dma_start3A_345 = arith.constant 0 : i32
    %dma_start3A_346 = arith.constant 0 : i32
    %dma_start3A_347 = tpu.memref_slice %arg8[%dma_start3A_341, %dma_start3A_345, %dma_start3A_346] : memref<6x128x64xf32, #tpu.memory_space<vmem>> -> memref<1x128x64xf32, #tpu.memory_space<vmem>>
    %dma_start3A_348 = tpu.memref_squeeze %dma_start3A_347 : memref<1x128x64xf32, #tpu.memory_space<vmem>> -> memref<128x64xf32, #tpu.memory_space<vmem>>
    %dma_start3A_349 = arith.constant 0 : i32
    %dma_start3A_350 = tpu.memref_slice %arg4[%mul3A_320, %dma_start3A_342, %dma_start3A_349] : memref<819200x2x64xf32, #tpu.memory_space<hbm>> -> memref<128x1x64xf32, #tpu.memory_space<hbm>>
    %dma_start3A_351 = tpu.memref_squeeze %dma_start3A_350 : memref<128x1x64xf32, #tpu.memory_space<hbm>> -> memref<128x64xf32, #tpu.memory_space<hbm>>
    %dma_start3A_352 = tpu.memref_slice %arg11[%dma_start3A_343, %dma_start3A_344] : memref<6x2x!tpu.dma_semaphore, #tpu.memory_space<semaphore_mem>> -> memref<1x1x!tpu.dma_semaphore, #tpu.memory_space<semaphore_mem>>
    %dma_start3A_353 = tpu.memref_squeeze %dma_start3A_352 : memref<1x1x!tpu.dma_semaphore, #tpu.memory_space<semaphore_mem>> -> memref<!tpu.dma_semaphore, #tpu.memory_space<semaphore_mem>>
    %dma_start3A_354 = arith.constant 0 : i32
    %dma_start3A_355 = tpu.memref_slice %arg4[%mul3A_320, %dma_start3A_342, %dma_start3A_354] : memref<819200x2x64xf32, #tpu.memory_space<hbm>> -> memref<128x1x64xf32, #tpu.memory_space<hbm>>
    %dma_start3A_356 = tpu.memref_squeeze %dma_start3A_355 : memref<128x1x64xf32, #tpu.memory_space<hbm>> -> memref<128x64xf32, #tpu.memory_space<hbm>>
    %dma_start3A_357 = arith.constant 0 : i32
    %dma_start3A_358 = arith.constant 0 : i32
    %dma_start3A_359 = tpu.memref_slice %arg8[%dma_start3A_341, %dma_start3A_357, %dma_start3A_358] : memref<6x128x64xf32, #tpu.memory_space<vmem>> -> memref<1x128x64xf32, #tpu.memory_space<vmem>>
    %dma_start3A_360 = tpu.memref_squeeze %dma_start3A_359 : memref<1x128x64xf32, #tpu.memory_space<vmem>> -> memref<128x64xf32, #tpu.memory_space<vmem>>
    tpu.enqueue_dma source(%dma_start3A_360 : memref<128x64xf32, #tpu.memory_space<vmem>>) target(%dma_start3A_356 : memref<128x64xf32, #tpu.memory_space<hbm>>) target_semaphore(%dma_start3A_353 : memref<!tpu.dma_semaphore, #tpu.memory_space<semaphore_mem>>)
    %add3A_361 = arith.constant 199 : i32
    %add3A_362 = arith.addi %mul3A_2, %add3A_361 : i32
    %dma_start3A_363 = arith.constant 1 : i32
    %dma_start3A_364 = arith.constant 1 : i32
    %dma_start3A_365 = arith.constant 0 : i32
    %dma_start3A_366 = arith.constant 0 : i32
    %dma_start3A_367 = tpu.memref_slice %arg5[%dma_start3A_363, %dma_start3A_365, %dma_start3A_366] : memref<6x2x128xi32, #tpu.memory_space<vmem>> -> memref<1x2x128xi32, #tpu.memory_space<vmem>>
    %dma_start3A_368 = tpu.memref_squeeze %dma_start3A_367 : memref<1x2x128xi32, #tpu.memory_space<vmem>> -> memref<2x128xi32, #tpu.memory_space<vmem>>
    %dma_start3A_369 = arith.constant 0 : i32
    %dma_start3A_370 = arith.constant 0 : i32
    %dma_start3A_371 = tpu.memref_slice %arg2[%add3A_362, %dma_start3A_369, %dma_start3A_370] : memref<6400x2x128xi32, #tpu.memory_space<hbm>> -> memref<1x2x128xi32, #tpu.memory_space<hbm>>
    %dma_start3A_372 = tpu.memref_squeeze %dma_start3A_371 : memref<1x2x128xi32, #tpu.memory_space<hbm>> -> memref<2x128xi32, #tpu.memory_space<hbm>>
    %dma_start3A_373 = tpu.memref_slice %arg9[%dma_start3A_364] : memref<6x!tpu.dma_semaphore, #tpu.memory_space<semaphore_mem>> -> memref<1x!tpu.dma_semaphore, #tpu.memory_space<semaphore_mem>>
    %dma_start3A_374 = tpu.memref_squeeze %dma_start3A_373 : memref<1x!tpu.dma_semaphore, #tpu.memory_space<semaphore_mem>> -> memref<!tpu.dma_semaphore, #tpu.memory_space<semaphore_mem>>
    %dma_start3A_375 = arith.constant 0 : i32
    %dma_start3A_376 = arith.constant 0 : i32
    %dma_start3A_377 = tpu.memref_slice %arg5[%dma_start3A_363, %dma_start3A_375, %dma_start3A_376] : memref<6x2x128xi32, #tpu.memory_space<vmem>> -> memref<1x2x128xi32, #tpu.memory_space<vmem>>
    %dma_start3A_378 = tpu.memref_squeeze %dma_start3A_377 : memref<1x2x128xi32, #tpu.memory_space<vmem>> -> memref<2x128xi32, #tpu.memory_space<vmem>>
    %dma_start3A_379 = arith.constant 0 : i32
    %dma_start3A_380 = arith.constant 0 : i32
    %dma_start3A_381 = tpu.memref_slice %arg2[%add3A_362, %dma_start3A_379, %dma_start3A_380] : memref<6400x2x128xi32, #tpu.memory_space<hbm>> -> memref<1x2x128xi32, #tpu.memory_space<hbm>>
    %dma_start3A_382 = tpu.memref_squeeze %dma_start3A_381 : memref<1x2x128xi32, #tpu.memory_space<hbm>> -> memref<2x128xi32, #tpu.memory_space<hbm>>
    tpu.enqueue_dma source(%dma_start3A_382 : memref<2x128xi32, #tpu.memory_space<hbm>>) target(%dma_start3A_378 : memref<2x128xi32, #tpu.memory_space<vmem>>) target_semaphore(%dma_start3A_374 : memref<!tpu.dma_semaphore, #tpu.memory_space<semaphore_mem>>)
    %dma_wait3A_383 = arith.constant 0 : i32
    %dma_wait3A_384 = arith.constant 0 : i32
    %dma_wait3A_385 = arith.constant 0 : i32
    %dma_wait3A_386 = arith.constant 0 : i32
    %dma_wait3A_387 = arith.constant 0 : i32
    %dma_wait3A_388 = arith.constant 0 : i32
    %dma_wait3A_389 = tpu.memref_slice %arg7[%dma_wait3A_383, %dma_wait3A_387, %dma_wait3A_388] : memref<6x128x64xf32, #tpu.memory_space<vmem>> -> memref<1x128x64xf32, #tpu.memory_space<vmem>>
    %dma_wait3A_390 = tpu.memref_squeeze %dma_wait3A_389 : memref<1x128x64xf32, #tpu.memory_space<vmem>> -> memref<128x64xf32, #tpu.memory_space<vmem>>
    %dma_wait3A_391 = arith.constant 0 : i32
    %dma_wait3A_392 = arith.constant 0 : i32
    %dma_wait3A_393 = tpu.memref_slice %arg4[%dma_wait3A_391, %dma_wait3A_384, %dma_wait3A_392] : memref<819200x2x64xf32, #tpu.memory_space<hbm>> -> memref<128x1x64xf32, #tpu.memory_space<hbm>>
    %dma_wait3A_394 = tpu.memref_squeeze %dma_wait3A_393 : memref<128x1x64xf32, #tpu.memory_space<hbm>> -> memref<128x64xf32, #tpu.memory_space<hbm>>
    %dma_wait3A_395 = tpu.memref_slice %arg11[%dma_wait3A_385, %dma_wait3A_386] : memref<6x2x!tpu.dma_semaphore, #tpu.memory_space<semaphore_mem>> -> memref<1x1x!tpu.dma_semaphore, #tpu.memory_space<semaphore_mem>>
    %dma_wait3A_396 = tpu.memref_squeeze %dma_wait3A_395 : memref<1x1x!tpu.dma_semaphore, #tpu.memory_space<semaphore_mem>> -> memref<!tpu.dma_semaphore, #tpu.memory_space<semaphore_mem>>
    %dma_wait3A_397 = arith.constant 0 : i32
    %dma_wait3A_398 = arith.constant 0 : i32
    %dma_wait3A_399 = tpu.memref_slice %arg4[%dma_wait3A_397, %dma_wait3A_384, %dma_wait3A_398] : memref<819200x2x64xf32, #tpu.memory_space<hbm>> -> memref<128x1x64xf32, #tpu.memory_space<hbm>>
    %dma_wait3A_400 = tpu.memref_squeeze %dma_wait3A_399 : memref<128x1x64xf32, #tpu.memory_space<hbm>> -> memref<128x64xf32, #tpu.memory_space<hbm>>
    %dma_wait3A_401 = arith.constant 0 : i32
    %dma_wait3A_402 = arith.constant 0 : i32
    %dma_wait3A_403 = tpu.memref_slice %arg7[%dma_wait3A_383, %dma_wait3A_401, %dma_wait3A_402] : memref<6x128x64xf32, #tpu.memory_space<vmem>> -> memref<1x128x64xf32, #tpu.memory_space<vmem>>
    %dma_wait3A_404 = tpu.memref_squeeze %dma_wait3A_403 : memref<1x128x64xf32, #tpu.memory_space<vmem>> -> memref<128x64xf32, #tpu.memory_space<vmem>>
    tpu.wait_dma2 semaphore(%dma_wait3A_396 : memref<!tpu.dma_semaphore, #tpu.memory_space<semaphore_mem>>) src(%dma_wait3A_404 : memref<128x64xf32, #tpu.memory_space<vmem>>) dst(%dma_wait3A_400 : memref<128x64xf32, #tpu.memory_space<hbm>>)
    %dma_wait3A_405 = arith.constant 0 : i32
    %dma_wait3A_406 = arith.constant 1 : i32
    %dma_wait3A_407 = arith.constant 0 : i32
    %dma_wait3A_408 = arith.constant 1 : i32
    %dma_wait3A_409 = arith.constant 0 : i32
    %dma_wait3A_410 = arith.constant 0 : i32
    %dma_wait3A_411 = tpu.memref_slice %arg8[%dma_wait3A_405, %dma_wait3A_409, %dma_wait3A_410] : memref<6x128x64xf32, #tpu.memory_space<vmem>> -> memref<1x128x64xf32, #tpu.memory_space<vmem>>
    %dma_wait3A_412 = tpu.memref_squeeze %dma_wait3A_411 : memref<1x128x64xf32, #tpu.memory_space<vmem>> -> memref<128x64xf32, #tpu.memory_space<vmem>>
    %dma_wait3A_413 = arith.constant 0 : i32
    %dma_wait3A_414 = arith.constant 0 : i32
    %dma_wait3A_415 = tpu.memref_slice %arg4[%dma_wait3A_413, %dma_wait3A_406, %dma_wait3A_414] : memref<819200x2x64xf32, #tpu.memory_space<hbm>> -> memref<128x1x64xf32, #tpu.memory_space<hbm>>
    %dma_wait3A_416 = tpu.memref_squeeze %dma_wait3A_415 : memref<128x1x64xf32, #tpu.memory_space<hbm>> -> memref<128x64xf32, #tpu.memory_space<hbm>>
    %dma_wait3A_417 = tpu.memref_slice %arg11[%dma_wait3A_407, %dma_wait3A_408] : memref<6x2x!tpu.dma_semaphore, #tpu.memory_space<semaphore_mem>> -> memref<1x1x!tpu.dma_semaphore, #tpu.memory_space<semaphore_mem>>
    %dma_wait3A_418 = tpu.memref_squeeze %dma_wait3A_417 : memref<1x1x!tpu.dma_semaphore, #tpu.memory_space<semaphore_mem>> -> memref<!tpu.dma_semaphore, #tpu.memory_space<semaphore_mem>>
    %dma_wait3A_419 = arith.constant 0 : i32
    %dma_wait3A_420 = arith.constant 0 : i32
    %dma_wait3A_421 = tpu.memref_slice %arg4[%dma_wait3A_419, %dma_wait3A_406, %dma_wait3A_420] : memref<819200x2x64xf32, #tpu.memory_space<hbm>> -> memref<128x1x64xf32, #tpu.memory_space<hbm>>
    %dma_wait3A_422 = tpu.memref_squeeze %dma_wait3A_421 : memref<128x1x64xf32, #tpu.memory_space<hbm>> -> memref<128x64xf32, #tpu.memory_space<hbm>>
    %dma_wait3A_423 = arith.constant 0 : i32
    %dma_wait3A_424 = arith.constant 0 : i32
    %dma_wait3A_425 = tpu.memref_slice %arg8[%dma_wait3A_405, %dma_wait3A_423, %dma_wait3A_424] : memref<6x128x64xf32, #tpu.memory_space<vmem>> -> memref<1x128x64xf32, #tpu.memory_space<vmem>>
    %dma_wait3A_426 = tpu.memref_squeeze %dma_wait3A_425 : memref<1x128x64xf32, #tpu.memory_space<vmem>> -> memref<128x64xf32, #tpu.memory_space<vmem>>
    tpu.wait_dma2 semaphore(%dma_wait3A_418 : memref<!tpu.dma_semaphore, #tpu.memory_space<semaphore_mem>>) src(%dma_wait3A_426 : memref<128x64xf32, #tpu.memory_space<vmem>>) dst(%dma_wait3A_422 : memref<128x64xf32, #tpu.memory_space<hbm>>)
    %dma_start3A_427 = arith.constant 0 : i32
    %dma_start3A_428 = arith.constant 0 : i32
    %dma_start3A_429 = arith.constant 0 : i32
    %dma_start3A_430 = arith.constant 0 : i32
    %dma_start3A_431 = arith.constant 0 : i32
    %dma_start3A_432 = arith.constant 0 : i32
    %dma_start3A_433 = tpu.memref_slice %arg7[%dma_start3A_429, %dma_start3A_431, %dma_start3A_432] : memref<6x128x64xf32, #tpu.memory_space<vmem>> -> memref<1x128x64xf32, #tpu.memory_space<vmem>>
    %dma_start3A_434 = tpu.memref_squeeze %dma_start3A_433 : memref<1x128x64xf32, #tpu.memory_space<vmem>> -> memref<128x64xf32, #tpu.memory_space<vmem>>
    %dma_start3A_435 = arith.constant 0 : i32
    %dma_start3A_436 = arith.constant 0 : i32
    %dma_start3A_437 = tpu.memref_slice %arg5[%dma_start3A_427, %dma_start3A_435, %dma_start3A_436] : memref<6x2x128xi32, #tpu.memory_space<vmem>> -> memref<1x2x128xi32, #tpu.memory_space<vmem>>
    %dma_start3A_438 = tpu.memref_squeeze %dma_start3A_437 : memref<1x2x128xi32, #tpu.memory_space<vmem>> -> memref<2x128xi32, #tpu.memory_space<vmem>>
    %dma_start3A_439 = arith.constant 0 : i32
    %dma_start3A_440 = tpu.memref_slice %dma_start3A_438[%dma_start3A_428, %dma_start3A_439] : memref<2x128xi32, #tpu.memory_space<vmem>> -> memref<1x128xi32, #tpu.memory_space<vmem>>
    %dma_start3A_441 = tpu.memref_squeeze %dma_start3A_440 : memref<1x128xi32, #tpu.memory_space<vmem>> -> memref<128xi32, #tpu.memory_space<vmem>>
    %dma_start3A_442 = arith.constant 0 : i32
    %dma_start3A_443 = arith.constant 0 : i32
    %dma_start3A_444 = tpu.memref_slice %arg3[%dma_start3A_442, %dma_start3A_443] : memref<100001x64xf32, #tpu.memory_space<hbm>> -> memref<100001x64xf32, #tpu.memory_space<hbm>>
    %dma_start3A_445 = tpu.memref_slice %arg10[%dma_start3A_430] : memref<6x!tpu.dma_semaphore, #tpu.memory_space<semaphore_mem>> -> memref<1x!tpu.dma_semaphore, #tpu.memory_space<semaphore_mem>>
    %dma_start3A_446 = tpu.memref_squeeze %dma_start3A_445 : memref<1x!tpu.dma_semaphore, #tpu.memory_space<semaphore_mem>> -> memref<!tpu.dma_semaphore, #tpu.memory_space<semaphore_mem>>
    tpu.enqueue_indirect_dma source(%dma_start3A_444 : memref<100001x64xf32, #tpu.memory_space<hbm>>) target(%dma_start3A_434 : memref<128x64xf32, #tpu.memory_space<vmem>>) offsets(%dma_start3A_441 : memref<128xi32, #tpu.memory_space<vmem>>) semaphore(%dma_start3A_446 : memref<!tpu.dma_semaphore, #tpu.memory_space<semaphore_mem>>)
    %dma_start3A_447 = arith.constant 0 : i32
    %dma_start3A_448 = arith.constant 0 : i32
    %dma_start3A_449 = arith.constant 0 : i32
    %dma_start3A_450 = arith.constant 0 : i32
    %dma_start3A_451 = arith.constant 0 : i32
    %dma_start3A_452 = tpu.memref_slice %arg8[%dma_start3A_448, %dma_start3A_450, %dma_start3A_451] : memref<6x128x64xf32, #tpu.memory_space<vmem>> -> memref<1x128x64xf32, #tpu.memory_space<vmem>>
    %dma_start3A_453 = tpu.memref_squeeze %dma_start3A_452 : memref<1x128x64xf32, #tpu.memory_space<vmem>> -> memref<128x64xf32, #tpu.memory_space<vmem>>
    %dma_start3A_454 = arith.constant 0 : i32
    %dma_start3A_455 = tpu.memref_slice %arg6[%dma_start3A_447, %dma_start3A_454] : memref<6x128xi32, #tpu.memory_space<vmem>> -> memref<1x128xi32, #tpu.memory_space<vmem>>
    %dma_start3A_456 = tpu.memref_squeeze %dma_start3A_455 : memref<1x128xi32, #tpu.memory_space<vmem>> -> memref<128xi32, #tpu.memory_space<vmem>>
    %dma_start3A_457 = arith.constant 0 : i32
    %dma_start3A_458 = arith.constant 0 : i32
    %dma_start3A_459 = tpu.memref_slice %arg3[%dma_start3A_457, %dma_start3A_458] : memref<100001x64xf32, #tpu.memory_space<hbm>> -> memref<100001x64xf32, #tpu.memory_space<hbm>>
    %dma_start3A_460 = tpu.memref_slice %arg10[%dma_start3A_449] : memref<6x!tpu.dma_semaphore, #tpu.memory_space<semaphore_mem>> -> memref<1x!tpu.dma_semaphore, #tpu.memory_space<semaphore_mem>>
    %dma_start3A_461 = tpu.memref_squeeze %dma_start3A_460 : memref<1x!tpu.dma_semaphore, #tpu.memory_space<semaphore_mem>> -> memref<!tpu.dma_semaphore, #tpu.memory_space<semaphore_mem>>
    tpu.enqueue_indirect_dma source(%dma_start3A_459 : memref<100001x64xf32, #tpu.memory_space<hbm>>) target(%dma_start3A_453 : memref<128x64xf32, #tpu.memory_space<vmem>>) offsets(%dma_start3A_456 : memref<128xi32, #tpu.memory_space<vmem>>) semaphore(%dma_start3A_461 : memref<!tpu.dma_semaphore, #tpu.memory_space<semaphore_mem>>)
    %dma_wait3A_462 = arith.constant 0 : i32
    %dma_wait3A_463 = arith.constant 1 : i32
    %dma_wait3A_464 = arith.constant 1 : i32
    %dma_wait3A_465 = arith.constant 0 : i32
    %dma_wait3A_466 = arith.constant 0 : i32
    %dma_wait3A_467 = tpu.memref_slice %arg5[%dma_wait3A_463, %dma_wait3A_465, %dma_wait3A_466] : memref<6x2x128xi32, #tpu.memory_space<vmem>> -> memref<1x2x128xi32, #tpu.memory_space<vmem>>
    %dma_wait3A_468 = tpu.memref_squeeze %dma_wait3A_467 : memref<1x2x128xi32, #tpu.memory_space<vmem>> -> memref<2x128xi32, #tpu.memory_space<vmem>>
    %dma_wait3A_469 = arith.constant 0 : i32
    %dma_wait3A_470 = arith.constant 0 : i32
    %dma_wait3A_471 = tpu.memref_slice %arg2[%dma_wait3A_462, %dma_wait3A_469, %dma_wait3A_470] : memref<6400x2x128xi32, #tpu.memory_space<hbm>> -> memref<1x2x128xi32, #tpu.memory_space<hbm>>
    %dma_wait3A_472 = tpu.memref_squeeze %dma_wait3A_471 : memref<1x2x128xi32, #tpu.memory_space<hbm>> -> memref<2x128xi32, #tpu.memory_space<hbm>>
    %dma_wait3A_473 = tpu.memref_slice %arg9[%dma_wait3A_464] : memref<6x!tpu.dma_semaphore, #tpu.memory_space<semaphore_mem>> -> memref<1x!tpu.dma_semaphore, #tpu.memory_space<semaphore_mem>>
    %dma_wait3A_474 = tpu.memref_squeeze %dma_wait3A_473 : memref<1x!tpu.dma_semaphore, #tpu.memory_space<semaphore_mem>> -> memref<!tpu.dma_semaphore, #tpu.memory_space<semaphore_mem>>
    %dma_wait3A_475 = arith.constant 0 : i32
    %dma_wait3A_476 = arith.constant 0 : i32
    %dma_wait3A_477 = tpu.memref_slice %arg5[%dma_wait3A_463, %dma_wait3A_475, %dma_wait3A_476] : memref<6x2x128xi32, #tpu.memory_space<vmem>> -> memref<1x2x128xi32, #tpu.memory_space<vmem>>
    %dma_wait3A_478 = tpu.memref_squeeze %dma_wait3A_477 : memref<1x2x128xi32, #tpu.memory_space<vmem>> -> memref<2x128xi32, #tpu.memory_space<vmem>>
    %dma_wait3A_479 = arith.constant 0 : i32
    %dma_wait3A_480 = arith.constant 0 : i32
    %dma_wait3A_481 = tpu.memref_slice %arg2[%dma_wait3A_462, %dma_wait3A_479, %dma_wait3A_480] : memref<6400x2x128xi32, #tpu.memory_space<hbm>> -> memref<1x2x128xi32, #tpu.memory_space<hbm>>
    %dma_wait3A_482 = tpu.memref_squeeze %dma_wait3A_481 : memref<1x2x128xi32, #tpu.memory_space<hbm>> -> memref<2x128xi32, #tpu.memory_space<hbm>>
    tpu.wait_dma2 semaphore(%dma_wait3A_474 : memref<!tpu.dma_semaphore, #tpu.memory_space<semaphore_mem>>) src(%dma_wait3A_482 : memref<2x128xi32, #tpu.memory_space<hbm>>) dst(%dma_wait3A_478 : memref<2x128xi32, #tpu.memory_space<vmem>>)
    %get3A_483 = arith.constant 1 : i32
    %get3A_484 = arith.constant 0 : i32
    %get3A_485 = arith.index_cast %get3A_483 : i32 to index
    %get3A_486 = arith.index_cast %get3A_484 : i32 to index
    %get3A_487 = arith.constant 0 : index
    %get3A_488 = tpu.vector_load %arg5[%get3A_485, %get3A_486, %get3A_487] {strides = array<i32>} : memref<6x2x128xi32, #tpu.memory_space<vmem>>, vector<1x1x16xi32>,
    %get3A_489 = vector.shape_cast %get3A_488 : vector<1x1x16xi32> to vector<16xi32>
    %get3A_490 = arith.constant 1 : i32
    %get3A_491 = arith.constant 1 : i32
    %get3A_492 = arith.index_cast %get3A_490 : i32 to index
    %get3A_493 = arith.index_cast %get3A_491 : i32 to index
    %get3A_494 = arith.constant 0 : index
    %get3A_495 = tpu.vector_load %arg5[%get3A_492, %get3A_493, %get3A_494] {strides = array<i32>} : memref<6x2x128xi32, #tpu.memory_space<vmem>>, vector<1x1x16xi32>,
    %get3A_496 = vector.shape_cast %get3A_495 : vector<1x1x16xi32> to vector<16xi32>
    %eq3A_497 = arith.constant 0 : i32
    %eq3A_498 = vector.broadcast %eq3A_497 : i32 to vector<16xi32>
    %eq3A_499 = arith.cmpi eq, %get3A_489, %eq3A_498 : vector<16xi32>
    %sub3A_500 = arith.subi %get3A_496, %get3A_489 : vector<16xi32>
    %add3A_501 = arith.constant 1 : i32
    %add3A_502 = vector.broadcast %add3A_501 : i32 to vector<16xi32>
    %add3A_503 = arith.addi %sub3A_500, %add3A_502 : vector<16xi32>
    %jit3A_504 = arith.constant 0 : i32
    %broadcast_in_dim3A_505 = vector.broadcast %jit3A_504 : i32 to vector<16xi32>
    %select_n3A_506 = arith.select %eq3A_499, %broadcast_in_dim3A_505, %add3A_503 : vector<16xi1>, vector<16xi32>
    %swap3A_507 = arith.constant 1 : i32
    %swap3A_508 = arith.index_cast %swap3A_507 : i32 to index
    %swap3A_509 = arith.constant 0 : index
    %swap3A_510 = tpu.vector_load %arg6[%swap3A_508, %swap3A_509] {strides = array<i32>} : memref<6x128xi32, #tpu.memory_space<vmem>>, vector<1x16xi32>,
    %swap3A_511 = vector.shape_cast %swap3A_510 : vector<1x16xi32> to vector<16xi32>
    %swap3A_512 = vector.shape_cast %select_n3A_506 : vector<16xi32> to vector<1x16xi32>
    tpu.vector_store %arg6[%swap3A_508, %swap3A_509], %swap3A_512 {strides = array<i32>} : memref<6x128xi32, #tpu.memory_space<vmem>>, vector<1x16xi32>,
    %get3A_513 = arith.constant 1 : i32
    %get3A_514 = arith.constant 0 : i32
    %get3A_515 = arith.index_cast %get3A_513 : i32 to index
    %get3A_516 = arith.index_cast %get3A_514 : i32 to index
    %get3A_517 = arith.constant 16 : index
    %get3A_518 = tpu.vector_load %arg5[%get3A_515, %get3A_516, %get3A_517] {strides = array<i32>} : memref<6x2x128xi32, #tpu.memory_space<vmem>>, vector<1x1x16xi32>,
    %get3A_519 = vector.shape_cast %get3A_518 : vector<1x1x16xi32> to vector<16xi32>
    %get3A_520 = arith.constant 1 : i32
    %get3A_521 = arith.constant 1 : i32
    %get3A_522 = arith.index_cast %get3A_520 : i32 to index
    %get3A_523 = arith.index_cast %get3A_521 : i32 to index
    %get3A_524 = arith.constant 16 : index
    %get3A_525 = tpu.vector_load %arg5[%get3A_522, %get3A_523, %get3A_524] {strides = array<i32>} : memref<6x2x128xi32, #tpu.memory_space<vmem>>, vector<1x1x16xi32>,
    %get3A_526 = vector.shape_cast %get3A_525 : vector<1x1x16xi32> to vector<16xi32>
    %eq3A_527 = arith.constant 0 : i32
    %eq3A_528 = vector.broadcast %eq3A_527 : i32 to vector<16xi32>
    %eq3A_529 = arith.cmpi eq, %get3A_519, %eq3A_528 : vector<16xi32>
    %sub3A_530 = arith.subi %get3A_526, %get3A_519 : vector<16xi32>
    %add3A_531 = arith.constant 1 : i32
    %add3A_532 = vector.broadcast %add3A_531 : i32 to vector<16xi32>
    %add3A_533 = arith.addi %sub3A_530, %add3A_532 : vector<16xi32>
    %jit3A_534 = arith.constant 0 : i32
    %broadcast_in_dim3A_535 = vector.broadcast %jit3A_534 : i32 to vector<16xi32>
    %select_n3A_536 = arith.select %eq3A_529, %broadcast_in_dim3A_535, %add3A_533 : vector<16xi1>, vector<16xi32>
    %swap3A_537 = arith.constant 1 : i32
    %swap3A_538 = arith.index_cast %swap3A_537 : i32 to index
    %swap3A_539 = arith.constant 16 : index
    %swap3A_540 = tpu.vector_load %arg6[%swap3A_538, %swap3A_539] {strides = array<i32>} : memref<6x128xi32, #tpu.memory_space<vmem>>, vector<1x16xi32>,
    %swap3A_541 = vector.shape_cast %swap3A_540 : vector<1x16xi32> to vector<16xi32>
    %swap3A_542 = vector.shape_cast %select_n3A_536 : vector<16xi32> to vector<1x16xi32>
    tpu.vector_store %arg6[%swap3A_538, %swap3A_539], %swap3A_542 {strides = array<i32>} : memref<6x128xi32, #tpu.memory_space<vmem>>, vector<1x16xi32>,
    %get3A_543 = arith.constant 1 : i32
    %get3A_544 = arith.constant 0 : i32
    %get3A_545 = arith.index_cast %get3A_543 : i32 to index
    %get3A_546 = arith.index_cast %get3A_544 : i32 to index
    %get3A_547 = arith.constant 32 : index
    %get3A_548 = tpu.vector_load %arg5[%get3A_545, %get3A_546, %get3A_547] {strides = array<i32>} : memref<6x2x128xi32, #tpu.memory_space<vmem>>, vector<1x1x16xi32>,
    %get3A_549 = vector.shape_cast %get3A_548 : vector<1x1x16xi32> to vector<16xi32>
    %get3A_550 = arith.constant 1 : i32
    %get3A_551 = arith.constant 1 : i32
    %get3A_552 = arith.index_cast %get3A_550 : i32 to index
    %get3A_553 = arith.index_cast %get3A_551 : i32 to index
    %get3A_554 = arith.constant 32 : index
    %get3A_555 = tpu.vector_load %arg5[%get3A_552, %get3A_553, %get3A_554] {strides = array<i32>} : memref<6x2x128xi32, #tpu.memory_space<vmem>>, vector<1x1x16xi32>,
    %get3A_556 = vector.shape_cast %get3A_555 : vector<1x1x16xi32> to vector<16xi32>
    %eq3A_557 = arith.constant 0 : i32
    %eq3A_558 = vector.broadcast %eq3A_557 : i32 to vector<16xi32>
    %eq3A_559 = arith.cmpi eq, %get3A_549, %eq3A_558 : vector<16xi32>
    %sub3A_560 = arith.subi %get3A_556, %get3A_549 : vector<16xi32>
    %add3A_561 = arith.constant 1 : i32
    %add3A_562 = vector.broadcast %add3A_561 : i32 to vector<16xi32>
    %add3A_563 = arith.addi %sub3A_560, %add3A_562 : vector<16xi32>
    %jit3A_564 = arith.constant 0 : i32
    %broadcast_in_dim3A_565 = vector.broadcast %jit3A_564 : i32 to vector<16xi32>
    %select_n3A_566 = arith.select %eq3A_559, %broadcast_in_dim3A_565, %add3A_563 : vector<16xi1>, vector<16xi32>
    %swap3A_567 = arith.constant 1 : i32
    %swap3A_568 = arith.index_cast %swap3A_567 : i32 to index
    %swap3A_569 = arith.constant 32 : index
    %swap3A_570 = tpu.vector_load %arg6[%swap3A_568, %swap3A_569] {strides = array<i32>} : memref<6x128xi32, #tpu.memory_space<vmem>>, vector<1x16xi32>,
    %swap3A_571 = vector.shape_cast %swap3A_570 : vector<1x16xi32> to vector<16xi32>
    %swap3A_572 = vector.shape_cast %select_n3A_566 : vector<16xi32> to vector<1x16xi32>
    tpu.vector_store %arg6[%swap3A_568, %swap3A_569], %swap3A_572 {strides = array<i32>} : memref<6x128xi32, #tpu.memory_space<vmem>>, vector<1x16xi32>,
    %get3A_573 = arith.constant 1 : i32
    %get3A_574 = arith.constant 0 : i32
    %get3A_575 = arith.index_cast %get3A_573 : i32 to index
    %get3A_576 = arith.index_cast %get3A_574 : i32 to index
    %get3A_577 = arith.constant 48 : index
    %get3A_578 = tpu.vector_load %arg5[%get3A_575, %get3A_576, %get3A_577] {strides = array<i32>} : memref<6x2x128xi32, #tpu.memory_space<vmem>>, vector<1x1x16xi32>,
    %get3A_579 = vector.shape_cast %get3A_578 : vector<1x1x16xi32> to vector<16xi32>
    %get3A_580 = arith.constant 1 : i32
    %get3A_581 = arith.constant 1 : i32
    %get3A_582 = arith.index_cast %get3A_580 : i32 to index
    %get3A_583 = arith.index_cast %get3A_581 : i32 to index
    %get3A_584 = arith.constant 48 : index
    %get3A_585 = tpu.vector_load %arg5[%get3A_582, %get3A_583, %get3A_584] {strides = array<i32>} : memref<6x2x128xi32, #tpu.memory_space<vmem>>, vector<1x1x16xi32>,
    %get3A_586 = vector.shape_cast %get3A_585 : vector<1x1x16xi32> to vector<16xi32>
    %eq3A_587 = arith.constant 0 : i32
    %eq3A_588 = vector.broadcast %eq3A_587 : i32 to vector<16xi32>
    %eq3A_589 = arith.cmpi eq, %get3A_579, %eq3A_588 : vector<16xi32>
    %sub3A_590 = arith.subi %get3A_586, %get3A_579 : vector<16xi32>
    %add3A_591 = arith.constant 1 : i32
    %add3A_592 = vector.broadcast %add3A_591 : i32 to vector<16xi32>
    %add3A_593 = arith.addi %sub3A_590, %add3A_592 : vector<16xi32>
    %jit3A_594 = arith.constant 0 : i32
    %broadcast_in_dim3A_595 = vector.broadcast %jit3A_594 : i32 to vector<16xi32>
    %select_n3A_596 = arith.select %eq3A_589, %broadcast_in_dim3A_595, %add3A_593 : vector<16xi1>, vector<16xi32>
    %swap3A_597 = arith.constant 1 : i32
    %swap3A_598 = arith.index_cast %swap3A_597 : i32 to index
    %swap3A_599 = arith.constant 48 : index
    %swap3A_600 = tpu.vector_load %arg6[%swap3A_598, %swap3A_599] {strides = array<i32>} : memref<6x128xi32, #tpu.memory_space<vmem>>, vector<1x16xi32>,
    %swap3A_601 = vector.shape_cast %swap3A_600 : vector<1x16xi32> to vector<16xi32>
    %swap3A_602 = vector.shape_cast %select_n3A_596 : vector<16xi32> to vector<1x16xi32>
    tpu.vector_store %arg6[%swap3A_598, %swap3A_599], %swap3A_602 {strides = array<i32>} : memref<6x128xi32, #tpu.memory_space<vmem>>, vector<1x16xi32>,
    %get3A_603 = arith.constant 1 : i32
    %get3A_604 = arith.constant 0 : i32
    %get3A_605 = arith.index_cast %get3A_603 : i32 to index
    %get3A_606 = arith.index_cast %get3A_604 : i32 to index
    %get3A_607 = arith.constant 64 : index
    %get3A_608 = tpu.vector_load %arg5[%get3A_605, %get3A_606, %get3A_607] {strides = array<i32>} : memref<6x2x128xi32, #tpu.memory_space<vmem>>, vector<1x1x16xi32>,
    %get3A_609 = vector.shape_cast %get3A_608 : vector<1x1x16xi32> to vector<16xi32>
    %get3A_610 = arith.constant 1 : i32
    %get3A_611 = arith.constant 1 : i32
    %get3A_612 = arith.index_cast %get3A_610 : i32 to index
    %get3A_613 = arith.index_cast %get3A_611 : i32 to index
    %get3A_614 = arith.constant 64 : index
    %get3A_615 = tpu.vector_load %arg5[%get3A_612, %get3A_613, %get3A_614] {strides = array<i32>} : memref<6x2x128xi32, #tpu.memory_space<vmem>>, vector<1x1x16xi32>,
    %get3A_616 = vector.shape_cast %get3A_615 : vector<1x1x16xi32> to vector<16xi32>
    %eq3A_617 = arith.constant 0 : i32
    %eq3A_618 = vector.broadcast %eq3A_617 : i32 to vector<16xi32>
    %eq3A_619 = arith.cmpi eq, %get3A_609, %eq3A_618 : vector<16xi32>
    %sub3A_620 = arith.subi %get3A_616, %get3A_609 : vector<16xi32>
    %add3A_621 = arith.constant 1 : i32
    %add3A_622 = vector.broadcast %add3A_621 : i32 to vector<16xi32>
    %add3A_623 = arith.addi %sub3A_620, %add3A_622 : vector<16xi32>
    %jit3A_624 = arith.constant 0 : i32
    %broadcast_in_dim3A_625 = vector.broadcast %jit3A_624 : i32 to vector<16xi32>
    %select_n3A_626 = arith.select %eq3A_619, %broadcast_in_dim3A_625, %add3A_623 : vector<16xi1>, vector<16xi32>
    %swap3A_627 = arith.constant 1 : i32
    %swap3A_628 = arith.index_cast %swap3A_627 : i32 to index
    %swap3A_629 = arith.constant 64 : index
    %swap3A_630 = tpu.vector_load %arg6[%swap3A_628, %swap3A_629] {strides = array<i32>} : memref<6x128xi32, #tpu.memory_space<vmem>>, vector<1x16xi32>,
    %swap3A_631 = vector.shape_cast %swap3A_630 : vector<1x16xi32> to vector<16xi32>
    %swap3A_632 = vector.shape_cast %select_n3A_626 : vector<16xi32> to vector<1x16xi32>
    tpu.vector_store %arg6[%swap3A_628, %swap3A_629], %swap3A_632 {strides = array<i32>} : memref<6x128xi32, #tpu.memory_space<vmem>>, vector<1x16xi32>,
    %get3A_633 = arith.constant 1 : i32
    %get3A_634 = arith.constant 0 : i32
    %get3A_635 = arith.index_cast %get3A_633 : i32 to index
    %get3A_636 = arith.index_cast %get3A_634 : i32 to index
    %get3A_637 = arith.constant 80 : index
    %get3A_638 = tpu.vector_load %arg5[%get3A_635, %get3A_636, %get3A_637] {strides = array<i32>} : memref<6x2x128xi32, #tpu.memory_space<vmem>>, vector<1x1x16xi32>,
    %get3A_639 = vector.shape_cast %get3A_638 : vector<1x1x16xi32> to vector<16xi32>
    %get3A_640 = arith.constant 1 : i32
    %get3A_641 = arith.constant 1 : i32
    %get3A_642 = arith.index_cast %get3A_640 : i32 to index
    %get3A_643 = arith.index_cast %get3A_641 : i32 to index
    %get3A_644 = arith.constant 80 : index
    %get3A_645 = tpu.vector_load %arg5[%get3A_642, %get3A_643, %get3A_644] {strides = array<i32>} : memref<6x2x128xi32, #tpu.memory_space<vmem>>, vector<1x1x16xi32>,
    %get3A_646 = vector.shape_cast %get3A_645 : vector<1x1x16xi32> to vector<16xi32>
    %eq3A_647 = arith.constant 0 : i32
    %eq3A_648 = vector.broadcast %eq3A_647 : i32 to vector<16xi32>
    %eq3A_649 = arith.cmpi eq, %get3A_639, %eq3A_648 : vector<16xi32>
    %sub3A_650 = arith.subi %get3A_646, %get3A_639 : vector<16xi32>
    %add3A_651 = arith.constant 1 : i32
    %add3A_652 = vector.broadcast %add3A_651 : i32 to vector<16xi32>
    %add3A_653 = arith.addi %sub3A_650, %add3A_652 : vector<16xi32>
    %jit3A_654 = arith.constant 0 : i32
    %broadcast_in_dim3A_655 = vector.broadcast %jit3A_654 : i32 to vector<16xi32>
    %select_n3A_656 = arith.select %eq3A_649, %broadcast_in_dim3A_655, %add3A_653 : vector<16xi1>, vector<16xi32>
    %swap3A_657 = arith.constant 1 : i32
    %swap3A_658 = arith.index_cast %swap3A_657 : i32 to index
    %swap3A_659 = arith.constant 80 : index
    %swap3A_660 = tpu.vector_load %arg6[%swap3A_658, %swap3A_659] {strides = array<i32>} : memref<6x128xi32, #tpu.memory_space<vmem>>, vector<1x16xi32>,
    %swap3A_661 = vector.shape_cast %swap3A_660 : vector<1x16xi32> to vector<16xi32>
    %swap3A_662 = vector.shape_cast %select_n3A_656 : vector<16xi32> to vector<1x16xi32>
    tpu.vector_store %arg6[%swap3A_658, %swap3A_659], %swap3A_662 {strides = array<i32>} : memref<6x128xi32, #tpu.memory_space<vmem>>, vector<1x16xi32>,
    %get3A_663 = arith.constant 1 : i32
    %get3A_664 = arith.constant 0 : i32
    %get3A_665 = arith.index_cast %get3A_663 : i32 to index
    %get3A_666 = arith.index_cast %get3A_664 : i32 to index
    %get3A_667 = arith.constant 96 : index
    %get3A_668 = tpu.vector_load %arg5[%get3A_665, %get3A_666, %get3A_667] {strides = array<i32>} : memref<6x2x128xi32, #tpu.memory_space<vmem>>, vector<1x1x16xi32>,
    %get3A_669 = vector.shape_cast %get3A_668 : vector<1x1x16xi32> to vector<16xi32>
    %get3A_670 = arith.constant 1 : i32
    %get3A_671 = arith.constant 1 : i32
    %get3A_672 = arith.index_cast %get3A_670 : i32 to index
    %get3A_673 = arith.index_cast %get3A_671 : i32 to index
    %get3A_674 = arith.constant 96 : index
    %get3A_675 = tpu.vector_load %arg5[%get3A_672, %get3A_673, %get3A_674] {strides = array<i32>} : memref<6x2x128xi32, #tpu.memory_space<vmem>>, vector<1x1x16xi32>,
    %get3A_676 = vector.shape_cast %get3A_675 : vector<1x1x16xi32> to vector<16xi32>
    %eq3A_677 = arith.constant 0 : i32
    %eq3A_678 = vector.broadcast %eq3A_677 : i32 to vector<16xi32>
    %eq3A_679 = arith.cmpi eq, %get3A_669, %eq3A_678 : vector<16xi32>
    %sub3A_680 = arith.subi %get3A_676, %get3A_669 : vector<16xi32>
    %add3A_681 = arith.constant 1 : i32
    %add3A_682 = vector.broadcast %add3A_681 : i32 to vector<16xi32>
    %add3A_683 = arith.addi %sub3A_680, %add3A_682 : vector<16xi32>
    %jit3A_684 = arith.constant 0 : i32
    %broadcast_in_dim3A_685 = vector.broadcast %jit3A_684 : i32 to vector<16xi32>
    %select_n3A_686 = arith.select %eq3A_679, %broadcast_in_dim3A_685, %add3A_683 : vector<16xi1>, vector<16xi32>
    %swap3A_687 = arith.constant 1 : i32
    %swap3A_688 = arith.index_cast %swap3A_687 : i32 to index
    %swap3A_689 = arith.constant 96 : index
    %swap3A_690 = tpu.vector_load %arg6[%swap3A_688, %swap3A_689] {strides = array<i32>} : memref<6x128xi32, #tpu.memory_space<vmem>>, vector<1x16xi32>,
    %swap3A_691 = vector.shape_cast %swap3A_690 : vector<1x16xi32> to vector<16xi32>
    %swap3A_692 = vector.shape_cast %select_n3A_686 : vector<16xi32> to vector<1x16xi32>
    tpu.vector_store %arg6[%swap3A_688, %swap3A_689], %swap3A_692 {strides = array<i32>} : memref<6x128xi32, #tpu.memory_space<vmem>>, vector<1x16xi32>,
    %get3A_693 = arith.constant 1 : i32
    %get3A_694 = arith.constant 0 : i32
    %get3A_695 = arith.index_cast %get3A_693 : i32 to index
    %get3A_696 = arith.index_cast %get3A_694 : i32 to index
    %get3A_697 = arith.constant 112 : index
    %get3A_698 = tpu.vector_load %arg5[%get3A_695, %get3A_696, %get3A_697] {strides = array<i32>} : memref<6x2x128xi32, #tpu.memory_space<vmem>>, vector<1x1x16xi32>,
    %get3A_699 = vector.shape_cast %get3A_698 : vector<1x1x16xi32> to vector<16xi32>
    %get3A_700 = arith.constant 1 : i32
    %get3A_701 = arith.constant 1 : i32
    %get3A_702 = arith.index_cast %get3A_700 : i32 to index
    %get3A_703 = arith.index_cast %get3A_701 : i32 to index
    %get3A_704 = arith.constant 112 : index
    %get3A_705 = tpu.vector_load %arg5[%get3A_702, %get3A_703, %get3A_704] {strides = array<i32>} : memref<6x2x128xi32, #tpu.memory_space<vmem>>, vector<1x1x16xi32>,
    %get3A_706 = vector.shape_cast %get3A_705 : vector<1x1x16xi32> to vector<16xi32>
    %eq3A_707 = arith.constant 0 : i32
    %eq3A_708 = vector.broadcast %eq3A_707 : i32 to vector<16xi32>
    %eq3A_709 = arith.cmpi eq, %get3A_699, %eq3A_708 : vector<16xi32>
    %sub3A_710 = arith.subi %get3A_706, %get3A_699 : vector<16xi32>
    %add3A_711 = arith.constant 1 : i32
    %add3A_712 = vector.broadcast %add3A_711 : i32 to vector<16xi32>
    %add3A_713 = arith.addi %sub3A_710, %add3A_712 : vector<16xi32>
    %jit3A_714 = arith.constant 0 : i32
    %broadcast_in_dim3A_715 = vector.broadcast %jit3A_714 : i32 to vector<16xi32>
    %select_n3A_716 = arith.select %eq3A_709, %broadcast_in_dim3A_715, %add3A_713 : vector<16xi1>, vector<16xi32>
    %swap3A_717 = arith.constant 1 : i32
    %swap3A_718 = arith.index_cast %swap3A_717 : i32 to index
    %swap3A_719 = arith.constant 112 : index
    %swap3A_720 = tpu.vector_load %arg6[%swap3A_718, %swap3A_719] {strides = array<i32>} : memref<6x128xi32, #tpu.memory_space<vmem>>, vector<1x16xi32>,
    %swap3A_721 = vector.shape_cast %swap3A_720 : vector<1x16xi32> to vector<16xi32>
    %swap3A_722 = vector.shape_cast %select_n3A_716 : vector<16xi32> to vector<1x16xi32>
    tpu.vector_store %arg6[%swap3A_718, %swap3A_719], %swap3A_722 {strides = array<i32>} : memref<6x128xi32, #tpu.memory_space<vmem>>, vector<1x16xi32>,
    %dma_wait3A_723 = arith.constant 2 : i32
    %dma_wait3A_724 = arith.constant 2 : i32
    %dma_wait3A_725 = arith.constant 0 : i32
    %dma_wait3A_726 = arith.constant 0 : i32
    %dma_wait3A_727 = tpu.memref_slice %arg7[%dma_wait3A_723, %dma_wait3A_725, %dma_wait3A_726] : memref<6x128x64xf32, #tpu.memory_space<vmem>> -> memref<1x128x64xf32, #tpu.memory_space<vmem>>
    %dma_wait3A_728 = tpu.memref_squeeze %dma_wait3A_727 : memref<1x128x64xf32, #tpu.memory_space<vmem>> -> memref<128x64xf32, #tpu.memory_space<vmem>>
    %dma_wait3A_729 = arith.constant 0 : i32
    %dma_wait3A_730 = arith.constant 0 : i32
    %dma_wait3A_731 = tpu.memref_slice %arg3[%dma_wait3A_729, %dma_wait3A_730] : memref<100001x64xf32, #tpu.memory_space<hbm>> -> memref<128x64xf32, #tpu.memory_space<hbm>>
    %dma_wait3A_732 = tpu.memref_slice %arg10[%dma_wait3A_724] : memref<6x!tpu.dma_semaphore, #tpu.memory_space<semaphore_mem>> -> memref<1x!tpu.dma_semaphore, #tpu.memory_space<semaphore_mem>>
    %dma_wait3A_733 = tpu.memref_squeeze %dma_wait3A_732 : memref<1x!tpu.dma_semaphore, #tpu.memory_space<semaphore_mem>> -> memref<!tpu.dma_semaphore, #tpu.memory_space<semaphore_mem>>
    %dma_wait3A_734 = arith.constant 0 : i32
    %dma_wait3A_735 = arith.constant 0 : i32
    %dma_wait3A_736 = tpu.memref_slice %arg7[%dma_wait3A_723, %dma_wait3A_734, %dma_wait3A_735] : memref<6x128x64xf32, #tpu.memory_space<vmem>> -> memref<1x128x64xf32, #tpu.memory_space<vmem>>
    %dma_wait3A_737 = tpu.memref_squeeze %dma_wait3A_736 : memref<1x128x64xf32, #tpu.memory_space<vmem>> -> memref<128x64xf32, #tpu.memory_space<vmem>>
    %dma_wait3A_738 = arith.constant 0 : i32
    %dma_wait3A_739 = arith.constant 0 : i32
    %dma_wait3A_740 = tpu.memref_slice %arg3[%dma_wait3A_738, %dma_wait3A_739] : memref<100001x64xf32, #tpu.memory_space<hbm>> -> memref<128x64xf32, #tpu.memory_space<hbm>>
    tpu.wait_dma2 semaphore(%dma_wait3A_733 : memref<!tpu.dma_semaphore, #tpu.memory_space<semaphore_mem>>) src(%dma_wait3A_740 : memref<128x64xf32, #tpu.memory_space<hbm>>) dst(%dma_wait3A_737 : memref<128x64xf32, #tpu.memory_space<vmem>>)
    %dma_wait3A_741 = arith.constant 2 : i32
    %dma_wait3A_742 = arith.constant 2 : i32
    %dma_wait3A_743 = arith.constant 0 : i32
    %dma_wait3A_744 = arith.constant 0 : i32
    %dma_wait3A_745 = tpu.memref_slice %arg8[%dma_wait3A_741, %dma_wait3A_743, %dma_wait3A_744] : memref<6x128x64xf32, #tpu.memory_space<vmem>> -> memref<1x128x64xf32, #tpu.memory_space<vmem>>
    %dma_wait3A_746 = tpu.memref_squeeze %dma_wait3A_745 : memref<1x128x64xf32, #tpu.memory_space<vmem>> -> memref<128x64xf32, #tpu.memory_space<vmem>>
    %dma_wait3A_747 = arith.constant 0 : i32
    %dma_wait3A_748 = arith.constant 0 : i32
    %dma_wait3A_749 = tpu.memref_slice %arg3[%dma_wait3A_747, %dma_wait3A_748] : memref<100001x64xf32, #tpu.memory_space<hbm>> -> memref<128x64xf32, #tpu.memory_space<hbm>>
    %dma_wait3A_750 = tpu.memref_slice %arg10[%dma_wait3A_742] : memref<6x!tpu.dma_semaphore, #tpu.memory_space<semaphore_mem>> -> memref<1x!tpu.dma_semaphore, #tpu.memory_space<semaphore_mem>>
    %dma_wait3A_751 = tpu.memref_squeeze %dma_wait3A_750 : memref<1x!tpu.dma_semaphore, #tpu.memory_space<semaphore_mem>> -> memref<!tpu.dma_semaphore, #tpu.memory_space<semaphore_mem>>
    %dma_wait3A_752 = arith.constant 0 : i32
    %dma_wait3A_753 = arith.constant 0 : i32
    %dma_wait3A_754 = tpu.memref_slice %arg8[%dma_wait3A_741, %dma_wait3A_752, %dma_wait3A_753] : memref<6x128x64xf32, #tpu.memory_space<vmem>> -> memref<1x128x64xf32, #tpu.memory_space<vmem>>
    %dma_wait3A_755 = tpu.memref_squeeze %dma_wait3A_754 : memref<1x128x64xf32, #tpu.memory_space<vmem>> -> memref<128x64xf32, #tpu.memory_space<vmem>>
    %dma_wait3A_756 = arith.constant 0 : i32
    %dma_wait3A_757 = arith.constant 0 : i32
    %dma_wait3A_758 = tpu.memref_slice %arg3[%dma_wait3A_756, %dma_wait3A_757] : memref<100001x64xf32, #tpu.memory_space<hbm>> -> memref<128x64xf32, #tpu.memory_space<hbm>>
    tpu.wait_dma2 semaphore(%dma_wait3A_751 : memref<!tpu.dma_semaphore, #tpu.memory_space<semaphore_mem>>) src(%dma_wait3A_758 : memref<128x64xf32, #tpu.memory_space<hbm>>) dst(%dma_wait3A_755 : memref<128x64xf32, #tpu.memory_space<vmem>>)
    %add3A_759 = arith.constant 194 : i32
    %add3A_760 = arith.addi %mul3A_2, %add3A_759 : i32
    %mul3A_761 = arith.constant 128 : i32
    %mul3A_762 = arith.muli %add3A_760, %mul3A_761 : i32
    %dma_start3A_763 = arith.constant 2 : i32
    %dma_start3A_764 = arith.constant 0 : i32
    %dma_start3A_765 = arith.constant 2 : i32
    %dma_start3A_766 = arith.constant 0 : i32
    %dma_start3A_767 = arith.constant 0 : i32
    %dma_start3A_768 = arith.constant 0 : i32
    %dma_start3A_769 = tpu.memref_slice %arg7[%dma_start3A_763, %dma_start3A_767, %dma_start3A_768] : memref<6x128x64xf32, #tpu.memory_space<vmem>> -> memref<1x128x64xf32, #tpu.memory_space<vmem>>
    %dma_start3A_770 = tpu.memref_squeeze %dma_start3A_769 : memref<1x128x64xf32, #tpu.memory_space<vmem>> -> memref<128x64xf32, #tpu.memory_space<vmem>>
    %dma_start3A_771 = arith.constant 0 : i32
    %dma_start3A_772 = tpu.memref_slice %arg4[%mul3A_762, %dma_start3A_764, %dma_start3A_771] : memref<819200x2x64xf32, #tpu.memory_space<hbm>> -> memref<128x1x64xf32, #tpu.memory_space<hbm>>
    %dma_start3A_773 = tpu.memref_squeeze %dma_start3A_772 : memref<128x1x64xf32, #tpu.memory_space<hbm>> -> memref<128x64xf32, #tpu.memory_space<hbm>>
    %dma_start3A_774 = tpu.memref_slice %arg11[%dma_start3A_765, %dma_start3A_766] : memref<6x2x!tpu.dma_semaphore, #tpu.memory_space<semaphore_mem>> -> memref<1x1x!tpu.dma_semaphore, #tpu.memory_space<semaphore_mem>>
    %dma_start3A_775 = tpu.memref_squeeze %dma_start3A_774 : memref<1x1x!tpu.dma_semaphore, #tpu.memory_space<semaphore_mem>> -> memref<!tpu.dma_semaphore, #tpu.memory_space<semaphore_mem>>
    %dma_start3A_776 = arith.constant 0 : i32
    %dma_start3A_777 = tpu.memref_slice %arg4[%mul3A_762, %dma_start3A_764, %dma_start3A_776] : memref<819200x2x64xf32, #tpu.memory_space<hbm>> -> memref<128x1x64xf32, #tpu.memory_space<hbm>>
    %dma_start3A_778 = tpu.memref_squeeze %dma_start3A_777 : memref<128x1x64xf32, #tpu.memory_space<hbm>> -> memref<128x64xf32, #tpu.memory_space<hbm>>
    %dma_start3A_779 = arith.constant 0 : i32
    %dma_start3A_780 = arith.constant 0 : i32
    %dma_start3A_781 = tpu.memref_slice %arg7[%dma_start3A_763, %dma_start3A_779, %dma_start3A_780] : memref<6x128x64xf32, #tpu.memory_space<vmem>> -> memref<1x128x64xf32, #tpu.memory_space<vmem>>
    %dma_start3A_782 = tpu.memref_squeeze %dma_start3A_781 : memref<1x128x64xf32, #tpu.memory_space<vmem>> -> memref<128x64xf32, #tpu.memory_space<vmem>>
    tpu.enqueue_dma source(%dma_start3A_782 : memref<128x64xf32, #tpu.memory_space<vmem>>) target(%dma_start3A_778 : memref<128x64xf32, #tpu.memory_space<hbm>>) target_semaphore(%dma_start3A_775 : memref<!tpu.dma_semaphore, #tpu.memory_space<semaphore_mem>>)
    %dma_start3A_783 = arith.constant 2 : i32
    %dma_start3A_784 = arith.constant 1 : i32
    %dma_start3A_785 = arith.constant 2 : i32
    %dma_start3A_786 = arith.constant 1 : i32
    %dma_start3A_787 = arith.constant 0 : i32
    %dma_start3A_788 = arith.constant 0 : i32
    %dma_start3A_789 = tpu.memref_slice %arg8[%dma_start3A_783, %dma_start3A_787, %dma_start3A_788] : memref<6x128x64xf32, #tpu.memory_space<vmem>> -> memref<1x128x64xf32, #tpu.memory_space<vmem>>
    %dma_start3A_790 = tpu.memref_squeeze %dma_start3A_789 : memref<1x128x64xf32, #tpu.memory_space<vmem>> -> memref<128x64xf32, #tpu.memory_space<vmem>>
    %dma_start3A_791 = arith.constant 0 : i32
    %dma_start3A_792 = tpu.memref_slice %arg4[%mul3A_762, %dma_start3A_784, %dma_start3A_791] : memref<819200x2x64xf32, #tpu.memory_space<hbm>> -> memref<128x1x64xf32, #tpu.memory_space<hbm>>
    %dma_start3A_793 = tpu.memref_squeeze %dma_start3A_792 : memref<128x1x64xf32, #tpu.memory_space<hbm>> -> memref<128x64xf32, #tpu.memory_space<hbm>>
    %dma_start3A_794 = tpu.memref_slice %arg11[%dma_start3A_785, %dma_start3A_786] : memref<6x2x!tpu.dma_semaphore, #tpu.memory_space<semaphore_mem>> -> memref<1x1x!tpu.dma_semaphore, #tpu.memory_space<semaphore_mem>>
    %dma_start3A_795 = tpu.memref_squeeze %dma_start3A_794 : memref<1x1x!tpu.dma_semaphore, #tpu.memory_space<semaphore_mem>> -> memref<!tpu.dma_semaphore, #tpu.memory_space<semaphore_mem>>
    %dma_start3A_796 = arith.constant 0 : i32
    %dma_start3A_797 = tpu.memref_slice %arg4[%mul3A_762, %dma_start3A_784, %dma_start3A_796] : memref<819200x2x64xf32, #tpu.memory_space<hbm>> -> memref<128x1x64xf32, #tpu.memory_space<hbm>>
    %dma_start3A_798 = tpu.memref_squeeze %dma_start3A_797 : memref<128x1x64xf32, #tpu.memory_space<hbm>> -> memref<128x64xf32, #tpu.memory_space<hbm>>
    %dma_start3A_799 = arith.constant 0 : i32
    %dma_start3A_800 = arith.constant 0 : i32
    %dma_start3A_801 = tpu.memref_slice %arg8[%dma_start3A_783, %dma_start3A_799, %dma_start3A_800] : memref<6x128x64xf32, #tpu.memory_space<vmem>> -> memref<1x128x64xf32, #tpu.memory_space<vmem>>
    %dma_start3A_802 = tpu.memref_squeeze %dma_start3A_801 : memref<1x128x64xf32, #tpu.memory_space<vmem>> -> memref<128x64xf32, #tpu.memory_space<vmem>>
    tpu.enqueue_dma source(%dma_start3A_802 : memref<128x64xf32, #tpu.memory_space<vmem>>) target(%dma_start3A_798 : memref<128x64xf32, #tpu.memory_space<hbm>>) target_semaphore(%dma_start3A_795 : memref<!tpu.dma_semaphore, #tpu.memory_space<semaphore_mem>>)
    %dma_wait3A_803 = arith.constant 1 : i32
    %dma_wait3A_804 = arith.constant 0 : i32
    %dma_wait3A_805 = arith.constant 1 : i32
    %dma_wait3A_806 = arith.constant 0 : i32
    %dma_wait3A_807 = arith.constant 0 : i32
    %dma_wait3A_808 = arith.constant 0 : i32
    %dma_wait3A_809 = tpu.memref_slice %arg7[%dma_wait3A_803, %dma_wait3A_807, %dma_wait3A_808] : memref<6x128x64xf32, #tpu.memory_space<vmem>> -> memref<1x128x64xf32, #tpu.memory_space<vmem>>
    %dma_wait3A_810 = tpu.memref_squeeze %dma_wait3A_809 : memref<1x128x64xf32, #tpu.memory_space<vmem>> -> memref<128x64xf32, #tpu.memory_space<vmem>>
    %dma_wait3A_811 = arith.constant 0 : i32
    %dma_wait3A_812 = arith.constant 0 : i32
    %dma_wait3A_813 = tpu.memref_slice %arg4[%dma_wait3A_811, %dma_wait3A_804, %dma_wait3A_812] : memref<819200x2x64xf32, #tpu.memory_space<hbm>> -> memref<128x1x64xf32, #tpu.memory_space<hbm>>
    %dma_wait3A_814 = tpu.memref_squeeze %dma_wait3A_813 : memref<128x1x64xf32, #tpu.memory_space<hbm>> -> memref<128x64xf32, #tpu.memory_space<hbm>>
    %dma_wait3A_815 = tpu.memref_slice %arg11[%dma_wait3A_805, %dma_wait3A_806] : memref<6x2x!tpu.dma_semaphore, #tpu.memory_space<semaphore_mem>> -> memref<1x1x!tpu.dma_semaphore, #tpu.memory_space<semaphore_mem>>
    %dma_wait3A_816 = tpu.memref_squeeze %dma_wait3A_815 : memref<1x1x!tpu.dma_semaphore, #tpu.memory_space<semaphore_mem>> -> memref<!tpu.dma_semaphore, #tpu.memory_space<semaphore_mem>>
    %dma_wait3A_817 = arith.constant 0 : i32
    %dma_wait3A_818 = arith.constant 0 : i32
    %dma_wait3A_819 = tpu.memref_slice %arg4[%dma_wait3A_817, %dma_wait3A_804, %dma_wait3A_818] : memref<819200x2x64xf32, #tpu.memory_space<hbm>> -> memref<128x1x64xf32, #tpu.memory_space<hbm>>
    %dma_wait3A_820 = tpu.memref_squeeze %dma_wait3A_819 : memref<128x1x64xf32, #tpu.memory_space<hbm>> -> memref<128x64xf32, #tpu.memory_space<hbm>>
    %dma_wait3A_821 = arith.constant 0 : i32
    %dma_wait3A_822 = arith.constant 0 : i32
    %dma_wait3A_823 = tpu.memref_slice %arg7[%dma_wait3A_803, %dma_wait3A_821, %dma_wait3A_822] : memref<6x128x64xf32, #tpu.memory_space<vmem>> -> memref<1x128x64xf32, #tpu.memory_space<vmem>>
    %dma_wait3A_824 = tpu.memref_squeeze %dma_wait3A_823 : memref<1x128x64xf32, #tpu.memory_space<vmem>> -> memref<128x64xf32, #tpu.memory_space<vmem>>
    tpu.wait_dma2 semaphore(%dma_wait3A_816 : memref<!tpu.dma_semaphore, #tpu.memory_space<semaphore_mem>>) src(%dma_wait3A_824 : memref<128x64xf32, #tpu.memory_space<vmem>>) dst(%dma_wait3A_820 : memref<128x64xf32, #tpu.memory_space<hbm>>)
    %dma_wait3A_825 = arith.constant 1 : i32
    %dma_wait3A_826 = arith.constant 1 : i32
    %dma_wait3A_827 = arith.constant 1 : i32
    %dma_wait3A_828 = arith.constant 1 : i32
    %dma_wait3A_829 = arith.constant 0 : i32
    %dma_wait3A_830 = arith.constant 0 : i32
    %dma_wait3A_831 = tpu.memref_slice %arg8[%dma_wait3A_825, %dma_wait3A_829, %dma_wait3A_830] : memref<6x128x64xf32, #tpu.memory_space<vmem>> -> memref<1x128x64xf32, #tpu.memory_space<vmem>>
    %dma_wait3A_832 = tpu.memref_squeeze %dma_wait3A_831 : memref<1x128x64xf32, #tpu.memory_space<vmem>> -> memref<128x64xf32, #tpu.memory_space<vmem>>
    %dma_wait3A_833 = arith.constant 0 : i32
    %dma_wait3A_834 = arith.constant 0 : i32
    %dma_wait3A_835 = tpu.memref_slice %arg4[%dma_wait3A_833, %dma_wait3A_826, %dma_wait3A_834] : memref<819200x2x64xf32, #tpu.memory_space<hbm>> -> memref<128x1x64xf32, #tpu.memory_space<hbm>>
    %dma_wait3A_836 = tpu.memref_squeeze %dma_wait3A_835 : memref<128x1x64xf32, #tpu.memory_space<hbm>> -> memref<128x64xf32, #tpu.memory_space<hbm>>
    %dma_wait3A_837 = tpu.memref_slice %arg11[%dma_wait3A_827, %dma_wait3A_828] : memref<6x2x!tpu.dma_semaphore, #tpu.memory_space<semaphore_mem>> -> memref<1x1x!tpu.dma_semaphore, #tpu.memory_space<semaphore_mem>>
    %dma_wait3A_838 = tpu.memref_squeeze %dma_wait3A_837 : memref<1x1x!tpu.dma_semaphore, #tpu.memory_space<semaphore_mem>> -> memref<!tpu.dma_semaphore, #tpu.memory_space<semaphore_mem>>
    %dma_wait3A_839 = arith.constant 0 : i32
    %dma_wait3A_840 = arith.constant 0 : i32
    %dma_wait3A_841 = tpu.memref_slice %arg4[%dma_wait3A_839, %dma_wait3A_826, %dma_wait3A_840] : memref<819200x2x64xf32, #tpu.memory_space<hbm>> -> memref<128x1x64xf32, #tpu.memory_space<hbm>>
    %dma_wait3A_842 = tpu.memref_squeeze %dma_wait3A_841 : memref<128x1x64xf32, #tpu.memory_space<hbm>> -> memref<128x64xf32, #tpu.memory_space<hbm>>
    %dma_wait3A_843 = arith.constant 0 : i32
    %dma_wait3A_844 = arith.constant 0 : i32
    %dma_wait3A_845 = tpu.memref_slice %arg8[%dma_wait3A_825, %dma_wait3A_843, %dma_wait3A_844] : memref<6x128x64xf32, #tpu.memory_space<vmem>> -> memref<1x128x64xf32, #tpu.memory_space<vmem>>
    %dma_wait3A_846 = tpu.memref_squeeze %dma_wait3A_845 : memref<1x128x64xf32, #tpu.memory_space<vmem>> -> memref<128x64xf32, #tpu.memory_space<vmem>>
    tpu.wait_dma2 semaphore(%dma_wait3A_838 : memref<!tpu.dma_semaphore, #tpu.memory_space<semaphore_mem>>) src(%dma_wait3A_846 : memref<128x64xf32, #tpu.memory_space<vmem>>) dst(%dma_wait3A_842 : memref<128x64xf32, #tpu.memory_space<hbm>>)
    %dma_start3A_847 = arith.constant 1 : i32
    %dma_start3A_848 = arith.constant 0 : i32
    %dma_start3A_849 = arith.constant 1 : i32
    %dma_start3A_850 = arith.constant 1 : i32
    %dma_start3A_851 = arith.constant 0 : i32
    %dma_start3A_852 = arith.constant 0 : i32
    %dma_start3A_853 = tpu.memref_slice %arg7[%dma_start3A_849, %dma_start3A_851, %dma_start3A_852] : memref<6x128x64xf32, #tpu.memory_space<vmem>> -> memref<1x128x64xf32, #tpu.memory_space<vmem>>
    %dma_start3A_854 = tpu.memref_squeeze %dma_start3A_853 : memref<1x128x64xf32, #tpu.memory_space<vmem>> -> memref<128x64xf32, #tpu.memory_space<vmem>>
    %dma_start3A_855 = arith.constant 0 : i32
    %dma_start3A_856 = arith.constant 0 : i32
    %dma_start3A_857 = tpu.memref_slice %arg5[%dma_start3A_847, %dma_start3A_855, %dma_start3A_856] : memref<6x2x128xi32, #tpu.memory_space<vmem>> -> memref<1x2x128xi32, #tpu.memory_space<vmem>>
    %dma_start3A_858 = tpu.memref_squeeze %dma_start3A_857 : memref<1x2x128xi32, #tpu.memory_space<vmem>> -> memref<2x128xi32, #tpu.memory_space<vmem>>
    %dma_start3A_859 = arith.constant 0 : i32
    %dma_start3A_860 = tpu.memref_slice %dma_start3A_858[%dma_start3A_848, %dma_start3A_859] : memref<2x128xi32, #tpu.memory_space<vmem>> -> memref<1x128xi32, #tpu.memory_space<vmem>>
    %dma_start3A_861 = tpu.memref_squeeze %dma_start3A_860 : memref<1x128xi32, #tpu.memory_space<vmem>> -> memref<128xi32, #tpu.memory_space<vmem>>
    %dma_start3A_862 = arith.constant 0 : i32
    %dma_start3A_863 = arith.constant 0 : i32
    %dma_start3A_864 = tpu.memref_slice %arg3[%dma_start3A_862, %dma_start3A_863] : memref<100001x64xf32, #tpu.memory_space<hbm>> -> memref<100001x64xf32, #tpu.memory_space<hbm>>
    %dma_start3A_865 = tpu.memref_slice %arg10[%dma_start3A_850] : memref<6x!tpu.dma_semaphore, #tpu.memory_space<semaphore_mem>> -> memref<1x!tpu.dma_semaphore, #tpu.memory_space<semaphore_mem>>
    %dma_start3A_866 = tpu.memref_squeeze %dma_start3A_865 : memref<1x!tpu.dma_semaphore, #tpu.memory_space<semaphore_mem>> -> memref<!tpu.dma_semaphore, #tpu.memory_space<semaphore_mem>>
    tpu.enqueue_indirect_dma source(%dma_start3A_864 : memref<100001x64xf32, #tpu.memory_space<hbm>>) target(%dma_start3A_854 : memref<128x64xf32, #tpu.memory_space<vmem>>) offsets(%dma_start3A_861 : memref<128xi32, #tpu.memory_space<vmem>>) semaphore(%dma_start3A_866 : memref<!tpu.dma_semaphore, #tpu.memory_space<semaphore_mem>>)
    %dma_start3A_867 = arith.constant 1 : i32
    %dma_start3A_868 = arith.constant 1 : i32
    %dma_start3A_869 = arith.constant 1 : i32
    %dma_start3A_870 = arith.constant 0 : i32
    %dma_start3A_871 = arith.constant 0 : i32
    %dma_start3A_872 = tpu.memref_slice %arg8[%dma_start3A_868, %dma_start3A_870, %dma_start3A_871] : memref<6x128x64xf32, #tpu.memory_space<vmem>> -> memref<1x128x64xf32, #tpu.memory_space<vmem>>
    %dma_start3A_873 = tpu.memref_squeeze %dma_start3A_872 : memref<1x128x64xf32, #tpu.memory_space<vmem>> -> memref<128x64xf32, #tpu.memory_space<vmem>>
    %dma_start3A_874 = arith.constant 0 : i32
    %dma_start3A_875 = tpu.memref_slice %arg6[%dma_start3A_867, %dma_start3A_874] : memref<6x128xi32, #tpu.memory_space<vmem>> -> memref<1x128xi32, #tpu.memory_space<vmem>>
    %dma_start3A_876 = tpu.memref_squeeze %dma_start3A_875 : memref<1x128xi32, #tpu.memory_space<vmem>> -> memref<128xi32, #tpu.memory_space<vmem>>
    %dma_start3A_877 = arith.constant 0 : i32
    %dma_start3A_878 = arith.constant 0 : i32
    %dma_start3A_879 = tpu.memref_slice %arg3[%dma_start3A_877, %dma_start3A_878] : memref<100001x64xf32, #tpu.memory_space<hbm>> -> memref<100001x64xf32, #tpu.memory_space<hbm>>
    %dma_start3A_880 = tpu.memref_slice %arg10[%dma_start3A_869] : memref<6x!tpu.dma_semaphore, #tpu.memory_space<semaphore_mem>> -> memref<1x!tpu.dma_semaphore, #tpu.memory_space<semaphore_mem>>
    %dma_start3A_881 = tpu.memref_squeeze %dma_start3A_880 : memref<1x!tpu.dma_semaphore, #tpu.memory_space<semaphore_mem>> -> memref<!tpu.dma_semaphore, #tpu.memory_space<semaphore_mem>>
    tpu.enqueue_indirect_dma source(%dma_start3A_879 : memref<100001x64xf32, #tpu.memory_space<hbm>>) target(%dma_start3A_873 : memref<128x64xf32, #tpu.memory_space<vmem>>) offsets(%dma_start3A_876 : memref<128xi32, #tpu.memory_space<vmem>>) semaphore(%dma_start3A_881 : memref<!tpu.dma_semaphore, #tpu.memory_space<semaphore_mem>>)
    %dma_wait3A_882 = arith.constant 3 : i32
    %dma_wait3A_883 = arith.constant 3 : i32
    %dma_wait3A_884 = arith.constant 0 : i32
    %dma_wait3A_885 = arith.constant 0 : i32
    %dma_wait3A_886 = tpu.memref_slice %arg7[%dma_wait3A_882, %dma_wait3A_884, %dma_wait3A_885] : memref<6x128x64xf32, #tpu.memory_space<vmem>> -> memref<1x128x64xf32, #tpu.memory_space<vmem>>
    %dma_wait3A_887 = tpu.memref_squeeze %dma_wait3A_886 : memref<1x128x64xf32, #tpu.memory_space<vmem>> -> memref<128x64xf32, #tpu.memory_space<vmem>>
    %dma_wait3A_888 = arith.constant 0 : i32
    %dma_wait3A_889 = arith.constant 0 : i32
    %dma_wait3A_890 = tpu.memref_slice %arg3[%dma_wait3A_888, %dma_wait3A_889] : memref<100001x64xf32, #tpu.memory_space<hbm>> -> memref<128x64xf32, #tpu.memory_space<hbm>>
    %dma_wait3A_891 = tpu.memref_slice %arg10[%dma_wait3A_883] : memref<6x!tpu.dma_semaphore, #tpu.memory_space<semaphore_mem>> -> memref<1x!tpu.dma_semaphore, #tpu.memory_space<semaphore_mem>>
    %dma_wait3A_892 = tpu.memref_squeeze %dma_wait3A_891 : memref<1x!tpu.dma_semaphore, #tpu.memory_space<semaphore_mem>> -> memref<!tpu.dma_semaphore, #tpu.memory_space<semaphore_mem>>
    %dma_wait3A_893 = arith.constant 0 : i32
    %dma_wait3A_894 = arith.constant 0 : i32
    %dma_wait3A_895 = tpu.memref_slice %arg7[%dma_wait3A_882, %dma_wait3A_893, %dma_wait3A_894] : memref<6x128x64xf32, #tpu.memory_space<vmem>> -> memref<1x128x64xf32, #tpu.memory_space<vmem>>
    %dma_wait3A_896 = tpu.memref_squeeze %dma_wait3A_895 : memref<1x128x64xf32, #tpu.memory_space<vmem>> -> memref<128x64xf32, #tpu.memory_space<vmem>>
    %dma_wait3A_897 = arith.constant 0 : i32
    %dma_wait3A_898 = arith.constant 0 : i32
    %dma_wait3A_899 = tpu.memref_slice %arg3[%dma_wait3A_897, %dma_wait3A_898] : memref<100001x64xf32, #tpu.memory_space<hbm>> -> memref<128x64xf32, #tpu.memory_space<hbm>>
    tpu.wait_dma2 semaphore(%dma_wait3A_892 : memref<!tpu.dma_semaphore, #tpu.memory_space<semaphore_mem>>) src(%dma_wait3A_899 : memref<128x64xf32, #tpu.memory_space<hbm>>) dst(%dma_wait3A_896 : memref<128x64xf32, #tpu.memory_space<vmem>>)
    %dma_wait3A_900 = arith.constant 3 : i32
    %dma_wait3A_901 = arith.constant 3 : i32
    %dma_wait3A_902 = arith.constant 0 : i32
    %dma_wait3A_903 = arith.constant 0 : i32
    %dma_wait3A_904 = tpu.memref_slice %arg8[%dma_wait3A_900, %dma_wait3A_902, %dma_wait3A_903] : memref<6x128x64xf32, #tpu.memory_space<vmem>> -> memref<1x128x64xf32, #tpu.memory_space<vmem>>
    %dma_wait3A_905 = tpu.memref_squeeze %dma_wait3A_904 : memref<1x128x64xf32, #tpu.memory_space<vmem>> -> memref<128x64xf32, #tpu.memory_space<vmem>>
    %dma_wait3A_906 = arith.constant 0 : i32
    %dma_wait3A_907 = arith.constant 0 : i32
    %dma_wait3A_908 = tpu.memref_slice %arg3[%dma_wait3A_906, %dma_wait3A_907] : memref<100001x64xf32, #tpu.memory_space<hbm>> -> memref<128x64xf32, #tpu.memory_space<hbm>>
    %dma_wait3A_909 = tpu.memref_slice %arg10[%dma_wait3A_901] : memref<6x!tpu.dma_semaphore, #tpu.memory_space<semaphore_mem>> -> memref<1x!tpu.dma_semaphore, #tpu.memory_space<semaphore_mem>>
    %dma_wait3A_910 = tpu.memref_squeeze %dma_wait3A_909 : memref<1x!tpu.dma_semaphore, #tpu.memory_space<semaphore_mem>> -> memref<!tpu.dma_semaphore, #tpu.memory_space<semaphore_mem>>
    %dma_wait3A_911 = arith.constant 0 : i32
    %dma_wait3A_912 = arith.constant 0 : i32
    %dma_wait3A_913 = tpu.memref_slice %arg8[%dma_wait3A_900, %dma_wait3A_911, %dma_wait3A_912] : memref<6x128x64xf32, #tpu.memory_space<vmem>> -> memref<1x128x64xf32, #tpu.memory_space<vmem>>
    %dma_wait3A_914 = tpu.memref_squeeze %dma_wait3A_913 : memref<1x128x64xf32, #tpu.memory_space<vmem>> -> memref<128x64xf32, #tpu.memory_space<vmem>>
    %dma_wait3A_915 = arith.constant 0 : i32
    %dma_wait3A_916 = arith.constant 0 : i32
    %dma_wait3A_917 = tpu.memref_slice %arg3[%dma_wait3A_915, %dma_wait3A_916] : memref<100001x64xf32, #tpu.memory_space<hbm>> -> memref<128x64xf32, #tpu.memory_space<hbm>>
    tpu.wait_dma2 semaphore(%dma_wait3A_910 : memref<!tpu.dma_semaphore, #tpu.memory_space<semaphore_mem>>) src(%dma_wait3A_917 : memref<128x64xf32, #tpu.memory_space<hbm>>) dst(%dma_wait3A_914 : memref<128x64xf32, #tpu.memory_space<vmem>>)
    %add3A_918 = arith.constant 195 : i32
    %add3A_919 = arith.addi %mul3A_2, %add3A_918 : i32
    %mul3A_920 = arith.constant 128 : i32
    %mul3A_921 = arith.muli %add3A_919, %mul3A_920 : i32
    %dma_start3A_922 = arith.constant 3 : i32
    %dma_start3A_923 = arith.constant 0 : i32
    %dma_start3A_924 = arith.constant 3 : i32
    %dma_start3A_925 = arith.constant 0 : i32
    %dma_start3A_926 = arith.constant 0 : i32
    %dma_start3A_927 = arith.constant 0 : i32
    %dma_start3A_928 = tpu.memref_slice %arg7[%dma_start3A_922, %dma_start3A_926, %dma_start3A_927] : memref<6x128x64xf32, #tpu.memory_space<vmem>> -> memref<1x128x64xf32, #tpu.memory_space<vmem>>
    %dma_start3A_929 = tpu.memref_squeeze %dma_start3A_928 : memref<1x128x64xf32, #tpu.memory_space<vmem>> -> memref<128x64xf32, #tpu.memory_space<vmem>>
    %dma_start3A_930 = arith.constant 0 : i32
    %dma_start3A_931 = tpu.memref_slice %arg4[%mul3A_921, %dma_start3A_923, %dma_start3A_930] : memref<819200x2x64xf32, #tpu.memory_space<hbm>> -> memref<128x1x64xf32, #tpu.memory_space<hbm>>
    %dma_start3A_932 = tpu.memref_squeeze %dma_start3A_931 : memref<128x1x64xf32, #tpu.memory_space<hbm>> -> memref<128x64xf32, #tpu.memory_space<hbm>>
    %dma_start3A_933 = tpu.memref_slice %arg11[%dma_start3A_924, %dma_start3A_925] : memref<6x2x!tpu.dma_semaphore, #tpu.memory_space<semaphore_mem>> -> memref<1x1x!tpu.dma_semaphore, #tpu.memory_space<semaphore_mem>>
    %dma_start3A_934 = tpu.memref_squeeze %dma_start3A_933 : memref<1x1x!tpu.dma_semaphore, #tpu.memory_space<semaphore_mem>> -> memref<!tpu.dma_semaphore, #tpu.memory_space<semaphore_mem>>
    %dma_start3A_935 = arith.constant 0 : i32
    %dma_start3A_936 = tpu.memref_slice %arg4[%mul3A_921, %dma_start3A_923, %dma_start3A_935] : memref<819200x2x64xf32, #tpu.memory_space<hbm>> -> memref<128x1x64xf32, #tpu.memory_space<hbm>>
    %dma_start3A_937 = tpu.memref_squeeze %dma_start3A_936 : memref<128x1x64xf32, #tpu.memory_space<hbm>> -> memref<128x64xf32, #tpu.memory_space<hbm>>
    %dma_start3A_938 = arith.constant 0 : i32
    %dma_start3A_939 = arith.constant 0 : i32
    %dma_start3A_940 = tpu.memref_slice %arg7[%dma_start3A_922, %dma_start3A_938, %dma_start3A_939] : memref<6x128x64xf32, #tpu.memory_space<vmem>> -> memref<1x128x64xf32, #tpu.memory_space<vmem>>
    %dma_start3A_941 = tpu.memref_squeeze %dma_start3A_940 : memref<1x128x64xf32, #tpu.memory_space<vmem>> -> memref<128x64xf32, #tpu.memory_space<vmem>>
    tpu.enqueue_dma source(%dma_start3A_941 : memref<128x64xf32, #tpu.memory_space<vmem>>) target(%dma_start3A_937 : memref<128x64xf32, #tpu.memory_space<hbm>>) target_semaphore(%dma_start3A_934 : memref<!tpu.dma_semaphore, #tpu.memory_space<semaphore_mem>>)
    %dma_start3A_942 = arith.constant 3 : i32
    %dma_start3A_943 = arith.constant 1 : i32
    %dma_start3A_944 = arith.constant 3 : i32
    %dma_start3A_945 = arith.constant 1 : i32
    %dma_start3A_946 = arith.constant 0 : i32
    %dma_start3A_947 = arith.constant 0 : i32
    %dma_start3A_948 = tpu.memref_slice %arg8[%dma_start3A_942, %dma_start3A_946, %dma_start3A_947] : memref<6x128x64xf32, #tpu.memory_space<vmem>> -> memref<1x128x64xf32, #tpu.memory_space<vmem>>
    %dma_start3A_949 = tpu.memref_squeeze %dma_start3A_948 : memref<1x128x64xf32, #tpu.memory_space<vmem>> -> memref<128x64xf32, #tpu.memory_space<vmem>>
    %dma_start3A_950 = arith.constant 0 : i32
    %dma_start3A_951 = tpu.memref_slice %arg4[%mul3A_921, %dma_start3A_943, %dma_start3A_950] : memref<819200x2x64xf32, #tpu.memory_space<hbm>> -> memref<128x1x64xf32, #tpu.memory_space<hbm>>
    %dma_start3A_952 = tpu.memref_squeeze %dma_start3A_951 : memref<128x1x64xf32, #tpu.memory_space<hbm>> -> memref<128x64xf32, #tpu.memory_space<hbm>>
    %dma_start3A_953 = tpu.memref_slice %arg11[%dma_start3A_944, %dma_start3A_945] : memref<6x2x!tpu.dma_semaphore, #tpu.memory_space<semaphore_mem>> -> memref<1x1x!tpu.dma_semaphore, #tpu.memory_space<semaphore_mem>>
    %dma_start3A_954 = tpu.memref_squeeze %dma_start3A_953 : memref<1x1x!tpu.dma_semaphore, #tpu.memory_space<semaphore_mem>> -> memref<!tpu.dma_semaphore, #tpu.memory_space<semaphore_mem>>
    %dma_start3A_955 = arith.constant 0 : i32
    %dma_start3A_956 = tpu.memref_slice %arg4[%mul3A_921, %dma_start3A_943, %dma_start3A_955] : memref<819200x2x64xf32, #tpu.memory_space<hbm>> -> memref<128x1x64xf32, #tpu.memory_space<hbm>>
    %dma_start3A_957 = tpu.memref_squeeze %dma_start3A_956 : memref<128x1x64xf32, #tpu.memory_space<hbm>> -> memref<128x64xf32, #tpu.memory_space<hbm>>
    %dma_start3A_958 = arith.constant 0 : i32
    %dma_start3A_959 = arith.constant 0 : i32
    %dma_start3A_960 = tpu.memref_slice %arg8[%dma_start3A_942, %dma_start3A_958, %dma_start3A_959] : memref<6x128x64xf32, #tpu.memory_space<vmem>> -> memref<1x128x64xf32, #tpu.memory_space<vmem>>
    %dma_start3A_961 = tpu.memref_squeeze %dma_start3A_960 : memref<1x128x64xf32, #tpu.memory_space<vmem>> -> memref<128x64xf32, #tpu.memory_space<vmem>>
    tpu.enqueue_dma source(%dma_start3A_961 : memref<128x64xf32, #tpu.memory_space<vmem>>) target(%dma_start3A_957 : memref<128x64xf32, #tpu.memory_space<hbm>>) target_semaphore(%dma_start3A_954 : memref<!tpu.dma_semaphore, #tpu.memory_space<semaphore_mem>>)
    %dma_wait3A_962 = arith.constant 4 : i32
    %dma_wait3A_963 = arith.constant 4 : i32
    %dma_wait3A_964 = arith.constant 0 : i32
    %dma_wait3A_965 = arith.constant 0 : i32
    %dma_wait3A_966 = tpu.memref_slice %arg7[%dma_wait3A_962, %dma_wait3A_964, %dma_wait3A_965] : memref<6x128x64xf32, #tpu.memory_space<vmem>> -> memref<1x128x64xf32, #tpu.memory_space<vmem>>
    %dma_wait3A_967 = tpu.memref_squeeze %dma_wait3A_966 : memref<1x128x64xf32, #tpu.memory_space<vmem>> -> memref<128x64xf32, #tpu.memory_space<vmem>>
    %dma_wait3A_968 = arith.constant 0 : i32
    %dma_wait3A_969 = arith.constant 0 : i32
    %dma_wait3A_970 = tpu.memref_slice %arg3[%dma_wait3A_968, %dma_wait3A_969] : memref<100001x64xf32, #tpu.memory_space<hbm>> -> memref<128x64xf32, #tpu.memory_space<hbm>>
    %dma_wait3A_971 = tpu.memref_slice %arg10[%dma_wait3A_963] : memref<6x!tpu.dma_semaphore, #tpu.memory_space<semaphore_mem>> -> memref<1x!tpu.dma_semaphore, #tpu.memory_space<semaphore_mem>>
    %dma_wait3A_972 = tpu.memref_squeeze %dma_wait3A_971 : memref<1x!tpu.dma_semaphore, #tpu.memory_space<semaphore_mem>> -> memref<!tpu.dma_semaphore, #tpu.memory_space<semaphore_mem>>
    %dma_wait3A_973 = arith.constant 0 : i32
    %dma_wait3A_974 = arith.constant 0 : i32
    %dma_wait3A_975 = tpu.memref_slice %arg7[%dma_wait3A_962, %dma_wait3A_973, %dma_wait3A_974] : memref<6x128x64xf32, #tpu.memory_space<vmem>> -> memref<1x128x64xf32, #tpu.memory_space<vmem>>
    %dma_wait3A_976 = tpu.memref_squeeze %dma_wait3A_975 : memref<1x128x64xf32, #tpu.memory_space<vmem>> -> memref<128x64xf32, #tpu.memory_space<vmem>>
    %dma_wait3A_977 = arith.constant 0 : i32
    %dma_wait3A_978 = arith.constant 0 : i32
    %dma_wait3A_979 = tpu.memref_slice %arg3[%dma_wait3A_977, %dma_wait3A_978] : memref<100001x64xf32, #tpu.memory_space<hbm>> -> memref<128x64xf32, #tpu.memory_space<hbm>>
    tpu.wait_dma2 semaphore(%dma_wait3A_972 : memref<!tpu.dma_semaphore, #tpu.memory_space<semaphore_mem>>) src(%dma_wait3A_979 : memref<128x64xf32, #tpu.memory_space<hbm>>) dst(%dma_wait3A_976 : memref<128x64xf32, #tpu.memory_space<vmem>>)
    %dma_wait3A_980 = arith.constant 4 : i32
    %dma_wait3A_981 = arith.constant 4 : i32
    %dma_wait3A_982 = arith.constant 0 : i32
    %dma_wait3A_983 = arith.constant 0 : i32
    %dma_wait3A_984 = tpu.memref_slice %arg8[%dma_wait3A_980, %dma_wait3A_982, %dma_wait3A_983] : memref<6x128x64xf32, #tpu.memory_space<vmem>> -> memref<1x128x64xf32, #tpu.memory_space<vmem>>
    %dma_wait3A_985 = tpu.memref_squeeze %dma_wait3A_984 : memref<1x128x64xf32, #tpu.memory_space<vmem>> -> memref<128x64xf32, #tpu.memory_space<vmem>>
    %dma_wait3A_986 = arith.constant 0 : i32
    %dma_wait3A_987 = arith.constant 0 : i32
    %dma_wait3A_988 = tpu.memref_slice %arg3[%dma_wait3A_986, %dma_wait3A_987] : memref<100001x64xf32, #tpu.memory_space<hbm>> -> memref<128x64xf32, #tpu.memory_space<hbm>>
    %dma_wait3A_989 = tpu.memref_slice %arg10[%dma_wait3A_981] : memref<6x!tpu.dma_semaphore, #tpu.memory_space<semaphore_mem>> -> memref<1x!tpu.dma_semaphore, #tpu.memory_space<semaphore_mem>>
    %dma_wait3A_990 = tpu.memref_squeeze %dma_wait3A_989 : memref<1x!tpu.dma_semaphore, #tpu.memory_space<semaphore_mem>> -> memref<!tpu.dma_semaphore, #tpu.memory_space<semaphore_mem>>
    %dma_wait3A_991 = arith.constant 0 : i32
    %dma_wait3A_992 = arith.constant 0 : i32
    %dma_wait3A_993 = tpu.memref_slice %arg8[%dma_wait3A_980, %dma_wait3A_991, %dma_wait3A_992] : memref<6x128x64xf32, #tpu.memory_space<vmem>> -> memref<1x128x64xf32, #tpu.memory_space<vmem>>
    %dma_wait3A_994 = tpu.memref_squeeze %dma_wait3A_993 : memref<1x128x64xf32, #tpu.memory_space<vmem>> -> memref<128x64xf32, #tpu.memory_space<vmem>>
    %dma_wait3A_995 = arith.constant 0 : i32
    %dma_wait3A_996 = arith.constant 0 : i32
    %dma_wait3A_997 = tpu.memref_slice %arg3[%dma_wait3A_995, %dma_wait3A_996] : memref<100001x64xf32, #tpu.memory_space<hbm>> -> memref<128x64xf32, #tpu.memory_space<hbm>>
    tpu.wait_dma2 semaphore(%dma_wait3A_990 : memref<!tpu.dma_semaphore, #tpu.memory_space<semaphore_mem>>) src(%dma_wait3A_997 : memref<128x64xf32, #tpu.memory_space<hbm>>) dst(%dma_wait3A_994 : memref<128x64xf32, #tpu.memory_space<vmem>>)
    %add3A_998 = arith.constant 196 : i32
    %add3A_999 = arith.addi %mul3A_2, %add3A_998 : i32
    %mul3A_1000 = arith.constant 128 : i32
    %mul3A_1001 = arith.muli %add3A_999, %mul3A_1000 : i32
    %dma_start3A_1002 = arith.constant 4 : i32
    %dma_start3A_1003 = arith.constant 0 : i32
    %dma_start3A_1004 = arith.constant 4 : i32
    %dma_start3A_1005 = arith.constant 0 : i32
    %dma_start3A_1006 = arith.constant 0 : i32
    %dma_start3A_1007 = arith.constant 0 : i32
    %dma_start3A_1008 = tpu.memref_slice %arg7[%dma_start3A_1002, %dma_start3A_1006, %dma_start3A_1007] : memref<6x128x64xf32, #tpu.memory_space<vmem>> -> memref<1x128x64xf32, #tpu.memory_space<vmem>>
    %dma_start3A_1009 = tpu.memref_squeeze %dma_start3A_1008 : memref<1x128x64xf32, #tpu.memory_space<vmem>> -> memref<128x64xf32, #tpu.memory_space<vmem>>
    %dma_start3A_1010 = arith.constant 0 : i32
    %dma_start3A_1011 = tpu.memref_slice %arg4[%mul3A_1001, %dma_start3A_1003, %dma_start3A_1010] : memref<819200x2x64xf32, #tpu.memory_space<hbm>> -> memref<128x1x64xf32, #tpu.memory_space<hbm>>
    %dma_start3A_1012 = tpu.memref_squeeze %dma_start3A_1011 : memref<128x1x64xf32, #tpu.memory_space<hbm>> -> memref<128x64xf32, #tpu.memory_space<hbm>>
    %dma_start3A_1013 = tpu.memref_slice %arg11[%dma_start3A_1004, %dma_start3A_1005] : memref<6x2x!tpu.dma_semaphore, #tpu.memory_space<semaphore_mem>> -> memref<1x1x!tpu.dma_semaphore, #tpu.memory_space<semaphore_mem>>
    %dma_start3A_1014 = tpu.memref_squeeze %dma_start3A_1013 : memref<1x1x!tpu.dma_semaphore, #tpu.memory_space<semaphore_mem>> -> memref<!tpu.dma_semaphore, #tpu.memory_space<semaphore_mem>>
    %dma_start3A_1015 = arith.constant 0 : i32
    %dma_start3A_1016 = tpu.memref_slice %arg4[%mul3A_1001, %dma_start3A_1003, %dma_start3A_1015] : memref<819200x2x64xf32, #tpu.memory_space<hbm>> -> memref<128x1x64xf32, #tpu.memory_space<hbm>>
    %dma_start3A_1017 = tpu.memref_squeeze %dma_start3A_1016 : memref<128x1x64xf32, #tpu.memory_space<hbm>> -> memref<128x64xf32, #tpu.memory_space<hbm>>
    %dma_start3A_1018 = arith.constant 0 : i32
    %dma_start3A_1019 = arith.constant 0 : i32
    %dma_start3A_1020 = tpu.memref_slice %arg7[%dma_start3A_1002, %dma_start3A_1018, %dma_start3A_1019] : memref<6x128x64xf32, #tpu.memory_space<vmem>> -> memref<1x128x64xf32, #tpu.memory_space<vmem>>
    %dma_start3A_1021 = tpu.memref_squeeze %dma_start3A_1020 : memref<1x128x64xf32, #tpu.memory_space<vmem>> -> memref<128x64xf32, #tpu.memory_space<vmem>>
    tpu.enqueue_dma source(%dma_start3A_1021 : memref<128x64xf32, #tpu.memory_space<vmem>>) target(%dma_start3A_1017 : memref<128x64xf32, #tpu.memory_space<hbm>>) target_semaphore(%dma_start3A_1014 : memref<!tpu.dma_semaphore, #tpu.memory_space<semaphore_mem>>)
    %dma_start3A_1022 = arith.constant 4 : i32
    %dma_start3A_1023 = arith.constant 1 : i32
    %dma_start3A_1024 = arith.constant 4 : i32
    %dma_start3A_1025 = arith.constant 1 : i32
    %dma_start3A_1026 = arith.constant 0 : i32
    %dma_start3A_1027 = arith.constant 0 : i32
    %dma_start3A_1028 = tpu.memref_slice %arg8[%dma_start3A_1022, %dma_start3A_1026, %dma_start3A_1027] : memref<6x128x64xf32, #tpu.memory_space<vmem>> -> memref<1x128x64xf32, #tpu.memory_space<vmem>>
    %dma_start3A_1029 = tpu.memref_squeeze %dma_start3A_1028 : memref<1x128x64xf32, #tpu.memory_space<vmem>> -> memref<128x64xf32, #tpu.memory_space<vmem>>
    %dma_start3A_1030 = arith.constant 0 : i32
    %dma_start3A_1031 = tpu.memref_slice %arg4[%mul3A_1001, %dma_start3A_1023, %dma_start3A_1030] : memref<819200x2x64xf32, #tpu.memory_space<hbm>> -> memref<128x1x64xf32, #tpu.memory_space<hbm>>
    %dma_start3A_1032 = tpu.memref_squeeze %dma_start3A_1031 : memref<128x1x64xf32, #tpu.memory_space<hbm>> -> memref<128x64xf32, #tpu.memory_space<hbm>>
    %dma_start3A_1033 = tpu.memref_slice %arg11[%dma_start3A_1024, %dma_start3A_1025] : memref<6x2x!tpu.dma_semaphore, #tpu.memory_space<semaphore_mem>> -> memref<1x1x!tpu.dma_semaphore, #tpu.memory_space<semaphore_mem>>
    %dma_start3A_1034 = tpu.memref_squeeze %dma_start3A_1033 : memref<1x1x!tpu.dma_semaphore, #tpu.memory_space<semaphore_mem>> -> memref<!tpu.dma_semaphore, #tpu.memory_space<semaphore_mem>>
    %dma_start3A_1035 = arith.constant 0 : i32
    %dma_start3A_1036 = tpu.memref_slice %arg4[%mul3A_1001, %dma_start3A_1023, %dma_start3A_1035] : memref<819200x2x64xf32, #tpu.memory_space<hbm>> -> memref<128x1x64xf32, #tpu.memory_space<hbm>>
    %dma_start3A_1037 = tpu.memref_squeeze %dma_start3A_1036 : memref<128x1x64xf32, #tpu.memory_space<hbm>> -> memref<128x64xf32, #tpu.memory_space<hbm>>
    %dma_start3A_1038 = arith.constant 0 : i32
    %dma_start3A_1039 = arith.constant 0 : i32
    %dma_start3A_1040 = tpu.memref_slice %arg8[%dma_start3A_1022, %dma_start3A_1038, %dma_start3A_1039] : memref<6x128x64xf32, #tpu.memory_space<vmem>> -> memref<1x128x64xf32, #tpu.memory_space<vmem>>
    %dma_start3A_1041 = tpu.memref_squeeze %dma_start3A_1040 : memref<1x128x64xf32, #tpu.memory_space<vmem>> -> memref<128x64xf32, #tpu.memory_space<vmem>>
    tpu.enqueue_dma source(%dma_start3A_1041 : memref<128x64xf32, #tpu.memory_space<vmem>>) target(%dma_start3A_1037 : memref<128x64xf32, #tpu.memory_space<hbm>>) target_semaphore(%dma_start3A_1034 : memref<!tpu.dma_semaphore, #tpu.memory_space<semaphore_mem>>)
    %dma_wait3A_1042 = arith.constant 5 : i32
    %dma_wait3A_1043 = arith.constant 5 : i32
    %dma_wait3A_1044 = arith.constant 0 : i32
    %dma_wait3A_1045 = arith.constant 0 : i32
    %dma_wait3A_1046 = tpu.memref_slice %arg7[%dma_wait3A_1042, %dma_wait3A_1044, %dma_wait3A_1045] : memref<6x128x64xf32, #tpu.memory_space<vmem>> -> memref<1x128x64xf32, #tpu.memory_space<vmem>>
    %dma_wait3A_1047 = tpu.memref_squeeze %dma_wait3A_1046 : memref<1x128x64xf32, #tpu.memory_space<vmem>> -> memref<128x64xf32, #tpu.memory_space<vmem>>
    %dma_wait3A_1048 = arith.constant 0 : i32
    %dma_wait3A_1049 = arith.constant 0 : i32
    %dma_wait3A_1050 = tpu.memref_slice %arg3[%dma_wait3A_1048, %dma_wait3A_1049] : memref<100001x64xf32, #tpu.memory_space<hbm>> -> memref<128x64xf32, #tpu.memory_space<hbm>>
    %dma_wait3A_1051 = tpu.memref_slice %arg10[%dma_wait3A_1043] : memref<6x!tpu.dma_semaphore, #tpu.memory_space<semaphore_mem>> -> memref<1x!tpu.dma_semaphore, #tpu.memory_space<semaphore_mem>>
    %dma_wait3A_1052 = tpu.memref_squeeze %dma_wait3A_1051 : memref<1x!tpu.dma_semaphore, #tpu.memory_space<semaphore_mem>> -> memref<!tpu.dma_semaphore, #tpu.memory_space<semaphore_mem>>
    %dma_wait3A_1053 = arith.constant 0 : i32
    %dma_wait3A_1054 = arith.constant 0 : i32
    %dma_wait3A_1055 = tpu.memref_slice %arg7[%dma_wait3A_1042, %dma_wait3A_1053, %dma_wait3A_1054] : memref<6x128x64xf32, #tpu.memory_space<vmem>> -> memref<1x128x64xf32, #tpu.memory_space<vmem>>
    %dma_wait3A_1056 = tpu.memref_squeeze %dma_wait3A_1055 : memref<1x128x64xf32, #tpu.memory_space<vmem>> -> memref<128x64xf32, #tpu.memory_space<vmem>>
    %dma_wait3A_1057 = arith.constant 0 : i32
    %dma_wait3A_1058 = arith.constant 0 : i32
    %dma_wait3A_1059 = tpu.memref_slice %arg3[%dma_wait3A_1057, %dma_wait3A_1058] : memref<100001x64xf32, #tpu.memory_space<hbm>> -> memref<128x64xf32, #tpu.memory_space<hbm>>
    tpu.wait_dma2 semaphore(%dma_wait3A_1052 : memref<!tpu.dma_semaphore, #tpu.memory_space<semaphore_mem>>) src(%dma_wait3A_1059 : memref<128x64xf32, #tpu.memory_space<hbm>>) dst(%dma_wait3A_1056 : memref<128x64xf32, #tpu.memory_space<vmem>>)
    %dma_wait3A_1060 = arith.constant 5 : i32
    %dma_wait3A_1061 = arith.constant 5 : i32
    %dma_wait3A_1062 = arith.constant 0 : i32
    %dma_wait3A_1063 = arith.constant 0 : i32
    %dma_wait3A_1064 = tpu.memref_slice %arg8[%dma_wait3A_1060, %dma_wait3A_1062, %dma_wait3A_1063] : memref<6x128x64xf32, #tpu.memory_space<vmem>> -> memref<1x128x64xf32, #tpu.memory_space<vmem>>
    %dma_wait3A_1065 = tpu.memref_squeeze %dma_wait3A_1064 : memref<1x128x64xf32, #tpu.memory_space<vmem>> -> memref<128x64xf32, #tpu.memory_space<vmem>>
    %dma_wait3A_1066 = arith.constant 0 : i32
    %dma_wait3A_1067 = arith.constant 0 : i32
    %dma_wait3A_1068 = tpu.memref_slice %arg3[%dma_wait3A_1066, %dma_wait3A_1067] : memref<100001x64xf32, #tpu.memory_space<hbm>> -> memref<128x64xf32, #tpu.memory_space<hbm>>
    %dma_wait3A_1069 = tpu.memref_slice %arg10[%dma_wait3A_1061] : memref<6x!tpu.dma_semaphore, #tpu.memory_space<semaphore_mem>> -> memref<1x!tpu.dma_semaphore, #tpu.memory_space<semaphore_mem>>
    %dma_wait3A_1070 = tpu.memref_squeeze %dma_wait3A_1069 : memref<1x!tpu.dma_semaphore, #tpu.memory_space<semaphore_mem>> -> memref<!tpu.dma_semaphore, #tpu.memory_space<semaphore_mem>>
    %dma_wait3A_1071 = arith.constant 0 : i32
    %dma_wait3A_1072 = arith.constant 0 : i32
    %dma_wait3A_1073 = tpu.memref_slice %arg8[%dma_wait3A_1060, %dma_wait3A_1071, %dma_wait3A_1072] : memref<6x128x64xf32, #tpu.memory_space<vmem>> -> memref<1x128x64xf32, #tpu.memory_space<vmem>>
    %dma_wait3A_1074 = tpu.memref_squeeze %dma_wait3A_1073 : memref<1x128x64xf32, #tpu.memory_space<vmem>> -> memref<128x64xf32, #tpu.memory_space<vmem>>
    %dma_wait3A_1075 = arith.constant 0 : i32
    %dma_wait3A_1076 = arith.constant 0 : i32
    %dma_wait3A_1077 = tpu.memref_slice %arg3[%dma_wait3A_1075, %dma_wait3A_1076] : memref<100001x64xf32, #tpu.memory_space<hbm>> -> memref<128x64xf32, #tpu.memory_space<hbm>>
    tpu.wait_dma2 semaphore(%dma_wait3A_1070 : memref<!tpu.dma_semaphore, #tpu.memory_space<semaphore_mem>>) src(%dma_wait3A_1077 : memref<128x64xf32, #tpu.memory_space<hbm>>) dst(%dma_wait3A_1074 : memref<128x64xf32, #tpu.memory_space<vmem>>)
    %add3A_1078 = arith.constant 197 : i32
    %add3A_1079 = arith.addi %mul3A_2, %add3A_1078 : i32
    %mul3A_1080 = arith.constant 128 : i32
    %mul3A_1081 = arith.muli %add3A_1079, %mul3A_1080 : i32
    %dma_start3A_1082 = arith.constant 5 : i32
    %dma_start3A_1083 = arith.constant 0 : i32
    %dma_start3A_1084 = arith.constant 5 : i32
    %dma_start3A_1085 = arith.constant 0 : i32
    %dma_start3A_1086 = arith.constant 0 : i32
    %dma_start3A_1087 = arith.constant 0 : i32
    %dma_start3A_1088 = tpu.memref_slice %arg7[%dma_start3A_1082, %dma_start3A_1086, %dma_start3A_1087] : memref<6x128x64xf32, #tpu.memory_space<vmem>> -> memref<1x128x64xf32, #tpu.memory_space<vmem>>
    %dma_start3A_1089 = tpu.memref_squeeze %dma_start3A_1088 : memref<1x128x64xf32, #tpu.memory_space<vmem>> -> memref<128x64xf32, #tpu.memory_space<vmem>>
    %dma_start3A_1090 = arith.constant 0 : i32
    %dma_start3A_1091 = tpu.memref_slice %arg4[%mul3A_1081, %dma_start3A_1083, %dma_start3A_1090] : memref<819200x2x64xf32, #tpu.memory_space<hbm>> -> memref<128x1x64xf32, #tpu.memory_space<hbm>>
    %dma_start3A_1092 = tpu.memref_squeeze %dma_start3A_1091 : memref<128x1x64xf32, #tpu.memory_space<hbm>> -> memref<128x64xf32, #tpu.memory_space<hbm>>
    %dma_start3A_1093 = tpu.memref_slice %arg11[%dma_start3A_1084, %dma_start3A_1085] : memref<6x2x!tpu.dma_semaphore, #tpu.memory_space<semaphore_mem>> -> memref<1x1x!tpu.dma_semaphore, #tpu.memory_space<semaphore_mem>>
    %dma_start3A_1094 = tpu.memref_squeeze %dma_start3A_1093 : memref<1x1x!tpu.dma_semaphore, #tpu.memory_space<semaphore_mem>> -> memref<!tpu.dma_semaphore, #tpu.memory_space<semaphore_mem>>
    %dma_start3A_1095 = arith.constant 0 : i32
    %dma_start3A_1096 = tpu.memref_slice %arg4[%mul3A_1081, %dma_start3A_1083, %dma_start3A_1095] : memref<819200x2x64xf32, #tpu.memory_space<hbm>> -> memref<128x1x64xf32, #tpu.memory_space<hbm>>
    %dma_start3A_1097 = tpu.memref_squeeze %dma_start3A_1096 : memref<128x1x64xf32, #tpu.memory_space<hbm>> -> memref<128x64xf32, #tpu.memory_space<hbm>>
    %dma_start3A_1098 = arith.constant 0 : i32
    %dma_start3A_1099 = arith.constant 0 : i32
    %dma_start3A_1100 = tpu.memref_slice %arg7[%dma_start3A_1082, %dma_start3A_1098, %dma_start3A_1099] : memref<6x128x64xf32, #tpu.memory_space<vmem>> -> memref<1x128x64xf32, #tpu.memory_space<vmem>>
    %dma_start3A_1101 = tpu.memref_squeeze %dma_start3A_1100 : memref<1x128x64xf32, #tpu.memory_space<vmem>> -> memref<128x64xf32, #tpu.memory_space<vmem>>
    tpu.enqueue_dma source(%dma_start3A_1101 : memref<128x64xf32, #tpu.memory_space<vmem>>) target(%dma_start3A_1097 : memref<128x64xf32, #tpu.memory_space<hbm>>) target_semaphore(%dma_start3A_1094 : memref<!tpu.dma_semaphore, #tpu.memory_space<semaphore_mem>>)
    %dma_start3A_1102 = arith.constant 5 : i32
    %dma_start3A_1103 = arith.constant 1 : i32
    %dma_start3A_1104 = arith.constant 5 : i32
    %dma_start3A_1105 = arith.constant 1 : i32
    %dma_start3A_1106 = arith.constant 0 : i32
    %dma_start3A_1107 = arith.constant 0 : i32
    %dma_start3A_1108 = tpu.memref_slice %arg8[%dma_start3A_1102, %dma_start3A_1106, %dma_start3A_1107] : memref<6x128x64xf32, #tpu.memory_space<vmem>> -> memref<1x128x64xf32, #tpu.memory_space<vmem>>
    %dma_start3A_1109 = tpu.memref_squeeze %dma_start3A_1108 : memref<1x128x64xf32, #tpu.memory_space<vmem>> -> memref<128x64xf32, #tpu.memory_space<vmem>>
    %dma_start3A_1110 = arith.constant 0 : i32
    %dma_start3A_1111 = tpu.memref_slice %arg4[%mul3A_1081, %dma_start3A_1103, %dma_start3A_1110] : memref<819200x2x64xf32, #tpu.memory_space<hbm>> -> memref<128x1x64xf32, #tpu.memory_space<hbm>>
    %dma_start3A_1112 = tpu.memref_squeeze %dma_start3A_1111 : memref<128x1x64xf32, #tpu.memory_space<hbm>> -> memref<128x64xf32, #tpu.memory_space<hbm>>
    %dma_start3A_1113 = tpu.memref_slice %arg11[%dma_start3A_1104, %dma_start3A_1105] : memref<6x2x!tpu.dma_semaphore, #tpu.memory_space<semaphore_mem>> -> memref<1x1x!tpu.dma_semaphore, #tpu.memory_space<semaphore_mem>>
    %dma_start3A_1114 = tpu.memref_squeeze %dma_start3A_1113 : memref<1x1x!tpu.dma_semaphore, #tpu.memory_space<semaphore_mem>> -> memref<!tpu.dma_semaphore, #tpu.memory_space<semaphore_mem>>
    %dma_start3A_1115 = arith.constant 0 : i32
    %dma_start3A_1116 = tpu.memref_slice %arg4[%mul3A_1081, %dma_start3A_1103, %dma_start3A_1115] : memref<819200x2x64xf32, #tpu.memory_space<hbm>> -> memref<128x1x64xf32, #tpu.memory_space<hbm>>
    %dma_start3A_1117 = tpu.memref_squeeze %dma_start3A_1116 : memref<128x1x64xf32, #tpu.memory_space<hbm>> -> memref<128x64xf32, #tpu.memory_space<hbm>>
    %dma_start3A_1118 = arith.constant 0 : i32
    %dma_start3A_1119 = arith.constant 0 : i32
    %dma_start3A_1120 = tpu.memref_slice %arg8[%dma_start3A_1102, %dma_start3A_1118, %dma_start3A_1119] : memref<6x128x64xf32, #tpu.memory_space<vmem>> -> memref<1x128x64xf32, #tpu.memory_space<vmem>>
    %dma_start3A_1121 = tpu.memref_squeeze %dma_start3A_1120 : memref<1x128x64xf32, #tpu.memory_space<vmem>> -> memref<128x64xf32, #tpu.memory_space<vmem>>
    tpu.enqueue_dma source(%dma_start3A_1121 : memref<128x64xf32, #tpu.memory_space<vmem>>) target(%dma_start3A_1117 : memref<128x64xf32, #tpu.memory_space<hbm>>) target_semaphore(%dma_start3A_1114 : memref<!tpu.dma_semaphore, #tpu.memory_space<semaphore_mem>>)
    %dma_wait3A_1122 = arith.constant 0 : i32
    %dma_wait3A_1123 = arith.constant 0 : i32
    %dma_wait3A_1124 = arith.constant 0 : i32
    %dma_wait3A_1125 = arith.constant 0 : i32
    %dma_wait3A_1126 = tpu.memref_slice %arg7[%dma_wait3A_1122, %dma_wait3A_1124, %dma_wait3A_1125] : memref<6x128x64xf32, #tpu.memory_space<vmem>> -> memref<1x128x64xf32, #tpu.memory_space<vmem>>
    %dma_wait3A_1127 = tpu.memref_squeeze %dma_wait3A_1126 : memref<1x128x64xf32, #tpu.memory_space<vmem>> -> memref<128x64xf32, #tpu.memory_space<vmem>>
    %dma_wait3A_1128 = arith.constant 0 : i32
    %dma_wait3A_1129 = arith.constant 0 : i32
    %dma_wait3A_1130 = tpu.memref_slice %arg3[%dma_wait3A_1128, %dma_wait3A_1129] : memref<100001x64xf32, #tpu.memory_space<hbm>> -> memref<128x64xf32, #tpu.memory_space<hbm>>
    %dma_wait3A_1131 = tpu.memref_slice %arg10[%dma_wait3A_1123] : memref<6x!tpu.dma_semaphore, #tpu.memory_space<semaphore_mem>> -> memref<1x!tpu.dma_semaphore, #tpu.memory_space<semaphore_mem>>
    %dma_wait3A_1132 = tpu.memref_squeeze %dma_wait3A_1131 : memref<1x!tpu.dma_semaphore, #tpu.memory_space<semaphore_mem>> -> memref<!tpu.dma_semaphore, #tpu.memory_space<semaphore_mem>>
    %dma_wait3A_1133 = arith.constant 0 : i32
    %dma_wait3A_1134 = arith.constant 0 : i32
    %dma_wait3A_1135 = tpu.memref_slice %arg7[%dma_wait3A_1122, %dma_wait3A_1133, %dma_wait3A_1134] : memref<6x128x64xf32, #tpu.memory_space<vmem>> -> memref<1x128x64xf32, #tpu.memory_space<vmem>>
    %dma_wait3A_1136 = tpu.memref_squeeze %dma_wait3A_1135 : memref<1x128x64xf32, #tpu.memory_space<vmem>> -> memref<128x64xf32, #tpu.memory_space<vmem>>
    %dma_wait3A_1137 = arith.constant 0 : i32
    %dma_wait3A_1138 = arith.constant 0 : i32
    %dma_wait3A_1139 = tpu.memref_slice %arg3[%dma_wait3A_1137, %dma_wait3A_1138] : memref<100001x64xf32, #tpu.memory_space<hbm>> -> memref<128x64xf32, #tpu.memory_space<hbm>>
    tpu.wait_dma2 semaphore(%dma_wait3A_1132 : memref<!tpu.dma_semaphore, #tpu.memory_space<semaphore_mem>>) src(%dma_wait3A_1139 : memref<128x64xf32, #tpu.memory_space<hbm>>) dst(%dma_wait3A_1136 : memref<128x64xf32, #tpu.memory_space<vmem>>)
    %dma_wait3A_1140 = arith.constant 0 : i32
    %dma_wait3A_1141 = arith.constant 0 : i32
    %dma_wait3A_1142 = arith.constant 0 : i32
    %dma_wait3A_1143 = arith.constant 0 : i32
    %dma_wait3A_1144 = tpu.memref_slice %arg8[%dma_wait3A_1140, %dma_wait3A_1142, %dma_wait3A_1143] : memref<6x128x64xf32, #tpu.memory_space<vmem>> -> memref<1x128x64xf32, #tpu.memory_space<vmem>>
    %dma_wait3A_1145 = tpu.memref_squeeze %dma_wait3A_1144 : memref<1x128x64xf32, #tpu.memory_space<vmem>> -> memref<128x64xf32, #tpu.memory_space<vmem>>
    %dma_wait3A_1146 = arith.constant 0 : i32
    %dma_wait3A_1147 = arith.constant 0 : i32
    %dma_wait3A_1148 = tpu.memref_slice %arg3[%dma_wait3A_1146, %dma_wait3A_1147] : memref<100001x64xf32, #tpu.memory_space<hbm>> -> memref<128x64xf32, #tpu.memory_space<hbm>>
    %dma_wait3A_1149 = tpu.memref_slice %arg10[%dma_wait3A_1141] : memref<6x!tpu.dma_semaphore, #tpu.memory_space<semaphore_mem>> -> memref<1x!tpu.dma_semaphore, #tpu.memory_space<semaphore_mem>>
    %dma_wait3A_1150 = tpu.memref_squeeze %dma_wait3A_1149 : memref<1x!tpu.dma_semaphore, #tpu.memory_space<semaphore_mem>> -> memref<!tpu.dma_semaphore, #tpu.memory_space<semaphore_mem>>
    %dma_wait3A_1151 = arith.constant 0 : i32
    %dma_wait3A_1152 = arith.constant 0 : i32
    %dma_wait3A_1153 = tpu.memref_slice %arg8[%dma_wait3A_1140, %dma_wait3A_1151, %dma_wait3A_1152] : memref<6x128x64xf32, #tpu.memory_space<vmem>> -> memref<1x128x64xf32, #tpu.memory_space<vmem>>
    %dma_wait3A_1154 = tpu.memref_squeeze %dma_wait3A_1153 : memref<1x128x64xf32, #tpu.memory_space<vmem>> -> memref<128x64xf32, #tpu.memory_space<vmem>>
    %dma_wait3A_1155 = arith.constant 0 : i32
    %dma_wait3A_1156 = arith.constant 0 : i32
    %dma_wait3A_1157 = tpu.memref_slice %arg3[%dma_wait3A_1155, %dma_wait3A_1156] : memref<100001x64xf32, #tpu.memory_space<hbm>> -> memref<128x64xf32, #tpu.memory_space<hbm>>
    tpu.wait_dma2 semaphore(%dma_wait3A_1150 : memref<!tpu.dma_semaphore, #tpu.memory_space<semaphore_mem>>) src(%dma_wait3A_1157 : memref<128x64xf32, #tpu.memory_space<hbm>>) dst(%dma_wait3A_1154 : memref<128x64xf32, #tpu.memory_space<vmem>>)
    %add3A_1158 = arith.constant 198 : i32
    %add3A_1159 = arith.addi %mul3A_2, %add3A_1158 : i32
    %mul3A_1160 = arith.constant 128 : i32
    %mul3A_1161 = arith.muli %add3A_1159, %mul3A_1160 : i32
    %dma_start3A_1162 = arith.constant 0 : i32
    %dma_start3A_1163 = arith.constant 0 : i32
    %dma_start3A_1164 = arith.constant 0 : i32
    %dma_start3A_1165 = arith.constant 0 : i32
    %dma_start3A_1166 = arith.constant 0 : i32
    %dma_start3A_1167 = arith.constant 0 : i32
    %dma_start3A_1168 = tpu.memref_slice %arg7[%dma_start3A_1162, %dma_start3A_1166, %dma_start3A_1167] : memref<6x128x64xf32, #tpu.memory_space<vmem>> -> memref<1x128x64xf32, #tpu.memory_space<vmem>>
    %dma_start3A_1169 = tpu.memref_squeeze %dma_start3A_1168 : memref<1x128x64xf32, #tpu.memory_space<vmem>> -> memref<128x64xf32, #tpu.memory_space<vmem>>
    %dma_start3A_1170 = arith.constant 0 : i32
    %dma_start3A_1171 = tpu.memref_slice %arg4[%mul3A_1161, %dma_start3A_1163, %dma_start3A_1170] : memref<819200x2x64xf32, #tpu.memory_space<hbm>> -> memref<128x1x64xf32, #tpu.memory_space<hbm>>
    %dma_start3A_1172 = tpu.memref_squeeze %dma_start3A_1171 : memref<128x1x64xf32, #tpu.memory_space<hbm>> -> memref<128x64xf32, #tpu.memory_space<hbm>>
    %dma_start3A_1173 = tpu.memref_slice %arg11[%dma_start3A_1164, %dma_start3A_1165] : memref<6x2x!tpu.dma_semaphore, #tpu.memory_space<semaphore_mem>> -> memref<1x1x!tpu.dma_semaphore, #tpu.memory_space<semaphore_mem>>
    %dma_start3A_1174 = tpu.memref_squeeze %dma_start3A_1173 : memref<1x1x!tpu.dma_semaphore, #tpu.memory_space<semaphore_mem>> -> memref<!tpu.dma_semaphore, #tpu.memory_space<semaphore_mem>>
    %dma_start3A_1175 = arith.constant 0 : i32
    %dma_start3A_1176 = tpu.memref_slice %arg4[%mul3A_1161, %dma_start3A_1163, %dma_start3A_1175] : memref<819200x2x64xf32, #tpu.memory_space<hbm>> -> memref<128x1x64xf32, #tpu.memory_space<hbm>>
    %dma_start3A_1177 = tpu.memref_squeeze %dma_start3A_1176 : memref<128x1x64xf32, #tpu.memory_space<hbm>> -> memref<128x64xf32, #tpu.memory_space<hbm>>
    %dma_start3A_1178 = arith.constant 0 : i32
    %dma_start3A_1179 = arith.constant 0 : i32
    %dma_start3A_1180 = tpu.memref_slice %arg7[%dma_start3A_1162, %dma_start3A_1178, %dma_start3A_1179] : memref<6x128x64xf32, #tpu.memory_space<vmem>> -> memref<1x128x64xf32, #tpu.memory_space<vmem>>
    %dma_start3A_1181 = tpu.memref_squeeze %dma_start3A_1180 : memref<1x128x64xf32, #tpu.memory_space<vmem>> -> memref<128x64xf32, #tpu.memory_space<vmem>>
    tpu.enqueue_dma source(%dma_start3A_1181 : memref<128x64xf32, #tpu.memory_space<vmem>>) target(%dma_start3A_1177 : memref<128x64xf32, #tpu.memory_space<hbm>>) target_semaphore(%dma_start3A_1174 : memref<!tpu.dma_semaphore, #tpu.memory_space<semaphore_mem>>)
    %dma_start3A_1182 = arith.constant 0 : i32
    %dma_start3A_1183 = arith.constant 1 : i32
    %dma_start3A_1184 = arith.constant 0 : i32
    %dma_start3A_1185 = arith.constant 1 : i32
    %dma_start3A_1186 = arith.constant 0 : i32
    %dma_start3A_1187 = arith.constant 0 : i32
    %dma_start3A_1188 = tpu.memref_slice %arg8[%dma_start3A_1182, %dma_start3A_1186, %dma_start3A_1187] : memref<6x128x64xf32, #tpu.memory_space<vmem>> -> memref<1x128x64xf32, #tpu.memory_space<vmem>>
    %dma_start3A_1189 = tpu.memref_squeeze %dma_start3A_1188 : memref<1x128x64xf32, #tpu.memory_space<vmem>> -> memref<128x64xf32, #tpu.memory_space<vmem>>
    %dma_start3A_1190 = arith.constant 0 : i32
    %dma_start3A_1191 = tpu.memref_slice %arg4[%mul3A_1161, %dma_start3A_1183, %dma_start3A_1190] : memref<819200x2x64xf32, #tpu.memory_space<hbm>> -> memref<128x1x64xf32, #tpu.memory_space<hbm>>
    %dma_start3A_1192 = tpu.memref_squeeze %dma_start3A_1191 : memref<128x1x64xf32, #tpu.memory_space<hbm>> -> memref<128x64xf32, #tpu.memory_space<hbm>>
    %dma_start3A_1193 = tpu.memref_slice %arg11[%dma_start3A_1184, %dma_start3A_1185] : memref<6x2x!tpu.dma_semaphore, #tpu.memory_space<semaphore_mem>> -> memref<1x1x!tpu.dma_semaphore, #tpu.memory_space<semaphore_mem>>
    %dma_start3A_1194 = tpu.memref_squeeze %dma_start3A_1193 : memref<1x1x!tpu.dma_semaphore, #tpu.memory_space<semaphore_mem>> -> memref<!tpu.dma_semaphore, #tpu.memory_space<semaphore_mem>>
    %dma_start3A_1195 = arith.constant 0 : i32
    %dma_start3A_1196 = tpu.memref_slice %arg4[%mul3A_1161, %dma_start3A_1183, %dma_start3A_1195] : memref<819200x2x64xf32, #tpu.memory_space<hbm>> -> memref<128x1x64xf32, #tpu.memory_space<hbm>>
    %dma_start3A_1197 = tpu.memref_squeeze %dma_start3A_1196 : memref<128x1x64xf32, #tpu.memory_space<hbm>> -> memref<128x64xf32, #tpu.memory_space<hbm>>
    %dma_start3A_1198 = arith.constant 0 : i32
    %dma_start3A_1199 = arith.constant 0 : i32
    %dma_start3A_1200 = tpu.memref_slice %arg8[%dma_start3A_1182, %dma_start3A_1198, %dma_start3A_1199] : memref<6x128x64xf32, #tpu.memory_space<vmem>> -> memref<1x128x64xf32, #tpu.memory_space<vmem>>
    %dma_start3A_1201 = tpu.memref_squeeze %dma_start3A_1200 : memref<1x128x64xf32, #tpu.memory_space<vmem>> -> memref<128x64xf32, #tpu.memory_space<vmem>>
    tpu.enqueue_dma source(%dma_start3A_1201 : memref<128x64xf32, #tpu.memory_space<vmem>>) target(%dma_start3A_1197 : memref<128x64xf32, #tpu.memory_space<hbm>>) target_semaphore(%dma_start3A_1194 : memref<!tpu.dma_semaphore, #tpu.memory_space<semaphore_mem>>)
    %dma_wait3A_1202 = arith.constant 1 : i32
    %dma_wait3A_1203 = arith.constant 1 : i32
    %dma_wait3A_1204 = arith.constant 0 : i32
    %dma_wait3A_1205 = arith.constant 0 : i32
    %dma_wait3A_1206 = tpu.memref_slice %arg7[%dma_wait3A_1202, %dma_wait3A_1204, %dma_wait3A_1205] : memref<6x128x64xf32, #tpu.memory_space<vmem>> -> memref<1x128x64xf32, #tpu.memory_space<vmem>>
    %dma_wait3A_1207 = tpu.memref_squeeze %dma_wait3A_1206 : memref<1x128x64xf32, #tpu.memory_space<vmem>> -> memref<128x64xf32, #tpu.memory_space<vmem>>
    %dma_wait3A_1208 = arith.constant 0 : i32
    %dma_wait3A_1209 = arith.constant 0 : i32
    %dma_wait3A_1210 = tpu.memref_slice %arg3[%dma_wait3A_1208, %dma_wait3A_1209] : memref<100001x64xf32, #tpu.memory_space<hbm>> -> memref<128x64xf32, #tpu.memory_space<hbm>>
    %dma_wait3A_1211 = tpu.memref_slice %arg10[%dma_wait3A_1203] : memref<6x!tpu.dma_semaphore, #tpu.memory_space<semaphore_mem>> -> memref<1x!tpu.dma_semaphore, #tpu.memory_space<semaphore_mem>>
    %dma_wait3A_1212 = tpu.memref_squeeze %dma_wait3A_1211 : memref<1x!tpu.dma_semaphore, #tpu.memory_space<semaphore_mem>> -> memref<!tpu.dma_semaphore, #tpu.memory_space<semaphore_mem>>
    %dma_wait3A_1213 = arith.constant 0 : i32
    %dma_wait3A_1214 = arith.constant 0 : i32
    %dma_wait3A_1215 = tpu.memref_slice %arg7[%dma_wait3A_1202, %dma_wait3A_1213, %dma_wait3A_1214] : memref<6x128x64xf32, #tpu.memory_space<vmem>> -> memref<1x128x64xf32, #tpu.memory_space<vmem>>
    %dma_wait3A_1216 = tpu.memref_squeeze %dma_wait3A_1215 : memref<1x128x64xf32, #tpu.memory_space<vmem>> -> memref<128x64xf32, #tpu.memory_space<vmem>>
    %dma_wait3A_1217 = arith.constant 0 : i32
    %dma_wait3A_1218 = arith.constant 0 : i32
    %dma_wait3A_1219 = tpu.memref_slice %arg3[%dma_wait3A_1217, %dma_wait3A_1218] : memref<100001x64xf32, #tpu.memory_space<hbm>> -> memref<128x64xf32, #tpu.memory_space<hbm>>
    tpu.wait_dma2 semaphore(%dma_wait3A_1212 : memref<!tpu.dma_semaphore, #tpu.memory_space<semaphore_mem>>) src(%dma_wait3A_1219 : memref<128x64xf32, #tpu.memory_space<hbm>>) dst(%dma_wait3A_1216 : memref<128x64xf32, #tpu.memory_space<vmem>>)
    %dma_wait3A_1220 = arith.constant 1 : i32
    %dma_wait3A_1221 = arith.constant 1 : i32
    %dma_wait3A_1222 = arith.constant 0 : i32
    %dma_wait3A_1223 = arith.constant 0 : i32
    %dma_wait3A_1224 = tpu.memref_slice %arg8[%dma_wait3A_1220, %dma_wait3A_1222, %dma_wait3A_1223] : memref<6x128x64xf32, #tpu.memory_space<vmem>> -> memref<1x128x64xf32, #tpu.memory_space<vmem>>
    %dma_wait3A_1225 = tpu.memref_squeeze %dma_wait3A_1224 : memref<1x128x64xf32, #tpu.memory_space<vmem>> -> memref<128x64xf32, #tpu.memory_space<vmem>>
    %dma_wait3A_1226 = arith.constant 0 : i32
    %dma_wait3A_1227 = arith.constant 0 : i32
    %dma_wait3A_1228 = tpu.memref_slice %arg3[%dma_wait3A_1226, %dma_wait3A_1227] : memref<100001x64xf32, #tpu.memory_space<hbm>> -> memref<128x64xf32, #tpu.memory_space<hbm>>
    %dma_wait3A_1229 = tpu.memref_slice %arg10[%dma_wait3A_1221] : memref<6x!tpu.dma_semaphore, #tpu.memory_space<semaphore_mem>> -> memref<1x!tpu.dma_semaphore, #tpu.memory_space<semaphore_mem>>
    %dma_wait3A_1230 = tpu.memref_squeeze %dma_wait3A_1229 : memref<1x!tpu.dma_semaphore, #tpu.memory_space<semaphore_mem>> -> memref<!tpu.dma_semaphore, #tpu.memory_space<semaphore_mem>>
    %dma_wait3A_1231 = arith.constant 0 : i32
    %dma_wait3A_1232 = arith.constant 0 : i32
    %dma_wait3A_1233 = tpu.memref_slice %arg8[%dma_wait3A_1220, %dma_wait3A_1231, %dma_wait3A_1232] : memref<6x128x64xf32, #tpu.memory_space<vmem>> -> memref<1x128x64xf32, #tpu.memory_space<vmem>>
    %dma_wait3A_1234 = tpu.memref_squeeze %dma_wait3A_1233 : memref<1x128x64xf32, #tpu.memory_space<vmem>> -> memref<128x64xf32, #tpu.memory_space<vmem>>
    %dma_wait3A_1235 = arith.constant 0 : i32
    %dma_wait3A_1236 = arith.constant 0 : i32
    %dma_wait3A_1237 = tpu.memref_slice %arg3[%dma_wait3A_1235, %dma_wait3A_1236] : memref<100001x64xf32, #tpu.memory_space<hbm>> -> memref<128x64xf32, #tpu.memory_space<hbm>>
    tpu.wait_dma2 semaphore(%dma_wait3A_1230 : memref<!tpu.dma_semaphore, #tpu.memory_space<semaphore_mem>>) src(%dma_wait3A_1237 : memref<128x64xf32, #tpu.memory_space<hbm>>) dst(%dma_wait3A_1234 : memref<128x64xf32, #tpu.memory_space<vmem>>)
    %add3A_1238 = arith.constant 199 : i32
    %add3A_1239 = arith.addi %mul3A_2, %add3A_1238 : i32
    %mul3A_1240 = arith.constant 128 : i32
    %mul3A_1241 = arith.muli %add3A_1239, %mul3A_1240 : i32
    %dma_start3A_1242 = arith.constant 1 : i32
    %dma_start3A_1243 = arith.constant 0 : i32
    %dma_start3A_1244 = arith.constant 1 : i32
    %dma_start3A_1245 = arith.constant 0 : i32
    %dma_start3A_1246 = arith.constant 0 : i32
    %dma_start3A_1247 = arith.constant 0 : i32
    %dma_start3A_1248 = tpu.memref_slice %arg7[%dma_start3A_1242, %dma_start3A_1246, %dma_start3A_1247] : memref<6x128x64xf32, #tpu.memory_space<vmem>> -> memref<1x128x64xf32, #tpu.memory_space<vmem>>
    %dma_start3A_1249 = tpu.memref_squeeze %dma_start3A_1248 : memref<1x128x64xf32, #tpu.memory_space<vmem>> -> memref<128x64xf32, #tpu.memory_space<vmem>>
    %dma_start3A_1250 = arith.constant 0 : i32
    %dma_start3A_1251 = tpu.memref_slice %arg4[%mul3A_1241, %dma_start3A_1243, %dma_start3A_1250] : memref<819200x2x64xf32, #tpu.memory_space<hbm>> -> memref<128x1x64xf32, #tpu.memory_space<hbm>>
    %dma_start3A_1252 = tpu.memref_squeeze %dma_start3A_1251 : memref<128x1x64xf32, #tpu.memory_space<hbm>> -> memref<128x64xf32, #tpu.memory_space<hbm>>
    %dma_start3A_1253 = tpu.memref_slice %arg11[%dma_start3A_1244, %dma_start3A_1245] : memref<6x2x!tpu.dma_semaphore, #tpu.memory_space<semaphore_mem>> -> memref<1x1x!tpu.dma_semaphore, #tpu.memory_space<semaphore_mem>>
    %dma_start3A_1254 = tpu.memref_squeeze %dma_start3A_1253 : memref<1x1x!tpu.dma_semaphore, #tpu.memory_space<semaphore_mem>> -> memref<!tpu.dma_semaphore, #tpu.memory_space<semaphore_mem>>
    %dma_start3A_1255 = arith.constant 0 : i32
    %dma_start3A_1256 = tpu.memref_slice %arg4[%mul3A_1241, %dma_start3A_1243, %dma_start3A_1255] : memref<819200x2x64xf32, #tpu.memory_space<hbm>> -> memref<128x1x64xf32, #tpu.memory_space<hbm>>
    %dma_start3A_1257 = tpu.memref_squeeze %dma_start3A_1256 : memref<128x1x64xf32, #tpu.memory_space<hbm>> -> memref<128x64xf32, #tpu.memory_space<hbm>>
    %dma_start3A_1258 = arith.constant 0 : i32
    %dma_start3A_1259 = arith.constant 0 : i32
    %dma_start3A_1260 = tpu.memref_slice %arg7[%dma_start3A_1242, %dma_start3A_1258, %dma_start3A_1259] : memref<6x128x64xf32, #tpu.memory_space<vmem>> -> memref<1x128x64xf32, #tpu.memory_space<vmem>>
    %dma_start3A_1261 = tpu.memref_squeeze %dma_start3A_1260 : memref<1x128x64xf32, #tpu.memory_space<vmem>> -> memref<128x64xf32, #tpu.memory_space<vmem>>
    tpu.enqueue_dma source(%dma_start3A_1261 : memref<128x64xf32, #tpu.memory_space<vmem>>) target(%dma_start3A_1257 : memref<128x64xf32, #tpu.memory_space<hbm>>) target_semaphore(%dma_start3A_1254 : memref<!tpu.dma_semaphore, #tpu.memory_space<semaphore_mem>>)
    %dma_start3A_1262 = arith.constant 1 : i32
    %dma_start3A_1263 = arith.constant 1 : i32
    %dma_start3A_1264 = arith.constant 1 : i32
    %dma_start3A_1265 = arith.constant 1 : i32
    %dma_start3A_1266 = arith.constant 0 : i32
    %dma_start3A_1267 = arith.constant 0 : i32
    %dma_start3A_1268 = tpu.memref_slice %arg8[%dma_start3A_1262, %dma_start3A_1266, %dma_start3A_1267] : memref<6x128x64xf32, #tpu.memory_space<vmem>> -> memref<1x128x64xf32, #tpu.memory_space<vmem>>
    %dma_start3A_1269 = tpu.memref_squeeze %dma_start3A_1268 : memref<1x128x64xf32, #tpu.memory_space<vmem>> -> memref<128x64xf32, #tpu.memory_space<vmem>>
    %dma_start3A_1270 = arith.constant 0 : i32
    %dma_start3A_1271 = tpu.memref_slice %arg4[%mul3A_1241, %dma_start3A_1263, %dma_start3A_1270] : memref<819200x2x64xf32, #tpu.memory_space<hbm>> -> memref<128x1x64xf32, #tpu.memory_space<hbm>>
    %dma_start3A_1272 = tpu.memref_squeeze %dma_start3A_1271 : memref<128x1x64xf32, #tpu.memory_space<hbm>> -> memref<128x64xf32, #tpu.memory_space<hbm>>
    %dma_start3A_1273 = tpu.memref_slice %arg11[%dma_start3A_1264, %dma_start3A_1265] : memref<6x2x!tpu.dma_semaphore, #tpu.memory_space<semaphore_mem>> -> memref<1x1x!tpu.dma_semaphore, #tpu.memory_space<semaphore_mem>>
    %dma_start3A_1274 = tpu.memref_squeeze %dma_start3A_1273 : memref<1x1x!tpu.dma_semaphore, #tpu.memory_space<semaphore_mem>> -> memref<!tpu.dma_semaphore, #tpu.memory_space<semaphore_mem>>
    %dma_start3A_1275 = arith.constant 0 : i32
    %dma_start3A_1276 = tpu.memref_slice %arg4[%mul3A_1241, %dma_start3A_1263, %dma_start3A_1275] : memref<819200x2x64xf32, #tpu.memory_space<hbm>> -> memref<128x1x64xf32, #tpu.memory_space<hbm>>
    %dma_start3A_1277 = tpu.memref_squeeze %dma_start3A_1276 : memref<128x1x64xf32, #tpu.memory_space<hbm>> -> memref<128x64xf32, #tpu.memory_space<hbm>>
    %dma_start3A_1278 = arith.constant 0 : i32
    %dma_start3A_1279 = arith.constant 0 : i32
    %dma_start3A_1280 = tpu.memref_slice %arg8[%dma_start3A_1262, %dma_start3A_1278, %dma_start3A_1279] : memref<6x128x64xf32, #tpu.memory_space<vmem>> -> memref<1x128x64xf32, #tpu.memory_space<vmem>>
    %dma_start3A_1281 = tpu.memref_squeeze %dma_start3A_1280 : memref<1x128x64xf32, #tpu.memory_space<vmem>> -> memref<128x64xf32, #tpu.memory_space<vmem>>
    tpu.enqueue_dma source(%dma_start3A_1281 : memref<128x64xf32, #tpu.memory_space<vmem>>) target(%dma_start3A_1277 : memref<128x64xf32, #tpu.memory_space<hbm>>) target_semaphore(%dma_start3A_1274 : memref<!tpu.dma_semaphore, #tpu.memory_space<semaphore_mem>>)
    %dma_wait3A_1282 = arith.constant 0 : i32
    %dma_wait3A_1283 = arith.constant 0 : i32
    %dma_wait3A_1284 = arith.constant 0 : i32
    %dma_wait3A_1285 = arith.constant 0 : i32
    %dma_wait3A_1286 = arith.constant 0 : i32
    %dma_wait3A_1287 = arith.constant 0 : i32
    %dma_wait3A_1288 = tpu.memref_slice %arg7[%dma_wait3A_1282, %dma_wait3A_1286, %dma_wait3A_1287] : memref<6x128x64xf32, #tpu.memory_space<vmem>> -> memref<1x128x64xf32, #tpu.memory_space<vmem>>
    %dma_wait3A_1289 = tpu.memref_squeeze %dma_wait3A_1288 : memref<1x128x64xf32, #tpu.memory_space<vmem>> -> memref<128x64xf32, #tpu.memory_space<vmem>>
    %dma_wait3A_1290 = arith.constant 0 : i32
    %dma_wait3A_1291 = arith.constant 0 : i32
    %dma_wait3A_1292 = tpu.memref_slice %arg4[%dma_wait3A_1290, %dma_wait3A_1283, %dma_wait3A_1291] : memref<819200x2x64xf32, #tpu.memory_space<hbm>> -> memref<128x1x64xf32, #tpu.memory_space<hbm>>
    %dma_wait3A_1293 = tpu.memref_squeeze %dma_wait3A_1292 : memref<128x1x64xf32, #tpu.memory_space<hbm>> -> memref<128x64xf32, #tpu.memory_space<hbm>>
    %dma_wait3A_1294 = tpu.memref_slice %arg11[%dma_wait3A_1284, %dma_wait3A_1285] : memref<6x2x!tpu.dma_semaphore, #tpu.memory_space<semaphore_mem>> -> memref<1x1x!tpu.dma_semaphore, #tpu.memory_space<semaphore_mem>>
    %dma_wait3A_1295 = tpu.memref_squeeze %dma_wait3A_1294 : memref<1x1x!tpu.dma_semaphore, #tpu.memory_space<semaphore_mem>> -> memref<!tpu.dma_semaphore, #tpu.memory_space<semaphore_mem>>
    %dma_wait3A_1296 = arith.constant 0 : i32
    %dma_wait3A_1297 = arith.constant 0 : i32
    %dma_wait3A_1298 = tpu.memref_slice %arg4[%dma_wait3A_1296, %dma_wait3A_1283, %dma_wait3A_1297] : memref<819200x2x64xf32, #tpu.memory_space<hbm>> -> memref<128x1x64xf32, #tpu.memory_space<hbm>>
    %dma_wait3A_1299 = tpu.memref_squeeze %dma_wait3A_1298 : memref<128x1x64xf32, #tpu.memory_space<hbm>> -> memref<128x64xf32, #tpu.memory_space<hbm>>
    %dma_wait3A_1300 = arith.constant 0 : i32
    %dma_wait3A_1301 = arith.constant 0 : i32
    %dma_wait3A_1302 = tpu.memref_slice %arg7[%dma_wait3A_1282, %dma_wait3A_1300, %dma_wait3A_1301] : memref<6x128x64xf32, #tpu.memory_space<vmem>> -> memref<1x128x64xf32, #tpu.memory_space<vmem>>
    %dma_wait3A_1303 = tpu.memref_squeeze %dma_wait3A_1302 : memref<1x128x64xf32, #tpu.memory_space<vmem>> -> memref<128x64xf32, #tpu.memory_space<vmem>>
    tpu.wait_dma2 semaphore(%dma_wait3A_1295 : memref<!tpu.dma_semaphore, #tpu.memory_space<semaphore_mem>>) src(%dma_wait3A_1303 : memref<128x64xf32, #tpu.memory_space<vmem>>) dst(%dma_wait3A_1299 : memref<128x64xf32, #tpu.memory_space<hbm>>)
    %dma_wait3A_1304 = arith.constant 0 : i32
    %dma_wait3A_1305 = arith.constant 1 : i32
    %dma_wait3A_1306 = arith.constant 0 : i32
    %dma_wait3A_1307 = arith.constant 1 : i32
    %dma_wait3A_1308 = arith.constant 0 : i32
    %dma_wait3A_1309 = arith.constant 0 : i32
    %dma_wait3A_1310 = tpu.memref_slice %arg8[%dma_wait3A_1304, %dma_wait3A_1308, %dma_wait3A_1309] : memref<6x128x64xf32, #tpu.memory_space<vmem>> -> memref<1x128x64xf32, #tpu.memory_space<vmem>>
    %dma_wait3A_1311 = tpu.memref_squeeze %dma_wait3A_1310 : memref<1x128x64xf32, #tpu.memory_space<vmem>> -> memref<128x64xf32, #tpu.memory_space<vmem>>
    %dma_wait3A_1312 = arith.constant 0 : i32
    %dma_wait3A_1313 = arith.constant 0 : i32
    %dma_wait3A_1314 = tpu.memref_slice %arg4[%dma_wait3A_1312, %dma_wait3A_1305, %dma_wait3A_1313] : memref<819200x2x64xf32, #tpu.memory_space<hbm>> -> memref<128x1x64xf32, #tpu.memory_space<hbm>>
    %dma_wait3A_1315 = tpu.memref_squeeze %dma_wait3A_1314 : memref<128x1x64xf32, #tpu.memory_space<hbm>> -> memref<128x64xf32, #tpu.memory_space<hbm>>
    %dma_wait3A_1316 = tpu.memref_slice %arg11[%dma_wait3A_1306, %dma_wait3A_1307] : memref<6x2x!tpu.dma_semaphore, #tpu.memory_space<semaphore_mem>> -> memref<1x1x!tpu.dma_semaphore, #tpu.memory_space<semaphore_mem>>
    %dma_wait3A_1317 = tpu.memref_squeeze %dma_wait3A_1316 : memref<1x1x!tpu.dma_semaphore, #tpu.memory_space<semaphore_mem>> -> memref<!tpu.dma_semaphore, #tpu.memory_space<semaphore_mem>>
    %dma_wait3A_1318 = arith.constant 0 : i32
    %dma_wait3A_1319 = arith.constant 0 : i32
    %dma_wait3A_1320 = tpu.memref_slice %arg4[%dma_wait3A_1318, %dma_wait3A_1305, %dma_wait3A_1319] : memref<819200x2x64xf32, #tpu.memory_space<hbm>> -> memref<128x1x64xf32, #tpu.memory_space<hbm>>
    %dma_wait3A_1321 = tpu.memref_squeeze %dma_wait3A_1320 : memref<128x1x64xf32, #tpu.memory_space<hbm>> -> memref<128x64xf32, #tpu.memory_space<hbm>>
    %dma_wait3A_1322 = arith.constant 0 : i32
    %dma_wait3A_1323 = arith.constant 0 : i32
    %dma_wait3A_1324 = tpu.memref_slice %arg8[%dma_wait3A_1304, %dma_wait3A_1322, %dma_wait3A_1323] : memref<6x128x64xf32, #tpu.memory_space<vmem>> -> memref<1x128x64xf32, #tpu.memory_space<vmem>>
    %dma_wait3A_1325 = tpu.memref_squeeze %dma_wait3A_1324 : memref<1x128x64xf32, #tpu.memory_space<vmem>> -> memref<128x64xf32, #tpu.memory_space<vmem>>
    tpu.wait_dma2 semaphore(%dma_wait3A_1317 : memref<!tpu.dma_semaphore, #tpu.memory_space<semaphore_mem>>) src(%dma_wait3A_1325 : memref<128x64xf32, #tpu.memory_space<vmem>>) dst(%dma_wait3A_1321 : memref<128x64xf32, #tpu.memory_space<hbm>>)
    %dma_wait3A_1326 = arith.constant 1 : i32
    %dma_wait3A_1327 = arith.constant 0 : i32
    %dma_wait3A_1328 = arith.constant 1 : i32
    %dma_wait3A_1329 = arith.constant 0 : i32
    %dma_wait3A_1330 = arith.constant 0 : i32
    %dma_wait3A_1331 = arith.constant 0 : i32
    %dma_wait3A_1332 = tpu.memref_slice %arg7[%dma_wait3A_1326, %dma_wait3A_1330, %dma_wait3A_1331] : memref<6x128x64xf32, #tpu.memory_space<vmem>> -> memref<1x128x64xf32, #tpu.memory_space<vmem>>
    %dma_wait3A_1333 = tpu.memref_squeeze %dma_wait3A_1332 : memref<1x128x64xf32, #tpu.memory_space<vmem>> -> memref<128x64xf32, #tpu.memory_space<vmem>>
    %dma_wait3A_1334 = arith.constant 0 : i32
    %dma_wait3A_1335 = arith.constant 0 : i32
    %dma_wait3A_1336 = tpu.memref_slice %arg4[%dma_wait3A_1334, %dma_wait3A_1327, %dma_wait3A_1335] : memref<819200x2x64xf32, #tpu.memory_space<hbm>> -> memref<128x1x64xf32, #tpu.memory_space<hbm>>
    %dma_wait3A_1337 = tpu.memref_squeeze %dma_wait3A_1336 : memref<128x1x64xf32, #tpu.memory_space<hbm>> -> memref<128x64xf32, #tpu.memory_space<hbm>>
    %dma_wait3A_1338 = tpu.memref_slice %arg11[%dma_wait3A_1328, %dma_wait3A_1329] : memref<6x2x!tpu.dma_semaphore, #tpu.memory_space<semaphore_mem>> -> memref<1x1x!tpu.dma_semaphore, #tpu.memory_space<semaphore_mem>>
    %dma_wait3A_1339 = tpu.memref_squeeze %dma_wait3A_1338 : memref<1x1x!tpu.dma_semaphore, #tpu.memory_space<semaphore_mem>> -> memref<!tpu.dma_semaphore, #tpu.memory_space<semaphore_mem>>
    %dma_wait3A_1340 = arith.constant 0 : i32
    %dma_wait3A_1341 = arith.constant 0 : i32
    %dma_wait3A_1342 = tpu.memref_slice %arg4[%dma_wait3A_1340, %dma_wait3A_1327, %dma_wait3A_1341] : memref<819200x2x64xf32, #tpu.memory_space<hbm>> -> memref<128x1x64xf32, #tpu.memory_space<hbm>>
    %dma_wait3A_1343 = tpu.memref_squeeze %dma_wait3A_1342 : memref<128x1x64xf32, #tpu.memory_space<hbm>> -> memref<128x64xf32, #tpu.memory_space<hbm>>
    %dma_wait3A_1344 = arith.constant 0 : i32
    %dma_wait3A_1345 = arith.constant 0 : i32
    %dma_wait3A_1346 = tpu.memref_slice %arg7[%dma_wait3A_1326, %dma_wait3A_1344, %dma_wait3A_1345] : memref<6x128x64xf32, #tpu.memory_space<vmem>> -> memref<1x128x64xf32, #tpu.memory_space<vmem>>
    %dma_wait3A_1347 = tpu.memref_squeeze %dma_wait3A_1346 : memref<1x128x64xf32, #tpu.memory_space<vmem>> -> memref<128x64xf32, #tpu.memory_space<vmem>>
    tpu.wait_dma2 semaphore(%dma_wait3A_1339 : memref<!tpu.dma_semaphore, #tpu.memory_space<semaphore_mem>>) src(%dma_wait3A_1347 : memref<128x64xf32, #tpu.memory_space<vmem>>) dst(%dma_wait3A_1343 : memref<128x64xf32, #tpu.memory_space<hbm>>)
    %dma_wait3A_1348 = arith.constant 1 : i32
    %dma_wait3A_1349 = arith.constant 1 : i32
    %dma_wait3A_1350 = arith.constant 1 : i32
    %dma_wait3A_1351 = arith.constant 1 : i32
    %dma_wait3A_1352 = arith.constant 0 : i32
    %dma_wait3A_1353 = arith.constant 0 : i32
    %dma_wait3A_1354 = tpu.memref_slice %arg8[%dma_wait3A_1348, %dma_wait3A_1352, %dma_wait3A_1353] : memref<6x128x64xf32, #tpu.memory_space<vmem>> -> memref<1x128x64xf32, #tpu.memory_space<vmem>>
    %dma_wait3A_1355 = tpu.memref_squeeze %dma_wait3A_1354 : memref<1x128x64xf32, #tpu.memory_space<vmem>> -> memref<128x64xf32, #tpu.memory_space<vmem>>
    %dma_wait3A_1356 = arith.constant 0 : i32
    %dma_wait3A_1357 = arith.constant 0 : i32
    %dma_wait3A_1358 = tpu.memref_slice %arg4[%dma_wait3A_1356, %dma_wait3A_1349, %dma_wait3A_1357] : memref<819200x2x64xf32, #tpu.memory_space<hbm>> -> memref<128x1x64xf32, #tpu.memory_space<hbm>>
    %dma_wait3A_1359 = tpu.memref_squeeze %dma_wait3A_1358 : memref<128x1x64xf32, #tpu.memory_space<hbm>> -> memref<128x64xf32, #tpu.memory_space<hbm>>
    %dma_wait3A_1360 = tpu.memref_slice %arg11[%dma_wait3A_1350, %dma_wait3A_1351] : memref<6x2x!tpu.dma_semaphore, #tpu.memory_space<semaphore_mem>> -> memref<1x1x!tpu.dma_semaphore, #tpu.memory_space<semaphore_mem>>
    %dma_wait3A_1361 = tpu.memref_squeeze %dma_wait3A_1360 : memref<1x1x!tpu.dma_semaphore, #tpu.memory_space<semaphore_mem>> -> memref<!tpu.dma_semaphore, #tpu.memory_space<semaphore_mem>>
    %dma_wait3A_1362 = arith.constant 0 : i32
    %dma_wait3A_1363 = arith.constant 0 : i32
    %dma_wait3A_1364 = tpu.memref_slice %arg4[%dma_wait3A_1362, %dma_wait3A_1349, %dma_wait3A_1363] : memref<819200x2x64xf32, #tpu.memory_space<hbm>> -> memref<128x1x64xf32, #tpu.memory_space<hbm>>
    %dma_wait3A_1365 = tpu.memref_squeeze %dma_wait3A_1364 : memref<128x1x64xf32, #tpu.memory_space<hbm>> -> memref<128x64xf32, #tpu.memory_space<hbm>>
    %dma_wait3A_1366 = arith.constant 0 : i32
    %dma_wait3A_1367 = arith.constant 0 : i32
    %dma_wait3A_1368 = tpu.memref_slice %arg8[%dma_wait3A_1348, %dma_wait3A_1366, %dma_wait3A_1367] : memref<6x128x64xf32, #tpu.memory_space<vmem>> -> memref<1x128x64xf32, #tpu.memory_space<vmem>>
    %dma_wait3A_1369 = tpu.memref_squeeze %dma_wait3A_1368 : memref<1x128x64xf32, #tpu.memory_space<vmem>> -> memref<128x64xf32, #tpu.memory_space<vmem>>
    tpu.wait_dma2 semaphore(%dma_wait3A_1361 : memref<!tpu.dma_semaphore, #tpu.memory_space<semaphore_mem>>) src(%dma_wait3A_1369 : memref<128x64xf32, #tpu.memory_space<vmem>>) dst(%dma_wait3A_1365 : memref<128x64xf32, #tpu.memory_space<hbm>>)
    %dma_wait3A_1370 = arith.constant 2 : i32
    %dma_wait3A_1371 = arith.constant 0 : i32
    %dma_wait3A_1372 = arith.constant 2 : i32
    %dma_wait3A_1373 = arith.constant 0 : i32
    %dma_wait3A_1374 = arith.constant 0 : i32
    %dma_wait3A_1375 = arith.constant 0 : i32
    %dma_wait3A_1376 = tpu.memref_slice %arg7[%dma_wait3A_1370, %dma_wait3A_1374, %dma_wait3A_1375] : memref<6x128x64xf32, #tpu.memory_space<vmem>> -> memref<1x128x64xf32, #tpu.memory_space<vmem>>
    %dma_wait3A_1377 = tpu.memref_squeeze %dma_wait3A_1376 : memref<1x128x64xf32, #tpu.memory_space<vmem>> -> memref<128x64xf32, #tpu.memory_space<vmem>>
    %dma_wait3A_1378 = arith.constant 0 : i32
    %dma_wait3A_1379 = arith.constant 0 : i32
    %dma_wait3A_1380 = tpu.memref_slice %arg4[%dma_wait3A_1378, %dma_wait3A_1371, %dma_wait3A_1379] : memref<819200x2x64xf32, #tpu.memory_space<hbm>> -> memref<128x1x64xf32, #tpu.memory_space<hbm>>
    %dma_wait3A_1381 = tpu.memref_squeeze %dma_wait3A_1380 : memref<128x1x64xf32, #tpu.memory_space<hbm>> -> memref<128x64xf32, #tpu.memory_space<hbm>>
    %dma_wait3A_1382 = tpu.memref_slice %arg11[%dma_wait3A_1372, %dma_wait3A_1373] : memref<6x2x!tpu.dma_semaphore, #tpu.memory_space<semaphore_mem>> -> memref<1x1x!tpu.dma_semaphore, #tpu.memory_space<semaphore_mem>>
    %dma_wait3A_1383 = tpu.memref_squeeze %dma_wait3A_1382 : memref<1x1x!tpu.dma_semaphore, #tpu.memory_space<semaphore_mem>> -> memref<!tpu.dma_semaphore, #tpu.memory_space<semaphore_mem>>
    %dma_wait3A_1384 = arith.constant 0 : i32
    %dma_wait3A_1385 = arith.constant 0 : i32
    %dma_wait3A_1386 = tpu.memref_slice %arg4[%dma_wait3A_1384, %dma_wait3A_1371, %dma_wait3A_1385] : memref<819200x2x64xf32, #tpu.memory_space<hbm>> -> memref<128x1x64xf32, #tpu.memory_space<hbm>>
    %dma_wait3A_1387 = tpu.memref_squeeze %dma_wait3A_1386 : memref<128x1x64xf32, #tpu.memory_space<hbm>> -> memref<128x64xf32, #tpu.memory_space<hbm>>
    %dma_wait3A_1388 = arith.constant 0 : i32
    %dma_wait3A_1389 = arith.constant 0 : i32
    %dma_wait3A_1390 = tpu.memref_slice %arg7[%dma_wait3A_1370, %dma_wait3A_1388, %dma_wait3A_1389] : memref<6x128x64xf32, #tpu.memory_space<vmem>> -> memref<1x128x64xf32, #tpu.memory_space<vmem>>
    %dma_wait3A_1391 = tpu.memref_squeeze %dma_wait3A_1390 : memref<1x128x64xf32, #tpu.memory_space<vmem>> -> memref<128x64xf32, #tpu.memory_space<vmem>>
    tpu.wait_dma2 semaphore(%dma_wait3A_1383 : memref<!tpu.dma_semaphore, #tpu.memory_space<semaphore_mem>>) src(%dma_wait3A_1391 : memref<128x64xf32, #tpu.memory_space<vmem>>) dst(%dma_wait3A_1387 : memref<128x64xf32, #tpu.memory_space<hbm>>)
    %dma_wait3A_1392 = arith.constant 2 : i32
    %dma_wait3A_1393 = arith.constant 1 : i32
    %dma_wait3A_1394 = arith.constant 2 : i32
    %dma_wait3A_1395 = arith.constant 1 : i32
    %dma_wait3A_1396 = arith.constant 0 : i32
    %dma_wait3A_1397 = arith.constant 0 : i32
    %dma_wait3A_1398 = tpu.memref_slice %arg8[%dma_wait3A_1392, %dma_wait3A_1396, %dma_wait3A_1397] : memref<6x128x64xf32, #tpu.memory_space<vmem>> -> memref<1x128x64xf32, #tpu.memory_space<vmem>>
    %dma_wait3A_1399 = tpu.memref_squeeze %dma_wait3A_1398 : memref<1x128x64xf32, #tpu.memory_space<vmem>> -> memref<128x64xf32, #tpu.memory_space<vmem>>
    %dma_wait3A_1400 = arith.constant 0 : i32
    %dma_wait3A_1401 = arith.constant 0 : i32
    %dma_wait3A_1402 = tpu.memref_slice %arg4[%dma_wait3A_1400, %dma_wait3A_1393, %dma_wait3A_1401] : memref<819200x2x64xf32, #tpu.memory_space<hbm>> -> memref<128x1x64xf32, #tpu.memory_space<hbm>>
    %dma_wait3A_1403 = tpu.memref_squeeze %dma_wait3A_1402 : memref<128x1x64xf32, #tpu.memory_space<hbm>> -> memref<128x64xf32, #tpu.memory_space<hbm>>
    %dma_wait3A_1404 = tpu.memref_slice %arg11[%dma_wait3A_1394, %dma_wait3A_1395] : memref<6x2x!tpu.dma_semaphore, #tpu.memory_space<semaphore_mem>> -> memref<1x1x!tpu.dma_semaphore, #tpu.memory_space<semaphore_mem>>
    %dma_wait3A_1405 = tpu.memref_squeeze %dma_wait3A_1404 : memref<1x1x!tpu.dma_semaphore, #tpu.memory_space<semaphore_mem>> -> memref<!tpu.dma_semaphore, #tpu.memory_space<semaphore_mem>>
    %dma_wait3A_1406 = arith.constant 0 : i32
    %dma_wait3A_1407 = arith.constant 0 : i32
    %dma_wait3A_1408 = tpu.memref_slice %arg4[%dma_wait3A_1406, %dma_wait3A_1393, %dma_wait3A_1407] : memref<819200x2x64xf32, #tpu.memory_space<hbm>> -> memref<128x1x64xf32, #tpu.memory_space<hbm>>
    %dma_wait3A_1409 = tpu.memref_squeeze %dma_wait3A_1408 : memref<128x1x64xf32, #tpu.memory_space<hbm>> -> memref<128x64xf32, #tpu.memory_space<hbm>>
    %dma_wait3A_1410 = arith.constant 0 : i32
    %dma_wait3A_1411 = arith.constant 0 : i32
    %dma_wait3A_1412 = tpu.memref_slice %arg8[%dma_wait3A_1392, %dma_wait3A_1410, %dma_wait3A_1411] : memref<6x128x64xf32, #tpu.memory_space<vmem>> -> memref<1x128x64xf32, #tpu.memory_space<vmem>>
    %dma_wait3A_1413 = tpu.memref_squeeze %dma_wait3A_1412 : memref<1x128x64xf32, #tpu.memory_space<vmem>> -> memref<128x64xf32, #tpu.memory_space<vmem>>
    tpu.wait_dma2 semaphore(%dma_wait3A_1405 : memref<!tpu.dma_semaphore, #tpu.memory_space<semaphore_mem>>) src(%dma_wait3A_1413 : memref<128x64xf32, #tpu.memory_space<vmem>>) dst(%dma_wait3A_1409 : memref<128x64xf32, #tpu.memory_space<hbm>>)
    %dma_wait3A_1414 = arith.constant 3 : i32
    %dma_wait3A_1415 = arith.constant 0 : i32
    %dma_wait3A_1416 = arith.constant 3 : i32
    %dma_wait3A_1417 = arith.constant 0 : i32
    %dma_wait3A_1418 = arith.constant 0 : i32
    %dma_wait3A_1419 = arith.constant 0 : i32
    %dma_wait3A_1420 = tpu.memref_slice %arg7[%dma_wait3A_1414, %dma_wait3A_1418, %dma_wait3A_1419] : memref<6x128x64xf32, #tpu.memory_space<vmem>> -> memref<1x128x64xf32, #tpu.memory_space<vmem>>
    %dma_wait3A_1421 = tpu.memref_squeeze %dma_wait3A_1420 : memref<1x128x64xf32, #tpu.memory_space<vmem>> -> memref<128x64xf32, #tpu.memory_space<vmem>>
    %dma_wait3A_1422 = arith.constant 0 : i32
    %dma_wait3A_1423 = arith.constant 0 : i32
    %dma_wait3A_1424 = tpu.memref_slice %arg4[%dma_wait3A_1422, %dma_wait3A_1415, %dma_wait3A_1423] : memref<819200x2x64xf32, #tpu.memory_space<hbm>> -> memref<128x1x64xf32, #tpu.memory_space<hbm>>
    %dma_wait3A_1425 = tpu.memref_squeeze %dma_wait3A_1424 : memref<128x1x64xf32, #tpu.memory_space<hbm>> -> memref<128x64xf32, #tpu.memory_space<hbm>>
    %dma_wait3A_1426 = tpu.memref_slice %arg11[%dma_wait3A_1416, %dma_wait3A_1417] : memref<6x2x!tpu.dma_semaphore, #tpu.memory_space<semaphore_mem>> -> memref<1x1x!tpu.dma_semaphore, #tpu.memory_space<semaphore_mem>>
    %dma_wait3A_1427 = tpu.memref_squeeze %dma_wait3A_1426 : memref<1x1x!tpu.dma_semaphore, #tpu.memory_space<semaphore_mem>> -> memref<!tpu.dma_semaphore, #tpu.memory_space<semaphore_mem>>
    %dma_wait3A_1428 = arith.constant 0 : i32
    %dma_wait3A_1429 = arith.constant 0 : i32
    %dma_wait3A_1430 = tpu.memref_slice %arg4[%dma_wait3A_1428, %dma_wait3A_1415, %dma_wait3A_1429] : memref<819200x2x64xf32, #tpu.memory_space<hbm>> -> memref<128x1x64xf32, #tpu.memory_space<hbm>>
    %dma_wait3A_1431 = tpu.memref_squeeze %dma_wait3A_1430 : memref<128x1x64xf32, #tpu.memory_space<hbm>> -> memref<128x64xf32, #tpu.memory_space<hbm>>
    %dma_wait3A_1432 = arith.constant 0 : i32
    %dma_wait3A_1433 = arith.constant 0 : i32
    %dma_wait3A_1434 = tpu.memref_slice %arg7[%dma_wait3A_1414, %dma_wait3A_1432, %dma_wait3A_1433] : memref<6x128x64xf32, #tpu.memory_space<vmem>> -> memref<1x128x64xf32, #tpu.memory_space<vmem>>
    %dma_wait3A_1435 = tpu.memref_squeeze %dma_wait3A_1434 : memref<1x128x64xf32, #tpu.memory_space<vmem>> -> memref<128x64xf32, #tpu.memory_space<vmem>>
    tpu.wait_dma2 semaphore(%dma_wait3A_1427 : memref<!tpu.dma_semaphore, #tpu.memory_space<semaphore_mem>>) src(%dma_wait3A_1435 : memref<128x64xf32, #tpu.memory_space<vmem>>) dst(%dma_wait3A_1431 : memref<128x64xf32, #tpu.memory_space<hbm>>)
    %dma_wait3A_1436 = arith.constant 3 : i32
    %dma_wait3A_1437 = arith.constant 1 : i32
    %dma_wait3A_1438 = arith.constant 3 : i32
    %dma_wait3A_1439 = arith.constant 1 : i32
    %dma_wait3A_1440 = arith.constant 0 : i32
    %dma_wait3A_1441 = arith.constant 0 : i32
    %dma_wait3A_1442 = tpu.memref_slice %arg8[%dma_wait3A_1436, %dma_wait3A_1440, %dma_wait3A_1441] : memref<6x128x64xf32, #tpu.memory_space<vmem>> -> memref<1x128x64xf32, #tpu.memory_space<vmem>>
    %dma_wait3A_1443 = tpu.memref_squeeze %dma_wait3A_1442 : memref<1x128x64xf32, #tpu.memory_space<vmem>> -> memref<128x64xf32, #tpu.memory_space<vmem>>
    %dma_wait3A_1444 = arith.constant 0 : i32
    %dma_wait3A_1445 = arith.constant 0 : i32
    %dma_wait3A_1446 = tpu.memref_slice %arg4[%dma_wait3A_1444, %dma_wait3A_1437, %dma_wait3A_1445] : memref<819200x2x64xf32, #tpu.memory_space<hbm>> -> memref<128x1x64xf32, #tpu.memory_space<hbm>>
    %dma_wait3A_1447 = tpu.memref_squeeze %dma_wait3A_1446 : memref<128x1x64xf32, #tpu.memory_space<hbm>> -> memref<128x64xf32, #tpu.memory_space<hbm>>
    %dma_wait3A_1448 = tpu.memref_slice %arg11[%dma_wait3A_1438, %dma_wait3A_1439] : memref<6x2x!tpu.dma_semaphore, #tpu.memory_space<semaphore_mem>> -> memref<1x1x!tpu.dma_semaphore, #tpu.memory_space<semaphore_mem>>
    %dma_wait3A_1449 = tpu.memref_squeeze %dma_wait3A_1448 : memref<1x1x!tpu.dma_semaphore, #tpu.memory_space<semaphore_mem>> -> memref<!tpu.dma_semaphore, #tpu.memory_space<semaphore_mem>>
    %dma_wait3A_1450 = arith.constant 0 : i32
    %dma_wait3A_1451 = arith.constant 0 : i32
    %dma_wait3A_1452 = tpu.memref_slice %arg4[%dma_wait3A_1450, %dma_wait3A_1437, %dma_wait3A_1451] : memref<819200x2x64xf32, #tpu.memory_space<hbm>> -> memref<128x1x64xf32, #tpu.memory_space<hbm>>
    %dma_wait3A_1453 = tpu.memref_squeeze %dma_wait3A_1452 : memref<128x1x64xf32, #tpu.memory_space<hbm>> -> memref<128x64xf32, #tpu.memory_space<hbm>>
    %dma_wait3A_1454 = arith.constant 0 : i32
    %dma_wait3A_1455 = arith.constant 0 : i32
    %dma_wait3A_1456 = tpu.memref_slice %arg8[%dma_wait3A_1436, %dma_wait3A_1454, %dma_wait3A_1455] : memref<6x128x64xf32, #tpu.memory_space<vmem>> -> memref<1x128x64xf32, #tpu.memory_space<vmem>>
    %dma_wait3A_1457 = tpu.memref_squeeze %dma_wait3A_1456 : memref<1x128x64xf32, #tpu.memory_space<vmem>> -> memref<128x64xf32, #tpu.memory_space<vmem>>
    tpu.wait_dma2 semaphore(%dma_wait3A_1449 : memref<!tpu.dma_semaphore, #tpu.memory_space<semaphore_mem>>) src(%dma_wait3A_1457 : memref<128x64xf32, #tpu.memory_space<vmem>>) dst(%dma_wait3A_1453 : memref<128x64xf32, #tpu.memory_space<hbm>>)
    %dma_wait3A_1458 = arith.constant 4 : i32
    %dma_wait3A_1459 = arith.constant 0 : i32
    %dma_wait3A_1460 = arith.constant 4 : i32
    %dma_wait3A_1461 = arith.constant 0 : i32
    %dma_wait3A_1462 = arith.constant 0 : i32
    %dma_wait3A_1463 = arith.constant 0 : i32
    %dma_wait3A_1464 = tpu.memref_slice %arg7[%dma_wait3A_1458, %dma_wait3A_1462, %dma_wait3A_1463] : memref<6x128x64xf32, #tpu.memory_space<vmem>> -> memref<1x128x64xf32, #tpu.memory_space<vmem>>
    %dma_wait3A_1465 = tpu.memref_squeeze %dma_wait3A_1464 : memref<1x128x64xf32, #tpu.memory_space<vmem>> -> memref<128x64xf32, #tpu.memory_space<vmem>>
    %dma_wait3A_1466 = arith.constant 0 : i32
    %dma_wait3A_1467 = arith.constant 0 : i32
    %dma_wait3A_1468 = tpu.memref_slice %arg4[%dma_wait3A_1466, %dma_wait3A_1459, %dma_wait3A_1467] : memref<819200x2x64xf32, #tpu.memory_space<hbm>> -> memref<128x1x64xf32, #tpu.memory_space<hbm>>
    %dma_wait3A_1469 = tpu.memref_squeeze %dma_wait3A_1468 : memref<128x1x64xf32, #tpu.memory_space<hbm>> -> memref<128x64xf32, #tpu.memory_space<hbm>>
    %dma_wait3A_1470 = tpu.memref_slice %arg11[%dma_wait3A_1460, %dma_wait3A_1461] : memref<6x2x!tpu.dma_semaphore, #tpu.memory_space<semaphore_mem>> -> memref<1x1x!tpu.dma_semaphore, #tpu.memory_space<semaphore_mem>>
    %dma_wait3A_1471 = tpu.memref_squeeze %dma_wait3A_1470 : memref<1x1x!tpu.dma_semaphore, #tpu.memory_space<semaphore_mem>> -> memref<!tpu.dma_semaphore, #tpu.memory_space<semaphore_mem>>
    %dma_wait3A_1472 = arith.constant 0 : i32
    %dma_wait3A_1473 = arith.constant 0 : i32
    %dma_wait3A_1474 = tpu.memref_slice %arg4[%dma_wait3A_1472, %dma_wait3A_1459, %dma_wait3A_1473] : memref<819200x2x64xf32, #tpu.memory_space<hbm>> -> memref<128x1x64xf32, #tpu.memory_space<hbm>>
    %dma_wait3A_1475 = tpu.memref_squeeze %dma_wait3A_1474 : memref<128x1x64xf32, #tpu.memory_space<hbm>> -> memref<128x64xf32, #tpu.memory_space<hbm>>
    %dma_wait3A_1476 = arith.constant 0 : i32
    %dma_wait3A_1477 = arith.constant 0 : i32
    %dma_wait3A_1478 = tpu.memref_slice %arg7[%dma_wait3A_1458, %dma_wait3A_1476, %dma_wait3A_1477] : memref<6x128x64xf32, #tpu.memory_space<vmem>> -> memref<1x128x64xf32, #tpu.memory_space<vmem>>
    %dma_wait3A_1479 = tpu.memref_squeeze %dma_wait3A_1478 : memref<1x128x64xf32, #tpu.memory_space<vmem>> -> memref<128x64xf32, #tpu.memory_space<vmem>>
    tpu.wait_dma2 semaphore(%dma_wait3A_1471 : memref<!tpu.dma_semaphore, #tpu.memory_space<semaphore_mem>>) src(%dma_wait3A_1479 : memref<128x64xf32, #tpu.memory_space<vmem>>) dst(%dma_wait3A_1475 : memref<128x64xf32, #tpu.memory_space<hbm>>)
    %dma_wait3A_1480 = arith.constant 4 : i32
    %dma_wait3A_1481 = arith.constant 1 : i32
    %dma_wait3A_1482 = arith.constant 4 : i32
    %dma_wait3A_1483 = arith.constant 1 : i32
    %dma_wait3A_1484 = arith.constant 0 : i32
    %dma_wait3A_1485 = arith.constant 0 : i32
    %dma_wait3A_1486 = tpu.memref_slice %arg8[%dma_wait3A_1480, %dma_wait3A_1484, %dma_wait3A_1485] : memref<6x128x64xf32, #tpu.memory_space<vmem>> -> memref<1x128x64xf32, #tpu.memory_space<vmem>>
    %dma_wait3A_1487 = tpu.memref_squeeze %dma_wait3A_1486 : memref<1x128x64xf32, #tpu.memory_space<vmem>> -> memref<128x64xf32, #tpu.memory_space<vmem>>
    %dma_wait3A_1488 = arith.constant 0 : i32
    %dma_wait3A_1489 = arith.constant 0 : i32
    %dma_wait3A_1490 = tpu.memref_slice %arg4[%dma_wait3A_1488, %dma_wait3A_1481, %dma_wait3A_1489] : memref<819200x2x64xf32, #tpu.memory_space<hbm>> -> memref<128x1x64xf32, #tpu.memory_space<hbm>>
    %dma_wait3A_1491 = tpu.memref_squeeze %dma_wait3A_1490 : memref<128x1x64xf32, #tpu.memory_space<hbm>> -> memref<128x64xf32, #tpu.memory_space<hbm>>
    %dma_wait3A_1492 = tpu.memref_slice %arg11[%dma_wait3A_1482, %dma_wait3A_1483] : memref<6x2x!tpu.dma_semaphore, #tpu.memory_space<semaphore_mem>> -> memref<1x1x!tpu.dma_semaphore, #tpu.memory_space<semaphore_mem>>
    %dma_wait3A_1493 = tpu.memref_squeeze %dma_wait3A_1492 : memref<1x1x!tpu.dma_semaphore, #tpu.memory_space<semaphore_mem>> -> memref<!tpu.dma_semaphore, #tpu.memory_space<semaphore_mem>>
    %dma_wait3A_1494 = arith.constant 0 : i32
    %dma_wait3A_1495 = arith.constant 0 : i32
    %dma_wait3A_1496 = tpu.memref_slice %arg4[%dma_wait3A_1494, %dma_wait3A_1481, %dma_wait3A_1495] : memref<819200x2x64xf32, #tpu.memory_space<hbm>> -> memref<128x1x64xf32, #tpu.memory_space<hbm>>
    %dma_wait3A_1497 = tpu.memref_squeeze %dma_wait3A_1496 : memref<128x1x64xf32, #tpu.memory_space<hbm>> -> memref<128x64xf32, #tpu.memory_space<hbm>>
    %dma_wait3A_1498 = arith.constant 0 : i32
    %dma_wait3A_1499 = arith.constant 0 : i32
    %dma_wait3A_1500 = tpu.memref_slice %arg8[%dma_wait3A_1480, %dma_wait3A_1498, %dma_wait3A_1499] : memref<6x128x64xf32, #tpu.memory_space<vmem>> -> memref<1x128x64xf32, #tpu.memory_space<vmem>>
    %dma_wait3A_1501 = tpu.memref_squeeze %dma_wait3A_1500 : memref<1x128x64xf32, #tpu.memory_space<vmem>> -> memref<128x64xf32, #tpu.memory_space<vmem>>
    tpu.wait_dma2 semaphore(%dma_wait3A_1493 : memref<!tpu.dma_semaphore, #tpu.memory_space<semaphore_mem>>) src(%dma_wait3A_1501 : memref<128x64xf32, #tpu.memory_space<vmem>>) dst(%dma_wait3A_1497 : memref<128x64xf32, #tpu.memory_space<hbm>>)
    %dma_wait3A_1502 = arith.constant 5 : i32
    %dma_wait3A_1503 = arith.constant 0 : i32
    %dma_wait3A_1504 = arith.constant 5 : i32
    %dma_wait3A_1505 = arith.constant 0 : i32
    %dma_wait3A_1506 = arith.constant 0 : i32
    %dma_wait3A_1507 = arith.constant 0 : i32
    %dma_wait3A_1508 = tpu.memref_slice %arg7[%dma_wait3A_1502, %dma_wait3A_1506, %dma_wait3A_1507] : memref<6x128x64xf32, #tpu.memory_space<vmem>> -> memref<1x128x64xf32, #tpu.memory_space<vmem>>
    %dma_wait3A_1509 = tpu.memref_squeeze %dma_wait3A_1508 : memref<1x128x64xf32, #tpu.memory_space<vmem>> -> memref<128x64xf32, #tpu.memory_space<vmem>>
    %dma_wait3A_1510 = arith.constant 0 : i32
    %dma_wait3A_1511 = arith.constant 0 : i32
    %dma_wait3A_1512 = tpu.memref_slice %arg4[%dma_wait3A_1510, %dma_wait3A_1503, %dma_wait3A_1511] : memref<819200x2x64xf32, #tpu.memory_space<hbm>> -> memref<128x1x64xf32, #tpu.memory_space<hbm>>
    %dma_wait3A_1513 = tpu.memref_squeeze %dma_wait3A_1512 : memref<128x1x64xf32, #tpu.memory_space<hbm>> -> memref<128x64xf32, #tpu.memory_space<hbm>>
    %dma_wait3A_1514 = tpu.memref_slice %arg11[%dma_wait3A_1504, %dma_wait3A_1505] : memref<6x2x!tpu.dma_semaphore, #tpu.memory_space<semaphore_mem>> -> memref<1x1x!tpu.dma_semaphore, #tpu.memory_space<semaphore_mem>>
    %dma_wait3A_1515 = tpu.memref_squeeze %dma_wait3A_1514 : memref<1x1x!tpu.dma_semaphore, #tpu.memory_space<semaphore_mem>> -> memref<!tpu.dma_semaphore, #tpu.memory_space<semaphore_mem>>
    %dma_wait3A_1516 = arith.constant 0 : i32
    %dma_wait3A_1517 = arith.constant 0 : i32
    %dma_wait3A_1518 = tpu.memref_slice %arg4[%dma_wait3A_1516, %dma_wait3A_1503, %dma_wait3A_1517] : memref<819200x2x64xf32, #tpu.memory_space<hbm>> -> memref<128x1x64xf32, #tpu.memory_space<hbm>>
    %dma_wait3A_1519 = tpu.memref_squeeze %dma_wait3A_1518 : memref<128x1x64xf32, #tpu.memory_space<hbm>> -> memref<128x64xf32, #tpu.memory_space<hbm>>
    %dma_wait3A_1520 = arith.constant 0 : i32
    %dma_wait3A_1521 = arith.constant 0 : i32
    %dma_wait3A_1522 = tpu.memref_slice %arg7[%dma_wait3A_1502, %dma_wait3A_1520, %dma_wait3A_1521] : memref<6x128x64xf32, #tpu.memory_space<vmem>> -> memref<1x128x64xf32, #tpu.memory_space<vmem>>
    %dma_wait3A_1523 = tpu.memref_squeeze %dma_wait3A_1522 : memref<1x128x64xf32, #tpu.memory_space<vmem>> -> memref<128x64xf32, #tpu.memory_space<vmem>>
    tpu.wait_dma2 semaphore(%dma_wait3A_1515 : memref<!tpu.dma_semaphore, #tpu.memory_space<semaphore_mem>>) src(%dma_wait3A_1523 : memref<128x64xf32, #tpu.memory_space<vmem>>) dst(%dma_wait3A_1519 : memref<128x64xf32, #tpu.memory_space<hbm>>)
    %dma_wait3A_1524 = arith.constant 5 : i32
    %dma_wait3A_1525 = arith.constant 1 : i32
    %dma_wait3A_1526 = arith.constant 5 : i32
    %dma_wait3A_1527 = arith.constant 1 : i32
    %dma_wait3A_1528 = arith.constant 0 : i32
    %dma_wait3A_1529 = arith.constant 0 : i32
    %dma_wait3A_1530 = tpu.memref_slice %arg8[%dma_wait3A_1524, %dma_wait3A_1528, %dma_wait3A_1529] : memref<6x128x64xf32, #tpu.memory_space<vmem>> -> memref<1x128x64xf32, #tpu.memory_space<vmem>>
    %dma_wait3A_1531 = tpu.memref_squeeze %dma_wait3A_1530 : memref<1x128x64xf32, #tpu.memory_space<vmem>> -> memref<128x64xf32, #tpu.memory_space<vmem>>
    %dma_wait3A_1532 = arith.constant 0 : i32
    %dma_wait3A_1533 = arith.constant 0 : i32
    %dma_wait3A_1534 = tpu.memref_slice %arg4[%dma_wait3A_1532, %dma_wait3A_1525, %dma_wait3A_1533] : memref<819200x2x64xf32, #tpu.memory_space<hbm>> -> memref<128x1x64xf32, #tpu.memory_space<hbm>>
    %dma_wait3A_1535 = tpu.memref_squeeze %dma_wait3A_1534 : memref<128x1x64xf32, #tpu.memory_space<hbm>> -> memref<128x64xf32, #tpu.memory_space<hbm>>
    %dma_wait3A_1536 = tpu.memref_slice %arg11[%dma_wait3A_1526, %dma_wait3A_1527] : memref<6x2x!tpu.dma_semaphore, #tpu.memory_space<semaphore_mem>> -> memref<1x1x!tpu.dma_semaphore, #tpu.memory_space<semaphore_mem>>
    %dma_wait3A_1537 = tpu.memref_squeeze %dma_wait3A_1536 : memref<1x1x!tpu.dma_semaphore, #tpu.memory_space<semaphore_mem>> -> memref<!tpu.dma_semaphore, #tpu.memory_space<semaphore_mem>>
    %dma_wait3A_1538 = arith.constant 0 : i32
    %dma_wait3A_1539 = arith.constant 0 : i32
    %dma_wait3A_1540 = tpu.memref_slice %arg4[%dma_wait3A_1538, %dma_wait3A_1525, %dma_wait3A_1539] : memref<819200x2x64xf32, #tpu.memory_space<hbm>> -> memref<128x1x64xf32, #tpu.memory_space<hbm>>
    %dma_wait3A_1541 = tpu.memref_squeeze %dma_wait3A_1540 : memref<128x1x64xf32, #tpu.memory_space<hbm>> -> memref<128x64xf32, #tpu.memory_space<hbm>>
    %dma_wait3A_1542 = arith.constant 0 : i32
    %dma_wait3A_1543 = arith.constant 0 : i32
    %dma_wait3A_1544 = tpu.memref_slice %arg8[%dma_wait3A_1524, %dma_wait3A_1542, %dma_wait3A_1543] : memref<6x128x64xf32, #tpu.memory_space<vmem>> -> memref<1x128x64xf32, #tpu.memory_space<vmem>>
    %dma_wait3A_1545 = tpu.memref_squeeze %dma_wait3A_1544 : memref<1x128x64xf32, #tpu.memory_space<vmem>> -> memref<128x64xf32, #tpu.memory_space<vmem>>
    tpu.wait_dma2 semaphore(%dma_wait3A_1537 : memref<!tpu.dma_semaphore, #tpu.memory_space<semaphore_mem>>) src(%dma_wait3A_1545 : memref<128x64xf32, #tpu.memory_space<vmem>>) dst(%dma_wait3A_1541 : memref<128x64xf32, #tpu.memory_space<hbm>>)
    return
  }
}

</mosaic_0001>

<sc_bundles>
// kernel: kernel.3.cloned.1.call-start
scs
__scs_entry_jumppad:
0x0: {  	(pc) =	sbr.rel $0x88, $3  }
0x1: {  	(tag) =	ssettag $0x0;
	lr =	simm.s32 $0x1  }
0x2: {  	[smem:$0x3F9F] =	sst lr;
	_ =	strace $0xD0000000  }
0x3: {  	_ = 	snop  }
0x4: {  	_ = 	snop  }
0x5: {  	_ = 	snop  }
0x6: {  	_ = 	snop  }
0x7: {  	_ = 	snop  }
__scs_overlays_trampoline_lowered:
0x8: {  	[smem:$0x3FAE] =	sst s0  }
0x9: {  	[smem:$0x3FAF] =	sst s1  }
0xa: {  	[smem:$0x3FB0] =	sst s2  }
0xb: {  	[smem:$0x3FB1] =	sst s3  }
0xc: {  	[smem:$0x3FB2] =	sst s4  }
0xd: {  	[smem:$0x3FB3] =	sst s5  }
0xe: {  	[smem:$0x3FB4] =	sst s6  }
0xf: {  	[smem:$0x3FB5] =	sst s7  }
0x10: {  	[smem:$0x3FB6] =	sst s8  }
0x11: {  	[smem:$0x3FB7] =	sst s9;
	s0 =	simm.s32 @!p0 $0x0  }
0x12: {  	s1 =	sld [smem:$0x3F9D];
	s0 =	simm.s32 @p0 $0x1  }
0x13: {  	[smem:$0x3FB8] =	sst s0;
	s0 =	simm.s32 @!p1 $0x0  }
0x14: {  	s2 =	sld [smem:$0x3F9C];
	s0 =	simm.s32 @p1 $0x1  }
0x15: {  	[smem:$0x3FB9] =	sst s0;
	s0 =	simm.s32 @!p2 $0x0  }
0x16: {  	s3 =	sld [smem:$0x3FDB];
	s0 =	simm.s32 @p2 $0x1  }
0x17: {  	s4 =	simm.s32 $0x1BF5;
	[smem:$0x3FBB] =	sst s0  }
0x18: {  	s0 =	sld [smem:$0x3F9E];
	_ =	swait.ge [sflag:s4], $0x0  }
0x19: {  	s7 =	sld [smem:$0x3F9F]  }
0x1a: {  	s8 =	sadd.s32 $0xFFFFE003, lr  }
0x1b: {  	s9 =	sadd.s32 $0xFFFFFEF7, lr;
	s5 =	simm.s32 $0xFFFFFFFF;
	p2 =	slt.u32 s8, $0xFFFFF086  }
0x1c: {  	p1 =	slt.u32 s9, $0xF7A;
	s5 =	simm.s32 @!p2 $0x0  }
0x1d: {  	s5 =	simm.s32 @p1 $0x1;
	p0 =	seq.s32 s7, s2  }
0x1e: {  	s7 =	smul.u32 @!p0 $0xF7A, s2;
	p2 =	seq.s32 @!p0 s5, $0x0  }
0x1f: {  	s9 =	smul.u32 $0xF7A, s1;
	s8 =	simm.s32 @!p0 $0x1BF5;
	p2 =	por !p2, p0  }
0x20: {  	[sflag:s8] =	ssyncset.s32 @!p0 $0xFFFFF086;
	s6 =	sadd.s32 @!p0 s3, s7;
	s7 =	simm.s32 @!p0 $0x108  }
0x21: {  	s3 =	sadd.s32 s3, s9;
	s6 =	sadd.s32 @!p0 $0x88, s6;
	s7 =	simm.s32 @p2 $0x1082  }
0x22: {  	[simem:s7], [sflag:s8] =	dma.local @!p0 [hbm:s6], $0xF7A  }
0x23: {  	s9 =	sor.u32 $0xD0000000, s2;
	s6 =	simm.s32 $0x108;
	_ =	swait.ge @!p0 [sflag:s8], $0x0  }
0x24: {  	s3 =	sadd.s32 $0x88, s3;
	s6 =	simm.s32 @!p1 $0x1082;
	[sflag:s4] =	ssyncset.s32 $0xFFFFF086  }
0x25: {  	[simem:s6], [sflag:s4] =	dma.local [hbm:s3], $0xF7A  }
0x26: {  	[smem:$0x3F9F] =	sst s1;
	(tag) =	ssettag s2;
	_ =	strace s9  }
0x27: {  	s1 =	sld [smem:$0x3FAF]  }
0x28: {  	s2 =	sld [smem:$0x3FB0]  }
0x29: {  	s4 =	sld [smem:$0x3FB2]  }
0x2a: {  	p0 =	seq.s32 s5, $0x0;
	s5 =	sld [smem:$0x3FB3]  }
0x2b: {  	s6 =	sld [smem:$0x3FB4]  }
0x2c: {  	s7 =	sld [smem:$0x3FB5]  }
0x2d: {  	s3 =	simm.s32 $0x108;
	s8 =	sld [smem:$0x3FB6]  }
0x2e: {  	s3 =	simm.s32 @!p0 $0x1082;
	s9 =	sld [smem:$0x3FB7]  }
0x2f: {  	lr =	sadd.s32 s0, s3;
	s0 =	sld [smem:$0x3FAE]  }
0x30: {  	s3 =	sld [smem:$0x3FB1]  }
0x31: {  	[smem:$0x3FBA] =	sst s10  }
0x32: {  	s10 =	sld [smem:$0x3FB8];
	_ =	sdelay $0x3  }
0x33: {  	p0 =	seq.s32 s10, $0x1;
	s10 =	sld [smem:$0x3FBA];
	_ =	sdelay $0x3  }
0x34: {  	[smem:$0x3FBA] =	sst s10  }
0x35: {  	s10 =	sld [smem:$0x3FB9];
	_ =	sdelay $0x3  }
0x36: {  	p1 =	seq.s32 s10, $0x1;
	s10 =	sld [smem:$0x3FBA];
	_ =	sdelay $0x3  }
0x37: {  	[smem:$0x3FBA] =	sst s10  }
0x38: {  	s10 =	sld [smem:$0x3FBB]  }
0x39: {  	_ = 	snop;
	(pc) =	sbr.ind lr, $3  }
0x3a: {  	_ = 	snop  }
0x3b: {  	_ = 	snop  }
0x3c: {  	p2 =	seq.s32 s10, $0x1;
	s10 =	sld [smem:$0x3FBA]  }
0x3d: {  	_ =	shalt  }
0x3e: {  	_ =	shalt  }
0x3f: {  	_ =	shalt  }
0x40: {  	_ =	shalt  }
0x41: {  	_ =	shalt  }
0x42: {  	_ =	shalt  }
0x43: {  	_ =	shalt  }
0x44: {  	_ =	shalt  }
0x45: {  	_ =	shalt  }
0x46: {  	_ =	shalt  }
0x47: {  	_ =	shalt  }
0x48: {  	_ =	shalt  }
0x49: {  	_ =	shalt  }
0x4a: {  	_ =	shalt  }
0x4b: {  	_ =	shalt  }
0x4c: {  	_ =	shalt  }
0x4d: {  	_ =	shalt  }
0x4e: {  	_ =	shalt  }
0x4f: {  	_ =	shalt  }
0x50: {  	_ =	shalt  }
0x51: {  	_ =	shalt  }
0x52: {  	_ =	shalt  }
0x53: {  	_ =	shalt  }
0x54: {  	_ =	shalt  }
0x55: {  	_ =	shalt  }
0x56: {  	_ =	shalt  }
0x57: {  	_ =	shalt  }
0x58: {  	_ =	shalt  }
0x59: {  	_ =	shalt  }
0x5a: {  	_ =	shalt  }
0x5b: {  	_ =	shalt  }
0x5c: {  	_ =	shalt  }
0x5d: {  	_ =	shalt  }
0x5e: {  	_ =	shalt  }
0x5f: {  	_ =	shalt  }
0x60: {  	_ =	shalt  }
0x61: {  	_ =	shalt  }
0x62: {  	_ =	shalt  }
0x63: {  	_ =	shalt  }
0x64: {  	_ =	shalt  }
0x65: {  	_ =	shalt  }
0x66: {  	_ =	shalt  }
0x67: {  	_ =	shalt  }
0x68: {  	_ =	shalt  }
0x69: {  	_ =	shalt  }
0x6a: {  	_ =	shalt  }
0x6b: {  	_ =	shalt  }
0x6c: {  	_ =	shalt  }
0x6d: {  	_ =	shalt  }
0x6e: {  	_ =	shalt  }
0x6f: {  	_ =	shalt  }
0x70: {  	_ =	shalt  }
0x71: {  	_ =	shalt  }
0x72: {  	_ =	shalt  }
0x73: {  	_ =	shalt  }
0x74: {  	_ =	shalt  }
0x75: {  	_ =	shalt  }
0x76: {  	_ =	shalt  }
0x77: {  	_ =	shalt  }
0x78: {  	_ =	shalt  }
0x79: {  	_ =	shalt  }
0x7a: {  	_ =	shalt  }
0x7b: {  	_ =	shalt  }
0x7c: {  	_ =	shalt  }
0x7d: {  	_ =	shalt  }
0x7e: {  	_ =	shalt  }
0x7f: {  	_ =	shalt  }
0x80: {  	_ =	shalt  }
0x81: {  	_ =	shalt  }
0x82: {  	_ =	shalt  }
0x83: {  	_ =	shalt  }
0x84: {  	_ =	shalt  }
0x85: {  	_ =	shalt  }
0x86: {  	_ =	shalt  }
0x87: {  	_ =	shalt  }
.Lfunc_end0:
.L_simem_size_0:
called_computation_lowered:
.L_overlay_start_0:
0x88: {  	s2 =	sld [smem:$0x3FD9]  }
0x89: {  	s3 =	sld [smem:$0x3FFE];
	_ =	sdelay $0x1  }
0x8a: {  	s1 =	srdreg.scid  }
0x8b: {  	s0 =	sand.u32 $0x1, s1  }
0x8c: {  	s17 =	sshll.u32 s0, $0xA;
	s2 =	sadd.s32 s3, s2  }
0x8d: {  	s2 =	sadd.s32 s2, s17  }
0x8e: {  	[smem:$0x3FC6] =	sst s2  }
0x8f: {  	_ = 	snop  }
0x90: {  	s2 =	sld [smem:$0x3FD0];
	(tm) =	ssettm $0x1  }
0x91: {  	s18 =	sld [smem:$0x3FFB];
	_ =	sdelay $0x3  }
0x92: {  	_ =	strace s18  }
0x93: {  	s3 =	sld [smem:$0x3FFC];
	_ =	sdelay $0x3  }
0x94: {  	_ =	strace s3  }
0x95: {  	s3 =	sld [smem:$0x3FFD];
	_ =	sdelay $0x3  }
0x96: {  	_ =	strace s3  }
0x97: {  	_ =	strace $0x8FFFFFFF  }
0x98: {  	s19 =	sld [smem:$0x3FDB];
	_ =	sdelay $0x1  }
0x99: {  	s4 =	simm.s32 $_scs_section_size  }
0x9a: {  	s5 =	simm.s32 $_size__tile_overlayer_lowered;
	s6 =	simm.s32 $_tile_overlayer_lowered  }
0x9b: {  	s22 =	simm.s32 $0x1BFF;
	s21 =	sshll.u32 s6, $0x1;
	s3 =	sadd.s32 s4, s19  }
0x9c: {  	s7 =	simm.s32 $0x0;
	s20 =	sshll.u32 s5, $0x1;
	s5 =	sadd.s32 s21, s3  }
0x9d: {  	[timem:s7], [sflag:s22] =	dma.local [hbm:s5], s20  }
0x9e: {  	_ =	swait.ge [sflag:s22], s20  }
0x9f: {  	s4 =	ssub.s32 $0x0, s20;
	[sflag:s22] =	ssyncset.done $0x0  }
0xa0: {  	[sflag:s22] =	ssyncadd.s32 s4;
	_ =	sdelay $0x1  }
0xa1: {  	s23 =	simm.s32 $0x1B8B  }
0xa2: {  	_ =	swait.ge [sflag:s23], $0x1  }
0xa3: {  	[sflag:s23] =	ssyncset.done $0x0  }
0xa4: {  	s25 =	simm.s32 $0x1B8E;
	s24 =	sld [smem:$0x3FFE];
	[sflag:s23] =	ssyncadd.s32 $0xFFFFFFFF  }
0xa5: {  	s26 =	simm.s32 $execute0_lowered;
	[smem:$0x3FD2] =	sst s25  }
0xa6: {  	s5 =	sshll.u32 s26, $0x1;
	_ =	strace $0x80000046;
	[dreg:$0x1] =	wrdreg $0xFFFFFFFF  }
0xa7: {  	s28 =	simm.s32 $_size_execute0_lowered;
	s3 =	sadd.s32 s3, s5;
	[dreg:$0x0] =	wrdreg $0x0  }
0xa8: {  	s5 =	sshll.u32 s28, $0x1;
	[dreg:$0x2] =	wrdreg s3  }
0xa9: {  	[dreg:$0x3] =	wrdreg s5  }
0xaa: {  	[dreg:$0x4] =	wrdreg $0xC0  }
0xab: {  	_ =	task [dreg:s7], $0x5FFFF  }
0xac: {  	[dreg:$0x1] =	wrdreg $0xFFFFFFFF  }
0xad: {  	[dreg:$0x0] =	wrdreg $0x60  }
0xae: {  	[dreg:$0x2] =	wrdreg s24  }
0xaf: {  	[dreg:$0x3] =	wrdreg s2  }
0xb0: {  	[dreg:$0x4] =	wrdreg $0x9  }
0xb1: {  	_ =	task.clear_ibuf [dreg:s7], $0x5FFFF;
	_ =	strace $0x90000046  }
0xb2: {  	s29 =	simm.s32 $0x9;
	_ =	strace $0x80000048  }
0xb3: {  	_ =	swait.ge [sflag:s29], $0x1  }
0xb4: {  	[sflag:s29] =	ssyncadd.s32 $0xFFFFFFFF  }
0xb5: {  	_ =	strace $0x90000048  }
0xb6: {  	_ =	sfence  }
0xb7: {  	s30 =	sld [smem:$0x0];
	_ =	sdelay $0x2  }
0xb8: {  	s31 =	sshll.u32 s1, $0xD;
	s1 =	sshrl.u32 s1, $0x2  }
0xb9: {  	s3 =	sand.u32 $0x4000, s31;
	s1 =	sadd.s32 s1, s30  }
0xba: {  	s0 =	sor.u32 s3, s0;
	s1 =	sshll.u32 s1, $0x11  }
0xbb: {  	s0 =	sor.u32 s1, s0  }
0xbc: {  	s0 =	sadd.s32 $0x8F2B, s0  }
0xbd: {  	[sflag:s0] =	ssyncadd.remote.s32 $0x1  }
0xbe: {  	_ =	sfence.sel $0xFFFF  }
0xbf: {  	[dreg:$0x0] =	wrdreg $0xFFFFFFFF;
	(pc) =	sbr.abs _section_cstart, $3  }
0xc0: {  	[dreg:$0x1] =	wrdreg $0xFFFFFFFF  }
0xc1: {  	_ =	task.clear_ibuf [dreg:s7], $0x2FFFF;
	_ =	strace $0x9FFFFFFF  }
0xc2: {  	(tm) =	ssettm $0x7FFFFFFF  }
0xc3: {  	_ =	shalt  }
tec
execute0_lowered:
.L_overlay_start_1:
0x0: {  	(tag) =	ssettag $0x1  }
0x1: {  	s0 =	srdreg.scid  }
0x2: {  	s1 =	sand.u32 $0x1, s0  }
0x3: {  	s5 =	rddreg [dreg:$0x0];
	s13 =	stileid.u32;
	s3 =	sshll.u32 s1, $0x4  }
0x4: {  	s2 =	rddreg [dreg:$0x1];
	s4 =	sor.u32 s13, s3  }
0x5: {  	s30 =	simm.s32 $0x200;
	s14 =	sadd.s32 $0x400, s5;
	s6 =	smul.u32 $0xC8, s4  }
0x6: {  	s7 =	ssub.s32 $0x2, s1;
	s3 =	simm.s32 $0x0;
	s8 =	smul.u32 $0x1900, s4  }
0x7: {  	s9 =	sshrl.u32 s7, $0x1;
	[smem:$0x7FF] =	sst s3;
	s4 =	smul.u32 $0x320000, s4  }
0x8: {  	s0 =	ssub.s32 s7, s9;
	_ =	strace $0x80000047;
	[dreg:$0x14] =	wrdreg s14  }
0x9: {  	[dreg:$0xc] =	wrdreg s30;
	s0 =	smax.u32 s0, $0x1;
	s4 =	sshrl.u32 s4, $0x3  }
0xa: {  	s8 =	sadd.s32 s14, s8;
	[smem:$0x7FD] =	sst s0;
	s4 =	sadd.s32 s2, s4  }
0xb: {  	s9 =	sshll.u32 s6, $0x5;
	[dreg:$0x15] =	wrdreg s8;
	s10 =	sadd.s32 $0x60800, s4  }
0xc: {  	s8 =	sadd.s32 s9, s14;
	s11 =	sadd.s32 $0x60808, s4;
	[dreg:$0x16] =	wrdreg s10  }
0xd: {  	s12 =	sadd.s32 $0x20, s8;
	[dreg:$0x17] =	wrdreg s11  }
0xe: {  	s15 =	sadd.s32 $0x40, s8;
	[dreg:$0x3] =	wrdreg s12  }
0xf: {  	s16 =	sadd.s32 $0x60, s8;
	[dreg:$0x4] =	wrdreg s15  }
0x10: {  	s17 =	sadd.s32 $0x80, s8;
	[dreg:$0x5] =	wrdreg s16  }
0x11: {  	s8 =	sadd.s32 $0xA0, s8;
	[dreg:$0x6] =	wrdreg s17  }
0x12: {  	s24 =	sadd.s32 $0x61000, s4;
	[dreg:$0x7] =	wrdreg s8  }
0x13: {  	s26 =	sadd.s32 $0x61008, s4;
	[dreg:$0x19] =	wrdreg s24  }
0x14: {  	s20 =	smul.u32 $0x64000, s13;
	s9 =	sadd.s32 $0x61800, s4;
	[dreg:$0x1a] =	wrdreg s26  }
0x15: {  	s11 =	smul.u32 $0xC8, s13;
	[dreg:$0x1b] =	wrdreg s9;
	s13 =	sadd.s32 $0x61808, s4  }
0x16: {  	s15 =	sadd.s32 $0x62000, s4;
	[dreg:$0x1c] =	wrdreg s13  }
0x17: {  	s17 =	sadd.s32 $0x62008, s4;
	[dreg:$0x1d] =	wrdreg s15  }
0x18: {  	s6 =	sadd.s32 $0xC7, s6;
	s16 =	simm.s32 $0x780;
	[dreg:$0x1e] =	wrdreg s17  }
0x19: {  	s12 =	sshll.u32 s6, $0x5;
	s24 =	simm.s32 $0x880;
	[dreg:$0xf] =	wrdreg s16  }
0x1a: {  	s10 =	smul.u32 $0xC80, s1;
	s21 =	sadd.s32 s14, s12;
	[dreg:$0x13] =	wrdreg s24  }
0x1b: {  	s1 =	smul.u32 $0x640000, s1;
	s14 =	simm.s32 $0x300;
	[dreg:$0x18] =	wrdreg s21  }
0x1c: {  	s18 =	sadd.s32 s11, s10;
	s11 =	simm.s32 $0x700;
	[dreg:$0xe] =	wrdreg s14  }
0x1d: {  	s28 =	simm.s32 $0x80;
	s21 =	sadd.s32 $0x62808, s4;
	[dreg:$0xd] =	wrdreg s11  }
0x1e: {  	s12 =	sadd.s32 s20, s1;
	s20 =	simm.s32 $0x800;
	[smem:$0x7F8] =	sst s21  }
0x1f: {  	s29 =	simm.s32 $0x900;
	s25 =	sadd.s32 s2, s12;
	[dreg:$0x11] =	wrdreg s20  }
0x20: {  	s10 =	sshll.u32 s18, $0x5;
	s18 =	simm.s32 $0x400;
	[dreg:$0xb] =	wrdreg s25  }
0x21: {  	s31 =	simm.s32 $0xC900;
	s19 =	sor.u32 $0xC0, s10;
	[dreg:$0x10] =	wrdreg s18  }
0x22: {  	s5 =	sadd.s32 $0x32400, s5;
	s22 =	sor.u32 $0x80, s10;
	[dreg:$0x8] =	wrdreg s19  }
0x23: {  	s7 =	sadd.s32 $0x8, s2;
	s23 =	sor.u32 $0x40, s10;
	[dreg:$0x9] =	wrdreg s22  }
0x24: {  	s15 =	simm.s32 $0x4;
	[dreg:$0xa] =	wrdreg s23;
	s19 =	sadd.s32 $0x62800, s4  }
0x25: {  	s1 =	simm.s32 $0x2;
	s23 =	sadd.s32 $0x63000, s4;
	[dreg:$0x1f] =	wrdreg s19  }
0x26: {  	s11 =	simm.s32 $0x3;
	s22 =	simm.s32 $0x500;
	[smem:$0x7F9] =	sst s23  }
0x27: {  	s25 =	sshll.u32 s6, $0xB;
	s4 =	sadd.s32 $0x63008, s4;
	[dreg:$0x12] =	wrdreg s22  }
0x28: {  	s21 =	simm.s32 $0x6;
	s26 =	sadd.s32 s2, s25;
	[smem:$0x7FA] =	sst s4  }
0x29: {  	s18 =	simm.s32 $0x5;
	s30 =	sadd.s32 s25, s7;
	[smem:$0x7FB] =	sst s26  }
0x2a: {  	s6 =	simm.s32 $0x0;
	s25 =	simm.s32 $0x600;
	[smem:$0x7FC] =	sst s30  }
0x2b: {  	s26 =	simm.s32 $0x1;
	s22 =	simm.s32 $0x7;
	s23 =	simm.s32 $0x40  }
.LBB2_1:
0x2c: {  	[smem:$0x7F7] =	sst s6  }
0x2d: {  	s4 =	rddreg [dreg:$0x15]  }
0x2e: {  	[tilespmem:s3], [sflag:$0x1] =	stream.linear.gather [hbm4b:s4+s3], $0x100, $0x38;
	[tilespmem:$0x18900] =	vst v63  }
0x2f: {  	s30 =	simm.s32 $0x0;
	s4 =	rddreg [dreg:$0x14]  }
.LBB2_2:
0x30: {  	_ =	swait.ge [sflag:s26], $0x100  }
0x31: {  	[sflag:s26] =	ssyncset.done $0x0  }
0x32: {  	[sflag:s26] =	ssyncadd.s32 $0xFFFFFF00  }
0x33: {  	v0 =	vld [tilespmem:$0x0]  }
0x34: {  	v1 =	vld [tilespmem:$0x80]  }
0x35: {  	v2 =	vld [tilespmem:$0x10]  }
0x36: {  	v3 =	vld [tilespmem:$0x90]  }
0x37: {  	v4 =	vld [tilespmem:$0x20]  }
0x38: {  	v5 =	vld [tilespmem:$0xA0]  }
0x39: {  	v6 =	vld [tilespmem:$0x30]  }
0x3a: {  	v7 =	vld [tilespmem:$0xB0]  }
0x3b: {  	v8 =	vld [tilespmem:$0x40]  }
0x3c: {  	v9 =	vld [tilespmem:$0xC0]  }
0x3d: {  	v10 =	vld [tilespmem:$0x50]  }
0x3e: {  	v11 =	vld [tilespmem:$0xD0];
	v1 =	vsub.s32 v1, v0  }
0x3f: {  	v12 =	vld [tilespmem:$0x70];
	vm0 =	veq.s32 v0, $0x0;
	v60 =	vsub.s32 v3, v2;
	vm7 =	veq.s32 v2, $0x0  }
0x40: {  	v13 =	vld [tilespmem:$0xF0];
	vm1 =	veq.s32 v4, $0x0;
	v4 =	vsub.s32 v5, v4;
	v63 =	vsub.s32 v7, v6  }
0x41: {  	v61 =	vld [tilespmem:$0x60];
	vm2 =	veq.s32 v6, $0x0;
	vm8 =	veq.s32 v8, $0x0;
	v59 =	vadd.s32 $0x1, v1  }
0x42: {  	v62 =	vld [tilespmem:$0xE0];
	v17 =	vsub.s32 v9, v8;
	v1 =	vadd.s32 $0x1, v60;
	v0 =	vsel vm0, $0x0, v59  }
0x43: {  	v18 =	vsub.s32 v11, v10;
	v4 =	vadd.s32 $0x1, v4;
	v14 =	vsel vm7, $0x0, v1;
	[tilespmem:$0x600] =	vst v0  }
0x44: {  	vm9 =	veq.s32 v10, $0x0;
	v5 =	vadd.s32 $0x1, v63;
	v15 =	vsel vm1, $0x0, v4;
	[tilespmem:$0x610] =	vst v14  }
0x45: {  	v21 =	vsub.s32 v13, v12;
	v19 =	vadd.s32 $0x1, v18;
	v16 =	vsel vm2, $0x0, v5;
	[tilespmem:$0x620] =	vst v15  }
0x46: {  	vm11 =	veq.s32 v12, $0x0;
	v22 =	vadd.s32 $0x1, v21;
	v1 =	vsel vm9, $0x0, v19;
	[tilespmem:$0x630] =	vst v16  }
0x47: {  	v2 =	vsub.s32 v62, v61;
	v23 =	vsel vm11, $0x0, v22;
	v0 =	vadd.s32 $0x1, v17;
	[tilespmem:$0x650] =	vst v1  }
0x48: {  	vm10 =	veq.s32 v61, $0x0;
	v20 =	vadd.s32 $0x1, v2;
	[tilespmem:$0x670] =	vst v23;
	v0 =	vsel vm8, $0x0, v0  }
0x49: {  	p0 =	seq.s32 s30, $0x0;
	[tilespmem:$0x640] =	vst v0;
	v0 =	vsel vm10, $0x0, v20  }
0x4a: {  	s8 =	rddreg [dreg:$0x3];
	s14 =	simm.s32 @p0 $0x0;
	s13 =	simm.s32 @p0 $0x100;
	[tilespmem:$0x660] =	vst v0  }
0x4b: {  	[tilespmem:s13], [sflag:$0x2] =	stream.linear.gather @p0 [hbm4b:s8+s14], $0x100, $0x38;
	[tilespmem:$0x18900] =	vst v63  }
0x4c: {  	s8 =	simm.s32 @!p0 $0x8  }
0x4d: {  	_ =	swait.ge @!p0 [sflag:s8], $0x2000  }
0x4e: {  	[sflag:s8] =	ssyncset.done @!p0 $0x0  }
0x4f: {  	s16 =	sadd.s32 @!p0 s30, s12;
	[sflag:s8] =	ssyncadd.s32 @!p0 $0xFFFFE000  }
0x50: {  	s20 =	simm.s32 @!p0 $0x2900;
	s13 =	sadd.s32 @!p0 $0x1FFFD800, s16;
	_ =	swait.ge @!p0 [sflag:s8], $0x2000  }
0x51: {  	s17 =	sand.u32 @!p0 $0x1FFFF800, s13;
	s13 =	simm.s32 @!p0 $0x80;
	[sflag:s8] =	ssyncset.done @!p0 $0x0  }
0x52: {  	s19 =	sadd.s32 @!p0 s2, s17;
	[sflag:s8] =	ssyncadd.s32 @!p0 $0xFFFFE000;
	s8 =	simm.s32 @!p0 $0x40  }
0x53: {  	[hbm4b:s19+s8] =	stream.strided.scatter @!p0 [tilespmem:s20], [sflag:$0xF], $0x2000, s13, s8, $0x38;
	[tilespmem:$0x18900] =	vst v63  }
0x54: {  	s17 =	sadd.s32 @!p0 s17, s7;
	s19 =	simm.s32 @!p0 $0xE900  }
0x55: {  	[hbm4b:s17+s8] =	stream.strided.scatter @!p0 [tilespmem:s19], [sflag:$0x10], $0x2000, s13, s8, $0x38;
	[tilespmem:$0x18900] =	vst v63  }
0x56: {  	s17 =	sadd.s32 @!p0 s4, s10  }
0x57: {  	s24 =	simm.s32 @!p0 $0x100;
	s19 =	simm.s32 @!p0 $0x0;
	s20 =	sadd.s32 @!p0 $0x20, s17  }
0x58: {  	[tilespmem:s24], [sflag:$0x2] =	stream.linear.gather @!p0 [hbm4b:s20+s19], $0x100, $0x38;
	[tilespmem:$0x18900] =	vst v63  }
0x59: {  	s20 =	simm.s32 @!p0 $0xD  }
0x5a: {  	_ =	swait.ge @!p0 [sflag:s20], $0x2000  }
0x5b: {  	[sflag:s20] =	ssyncset.done @!p0 $0x0  }
0x5c: {  	[sflag:s20] =	ssyncadd.s32 @!p0 $0xFFFFE000;
	s20 =	simm.s32 @!p0 $0xE  }
0x5d: {  	_ =	swait.ge @!p0 [sflag:s20], $0x2000  }
0x5e: {  	[sflag:s20] =	ssyncset.done @!p0 $0x0  }
0x5f: {  	[sflag:s20] =	ssyncadd.s32 @!p0 $0xFFFFE000  }
0x60: {  	[tilespmem:s29], [sflag:$0x7] =	stream.indirect.gather [hbm4b:s5+s28], $0x40, s3, s28, $0xb8;
	[tilespmem:$0x18900] =	vst v63  }
0x61: {  	_ = 	snop  }
0x62: {  	[tilespmem:s31], [sflag:$0x7] =	stream.indirect.gather [hbm4b:s5+s28], $0x40, s25, s28, $0xb8;
	[tilespmem:$0x18900] =	vst v63  }
0x63: {  	_ =	swait.ge [sflag:s1], $0x100  }
0x64: {  	[sflag:s1] =	ssyncset.done $0x0  }
0x65: {  	[sflag:s1] =	ssyncadd.s32 $0xFFFFFF00  }
0x66: {  	v24 =	vld [tilespmem:$0x100]  }
0x67: {  	v25 =	vld [tilespmem:$0x180]  }
0x68: {  	v26 =	vld [tilespmem:$0x110]  }
0x69: {  	v27 =	vld [tilespmem:$0x190]  }
0x6a: {  	v28 =	vld [tilespmem:$0x120]  }
0x6b: {  	v29 =	vld [tilespmem:$0x1A0]  }
0x6c: {  	v30 =	vld [tilespmem:$0x130]  }
0x6d: {  	v31 =	vld [tilespmem:$0x1B0]  }
0x6e: {  	v32 =	vld [tilespmem:$0x140]  }
0x6f: {  	v33 =	vld [tilespmem:$0x1C0]  }
0x70: {  	v34 =	vld [tilespmem:$0x150]  }
0x71: {  	v35 =	vld [tilespmem:$0x1D0];
	v1 =	vsub.s32 v25, v24  }
0x72: {  	v41 =	vld [tilespmem:$0x170];
	vm12 =	veq.s32 v24, $0x0;
	v37 =	vsub.s32 v27, v26;
	vm13 =	veq.s32 v26, $0x0  }
0x73: {  	v42 =	vld [tilespmem:$0x1F0];
	vm14 =	veq.s32 v28, $0x0;
	v4 =	vsub.s32 v29, v28;
	v40 =	vsub.s32 v31, v30  }
0x74: {  	v38 =	vld [tilespmem:$0x160];
	vm15 =	veq.s32 v30, $0x0;
	vm4 =	veq.s32 v32, $0x0;
	v36 =	vadd.s32 $0x1, v1  }
0x75: {  	v39 =	vld [tilespmem:$0x1E0];
	v46 =	vsub.s32 v33, v32;
	v1 =	vadd.s32 $0x1, v37;
	v0 =	vsel vm12, $0x0, v36  }
0x76: {  	v47 =	vsub.s32 v35, v34;
	v4 =	vadd.s32 $0x1, v4;
	v43 =	vsel vm13, $0x0, v1;
	[tilespmem:$0x680] =	vst v0  }
0x77: {  	vm5 =	veq.s32 v34, $0x0;
	v5 =	vadd.s32 $0x1, v40;
	v44 =	vsel vm14, $0x0, v4;
	[tilespmem:$0x690] =	vst v43  }
0x78: {  	v50 =	vsub.s32 v42, v41;
	v48 =	vadd.s32 $0x1, v47;
	v45 =	vsel vm15, $0x0, v5;
	[tilespmem:$0x6A0] =	vst v44  }
0x79: {  	vm7 =	veq.s32 v41, $0x0;
	v51 =	vadd.s32 $0x1, v50;
	v1 =	vsel vm5, $0x0, v48;
	[tilespmem:$0x6B0] =	vst v45  }
0x7a: {  	v2 =	vsub.s32 v39, v38;
	v52 =	vsel vm7, $0x0, v51;
	v0 =	vadd.s32 $0x1, v46;
	[tilespmem:$0x6D0] =	vst v1  }
0x7b: {  	vm6 =	veq.s32 v38, $0x0;
	v49 =	vadd.s32 $0x1, v2;
	[tilespmem:$0x6F0] =	vst v52;
	v0 =	vsel vm4, $0x0, v0  }
0x7c: {  	[tilespmem:$0x6C0] =	vst v0;
	v0 =	vsel vm6, $0x0, v49  }
0x7d: {  	s24 =	simm.s32 @p0 $0x200;
	s20 =	rddreg [dreg:$0x4];
	[tilespmem:$0x6E0] =	vst v0  }
0x7e: {  	[tilespmem:s24], [sflag:$0x3] =	stream.linear.gather @p0 [hbm4b:s20+s14], $0x100, $0x38;
	[tilespmem:$0x18900] =	vst v63  }
0x7f: {  	s20 =	simm.s32 @!p0 $0x9  }
0x80: {  	_ =	swait.ge @!p0 [sflag:s20], $0x2000  }
0x81: {  	[sflag:s20] =	ssyncset.done @!p0 $0x0  }
0x82: {  	[sflag:s20] =	ssyncadd.s32 @!p0 $0xFFFFE000  }
0x83: {  	s24 =	sadd.s32 @!p0 $0x1FFFE000, s16;
	_ =	swait.ge @!p0 [sflag:s20], $0x2000  }
0x84: {  	s24 =	sand.u32 @!p0 $0x1FFFF000, s24;
	[sflag:s20] =	ssyncset.done @!p0 $0x0  }
0x85: {  	s25 =	simm.s32 @!p0 $0x4900;
	[sflag:s20] =	ssyncadd.s32 @!p0 $0xFFFFE000;
	s20 =	sadd.s32 @!p0 s2, s24  }
0x86: {  	[hbm4b:s20+s8] =	stream.strided.scatter @!p0 [tilespmem:s25], [sflag:$0x11], $0x2000, s13, s8, $0x38;
	[tilespmem:$0x18900] =	vst v63  }
0x87: {  	s24 =	sadd.s32 @!p0 s24, s7;
	s20 =	rddreg [dreg:$0xa];
	s25 =	simm.s32 @!p0 $0x10900  }
0x88: {  	[hbm4b:s24+s8] =	stream.strided.scatter @!p0 [tilespmem:s25], [sflag:$0x12], $0x2000, s13, s8, $0x38;
	[tilespmem:$0x18900] =	vst v63  }
0x89: {  	s20 =	sadd.s32 @!p0 s4, s20;
	s24 =	simm.s32 @!p0 $0x200  }
0x8a: {  	[tilespmem:s24], [sflag:$0x3] =	stream.linear.gather @!p0 [hbm4b:s20+s19], $0x100, $0x38;
	[tilespmem:$0x18900] =	vst v63  }
0x8b: {  	s20 =	simm.s32 @!p0 $0xF  }
0x8c: {  	_ =	swait.ge @!p0 [sflag:s20], $0x2000  }
0x8d: {  	[sflag:s20] =	ssyncset.done @!p0 $0x0  }
0x8e: {  	[sflag:s20] =	ssyncadd.s32 @!p0 $0xFFFFE000;
	s20 =	simm.s32 @!p0 $0x10  }
0x8f: {  	_ =	swait.ge @!p0 [sflag:s20], $0x2000  }
0x90: {  	[sflag:s20] =	ssyncset.done @!p0 $0x0  }
0x91: {  	s6 =	simm.s32 $0x100;
	s25 =	simm.s32 $0x2900;
	[sflag:s20] =	ssyncadd.s32 @!p0 $0xFFFFE000  }
0x92: {  	[tilespmem:s25], [sflag:$0x8] =	stream.indirect.gather [hbm4b:s5+s28], $0x40, s6, s28, $0xb8;
	[tilespmem:$0x18900] =	vst v63  }
0x93: {  	s24 =	simm.s32 $0xE900;
	s25 =	simm.s32 $0x680  }
0x94: {  	[tilespmem:s24], [sflag:$0x8] =	stream.indirect.gather [hbm4b:s5+s28], $0x40, s25, s28, $0xb8;
	[tilespmem:$0x18900] =	vst v63  }
0x95: {  	_ =	swait.ge [sflag:s11], $0x100  }
0x96: {  	[sflag:s11] =	ssyncset.done $0x0  }
0x97: {  	[sflag:s11] =	ssyncadd.s32 $0xFFFFFF00  }
0x98: {  	v53 =	vld [tilespmem:$0x200]  }
0x99: {  	v54 =	vld [tilespmem:$0x280]  }
0x9a: {  	v55 =	vld [tilespmem:$0x210]  }
0x9b: {  	v56 =	vld [tilespmem:$0x290]  }
0x9c: {  	v57 =	vld [tilespmem:$0x220]  }
0x9d: {  	v58 =	vld [tilespmem:$0x2A0]  }
0x9e: {  	v59 =	vld [tilespmem:$0x230]  }
0x9f: {  	v60 =	vld [tilespmem:$0x2B0]  }
0xa0: {  	v61 =	vld [tilespmem:$0x240]  }
0xa1: {  	v62 =	vld [tilespmem:$0x2C0]  }
0xa2: {  	v63 =	vld [tilespmem:$0x250]  }
0xa3: {  	v12 =	vld [tilespmem:$0x2D0];
	v1 =	vsub.s32 v54, v53  }
0xa4: {  	v18 =	vld [tilespmem:$0x270];
	vm8 =	veq.s32 v53, $0x0;
	v14 =	vsub.s32 v56, v55;
	vm9 =	veq.s32 v55, $0x0  }
0xa5: {  	v19 =	vld [tilespmem:$0x2F0];
	vm10 =	veq.s32 v57, $0x0;
	v4 =	vsub.s32 v58, v57;
	v17 =	vsub.s32 v60, v59  }
0xa6: {  	v15 =	vld [tilespmem:$0x260];
	vm11 =	veq.s32 v59, $0x0;
	vm12 =	veq.s32 v61, $0x0;
	v13 =	vadd.s32 $0x1, v1  }
0xa7: {  	v16 =	vld [tilespmem:$0x2E0];
	v23 =	vsub.s32 v62, v61;
	v1 =	vadd.s32 $0x1, v14;
	v0 =	vsel vm8, $0x0, v13  }
0xa8: {  	v24 =	vsub.s32 v12, v63;
	v4 =	vadd.s32 $0x1, v4;
	v20 =	vsel vm9, $0x0, v1;
	[tilespmem:$0x700] =	vst v0  }
0xa9: {  	vm13 =	veq.s32 v63, $0x0;
	v5 =	vadd.s32 $0x1, v17;
	v21 =	vsel vm10, $0x0, v4;
	[tilespmem:$0x710] =	vst v20  }
0xaa: {  	v27 =	vsub.s32 v19, v18;
	v25 =	vadd.s32 $0x1, v24;
	v22 =	vsel vm11, $0x0, v5;
	[tilespmem:$0x720] =	vst v21  }
0xab: {  	vm15 =	veq.s32 v18, $0x0;
	v28 =	vadd.s32 $0x1, v27;
	v1 =	vsel vm13, $0x0, v25;
	[tilespmem:$0x730] =	vst v22  }
0xac: {  	v2 =	vsub.s32 v16, v15;
	v29 =	vsel vm15, $0x0, v28;
	v0 =	vadd.s32 $0x1, v23;
	[tilespmem:$0x750] =	vst v1  }
0xad: {  	vm14 =	veq.s32 v15, $0x0;
	v26 =	vadd.s32 $0x1, v2;
	[tilespmem:$0x770] =	vst v29;
	v0 =	vsel vm12, $0x0, v0  }
0xae: {  	[tilespmem:$0x740] =	vst v0;
	v0 =	vsel vm14, $0x0, v26  }
0xaf: {  	s24 =	simm.s32 @p0 $0x300;
	s20 =	rddreg [dreg:$0x5];
	[tilespmem:$0x760] =	vst v0  }
0xb0: {  	[tilespmem:s24], [sflag:$0x4] =	stream.linear.gather @p0 [hbm4b:s20+s14], $0x100, $0x38;
	[tilespmem:$0x18900] =	vst v63  }
0xb1: {  	s20 =	simm.s32 @!p0 $0xA  }
0xb2: {  	_ =	swait.ge @!p0 [sflag:s20], $0x2000  }
0xb3: {  	[sflag:s20] =	ssyncset.done @!p0 $0x0  }
0xb4: {  	[sflag:s20] =	ssyncadd.s32 @!p0 $0xFFFFE000  }
0xb5: {  	s24 =	sadd.s32 @!p0 $0x1FFFE800, s16;
	_ =	swait.ge @!p0 [sflag:s20], $0x2000  }
0xb6: {  	s24 =	sand.u32 @!p0 $0x1FFFF800, s24;
	[sflag:s20] =	ssyncset.done @!p0 $0x0  }
0xb7: {  	s25 =	simm.s32 @!p0 $0x6900;
	[sflag:s20] =	ssyncadd.s32 @!p0 $0xFFFFE000;
	s20 =	sadd.s32 @!p0 s2, s24  }
0xb8: {  	[hbm4b:s20+s8] =	stream.strided.scatter @!p0 [tilespmem:s25], [sflag:$0x13], $0x2000, s13, s8, $0x38;
	[tilespmem:$0x18900] =	vst v63  }
0xb9: {  	s20 =	sadd.s32 @!p0 s24, s7;
	s24 =	simm.s32 @!p0 $0x12900  }
0xba: {  	[hbm4b:s20+s8] =	stream.strided.scatter @!p0 [tilespmem:s24], [sflag:$0x14], $0x2000, s13, s8, $0x38;
	[tilespmem:$0x18900] =	vst v63  }
0xbb: {  	s20 =	sadd.s32 @!p0 $0x60, s17;
	s24 =	simm.s32 @!p0 $0x300  }
0xbc: {  	[tilespmem:s24], [sflag:$0x4] =	stream.linear.gather @!p0 [hbm4b:s20+s19], $0x100, $0x38;
	[tilespmem:$0x18900] =	vst v63  }
0xbd: {  	s20 =	simm.s32 @!p0 $0x11  }
0xbe: {  	_ =	swait.ge @!p0 [sflag:s20], $0x2000  }
0xbf: {  	[sflag:s20] =	ssyncset.done @!p0 $0x0  }
0xc0: {  	[sflag:s20] =	ssyncadd.s32 @!p0 $0xFFFFE000;
	s20 =	simm.s32 @!p0 $0x12  }
0xc1: {  	_ =	swait.ge @!p0 [sflag:s20], $0x2000  }
0xc2: {  	[sflag:s20] =	ssyncset.done @!p0 $0x0  }
0xc3: {  	s25 =	simm.s32 $0x4900;
	s6 =	rddreg [dreg:$0xc];
	[sflag:s20] =	ssyncadd.s32 @!p0 $0xFFFFE000  }
0xc4: {  	[tilespmem:s25], [sflag:$0x9] =	stream.indirect.gather [hbm4b:s5+s28], $0x40, s6, s28, $0xb8;
	[tilespmem:$0x18900] =	vst v63  }
0xc5: {  	s20 =	rddreg [dreg:$0xd];
	s25 =	simm.s32 $0x10900  }
0xc6: {  	[tilespmem:s25], [sflag:$0x9] =	stream.indirect.gather [hbm4b:s5+s28], $0x40, s20, s28, $0xb8;
	[tilespmem:$0x18900] =	vst v63  }
0xc7: {  	_ =	swait.ge [sflag:s15], $0x100  }
0xc8: {  	[sflag:s15] =	ssyncset.done $0x0  }
0xc9: {  	[sflag:s15] =	ssyncadd.s32 $0xFFFFFF00  }
0xca: {  	v30 =	vld [tilespmem:$0x300]  }
0xcb: {  	v31 =	vld [tilespmem:$0x380]  }
0xcc: {  	v32 =	vld [tilespmem:$0x310]  }
0xcd: {  	v33 =	vld [tilespmem:$0x390]  }
0xce: {  	v34 =	vld [tilespmem:$0x320]  }
0xcf: {  	v35 =	vld [tilespmem:$0x3A0]  }
0xd0: {  	v36 =	vld [tilespmem:$0x330]  }
0xd1: {  	v37 =	vld [tilespmem:$0x3B0]  }
0xd2: {  	v38 =	vld [tilespmem:$0x340]  }
0xd3: {  	v39 =	vld [tilespmem:$0x3C0]  }
0xd4: {  	v40 =	vld [tilespmem:$0x350]  }
0xd5: {  	v41 =	vld [tilespmem:$0x3D0];
	v1 =	vsub.s32 v31, v30  }
0xd6: {  	v47 =	vld [tilespmem:$0x370];
	vm4 =	veq.s32 v30, $0x0;
	v43 =	vsub.s32 v33, v32;
	vm5 =	veq.s32 v32, $0x0  }
0xd7: {  	v48 =	vld [tilespmem:$0x3F0];
	vm6 =	veq.s32 v34, $0x0;
	v4 =	vsub.s32 v35, v34;
	v46 =	vsub.s32 v37, v36  }
0xd8: {  	v44 =	vld [tilespmem:$0x360];
	vm7 =	veq.s32 v36, $0x0;
	vm8 =	veq.s32 v38, $0x0;
	v42 =	vadd.s32 $0x1, v1  }
0xd9: {  	v45 =	vld [tilespmem:$0x3E0];
	v52 =	vsub.s32 v39, v38;
	v1 =	vadd.s32 $0x1, v43;
	v0 =	vsel vm4, $0x0, v42  }
0xda: {  	v53 =	vsub.s32 v41, v40;
	v4 =	vadd.s32 $0x1, v4;
	v49 =	vsel vm5, $0x0, v1;
	[tilespmem:$0x780] =	vst v0  }
0xdb: {  	vm9 =	veq.s32 v40, $0x0;
	v5 =	vadd.s32 $0x1, v46;
	v50 =	vsel vm6, $0x0, v4;
	[tilespmem:$0x790] =	vst v49  }
0xdc: {  	v56 =	vsub.s32 v48, v47;
	v54 =	vadd.s32 $0x1, v53;
	v51 =	vsel vm7, $0x0, v5;
	[tilespmem:$0x7A0] =	vst v50  }
0xdd: {  	vm11 =	veq.s32 v47, $0x0;
	v57 =	vadd.s32 $0x1, v56;
	v1 =	vsel vm9, $0x0, v54;
	[tilespmem:$0x7B0] =	vst v51  }
0xde: {  	v2 =	vsub.s32 v45, v44;
	v58 =	vsel vm11, $0x0, v57;
	v0 =	vadd.s32 $0x1, v52;
	[tilespmem:$0x7D0] =	vst v1  }
0xdf: {  	vm10 =	veq.s32 v44, $0x0;
	v55 =	vadd.s32 $0x1, v2;
	[tilespmem:$0x7F0] =	vst v58;
	v0 =	vsel vm8, $0x0, v0  }
0xe0: {  	[tilespmem:$0x7C0] =	vst v0;
	v0 =	vsel vm10, $0x0, v55  }
0xe1: {  	s24 =	simm.s32 @p0 $0x400;
	s20 =	rddreg [dreg:$0x6];
	[tilespmem:$0x7E0] =	vst v0  }
0xe2: {  	[tilespmem:s24], [sflag:$0x5] =	stream.linear.gather @p0 [hbm4b:s20+s14], $0x100, $0x38;
	[tilespmem:$0x18900] =	vst v63  }
0xe3: {  	s20 =	simm.s32 @!p0 $0xB  }
0xe4: {  	_ =	swait.ge @!p0 [sflag:s20], $0x2000  }
0xe5: {  	[sflag:s20] =	ssyncset.done @!p0 $0x0  }
0xe6: {  	[sflag:s20] =	ssyncadd.s32 @!p0 $0xFFFFE000  }
0xe7: {  	s24 =	sadd.s32 @!p0 $0x1FFFF000, s16;
	_ =	swait.ge @!p0 [sflag:s20], $0x2000  }
0xe8: {  	s24 =	sand.u32 @!p0 $0x1FFFF000, s24;
	[sflag:s20] =	ssyncset.done @!p0 $0x0  }
0xe9: {  	s25 =	simm.s32 @!p0 $0x8900;
	[sflag:s20] =	ssyncadd.s32 @!p0 $0xFFFFE000;
	s20 =	sadd.s32 @!p0 s2, s24  }
0xea: {  	[hbm4b:s20+s8] =	stream.strided.scatter @!p0 [tilespmem:s25], [sflag:$0x15], $0x2000, s13, s8, $0x38;
	[tilespmem:$0x18900] =	vst v63  }
0xeb: {  	s24 =	sadd.s32 @!p0 s24, s7;
	s20 =	rddreg [dreg:$0x9];
	s25 =	simm.s32 @!p0 $0x14900  }
0xec: {  	[hbm4b:s24+s8] =	stream.strided.scatter @!p0 [tilespmem:s25], [sflag:$0x16], $0x2000, s13, s8, $0x38;
	[tilespmem:$0x18900] =	vst v63  }
0xed: {  	s20 =	sadd.s32 @!p0 s4, s20;
	s24 =	simm.s32 @!p0 $0x400  }
0xee: {  	[tilespmem:s24], [sflag:$0x5] =	stream.linear.gather @!p0 [hbm4b:s20+s19], $0x100, $0x38;
	[tilespmem:$0x18900] =	vst v63  }
0xef: {  	s20 =	simm.s32 @!p0 $0x13  }
0xf0: {  	_ =	swait.ge @!p0 [sflag:s20], $0x2000  }
0xf1: {  	[sflag:s20] =	ssyncset.done @!p0 $0x0  }
0xf2: {  	[sflag:s20] =	ssyncadd.s32 @!p0 $0xFFFFE000;
	s20 =	simm.s32 @!p0 $0x14  }
0xf3: {  	_ =	swait.ge @!p0 [sflag:s20], $0x2000  }
0xf4: {  	[sflag:s20] =	ssyncset.done @!p0 $0x0  }
0xf5: {  	s6 =	simm.s32 $0x6900;
	s24 =	rddreg [dreg:$0xe];
	[sflag:s20] =	ssyncadd.s32 @!p0 $0xFFFFE000  }
0xf6: {  	[tilespmem:s6], [sflag:$0xA] =	stream.indirect.gather [hbm4b:s5+s28], $0x40, s24, s28, $0xb8;
	[tilespmem:$0x18900] =	vst v63  }
0xf7: {  	s20 =	rddreg [dreg:$0xf];
	s6 =	simm.s32 $0x12900  }
0xf8: {  	[tilespmem:s6], [sflag:$0xA] =	stream.indirect.gather [hbm4b:s5+s28], $0x40, s20, s28, $0xb8;
	[tilespmem:$0x18900] =	vst v63  }
0xf9: {  	_ =	swait.ge [sflag:s18], $0x100  }
0xfa: {  	[sflag:s18] =	ssyncset.done $0x0  }
0xfb: {  	[sflag:s18] =	ssyncadd.s32 $0xFFFFFF00  }
0xfc: {  	v59 =	vld [tilespmem:$0x400]  }
0xfd: {  	v60 =	vld [tilespmem:$0x480]  }
0xfe: {  	v61 =	vld [tilespmem:$0x410]  }
0xff: {  	v62 =	vld [tilespmem:$0x490]  }
0x100: {  	v63 =	vld [tilespmem:$0x420]  }
0x101: {  	v12 =	vld [tilespmem:$0x4A0]  }
0x102: {  	v13 =	vld [tilespmem:$0x430]  }
0x103: {  	v14 =	vld [tilespmem:$0x4B0]  }
0x104: {  	v15 =	vld [tilespmem:$0x440]  }
0x105: {  	v16 =	vld [tilespmem:$0x4C0]  }
0x106: {  	v17 =	vld [tilespmem:$0x450]  }
0x107: {  	v18 =	vld [tilespmem:$0x4D0]  }
0x108: {  	v24 =	vld [tilespmem:$0x470];
	v1 =	vsub.s32 v60, v59  }
0x109: {  	v25 =	vld [tilespmem:$0x4F0];
	vm12 =	veq.s32 v59, $0x0;
	v20 =	vsub.s32 v62, v61;
	vm13 =	veq.s32 v61, $0x0  }
0x10a: {  	vm14 =	veq.s32 v63, $0x0;
	v4 =	vsub.s32 v12, v63;
	v23 =	vsub.s32 v14, v13  }
0x10b: {  	v21 =	vld [tilespmem:$0x460];
	vm15 =	veq.s32 v13, $0x0;
	vm4 =	veq.s32 v15, $0x0;
	v19 =	vadd.s32 $0x1, v1  }
0x10c: {  	v22 =	vld [tilespmem:$0x4E0];
	v28 =	vsub.s32 v16, v15;
	v1 =	vadd.s32 $0x1, v20;
	v0 =	vsel vm12, $0x0, v19  }
0x10d: {  	v29 =	vsub.s32 v18, v17;
	v4 =	vadd.s32 $0x1, v4;
	v1 =	vsel vm13, $0x0, v1;
	[tilespmem:$0x800] =	vst v0  }
0x10e: {  	v33 =	vsub.s32 v25, v24;
	v5 =	vadd.s32 $0x1, v23;
	v26 =	vsel vm14, $0x0, v4;
	[tilespmem:$0x810] =	vst v1  }
0x10f: {  	vm7 =	veq.s32 v24, $0x0;
	v34 =	vadd.s32 $0x1, v33;
	v27 =	vsel vm15, $0x0, v5;
	[tilespmem:$0x820] =	vst v26  }
0x110: {  	vm5 =	veq.s32 v17, $0x0;
	v30 =	vadd.s32 $0x1, v28;
	v35 =	vsel vm7, $0x0, v34;
	[tilespmem:$0x830] =	vst v27  }
0x111: {  	v2 =	vsub.s32 v22, v21;
	v31 =	vadd.s32 $0x1, v29;
	v0 =	vsel vm4, $0x0, v30;
	[tilespmem:$0x870] =	vst v35  }
0x112: {  	vm6 =	veq.s32 v21, $0x0;
	v32 =	vadd.s32 $0x1, v2;
	v1 =	vsel vm5, $0x0, v31;
	[tilespmem:$0x840] =	vst v0  }
0x113: {  	[tilespmem:$0x850] =	vst v1;
	v0 =	vsel vm6, $0x0, v32  }
0x114: {  	s24 =	simm.s32 @p0 $0x500;
	s20 =	rddreg [dreg:$0x7];
	[tilespmem:$0x860] =	vst v0  }
0x115: {  	[tilespmem:s24], [sflag:$0x6] =	stream.linear.gather @p0 [hbm4b:s20+s14], $0x100, $0x38;
	[tilespmem:$0x18900] =	vst v63  }
0x116: {  	s14 =	simm.s32 @!p0 $0xC  }
0x117: {  	_ =	swait.ge @!p0 [sflag:s14], $0x2000  }
0x118: {  	[sflag:s14] =	ssyncset.done @!p0 $0x0  }
0x119: {  	[sflag:s14] =	ssyncadd.s32 @!p0 $0xFFFFE000  }
0x11a: {  	s16 =	sadd.s32 @!p0 $0x1FFFF800, s16;
	_ =	swait.ge @!p0 [sflag:s14], $0x2000  }
0x11b: {  	s16 =	sand.u32 @!p0 $0x1FFFF800, s16;
	[sflag:s14] =	ssyncset.done @!p0 $0x0  }
0x11c: {  	s20 =	simm.s32 @!p0 $0xA900;
	[sflag:s14] =	ssyncadd.s32 @!p0 $0xFFFFE000;
	s14 =	sadd.s32 @!p0 s2, s16  }
0x11d: {  	[hbm4b:s14+s8] =	stream.strided.scatter @!p0 [tilespmem:s20], [sflag:$0x17], $0x2000, s13, s8, $0x38;
	[tilespmem:$0x18900] =	vst v63  }
0x11e: {  	s14 =	sadd.s32 @!p0 s16, s7;
	s16 =	simm.s32 @!p0 $0x16900  }
0x11f: {  	[hbm4b:s14+s8] =	stream.strided.scatter @!p0 [tilespmem:s16], [sflag:$0x18], $0x2000, s13, s8, $0x38;
	[tilespmem:$0x18900] =	vst v63  }
0x120: {  	s8 =	sadd.s32 @!p0 $0xA0, s17;
	s13 =	simm.s32 @!p0 $0x500  }
0x121: {  	[tilespmem:s13], [sflag:$0x6] =	stream.linear.gather @!p0 [hbm4b:s8+s19], $0x100, $0x38;
	[tilespmem:$0x18900] =	vst v63  }
0x122: {  	s8 =	simm.s32 @!p0 $0x15  }
0x123: {  	_ =	swait.ge @!p0 [sflag:s8], $0x2000  }
0x124: {  	[sflag:s8] =	ssyncset.done @!p0 $0x0  }
0x125: {  	[sflag:s8] =	ssyncadd.s32 @!p0 $0xFFFFE000;
	s8 =	simm.s32 @!p0 $0x16  }
0x126: {  	_ =	swait.ge @!p0 [sflag:s8], $0x2000  }
0x127: {  	[sflag:s8] =	ssyncset.done @!p0 $0x0  }
0x128: {  	s14 =	simm.s32 $0x8900;
	s24 =	rddreg [dreg:$0x10];
	[sflag:s8] =	ssyncadd.s32 @!p0 $0xFFFFE000  }
0x129: {  	[tilespmem:s14], [sflag:$0xB] =	stream.indirect.gather [hbm4b:s5+s28], $0x40, s24, s28, $0xb8;
	[tilespmem:$0x18900] =	vst v63  }
0x12a: {  	s16 =	simm.s32 $0x14900;
	s6 =	rddreg [dreg:$0x11]  }
0x12b: {  	[tilespmem:s16], [sflag:$0xB] =	stream.indirect.gather [hbm4b:s5+s28], $0x40, s6, s28, $0xb8;
	[tilespmem:$0x18900] =	vst v63  }
0x12c: {  	_ =	swait.ge [sflag:s21], $0x100  }
0x12d: {  	[sflag:s21] =	ssyncset.done $0x0  }
0x12e: {  	[sflag:s21] =	ssyncadd.s32 $0xFFFFFF00  }
0x12f: {  	v36 =	vld [tilespmem:$0x500]  }
0x130: {  	v37 =	vld [tilespmem:$0x580]  }
0x131: {  	v38 =	vld [tilespmem:$0x510]  }
0x132: {  	v39 =	vld [tilespmem:$0x590]  }
0x133: {  	v40 =	vld [tilespmem:$0x520]  }
0x134: {  	v41 =	vld [tilespmem:$0x5A0]  }
0x135: {  	v42 =	vld [tilespmem:$0x530]  }
0x136: {  	v43 =	vld [tilespmem:$0x5B0]  }
0x137: {  	v44 =	vld [tilespmem:$0x540]  }
0x138: {  	v45 =	vld [tilespmem:$0x5C0]  }
0x139: {  	v46 =	vld [tilespmem:$0x550]  }
0x13a: {  	v47 =	vld [tilespmem:$0x5D0]  }
0x13b: {  	v52 =	vld [tilespmem:$0x570];
	v1 =	vsub.s32 v37, v36  }
0x13c: {  	v53 =	vld [tilespmem:$0x5F0];
	vm8 =	veq.s32 v36, $0x0;
	v49 =	vsub.s32 v39, v38;
	vm9 =	veq.s32 v38, $0x0  }
0x13d: {  	vm10 =	veq.s32 v40, $0x0;
	v4 =	vsub.s32 v41, v40;
	vm11 =	veq.s32 v42, $0x0  }
0x13e: {  	v50 =	vld [tilespmem:$0x560];
	v6 =	vsub.s32 v43, v42;
	vm12 =	veq.s32 v44, $0x0;
	v48 =	vadd.s32 $0x1, v1  }
0x13f: {  	v51 =	vld [tilespmem:$0x5E0];
	v56 =	vsub.s32 v45, v44;
	v1 =	vadd.s32 $0x1, v49;
	v0 =	vsel vm8, $0x0, v48  }
0x140: {  	v57 =	vsub.s32 v47, v46;
	v4 =	vadd.s32 $0x1, v4;
	v1 =	vsel vm9, $0x0, v1;
	[tilespmem:$0x880] =	vst v0  }
0x141: {  	v61 =	vsub.s32 v53, v52;
	v55 =	vadd.s32 $0x1, v6;
	v54 =	vsel vm10, $0x0, v4;
	[tilespmem:$0x890] =	vst v1  }
0x142: {  	vm15 =	veq.s32 v52, $0x0;
	v62 =	vadd.s32 $0x1, v61;
	v4 =	vsel vm11, $0x0, v55;
	[tilespmem:$0x8A0] =	vst v54  }
0x143: {  	vm13 =	veq.s32 v46, $0x0;
	v58 =	vadd.s32 $0x1, v56;
	v63 =	vsel vm15, $0x0, v62;
	[tilespmem:$0x8B0] =	vst v4  }
0x144: {  	v2 =	vsub.s32 v51, v50;
	v59 =	vadd.s32 $0x1, v57;
	v0 =	vsel vm12, $0x0, v58;
	[tilespmem:$0x8F0] =	vst v63  }
0x145: {  	vm14 =	veq.s32 v50, $0x0;
	v60 =	vadd.s32 $0x1, v2;
	v1 =	vsel vm13, $0x0, v59;
	[tilespmem:$0x8C0] =	vst v0  }
0x146: {  	[tilespmem:$0x8D0] =	vst v1;
	v0 =	vsel vm14, $0x0, v60  }
0x147: {  	[tilespmem:$0x8E0] =	vst v0  }
0x148: {  	_ =	swait.ge [sflag:s22], $0x2000  }
0x149: {  	[sflag:s22] =	ssyncset.done $0x0  }
0x14a: {  	[sflag:s22] =	ssyncadd.s32 $0xFFFFE000  }
0x14b: {  	_ =	swait.ge [sflag:s22], $0x2000  }
0x14c: {  	s13 =	rddreg [dreg:$0xb];
	[sflag:s22] =	ssyncset.done $0x0  }
0x14d: {  	[sflag:s22] =	ssyncadd.s32 $0xFFFFE000;
	s8 =	sadd.s32 s30, s13  }
0x14e: {  	[hbm4b:s8+s23] =	stream.strided.scatter [tilespmem:s29], [sflag:$0xD], $0x2000, s28, s23, $0x38;
	[tilespmem:$0x18900] =	vst v63  }
0x14f: {  	s17 =	rddreg [dreg:$0x8];
	s8 =	sadd.s32 $0x8, s8  }
0x150: {  	[hbm4b:s8+s23] =	stream.strided.scatter [tilespmem:s31], [sflag:$0xE], $0x2000, s28, s23, $0x38;
	[tilespmem:$0x18900] =	vst v63  }
0x151: {  	s19 =	sadd.s32 s4, s17;
	s8 =	simm.s32 @!p0 $0x17  }
0x152: {  	[tilespmem:s3], [sflag:$0x1] =	stream.linear.gather [hbm4b:s19+s3], $0x100, $0x38;
	[tilespmem:$0x18900] =	vst v63  }
0x153: {  	_ =	swait.ge @!p0 [sflag:s8], $0x2000  }
0x154: {  	[sflag:s8] =	ssyncset.done @!p0 $0x0  }
0x155: {  	[sflag:s8] =	ssyncadd.s32 @!p0 $0xFFFFE000;
	s8 =	simm.s32 @!p0 $0x18  }
0x156: {  	_ =	swait.ge @!p0 [sflag:s8], $0x2000  }
0x157: {  	s30 =	sadd.s32 $0x3000, s30;
	[sflag:s8] =	ssyncset.done @!p0 $0x0  }
0x158: {  	[sflag:s8] =	ssyncadd.s32 @!p0 $0xFFFFE000;
	p0 =	sne.s32 s30, $0x63000  }
.Ltmp0:
0x159: {  	s9 =	simm.s32 $0xA900;
	s20 =	rddreg [dreg:$0x12];
	(pc) =	sbr.rel @p0 .LBB2_2-.Ltmp0, $4  }
0x15a: {  	[tilespmem:s9], [sflag:$0xC] =	stream.indirect.gather [hbm4b:s5+s28], $0x40, s20, s28, $0xb8;
	[tilespmem:$0x18900] =	vst v63  }
0x15b: {  	s0 =	simm.s32 $0x16900;
	s25 =	simm.s32 $0x600;
	s24 =	rddreg [dreg:$0x13]  }
0x15c: {  	[tilespmem:s0], [sflag:$0xC] =	stream.indirect.gather [hbm4b:s5+s28], $0x40, s24, s28, $0xb8;
	[tilespmem:$0x18900] =	vst v63  }
0x15d: {  	s4 =	sadd.s32 $0xC0, s4;
	s9 =	simm.s32 $0xA900;
	s0 =	simm.s32 $0x16900  }
0x15e: {  	_ =	swait.ge [sflag:s26], $0x100  }
0x15f: {  	[sflag:s26] =	ssyncset.done $0x0  }
0x160: {  	[sflag:s26] =	ssyncadd.s32 $0xFFFFFF00  }
0x161: {  	v0 =	vld [tilespmem:$0x0]  }
0x162: {  	v1 =	vld [tilespmem:$0x80]  }
0x163: {  	v2 =	vld [tilespmem:$0x10]  }
0x164: {  	v3 =	vld [tilespmem:$0x90]  }
0x165: {  	v4 =	vld [tilespmem:$0x20]  }
0x166: {  	v5 =	vld [tilespmem:$0xA0]  }
0x167: {  	v6 =	vld [tilespmem:$0x30]  }
0x168: {  	v7 =	vld [tilespmem:$0xB0]  }
0x169: {  	v8 =	vld [tilespmem:$0x40]  }
0x16a: {  	v9 =	vld [tilespmem:$0xC0]  }
0x16b: {  	v10 =	vld [tilespmem:$0x50]  }
0x16c: {  	v11 =	vld [tilespmem:$0xD0]  }
0x16d: {  	v24 =	vld [tilespmem:$0x70];
	v1 =	vsub.s32 v1, v0  }
0x16e: {  	v25 =	vld [tilespmem:$0xF0];
	vm0 =	veq.s32 v0, $0x0;
	v20 =	vsub.s32 v3, v2;
	vm15 =	veq.s32 v2, $0x0  }
0x16f: {  	vm1 =	veq.s32 v4, $0x0;
	v4 =	vsub.s32 v5, v4;
	v23 =	vsub.s32 v7, v6  }
0x170: {  	v21 =	vld [tilespmem:$0x60];
	vm2 =	veq.s32 v6, $0x0;
	vm4 =	veq.s32 v8, $0x0;
	v19 =	vadd.s32 $0x1, v1  }
0x171: {  	v22 =	vld [tilespmem:$0xE0];
	v28 =	vsub.s32 v9, v8;
	v1 =	vadd.s32 $0x1, v20;
	v0 =	vsel vm0, $0x0, v19  }
0x172: {  	v29 =	vsub.s32 v11, v10;
	v4 =	vadd.s32 $0x1, v4;
	v1 =	vsel vm15, $0x0, v1;
	[tilespmem:$0x600] =	vst v0  }
0x173: {  	v33 =	vsub.s32 v25, v24;
	v5 =	vadd.s32 $0x1, v23;
	v26 =	vsel vm1, $0x0, v4;
	[tilespmem:$0x610] =	vst v1  }
0x174: {  	vm7 =	veq.s32 v24, $0x0;
	v34 =	vadd.s32 $0x1, v33;
	v27 =	vsel vm2, $0x0, v5;
	[tilespmem:$0x620] =	vst v26  }
0x175: {  	vm5 =	veq.s32 v10, $0x0;
	v30 =	vadd.s32 $0x1, v28;
	v35 =	vsel vm7, $0x0, v34;
	[tilespmem:$0x630] =	vst v27  }
0x176: {  	v2 =	vsub.s32 v22, v21;
	v31 =	vadd.s32 $0x1, v29;
	v0 =	vsel vm4, $0x0, v30;
	[tilespmem:$0x670] =	vst v35  }
0x177: {  	vm6 =	veq.s32 v21, $0x0;
	v32 =	vadd.s32 $0x1, v2;
	v1 =	vsel vm5, $0x0, v31;
	[tilespmem:$0x640] =	vst v0  }
0x178: {  	[tilespmem:$0x650] =	vst v1;
	v0 =	vsel vm6, $0x0, v32  }
0x179: {  	s8 =	simm.s32 $0x8;
	[tilespmem:$0x660] =	vst v0  }
0x17a: {  	_ =	swait.ge [sflag:s8], $0x2000  }
0x17b: {  	[sflag:s8] =	ssyncset.done $0x0  }
0x17c: {  	[sflag:s8] =	ssyncadd.s32 $0xFFFFE000  }
0x17d: {  	_ =	swait.ge [sflag:s8], $0x2000  }
0x17e: {  	[sflag:s8] =	ssyncset.done $0x0  }
0x17f: {  	s24 =	simm.s32 $0x2900;
	s4 =	rddreg [dreg:$0x16];
	[sflag:s8] =	ssyncadd.s32 $0xFFFFE000  }
0x180: {  	[hbm4b:s4+s23] =	stream.strided.scatter [tilespmem:s24], [sflag:$0xF], $0x2000, s28, s23, $0x38;
	[tilespmem:$0x18900] =	vst v63  }
0x181: {  	s6 =	simm.s32 $0xE900;
	s13 =	rddreg [dreg:$0x17]  }
0x182: {  	[hbm4b:s13+s23] =	stream.strided.scatter [tilespmem:s6], [sflag:$0x10], $0x2000, s28, s23, $0x38;
	[tilespmem:$0x18900] =	vst v63  }
0x183: {  	s30 =	simm.s32 $0x100;
	s17 =	rddreg [dreg:$0x18];
	s13 =	simm.s32 $0xD  }
0x184: {  	[tilespmem:s30], [sflag:$0x2] =	stream.linear.gather [hbm4b:s17+s3], $0x100, $0x38;
	[tilespmem:$0x18900] =	vst v63  }
0x185: {  	_ =	swait.ge [sflag:s13], $0x2000  }
0x186: {  	[sflag:s13] =	ssyncset.done $0x0  }
0x187: {  	s17 =	simm.s32 $0xE;
	[sflag:s13] =	ssyncadd.s32 $0xFFFFE000  }
0x188: {  	_ =	swait.ge [sflag:s17], $0x2000  }
0x189: {  	[sflag:s17] =	ssyncset.done $0x0  }
0x18a: {  	[sflag:s17] =	ssyncadd.s32 $0xFFFFE000  }
0x18b: {  	[tilespmem:s29], [sflag:$0x7] =	stream.indirect.gather [hbm4b:s5+s28], $0x40, s3, s28, $0xb8;
	[tilespmem:$0x18900] =	vst v63  }
0x18c: {  	_ = 	snop  }
0x18d: {  	[tilespmem:s31], [sflag:$0x7] =	stream.indirect.gather [hbm4b:s5+s28], $0x40, s25, s28, $0xb8;
	[tilespmem:$0x18900] =	vst v63  }
0x18e: {  	_ =	swait.ge [sflag:s1], $0x100  }
0x18f: {  	[sflag:s1] =	ssyncset.done $0x0  }
0x190: {  	[sflag:s1] =	ssyncadd.s32 $0xFFFFFF00  }
0x191: {  	v36 =	vld [tilespmem:$0x100]  }
0x192: {  	v37 =	vld [tilespmem:$0x180]  }
0x193: {  	v38 =	vld [tilespmem:$0x110]  }
0x194: {  	v39 =	vld [tilespmem:$0x190]  }
0x195: {  	v40 =	vld [tilespmem:$0x120]  }
0x196: {  	v41 =	vld [tilespmem:$0x1A0]  }
0x197: {  	v42 =	vld [tilespmem:$0x130]  }
0x198: {  	v43 =	vld [tilespmem:$0x1B0]  }
0x199: {  	v44 =	vld [tilespmem:$0x140]  }
0x19a: {  	v45 =	vld [tilespmem:$0x1C0]  }
0x19b: {  	v46 =	vld [tilespmem:$0x150]  }
0x19c: {  	v47 =	vld [tilespmem:$0x1D0]  }
0x19d: {  	v52 =	vld [tilespmem:$0x170];
	v1 =	vsub.s32 v37, v36  }
0x19e: {  	v53 =	vld [tilespmem:$0x1F0];
	vm8 =	veq.s32 v36, $0x0;
	v49 =	vsub.s32 v39, v38;
	vm9 =	veq.s32 v38, $0x0  }
0x19f: {  	vm10 =	veq.s32 v40, $0x0;
	v4 =	vsub.s32 v41, v40;
	vm11 =	veq.s32 v42, $0x0  }
0x1a0: {  	v50 =	vld [tilespmem:$0x160];
	v6 =	vsub.s32 v43, v42;
	vm12 =	veq.s32 v44, $0x0;
	v48 =	vadd.s32 $0x1, v1  }
0x1a1: {  	v51 =	vld [tilespmem:$0x1E0];
	v56 =	vsub.s32 v45, v44;
	v1 =	vadd.s32 $0x1, v49;
	v0 =	vsel vm8, $0x0, v48  }
0x1a2: {  	v57 =	vsub.s32 v47, v46;
	v4 =	vadd.s32 $0x1, v4;
	v1 =	vsel vm9, $0x0, v1;
	[tilespmem:$0x680] =	vst v0  }
0x1a3: {  	v61 =	vsub.s32 v53, v52;
	v55 =	vadd.s32 $0x1, v6;
	v54 =	vsel vm10, $0x0, v4;
	[tilespmem:$0x690] =	vst v1  }
0x1a4: {  	vm15 =	veq.s32 v52, $0x0;
	v62 =	vadd.s32 $0x1, v61;
	v4 =	vsel vm11, $0x0, v55;
	[tilespmem:$0x6A0] =	vst v54  }
0x1a5: {  	vm13 =	veq.s32 v46, $0x0;
	v58 =	vadd.s32 $0x1, v56;
	v63 =	vsel vm15, $0x0, v62;
	[tilespmem:$0x6B0] =	vst v4  }
0x1a6: {  	v2 =	vsub.s32 v51, v50;
	v59 =	vadd.s32 $0x1, v57;
	v0 =	vsel vm12, $0x0, v58;
	[tilespmem:$0x6F0] =	vst v63  }
0x1a7: {  	vm14 =	veq.s32 v50, $0x0;
	v60 =	vadd.s32 $0x1, v2;
	v1 =	vsel vm13, $0x0, v59;
	[tilespmem:$0x6C0] =	vst v0  }
0x1a8: {  	[tilespmem:$0x6D0] =	vst v1;
	v0 =	vsel vm14, $0x0, v60  }
0x1a9: {  	s19 =	simm.s32 $0x9;
	[tilespmem:$0x6E0] =	vst v0  }
0x1aa: {  	_ =	swait.ge [sflag:s19], $0x2000  }
0x1ab: {  	[sflag:s19] =	ssyncset.done $0x0  }
0x1ac: {  	[sflag:s19] =	ssyncadd.s32 $0xFFFFE000  }
0x1ad: {  	_ =	swait.ge [sflag:s19], $0x2000  }
0x1ae: {  	[sflag:s19] =	ssyncset.done $0x0  }
0x1af: {  	s20 =	rddreg [dreg:$0x19];
	[sflag:s19] =	ssyncadd.s32 $0xFFFFE000;
	s19 =	simm.s32 $0x4900  }
0x1b0: {  	[hbm4b:s20+s23] =	stream.strided.scatter [tilespmem:s19], [sflag:$0x11], $0x2000, s28, s23, $0x38;
	[tilespmem:$0x18900] =	vst v63  }
0x1b1: {  	s19 =	rddreg [dreg:$0x1a];
	s20 =	simm.s32 $0x10900  }
0x1b2: {  	[hbm4b:s19+s23] =	stream.strided.scatter [tilespmem:s20], [sflag:$0x12], $0x2000, s28, s23, $0x38;
	[tilespmem:$0x18900] =	vst v63  }
0x1b3: {  	s19 =	simm.s32 $0xF  }
0x1b4: {  	_ =	swait.ge [sflag:s19], $0x2000  }
0x1b5: {  	[sflag:s19] =	ssyncset.done $0x0  }
0x1b6: {  	s20 =	simm.s32 $0x10;
	[sflag:s19] =	ssyncadd.s32 $0xFFFFE000  }
0x1b7: {  	_ =	swait.ge [sflag:s20], $0x2000  }
0x1b8: {  	[sflag:s20] =	ssyncset.done $0x0  }
0x1b9: {  	[sflag:s20] =	ssyncadd.s32 $0xFFFFE000  }
0x1ba: {  	[tilespmem:s24], [sflag:$0x8] =	stream.indirect.gather [hbm4b:s5+s28], $0x40, s30, s28, $0xb8;
	[tilespmem:$0x18900] =	vst v63  }
0x1bb: {  	s30 =	simm.s32 $0x680  }
0x1bc: {  	[tilespmem:s6], [sflag:$0x8] =	stream.indirect.gather [hbm4b:s5+s28], $0x40, s30, s28, $0xb8;
	[tilespmem:$0x18900] =	vst v63  }
0x1bd: {  	s30 =	simm.s32 $0xA  }
0x1be: {  	_ =	swait.ge [sflag:s30], $0x2000  }
0x1bf: {  	[sflag:s30] =	ssyncset.done $0x0  }
0x1c0: {  	[sflag:s30] =	ssyncadd.s32 $0xFFFFE000  }
0x1c1: {  	_ =	swait.ge [sflag:s30], $0x2000  }
0x1c2: {  	[sflag:s30] =	ssyncset.done $0x0  }
0x1c3: {  	s4 =	rddreg [dreg:$0x1b];
	[sflag:s30] =	ssyncadd.s32 $0xFFFFE000;
	s30 =	simm.s32 $0x6900  }
0x1c4: {  	[hbm4b:s4+s23] =	stream.strided.scatter [tilespmem:s30], [sflag:$0x13], $0x2000, s28, s23, $0x38;
	[tilespmem:$0x18900] =	vst v63  }
0x1c5: {  	s4 =	rddreg [dreg:$0x1c];
	s30 =	simm.s32 $0x12900  }
0x1c6: {  	[hbm4b:s4+s23] =	stream.strided.scatter [tilespmem:s30], [sflag:$0x14], $0x2000, s28, s23, $0x38;
	[tilespmem:$0x18900] =	vst v63  }
0x1c7: {  	s30 =	simm.s32 $0xB  }
0x1c8: {  	_ =	swait.ge [sflag:s30], $0x2000  }
0x1c9: {  	[sflag:s30] =	ssyncset.done $0x0  }
0x1ca: {  	[sflag:s30] =	ssyncadd.s32 $0xFFFFE000  }
0x1cb: {  	_ =	swait.ge [sflag:s30], $0x2000  }
0x1cc: {  	[sflag:s30] =	ssyncset.done $0x0  }
0x1cd: {  	[sflag:s30] =	ssyncadd.s32 $0xFFFFE000;
	s30 =	rddreg [dreg:$0x1d]  }
0x1ce: {  	[hbm4b:s30+s23] =	stream.strided.scatter [tilespmem:s14], [sflag:$0x15], $0x2000, s28, s23, $0x38;
	[tilespmem:$0x18900] =	vst v63  }
0x1cf: {  	s14 =	rddreg [dreg:$0x1e]  }
0x1d0: {  	[hbm4b:s14+s23] =	stream.strided.scatter [tilespmem:s16], [sflag:$0x16], $0x2000, s28, s23, $0x38;
	[tilespmem:$0x18900] =	vst v63  }
0x1d1: {  	s16 =	simm.s32 $0xC  }
0x1d2: {  	_ =	swait.ge [sflag:s16], $0x2000  }
0x1d3: {  	[sflag:s16] =	ssyncset.done $0x0  }
0x1d4: {  	[sflag:s16] =	ssyncadd.s32 $0xFFFFE000  }
0x1d5: {  	_ =	swait.ge [sflag:s16], $0x2000  }
0x1d6: {  	[sflag:s16] =	ssyncset.done $0x0  }
0x1d7: {  	s30 =	rddreg [dreg:$0x1f];
	[sflag:s16] =	ssyncadd.s32 $0xFFFFE000  }
0x1d8: {  	[hbm4b:s30+s23] =	stream.strided.scatter [tilespmem:s9], [sflag:$0x17], $0x2000, s28, s23, $0x38;
	[tilespmem:$0x18900] =	vst v63  }
0x1d9: {  	s9 =	sld [smem:$0x7F8];
	_ =	sdelay $0x2  }
0x1da: {  	[hbm4b:s9+s23] =	stream.strided.scatter [tilespmem:s0], [sflag:$0x18], $0x2000, s28, s23, $0x38;
	[tilespmem:$0x18900] =	vst v63  }
0x1db: {  	_ =	swait.ge [sflag:s22], $0x2000  }
0x1dc: {  	[sflag:s22] =	ssyncset.done $0x0  }
0x1dd: {  	[sflag:s22] =	ssyncadd.s32 $0xFFFFE000  }
0x1de: {  	_ =	swait.ge [sflag:s22], $0x2000  }
0x1df: {  	s14 =	sld [smem:$0x7F9]  }
0x1e0: {  	[sflag:s22] =	ssyncset.done $0x0  }
0x1e1: {  	s16 =	sld [smem:$0x7FA];
	[sflag:s22] =	ssyncadd.s32 $0xFFFFE000  }
0x1e2: {  	[hbm4b:s14+s23] =	stream.strided.scatter [tilespmem:s29], [sflag:$0xD], $0x2000, s28, s23, $0x38;
	[tilespmem:$0x18900] =	vst v63  }
0x1e3: {  	_ = 	snop  }
0x1e4: {  	[hbm4b:s16+s23] =	stream.strided.scatter [tilespmem:s31], [sflag:$0xE], $0x2000, s28, s23, $0x38;
	[tilespmem:$0x18900] =	vst v63  }
0x1e5: {  	_ =	swait.ge [sflag:s8], $0x2000  }
0x1e6: {  	[sflag:s8] =	ssyncset.done $0x0  }
0x1e7: {  	[sflag:s8] =	ssyncadd.s32 $0xFFFFE000  }
0x1e8: {  	_ =	swait.ge [sflag:s8], $0x2000  }
0x1e9: {  	s30 =	sld [smem:$0x7FB]  }
0x1ea: {  	[sflag:s8] =	ssyncset.done $0x0  }
0x1eb: {  	s0 =	sld [smem:$0x7FC];
	[sflag:s8] =	ssyncadd.s32 $0xFFFFE000  }
0x1ec: {  	[hbm4b:s30+s23] =	stream.strided.scatter [tilespmem:s24], [sflag:$0xF], $0x2000, s28, s23, $0x38;
	[tilespmem:$0x18900] =	vst v63  }
0x1ed: {  	_ = 	snop  }
0x1ee: {  	[hbm4b:s0+s23] =	stream.strided.scatter [tilespmem:s6], [sflag:$0x10], $0x2000, s28, s23, $0x38;
	[tilespmem:$0x18900] =	vst v63  }
0x1ef: {  	_ =	swait.ge [sflag:s13], $0x2000  }
0x1f0: {  	[sflag:s13] =	ssyncset.done $0x0  }
0x1f1: {  	[sflag:s13] =	ssyncadd.s32 $0xFFFFE000  }
0x1f2: {  	_ =	swait.ge [sflag:s17], $0x2000  }
0x1f3: {  	[sflag:s17] =	ssyncset.done $0x0  }
0x1f4: {  	[sflag:s17] =	ssyncadd.s32 $0xFFFFE000  }
0x1f5: {  	_ =	swait.ge [sflag:s19], $0x2000  }
0x1f6: {  	[sflag:s19] =	ssyncset.done $0x0  }
0x1f7: {  	[sflag:s19] =	ssyncadd.s32 $0xFFFFE000  }
0x1f8: {  	_ =	swait.ge [sflag:s20], $0x2000  }
0x1f9: {  	[sflag:s20] =	ssyncset.done $0x0  }
0x1fa: {  	s8 =	simm.s32 $0x11;
	[sflag:s20] =	ssyncadd.s32 $0xFFFFE000  }
0x1fb: {  	_ =	swait.ge [sflag:s8], $0x2000  }
0x1fc: {  	[sflag:s8] =	ssyncset.done $0x0  }
0x1fd: {  	s9 =	simm.s32 $0x12;
	[sflag:s8] =	ssyncadd.s32 $0xFFFFE000  }
0x1fe: {  	_ =	swait.ge [sflag:s9], $0x2000  }
0x1ff: {  	[sflag:s9] =	ssyncset.done $0x0  }
0x200: {  	s13 =	simm.s32 $0x13;
	[sflag:s9] =	ssyncadd.s32 $0xFFFFE000  }
0x201: {  	_ =	swait.ge [sflag:s13], $0x2000  }
0x202: {  	[sflag:s13] =	ssyncset.done $0x0  }
0x203: {  	s14 =	simm.s32 $0x14;
	[sflag:s13] =	ssyncadd.s32 $0xFFFFE000  }
0x204: {  	_ =	swait.ge [sflag:s14], $0x2000  }
0x205: {  	[sflag:s14] =	ssyncset.done $0x0  }
0x206: {  	s16 =	simm.s32 $0x15;
	[sflag:s14] =	ssyncadd.s32 $0xFFFFE000  }
0x207: {  	_ =	swait.ge [sflag:s16], $0x2000  }
0x208: {  	[sflag:s16] =	ssyncset.done $0x0  }
0x209: {  	s17 =	simm.s32 $0x16;
	[sflag:s16] =	ssyncadd.s32 $0xFFFFE000  }
0x20a: {  	_ =	swait.ge [sflag:s17], $0x2000  }
0x20b: {  	[sflag:s17] =	ssyncset.done $0x0  }
0x20c: {  	s19 =	simm.s32 $0x17;
	[sflag:s17] =	ssyncadd.s32 $0xFFFFE000  }
0x20d: {  	_ =	swait.ge [sflag:s19], $0x2000  }
0x20e: {  	[sflag:s19] =	ssyncset.done $0x0  }
0x20f: {  	s20 =	simm.s32 $0x18;
	[sflag:s19] =	ssyncadd.s32 $0xFFFFE000  }
0x210: {  	_ =	swait.ge [sflag:s20], $0x2000  }
0x211: {  	s24 =	sld [smem:$0x7F7]  }
0x212: {  	s30 =	sld [smem:$0x7FD];
	_ =	sdelay $0x1  }
0x213: {  	s6 =	sadd.s32 $0x1, s24  }
0x214: {  	p0 =	sne.s32 s6, s30  }
.Ltmp1:
0x215: {  	_ = 	snop;
	(pc) =	sbr.rel @p0 .LBB2_1-.Ltmp1, $3  }
0x216: {  	_ =	sdelay $0x1  }
0x217: {  	[sflag:s20] =	ssyncset.done $0x0  }
0x218: {  	[sflag:s20] =	ssyncadd.s32 $0xFFFFE000  }
0x219: {  	_ =	sfence.sel $0x180000  }
0x21a: {  	[bflag:$0x0] =	sbarrier.arrive $0xFFFF  }
0x21b: {  	_ =	strace $0x90000047  }
0x21c: {  	s0 =	stileid.u32;
	[bflag:$0x2] =	sbarrier.arrive $0xFFFF  }
0x21d: {  	p0 =	sne.s32 s0, $0x0;
	s0 =	rddreg [dreg:$0x2]  }
0x21e: {  	s0 =	sadd.s32 @!p0 $0x100000, s0  }
0x21f: {  	[sflag:s0] =	ssyncadd.tile.s32 @!p0 $0x1;
	_ =	shalt  }
.Lfunc_end2:
_tile_overlayer_lowered:
.L_overlay_start_2:
0x220: {  	(tag) =	ssettag $0x2  }
0x221: {  	s0 =	rddreg [dreg:$0x0];
	s2 =	stileid.u32  }
0x222: {  	s1 =	rddreg [dreg:$0x1];
	p0 =	sne.s32 s2, $0x0  }
0x223: {  	s3 =	rddreg [dreg:$0x2];
	[bflag:$0x3] =	sbarrier.arrive $0xFFFF;
	s2 =	simm.s32 @!p0 $0x1C19  }
0x224: {  	[timem:s3], [sflag:s2] =	dma.local @!p0 [hbm:s0], s1  }
0x225: {  	s0 =	simm.s32 @!p0 $0x19  }
0x226: {  	_ =	swait.ge @!p0 [sflag:s0], s1  }
0x227: {  	s1 =	ssub.s32 @!p0 $0x0, s1;
	[sflag:s0] =	ssyncset.done @!p0 $0x0  }
0x228: {  	[sflag:s0] =	ssyncadd.s32 @!p0 s1  }
0x229: {  	[bflag:$0x3] =	sbarrier.arrive $0xFFFF  }
0x22a: {  	_ =	shalt  }

</sc_bundles>
